<compile_context>
chip_gen: v7x
topology: tpu7x:2x2x1
jax: 0.10.2.dev20260603
libtpu: 0.0.44.dev20260713+nightly
codegen_flags: <defaults>
</compile_context>

<pallas_src>
import functools

import jax
import jax.numpy as jnp
from jax import lax
from jax.experimental import pallas as pl
from jax.experimental.pallas import tpu as pltpu
from jax.experimental.pallas import tpu_sc as plsc

BATCH = 16384
EMBED_DIM = 64
NUM_CORES = 2
NUM_SUBCORES = 16
NUM_WORKERS = NUM_CORES * NUM_SUBCORES
B_PER_W = BATCH // NUM_WORKERS
WIN = 128
N_WIN = B_PER_W // WIN
LANES = 16


@functools.cache
def _build():
    mesh = plsc.VectorSubcoreMesh(
        core_axis_name="c", subcore_axis_name="s",
        num_cores=NUM_CORES, num_subcores=NUM_SUBCORES)

    @functools.partial(
        pl.kernel,
        mesh=mesh,
        out_type=(
            jax.ShapeDtypeStruct((BATCH, EMBED_DIM), jnp.float32),
            jax.ShapeDtypeStruct((BATCH, EMBED_DIM), jnp.float32),
        ),
        scratch_types=[
            pltpu.VMEM((2 * B_PER_W,), jnp.int32),
            pltpu.VMEM((B_PER_W, EMBED_DIM), jnp.float32),
            pltpu.SemaphoreType.DMA,
            pltpu.SemaphoreType.DMA,
            pltpu.SemaphoreType.DMA,
        ],
    )
    def gather2(qu_hbm, qi_hbm, ut_hbm, it_hbm, out_u, out_i,
                idx_v, rows_v, gsem_a, gsem_b, wsem):
        wid = lax.axis_index("s") * NUM_CORES + lax.axis_index("c")
        base = wid * B_PER_W
        pltpu.sync_copy(qu_hbm.at[pl.ds(base, B_PER_W)],
                        idx_v.at[pl.ds(0, B_PER_W)])
        pltpu.sync_copy(qi_hbm.at[pl.ds(base, B_PER_W)],
                        idx_v.at[pl.ds(B_PER_W, B_PER_W)])

        def fire_gathers(tbl, ioff, w, sem):
            def group(g, _):
                off = w * WIN + g * LANES
                v = idx_v[pl.ds(ioff + off, LANES)]
                for lane in range(LANES):
                    pltpu.async_copy(
                        tbl.at[pl.ds(v[lane], 1)],
                        rows_v.at[pl.ds(off + lane, 1)],
                        sem)
                return ()
            lax.fori_loop(0, WIN // LANES, group, ())

        def drain_g(sem):
            pltpu.make_async_copy(
                ut_hbm.at[pl.ds(0, WIN)],
                rows_v.at[pl.ds(0, WIN)], sem).wait()

        def fire_write(out, w):
            pltpu.async_copy(rows_v.at[pl.ds(w * WIN, WIN)],
                             out.at[pl.ds(base + w * WIN, WIN)], wsem)

        def drain_w():
            pltpu.make_async_copy(
                out_u.at[pl.ds(0, WIN)], rows_v.at[pl.ds(0, WIN)], wsem).wait()

        gsems = (gsem_a, gsem_b)
        for t, (tbl, out) in enumerate(((ut_hbm, out_u), (it_hbm, out_i))):
            ioff = t * B_PER_W
            for w in range(N_WIN):
                fire_gathers(tbl, ioff, w, gsems[w % 2])
                if w >= 1:
                    drain_g(gsems[(w - 1) % 2])
                    fire_write(out, w - 1)
            drain_g(gsems[(N_WIN - 1) % 2])
            fire_write(out, N_WIN - 1)
            for _ in range(N_WIN):
                drain_w()

    return gather2


def kernel(query_users, query_items, user_table, item_table):
    if query_users.ndim > 1:
        query_users = jnp.squeeze(query_users, axis=0)
    if query_items.ndim > 1:
        query_items = jnp.squeeze(query_items, axis=0)
    return _build()(query_users.astype(jnp.int32),
                    query_items.astype(jnp.int32),
                    user_table, item_table)

# --- scband reference (transcript-rebuilt; emitter-appended) ---
"""Pipeline reference for scband-recommender-4836133175767 (READ-ONLY COPY).

The authoritative reference and input builder live on the scoring server;
editing this copy changes nothing except your own understanding.
"""

import jax, jax.numpy as jnp
import numpy as np

NUM_USERS = 1000000
NUM_ITEMS = 1000000
EMBED_DIM = 64
BATCH = 16384


def setup_inputs(seed: int = 0) -> dict:
    key = jax.random.key(seed)
    k1, k2, k3, k4 = jax.random.split(key, 4)
    query_users = jax.random.randint(k1, (BATCH,), 0, NUM_USERS, dtype=jnp.int64 if jax.config.jax_enable_x64 else jnp.int32)
    query_items = jax.random.randint(k2, (BATCH,), 0, NUM_ITEMS, dtype=jnp.int64 if jax.config.jax_enable_x64 else jnp.int32)
    user_table = jax.random.normal(k3, (NUM_USERS, EMBED_DIM), dtype=jnp.float32) * 0.02
    item_table = jax.random.normal(k4, (NUM_ITEMS, EMBED_DIM), dtype=jnp.float32) * 0.02
    return {"query_users": query_users, "query_items": query_items,
            "user_table": user_table, "item_table": item_table}


def reference(query_users, query_items, user_table, item_table):
    # Mirrors Recommender.forward with with_attr=False, user_graph=item_graph=False.
    # The torch code squeezes a leading batch dim of size 1 if present.
    if query_users.ndim > 1:
        query_users = jnp.squeeze(query_users, axis=0)
    if query_items.ndim > 1:
        query_items = jnp.squeeze(query_items, axis=0)
    # useritem_embeds(*ids, is_user=True/False, with_neighbor=False) -> plain table lookup
    user_emb = jnp.take(user_table, query_users, axis=0)
    item_emb = jnp.take(item_table, query_items, axis=0)
    return (user_emb, item_emb)

if __name__ == "__main__":
    import jax
    _d = setup_inputs()
    print(jax.jit(kernel)(*tuple(_d.values())))

</pallas_src>

<mosaic_0001>
#map = affine_map<(d0, d1) -> (0)>
#map1 = affine_map<(d0, d1) -> (0, 0)>
module attributes {stable_mosaic.version = 14 : i64} {
  func.func @gather2(%arg0: i32, %arg1: i32, %arg2: memref<16384xi32, #tpu.memory_space<hbm>>, %arg3: memref<16384xi32, #tpu.memory_space<hbm>>, %arg4: memref<1000000x64xf32, #tpu.memory_space<hbm>>, %arg5: memref<1000000x64xf32, #tpu.memory_space<hbm>>, %arg6: memref<16384x64xf32, #tpu.memory_space<hbm>>, %arg7: memref<16384x64xf32, #tpu.memory_space<hbm>>, %arg8: memref<1024xi32, #tpu.memory_space<vmem>>, %arg9: memref<512x64xf32, #tpu.memory_space<vmem>>, %arg10: memref<!tpu.dma_semaphore, #tpu.memory_space<semaphore_mem>>, %arg11: memref<!tpu.dma_semaphore, #tpu.memory_space<semaphore_mem>>, %arg12: memref<!tpu.dma_semaphore, #tpu.memory_space<semaphore_mem>>) attributes {dimension_semantics = [#tpu.dimension_semantics<core_parallel>, #tpu.dimension_semantics<subcore_parallel>], iteration_bounds = array<i64: 2, 16>, scalar_prefetch = 0 : i64, scratch_operands = 5 : i64, tpu.core_type = #tpu.core_type<sc_vector_subcore>, window_params = [{transform_indices = #map}, {transform_indices = #map}, {transform_indices = #map1}, {transform_indices = #map1}, {transform_indices = #map1}, {transform_indices = #map1}]} {
    %mul3A = arith.constant 2 : i32
    %mul3A_0 = arith.muli %arg1, %mul3A : i32
    %add3A = arith.addi %mul3A_0, %arg0 : i32
    %mul3A_1 = arith.constant 512 : i32
    %mul3A_2 = arith.muli %add3A, %mul3A_1 : i32
    "tpu.region"() ({
      %run_scoped3A = tpu.sem_alloc : memref<!tpu.dma_semaphore, #tpu.memory_space<semaphore_mem>>
      %dma_start3A_328 = arith.constant 0 : i32
      %dma_start3A_329 = tpu.memref_slice %arg8[%dma_start3A_328] : memref<1024xi32, #tpu.memory_space<vmem>> -> memref<512xi32, #tpu.memory_space<vmem>>
      %dma_start3A_330 = tpu.memref_slice %arg2[%mul3A_2] : memref<16384xi32, #tpu.memory_space<hbm>> -> memref<512xi32, #tpu.memory_space<hbm>>
      %dma_start3A_331 = arith.constant 0 : i32
      %dma_start3A_332 = tpu.memref_slice %arg8[%dma_start3A_331] : memref<1024xi32, #tpu.memory_space<vmem>> -> memref<512xi32, #tpu.memory_space<vmem>>
      %dma_start3A_333 = tpu.memref_slice %arg2[%mul3A_2] : memref<16384xi32, #tpu.memory_space<hbm>> -> memref<512xi32, #tpu.memory_space<hbm>>
      tpu.enqueue_dma source(%dma_start3A_333 : memref<512xi32, #tpu.memory_space<hbm>>) target(%dma_start3A_332 : memref<512xi32, #tpu.memory_space<vmem>>) target_semaphore(%run_scoped3A : memref<!tpu.dma_semaphore, #tpu.memory_space<semaphore_mem>>)
      %dma_wait3A_334 = arith.constant 0 : i32
      %dma_wait3A_335 = tpu.memref_slice %arg8[%dma_wait3A_334] : memref<1024xi32, #tpu.memory_space<vmem>> -> memref<512xi32, #tpu.memory_space<vmem>>
      %dma_wait3A_336 = tpu.memref_slice %arg2[%mul3A_2] : memref<16384xi32, #tpu.memory_space<hbm>> -> memref<512xi32, #tpu.memory_space<hbm>>
      %dma_wait3A_337 = arith.constant 0 : i32
      %dma_wait3A_338 = tpu.memref_slice %arg8[%dma_wait3A_337] : memref<1024xi32, #tpu.memory_space<vmem>> -> memref<512xi32, #tpu.memory_space<vmem>>
      %dma_wait3A_339 = tpu.memref_slice %arg2[%mul3A_2] : memref<16384xi32, #tpu.memory_space<hbm>> -> memref<512xi32, #tpu.memory_space<hbm>>
      tpu.wait_dma2 semaphore(%run_scoped3A : memref<!tpu.dma_semaphore, #tpu.memory_space<semaphore_mem>>) src(%dma_wait3A_339 : memref<512xi32, #tpu.memory_space<hbm>>) dst(%dma_wait3A_338 : memref<512xi32, #tpu.memory_space<vmem>>)
      tpu.yield
    }) : () -> ()
    "tpu.region"() ({
      %run_scoped3A = tpu.sem_alloc : memref<!tpu.dma_semaphore, #tpu.memory_space<semaphore_mem>>
      %dma_start3A_328 = arith.constant 512 : i32
      %dma_start3A_329 = tpu.memref_slice %arg8[%dma_start3A_328] : memref<1024xi32, #tpu.memory_space<vmem>> -> memref<512xi32, #tpu.memory_space<vmem>>
      %dma_start3A_330 = tpu.memref_slice %arg3[%mul3A_2] : memref<16384xi32, #tpu.memory_space<hbm>> -> memref<512xi32, #tpu.memory_space<hbm>>
      %dma_start3A_331 = arith.constant 512 : i32
      %dma_start3A_332 = tpu.memref_slice %arg8[%dma_start3A_331] : memref<1024xi32, #tpu.memory_space<vmem>> -> memref<512xi32, #tpu.memory_space<vmem>>
      %dma_start3A_333 = tpu.memref_slice %arg3[%mul3A_2] : memref<16384xi32, #tpu.memory_space<hbm>> -> memref<512xi32, #tpu.memory_space<hbm>>
      tpu.enqueue_dma source(%dma_start3A_333 : memref<512xi32, #tpu.memory_space<hbm>>) target(%dma_start3A_332 : memref<512xi32, #tpu.memory_space<vmem>>) target_semaphore(%run_scoped3A : memref<!tpu.dma_semaphore, #tpu.memory_space<semaphore_mem>>)
      %dma_wait3A_334 = arith.constant 512 : i32
      %dma_wait3A_335 = tpu.memref_slice %arg8[%dma_wait3A_334] : memref<1024xi32, #tpu.memory_space<vmem>> -> memref<512xi32, #tpu.memory_space<vmem>>
      %dma_wait3A_336 = tpu.memref_slice %arg3[%mul3A_2] : memref<16384xi32, #tpu.memory_space<hbm>> -> memref<512xi32, #tpu.memory_space<hbm>>
      %dma_wait3A_337 = arith.constant 512 : i32
      %dma_wait3A_338 = tpu.memref_slice %arg8[%dma_wait3A_337] : memref<1024xi32, #tpu.memory_space<vmem>> -> memref<512xi32, #tpu.memory_space<vmem>>
      %dma_wait3A_339 = tpu.memref_slice %arg3[%mul3A_2] : memref<16384xi32, #tpu.memory_space<hbm>> -> memref<512xi32, #tpu.memory_space<hbm>>
      tpu.wait_dma2 semaphore(%run_scoped3A : memref<!tpu.dma_semaphore, #tpu.memory_space<semaphore_mem>>) src(%dma_wait3A_339 : memref<512xi32, #tpu.memory_space<hbm>>) dst(%dma_wait3A_338 : memref<512xi32, #tpu.memory_space<vmem>>)
      tpu.yield
    }) : () -> ()
    %scan3A = arith.constant 0 : i32
    %scan3A_3 = arith.constant 8 : i32
    %scan3A_4 = arith.addi %scan3A, %scan3A_3 : i32
    %scan3A_5 = arith.constant 1 : i32
    scf.for %scan3A_328 = %scan3A to %scan3A_4 step %scan3A_5  : i32 {
      %mul3A_329 = arith.constant 16 : i32
      %mul3A_330 = arith.muli %scan3A_328, %mul3A_329 : i32
      %add3A_331 = arith.constant 0 : i32
      %add3A_332 = arith.addi %add3A_331, %mul3A_330 : i32
      %add3A_333 = arith.constant 0 : i32
      %add3A_334 = arith.addi %add3A_333, %add3A_332 : i32
      %get3A = arith.index_cast %add3A_334 : i32 to index
      %get3A_335 = tpu.vector_load %arg8[%get3A] {strides = array<i32>} : memref<1024xi32, #tpu.memory_space<vmem>>, vector<16xi32>,
      %get3A_336 = vector.shape_cast %get3A_335 : vector<16xi32> to vector<16xi32>
      %slice3A = vector.extract_strided_slice %get3A_336 {offsets = [0], sizes = [1], strides = [1]} : vector<16xi32> to vector<1xi32>
      %squeeze3A = vector.extract %slice3A[0] : i32 from vector<1xi32>
      %add3A_337 = arith.constant 0 : i32
      %add3A_338 = arith.addi %add3A_332, %add3A_337 : i32
      %dma_start3A_339 = arith.constant 0 : i32
      %dma_start3A_340 = tpu.memref_slice %arg9[%add3A_338, %dma_start3A_339] : memref<512x64xf32, #tpu.memory_space<vmem>> -> memref<1x64xf32, #tpu.memory_space<vmem>>
      %dma_start3A_341 = arith.constant 0 : i32
      %dma_start3A_342 = tpu.memref_slice %arg4[%squeeze3A, %dma_start3A_341] : memref<1000000x64xf32, #tpu.memory_space<hbm>> -> memref<1x64xf32, #tpu.memory_space<hbm>>
      %dma_start3A_343 = arith.constant 0 : i32
      %dma_start3A_344 = tpu.memref_slice %arg9[%add3A_338, %dma_start3A_343] : memref<512x64xf32, #tpu.memory_space<vmem>> -> memref<1x64xf32, #tpu.memory_space<vmem>>
      %dma_start3A_345 = arith.constant 0 : i32
      %dma_start3A_346 = tpu.memref_slice %arg4[%squeeze3A, %dma_start3A_345] : memref<1000000x64xf32, #tpu.memory_space<hbm>> -> memref<1x64xf32, #tpu.memory_space<hbm>>
      tpu.enqueue_dma source(%dma_start3A_346 : memref<1x64xf32, #tpu.memory_space<hbm>>) target(%dma_start3A_344 : memref<1x64xf32, #tpu.memory_space<vmem>>) target_semaphore(%arg10 : memref<!tpu.dma_semaphore, #tpu.memory_space<semaphore_mem>>)
      %slice3A_347 = vector.extract_strided_slice %get3A_336 {offsets = [1], sizes = [1], strides = [1]} : vector<16xi32> to vector<1xi32>
      %squeeze3A_348 = vector.extract %slice3A_347[0] : i32 from vector<1xi32>
      %add3A_349 = arith.constant 1 : i32
      %add3A_350 = arith.addi %add3A_332, %add3A_349 : i32
      %dma_start3A_351 = arith.constant 0 : i32
      %dma_start3A_352 = tpu.memref_slice %arg9[%add3A_350, %dma_start3A_351] : memref<512x64xf32, #tpu.memory_space<vmem>> -> memref<1x64xf32, #tpu.memory_space<vmem>>
      %dma_start3A_353 = arith.constant 0 : i32
      %dma_start3A_354 = tpu.memref_slice %arg4[%squeeze3A_348, %dma_start3A_353] : memref<1000000x64xf32, #tpu.memory_space<hbm>> -> memref<1x64xf32, #tpu.memory_space<hbm>>
      %dma_start3A_355 = arith.constant 0 : i32
      %dma_start3A_356 = tpu.memref_slice %arg9[%add3A_350, %dma_start3A_355] : memref<512x64xf32, #tpu.memory_space<vmem>> -> memref<1x64xf32, #tpu.memory_space<vmem>>
      %dma_start3A_357 = arith.constant 0 : i32
      %dma_start3A_358 = tpu.memref_slice %arg4[%squeeze3A_348, %dma_start3A_357] : memref<1000000x64xf32, #tpu.memory_space<hbm>> -> memref<1x64xf32, #tpu.memory_space<hbm>>
      tpu.enqueue_dma source(%dma_start3A_358 : memref<1x64xf32, #tpu.memory_space<hbm>>) target(%dma_start3A_356 : memref<1x64xf32, #tpu.memory_space<vmem>>) target_semaphore(%arg10 : memref<!tpu.dma_semaphore, #tpu.memory_space<semaphore_mem>>)
      %slice3A_359 = vector.extract_strided_slice %get3A_336 {offsets = [2], sizes = [1], strides = [1]} : vector<16xi32> to vector<1xi32>
      %squeeze3A_360 = vector.extract %slice3A_359[0] : i32 from vector<1xi32>
      %add3A_361 = arith.constant 2 : i32
      %add3A_362 = arith.addi %add3A_332, %add3A_361 : i32
      %dma_start3A_363 = arith.constant 0 : i32
      %dma_start3A_364 = tpu.memref_slice %arg9[%add3A_362, %dma_start3A_363] : memref<512x64xf32, #tpu.memory_space<vmem>> -> memref<1x64xf32, #tpu.memory_space<vmem>>
      %dma_start3A_365 = arith.constant 0 : i32
      %dma_start3A_366 = tpu.memref_slice %arg4[%squeeze3A_360, %dma_start3A_365] : memref<1000000x64xf32, #tpu.memory_space<hbm>> -> memref<1x64xf32, #tpu.memory_space<hbm>>
      %dma_start3A_367 = arith.constant 0 : i32
      %dma_start3A_368 = tpu.memref_slice %arg9[%add3A_362, %dma_start3A_367] : memref<512x64xf32, #tpu.memory_space<vmem>> -> memref<1x64xf32, #tpu.memory_space<vmem>>
      %dma_start3A_369 = arith.constant 0 : i32
      %dma_start3A_370 = tpu.memref_slice %arg4[%squeeze3A_360, %dma_start3A_369] : memref<1000000x64xf32, #tpu.memory_space<hbm>> -> memref<1x64xf32, #tpu.memory_space<hbm>>
      tpu.enqueue_dma source(%dma_start3A_370 : memref<1x64xf32, #tpu.memory_space<hbm>>) target(%dma_start3A_368 : memref<1x64xf32, #tpu.memory_space<vmem>>) target_semaphore(%arg10 : memref<!tpu.dma_semaphore, #tpu.memory_space<semaphore_mem>>)
      %slice3A_371 = vector.extract_strided_slice %get3A_336 {offsets = [3], sizes = [1], strides = [1]} : vector<16xi32> to vector<1xi32>
      %squeeze3A_372 = vector.extract %slice3A_371[0] : i32 from vector<1xi32>
      %add3A_373 = arith.constant 3 : i32
      %add3A_374 = arith.addi %add3A_332, %add3A_373 : i32
      %dma_start3A_375 = arith.constant 0 : i32
      %dma_start3A_376 = tpu.memref_slice %arg9[%add3A_374, %dma_start3A_375] : memref<512x64xf32, #tpu.memory_space<vmem>> -> memref<1x64xf32, #tpu.memory_space<vmem>>
      %dma_start3A_377 = arith.constant 0 : i32
      %dma_start3A_378 = tpu.memref_slice %arg4[%squeeze3A_372, %dma_start3A_377] : memref<1000000x64xf32, #tpu.memory_space<hbm>> -> memref<1x64xf32, #tpu.memory_space<hbm>>
      %dma_start3A_379 = arith.constant 0 : i32
      %dma_start3A_380 = tpu.memref_slice %arg9[%add3A_374, %dma_start3A_379] : memref<512x64xf32, #tpu.memory_space<vmem>> -> memref<1x64xf32, #tpu.memory_space<vmem>>
      %dma_start3A_381 = arith.constant 0 : i32
      %dma_start3A_382 = tpu.memref_slice %arg4[%squeeze3A_372, %dma_start3A_381] : memref<1000000x64xf32, #tpu.memory_space<hbm>> -> memref<1x64xf32, #tpu.memory_space<hbm>>
      tpu.enqueue_dma source(%dma_start3A_382 : memref<1x64xf32, #tpu.memory_space<hbm>>) target(%dma_start3A_380 : memref<1x64xf32, #tpu.memory_space<vmem>>) target_semaphore(%arg10 : memref<!tpu.dma_semaphore, #tpu.memory_space<semaphore_mem>>)
      %slice3A_383 = vector.extract_strided_slice %get3A_336 {offsets = [4], sizes = [1], strides = [1]} : vector<16xi32> to vector<1xi32>
      %squeeze3A_384 = vector.extract %slice3A_383[0] : i32 from vector<1xi32>
      %add3A_385 = arith.constant 4 : i32
      %add3A_386 = arith.addi %add3A_332, %add3A_385 : i32
      %dma_start3A_387 = arith.constant 0 : i32
      %dma_start3A_388 = tpu.memref_slice %arg9[%add3A_386, %dma_start3A_387] : memref<512x64xf32, #tpu.memory_space<vmem>> -> memref<1x64xf32, #tpu.memory_space<vmem>>
      %dma_start3A_389 = arith.constant 0 : i32
      %dma_start3A_390 = tpu.memref_slice %arg4[%squeeze3A_384, %dma_start3A_389] : memref<1000000x64xf32, #tpu.memory_space<hbm>> -> memref<1x64xf32, #tpu.memory_space<hbm>>
      %dma_start3A_391 = arith.constant 0 : i32
      %dma_start3A_392 = tpu.memref_slice %arg9[%add3A_386, %dma_start3A_391] : memref<512x64xf32, #tpu.memory_space<vmem>> -> memref<1x64xf32, #tpu.memory_space<vmem>>
      %dma_start3A_393 = arith.constant 0 : i32
      %dma_start3A_394 = tpu.memref_slice %arg4[%squeeze3A_384, %dma_start3A_393] : memref<1000000x64xf32, #tpu.memory_space<hbm>> -> memref<1x64xf32, #tpu.memory_space<hbm>>
      tpu.enqueue_dma source(%dma_start3A_394 : memref<1x64xf32, #tpu.memory_space<hbm>>) target(%dma_start3A_392 : memref<1x64xf32, #tpu.memory_space<vmem>>) target_semaphore(%arg10 : memref<!tpu.dma_semaphore, #tpu.memory_space<semaphore_mem>>)
      %slice3A_395 = vector.extract_strided_slice %get3A_336 {offsets = [5], sizes = [1], strides = [1]} : vector<16xi32> to vector<1xi32>
      %squeeze3A_396 = vector.extract %slice3A_395[0] : i32 from vector<1xi32>
      %add3A_397 = arith.constant 5 : i32
      %add3A_398 = arith.addi %add3A_332, %add3A_397 : i32
      %dma_start3A_399 = arith.constant 0 : i32
      %dma_start3A_400 = tpu.memref_slice %arg9[%add3A_398, %dma_start3A_399] : memref<512x64xf32, #tpu.memory_space<vmem>> -> memref<1x64xf32, #tpu.memory_space<vmem>>
      %dma_start3A_401 = arith.constant 0 : i32
      %dma_start3A_402 = tpu.memref_slice %arg4[%squeeze3A_396, %dma_start3A_401] : memref<1000000x64xf32, #tpu.memory_space<hbm>> -> memref<1x64xf32, #tpu.memory_space<hbm>>
      %dma_start3A_403 = arith.constant 0 : i32
      %dma_start3A_404 = tpu.memref_slice %arg9[%add3A_398, %dma_start3A_403] : memref<512x64xf32, #tpu.memory_space<vmem>> -> memref<1x64xf32, #tpu.memory_space<vmem>>
      %dma_start3A_405 = arith.constant 0 : i32
      %dma_start3A_406 = tpu.memref_slice %arg4[%squeeze3A_396, %dma_start3A_405] : memref<1000000x64xf32, #tpu.memory_space<hbm>> -> memref<1x64xf32, #tpu.memory_space<hbm>>
      tpu.enqueue_dma source(%dma_start3A_406 : memref<1x64xf32, #tpu.memory_space<hbm>>) target(%dma_start3A_404 : memref<1x64xf32, #tpu.memory_space<vmem>>) target_semaphore(%arg10 : memref<!tpu.dma_semaphore, #tpu.memory_space<semaphore_mem>>)
      %slice3A_407 = vector.extract_strided_slice %get3A_336 {offsets = [6], sizes = [1], strides = [1]} : vector<16xi32> to vector<1xi32>
      %squeeze3A_408 = vector.extract %slice3A_407[0] : i32 from vector<1xi32>
      %add3A_409 = arith.constant 6 : i32
      %add3A_410 = arith.addi %add3A_332, %add3A_409 : i32
      %dma_start3A_411 = arith.constant 0 : i32
      %dma_start3A_412 = tpu.memref_slice %arg9[%add3A_410, %dma_start3A_411] : memref<512x64xf32, #tpu.memory_space<vmem>> -> memref<1x64xf32, #tpu.memory_space<vmem>>
      %dma_start3A_413 = arith.constant 0 : i32
      %dma_start3A_414 = tpu.memref_slice %arg4[%squeeze3A_408, %dma_start3A_413] : memref<1000000x64xf32, #tpu.memory_space<hbm>> -> memref<1x64xf32, #tpu.memory_space<hbm>>
      %dma_start3A_415 = arith.constant 0 : i32
      %dma_start3A_416 = tpu.memref_slice %arg9[%add3A_410, %dma_start3A_415] : memref<512x64xf32, #tpu.memory_space<vmem>> -> memref<1x64xf32, #tpu.memory_space<vmem>>
      %dma_start3A_417 = arith.constant 0 : i32
      %dma_start3A_418 = tpu.memref_slice %arg4[%squeeze3A_408, %dma_start3A_417] : memref<1000000x64xf32, #tpu.memory_space<hbm>> -> memref<1x64xf32, #tpu.memory_space<hbm>>
      tpu.enqueue_dma source(%dma_start3A_418 : memref<1x64xf32, #tpu.memory_space<hbm>>) target(%dma_start3A_416 : memref<1x64xf32, #tpu.memory_space<vmem>>) target_semaphore(%arg10 : memref<!tpu.dma_semaphore, #tpu.memory_space<semaphore_mem>>)
      %slice3A_419 = vector.extract_strided_slice %get3A_336 {offsets = [7], sizes = [1], strides = [1]} : vector<16xi32> to vector<1xi32>
      %squeeze3A_420 = vector.extract %slice3A_419[0] : i32 from vector<1xi32>
      %add3A_421 = arith.constant 7 : i32
      %add3A_422 = arith.addi %add3A_332, %add3A_421 : i32
      %dma_start3A_423 = arith.constant 0 : i32
      %dma_start3A_424 = tpu.memref_slice %arg9[%add3A_422, %dma_start3A_423] : memref<512x64xf32, #tpu.memory_space<vmem>> -> memref<1x64xf32, #tpu.memory_space<vmem>>
      %dma_start3A_425 = arith.constant 0 : i32
      %dma_start3A_426 = tpu.memref_slice %arg4[%squeeze3A_420, %dma_start3A_425] : memref<1000000x64xf32, #tpu.memory_space<hbm>> -> memref<1x64xf32, #tpu.memory_space<hbm>>
      %dma_start3A_427 = arith.constant 0 : i32
      %dma_start3A_428 = tpu.memref_slice %arg9[%add3A_422, %dma_start3A_427] : memref<512x64xf32, #tpu.memory_space<vmem>> -> memref<1x64xf32, #tpu.memory_space<vmem>>
      %dma_start3A_429 = arith.constant 0 : i32
      %dma_start3A_430 = tpu.memref_slice %arg4[%squeeze3A_420, %dma_start3A_429] : memref<1000000x64xf32, #tpu.memory_space<hbm>> -> memref<1x64xf32, #tpu.memory_space<hbm>>
      tpu.enqueue_dma source(%dma_start3A_430 : memref<1x64xf32, #tpu.memory_space<hbm>>) target(%dma_start3A_428 : memref<1x64xf32, #tpu.memory_space<vmem>>) target_semaphore(%arg10 : memref<!tpu.dma_semaphore, #tpu.memory_space<semaphore_mem>>)
      %slice3A_431 = vector.extract_strided_slice %get3A_336 {offsets = [8], sizes = [1], strides = [1]} : vector<16xi32> to vector<1xi32>
      %squeeze3A_432 = vector.extract %slice3A_431[0] : i32 from vector<1xi32>
      %add3A_433 = arith.constant 8 : i32
      %add3A_434 = arith.addi %add3A_332, %add3A_433 : i32
      %dma_start3A_435 = arith.constant 0 : i32
      %dma_start3A_436 = tpu.memref_slice %arg9[%add3A_434, %dma_start3A_435] : memref<512x64xf32, #tpu.memory_space<vmem>> -> memref<1x64xf32, #tpu.memory_space<vmem>>
      %dma_start3A_437 = arith.constant 0 : i32
      %dma_start3A_438 = tpu.memref_slice %arg4[%squeeze3A_432, %dma_start3A_437] : memref<1000000x64xf32, #tpu.memory_space<hbm>> -> memref<1x64xf32, #tpu.memory_space<hbm>>
      %dma_start3A_439 = arith.constant 0 : i32
      %dma_start3A_440 = tpu.memref_slice %arg9[%add3A_434, %dma_start3A_439] : memref<512x64xf32, #tpu.memory_space<vmem>> -> memref<1x64xf32, #tpu.memory_space<vmem>>
      %dma_start3A_441 = arith.constant 0 : i32
      %dma_start3A_442 = tpu.memref_slice %arg4[%squeeze3A_432, %dma_start3A_441] : memref<1000000x64xf32, #tpu.memory_space<hbm>> -> memref<1x64xf32, #tpu.memory_space<hbm>>
      tpu.enqueue_dma source(%dma_start3A_442 : memref<1x64xf32, #tpu.memory_space<hbm>>) target(%dma_start3A_440 : memref<1x64xf32, #tpu.memory_space<vmem>>) target_semaphore(%arg10 : memref<!tpu.dma_semaphore, #tpu.memory_space<semaphore_mem>>)
      %slice3A_443 = vector.extract_strided_slice %get3A_336 {offsets = [9], sizes = [1], strides = [1]} : vector<16xi32> to vector<1xi32>
      %squeeze3A_444 = vector.extract %slice3A_443[0] : i32 from vector<1xi32>
      %add3A_445 = arith.constant 9 : i32
      %add3A_446 = arith.addi %add3A_332, %add3A_445 : i32
      %dma_start3A_447 = arith.constant 0 : i32
      %dma_start3A_448 = tpu.memref_slice %arg9[%add3A_446, %dma_start3A_447] : memref<512x64xf32, #tpu.memory_space<vmem>> -> memref<1x64xf32, #tpu.memory_space<vmem>>
      %dma_start3A_449 = arith.constant 0 : i32
      %dma_start3A_450 = tpu.memref_slice %arg4[%squeeze3A_444, %dma_start3A_449] : memref<1000000x64xf32, #tpu.memory_space<hbm>> -> memref<1x64xf32, #tpu.memory_space<hbm>>
      %dma_start3A_451 = arith.constant 0 : i32
      %dma_start3A_452 = tpu.memref_slice %arg9[%add3A_446, %dma_start3A_451] : memref<512x64xf32, #tpu.memory_space<vmem>> -> memref<1x64xf32, #tpu.memory_space<vmem>>
      %dma_start3A_453 = arith.constant 0 : i32
      %dma_start3A_454 = tpu.memref_slice %arg4[%squeeze3A_444, %dma_start3A_453] : memref<1000000x64xf32, #tpu.memory_space<hbm>> -> memref<1x64xf32, #tpu.memory_space<hbm>>
      tpu.enqueue_dma source(%dma_start3A_454 : memref<1x64xf32, #tpu.memory_space<hbm>>) target(%dma_start3A_452 : memref<1x64xf32, #tpu.memory_space<vmem>>) target_semaphore(%arg10 : memref<!tpu.dma_semaphore, #tpu.memory_space<semaphore_mem>>)
      %slice3A_455 = vector.extract_strided_slice %get3A_336 {offsets = [10], sizes = [1], strides = [1]} : vector<16xi32> to vector<1xi32>
      %squeeze3A_456 = vector.extract %slice3A_455[0] : i32 from vector<1xi32>
      %add3A_457 = arith.constant 10 : i32
      %add3A_458 = arith.addi %add3A_332, %add3A_457 : i32
      %dma_start3A_459 = arith.constant 0 : i32
      %dma_start3A_460 = tpu.memref_slice %arg9[%add3A_458, %dma_start3A_459] : memref<512x64xf32, #tpu.memory_space<vmem>> -> memref<1x64xf32, #tpu.memory_space<vmem>>
      %dma_start3A_461 = arith.constant 0 : i32
      %dma_start3A_462 = tpu.memref_slice %arg4[%squeeze3A_456, %dma_start3A_461] : memref<1000000x64xf32, #tpu.memory_space<hbm>> -> memref<1x64xf32, #tpu.memory_space<hbm>>
      %dma_start3A_463 = arith.constant 0 : i32
      %dma_start3A_464 = tpu.memref_slice %arg9[%add3A_458, %dma_start3A_463] : memref<512x64xf32, #tpu.memory_space<vmem>> -> memref<1x64xf32, #tpu.memory_space<vmem>>
      %dma_start3A_465 = arith.constant 0 : i32
      %dma_start3A_466 = tpu.memref_slice %arg4[%squeeze3A_456, %dma_start3A_465] : memref<1000000x64xf32, #tpu.memory_space<hbm>> -> memref<1x64xf32, #tpu.memory_space<hbm>>
      tpu.enqueue_dma source(%dma_start3A_466 : memref<1x64xf32, #tpu.memory_space<hbm>>) target(%dma_start3A_464 : memref<1x64xf32, #tpu.memory_space<vmem>>) target_semaphore(%arg10 : memref<!tpu.dma_semaphore, #tpu.memory_space<semaphore_mem>>)
      %slice3A_467 = vector.extract_strided_slice %get3A_336 {offsets = [11], sizes = [1], strides = [1]} : vector<16xi32> to vector<1xi32>
      %squeeze3A_468 = vector.extract %slice3A_467[0] : i32 from vector<1xi32>
      %add3A_469 = arith.constant 11 : i32
      %add3A_470 = arith.addi %add3A_332, %add3A_469 : i32
      %dma_start3A_471 = arith.constant 0 : i32
      %dma_start3A_472 = tpu.memref_slice %arg9[%add3A_470, %dma_start3A_471] : memref<512x64xf32, #tpu.memory_space<vmem>> -> memref<1x64xf32, #tpu.memory_space<vmem>>
      %dma_start3A_473 = arith.constant 0 : i32
      %dma_start3A_474 = tpu.memref_slice %arg4[%squeeze3A_468, %dma_start3A_473] : memref<1000000x64xf32, #tpu.memory_space<hbm>> -> memref<1x64xf32, #tpu.memory_space<hbm>>
      %dma_start3A_475 = arith.constant 0 : i32
      %dma_start3A_476 = tpu.memref_slice %arg9[%add3A_470, %dma_start3A_475] : memref<512x64xf32, #tpu.memory_space<vmem>> -> memref<1x64xf32, #tpu.memory_space<vmem>>
      %dma_start3A_477 = arith.constant 0 : i32
      %dma_start3A_478 = tpu.memref_slice %arg4[%squeeze3A_468, %dma_start3A_477] : memref<1000000x64xf32, #tpu.memory_space<hbm>> -> memref<1x64xf32, #tpu.memory_space<hbm>>
      tpu.enqueue_dma source(%dma_start3A_478 : memref<1x64xf32, #tpu.memory_space<hbm>>) target(%dma_start3A_476 : memref<1x64xf32, #tpu.memory_space<vmem>>) target_semaphore(%arg10 : memref<!tpu.dma_semaphore, #tpu.memory_space<semaphore_mem>>)
      %slice3A_479 = vector.extract_strided_slice %get3A_336 {offsets = [12], sizes = [1], strides = [1]} : vector<16xi32> to vector<1xi32>
      %squeeze3A_480 = vector.extract %slice3A_479[0] : i32 from vector<1xi32>
      %add3A_481 = arith.constant 12 : i32
      %add3A_482 = arith.addi %add3A_332, %add3A_481 : i32
      %dma_start3A_483 = arith.constant 0 : i32
      %dma_start3A_484 = tpu.memref_slice %arg9[%add3A_482, %dma_start3A_483] : memref<512x64xf32, #tpu.memory_space<vmem>> -> memref<1x64xf32, #tpu.memory_space<vmem>>
      %dma_start3A_485 = arith.constant 0 : i32
      %dma_start3A_486 = tpu.memref_slice %arg4[%squeeze3A_480, %dma_start3A_485] : memref<1000000x64xf32, #tpu.memory_space<hbm>> -> memref<1x64xf32, #tpu.memory_space<hbm>>
      %dma_start3A_487 = arith.constant 0 : i32
      %dma_start3A_488 = tpu.memref_slice %arg9[%add3A_482, %dma_start3A_487] : memref<512x64xf32, #tpu.memory_space<vmem>> -> memref<1x64xf32, #tpu.memory_space<vmem>>
      %dma_start3A_489 = arith.constant 0 : i32
      %dma_start3A_490 = tpu.memref_slice %arg4[%squeeze3A_480, %dma_start3A_489] : memref<1000000x64xf32, #tpu.memory_space<hbm>> -> memref<1x64xf32, #tpu.memory_space<hbm>>
      tpu.enqueue_dma source(%dma_start3A_490 : memref<1x64xf32, #tpu.memory_space<hbm>>) target(%dma_start3A_488 : memref<1x64xf32, #tpu.memory_space<vmem>>) target_semaphore(%arg10 : memref<!tpu.dma_semaphore, #tpu.memory_space<semaphore_mem>>)
      %slice3A_491 = vector.extract_strided_slice %get3A_336 {offsets = [13], sizes = [1], strides = [1]} : vector<16xi32> to vector<1xi32>
      %squeeze3A_492 = vector.extract %slice3A_491[0] : i32 from vector<1xi32>
      %add3A_493 = arith.constant 13 : i32
      %add3A_494 = arith.addi %add3A_332, %add3A_493 : i32
      %dma_start3A_495 = arith.constant 0 : i32
      %dma_start3A_496 = tpu.memref_slice %arg9[%add3A_494, %dma_start3A_495] : memref<512x64xf32, #tpu.memory_space<vmem>> -> memref<1x64xf32, #tpu.memory_space<vmem>>
      %dma_start3A_497 = arith.constant 0 : i32
      %dma_start3A_498 = tpu.memref_slice %arg4[%squeeze3A_492, %dma_start3A_497] : memref<1000000x64xf32, #tpu.memory_space<hbm>> -> memref<1x64xf32, #tpu.memory_space<hbm>>
      %dma_start3A_499 = arith.constant 0 : i32
      %dma_start3A_500 = tpu.memref_slice %arg9[%add3A_494, %dma_start3A_499] : memref<512x64xf32, #tpu.memory_space<vmem>> -> memref<1x64xf32, #tpu.memory_space<vmem>>
      %dma_start3A_501 = arith.constant 0 : i32
      %dma_start3A_502 = tpu.memref_slice %arg4[%squeeze3A_492, %dma_start3A_501] : memref<1000000x64xf32, #tpu.memory_space<hbm>> -> memref<1x64xf32, #tpu.memory_space<hbm>>
      tpu.enqueue_dma source(%dma_start3A_502 : memref<1x64xf32, #tpu.memory_space<hbm>>) target(%dma_start3A_500 : memref<1x64xf32, #tpu.memory_space<vmem>>) target_semaphore(%arg10 : memref<!tpu.dma_semaphore, #tpu.memory_space<semaphore_mem>>)
      %slice3A_503 = vector.extract_strided_slice %get3A_336 {offsets = [14], sizes = [1], strides = [1]} : vector<16xi32> to vector<1xi32>
      %squeeze3A_504 = vector.extract %slice3A_503[0] : i32 from vector<1xi32>
      %add3A_505 = arith.constant 14 : i32
      %add3A_506 = arith.addi %add3A_332, %add3A_505 : i32
      %dma_start3A_507 = arith.constant 0 : i32
      %dma_start3A_508 = tpu.memref_slice %arg9[%add3A_506, %dma_start3A_507] : memref<512x64xf32, #tpu.memory_space<vmem>> -> memref<1x64xf32, #tpu.memory_space<vmem>>
      %dma_start3A_509 = arith.constant 0 : i32
      %dma_start3A_510 = tpu.memref_slice %arg4[%squeeze3A_504, %dma_start3A_509] : memref<1000000x64xf32, #tpu.memory_space<hbm>> -> memref<1x64xf32, #tpu.memory_space<hbm>>
      %dma_start3A_511 = arith.constant 0 : i32
      %dma_start3A_512 = tpu.memref_slice %arg9[%add3A_506, %dma_start3A_511] : memref<512x64xf32, #tpu.memory_space<vmem>> -> memref<1x64xf32, #tpu.memory_space<vmem>>
      %dma_start3A_513 = arith.constant 0 : i32
      %dma_start3A_514 = tpu.memref_slice %arg4[%squeeze3A_504, %dma_start3A_513] : memref<1000000x64xf32, #tpu.memory_space<hbm>> -> memref<1x64xf32, #tpu.memory_space<hbm>>
      tpu.enqueue_dma source(%dma_start3A_514 : memref<1x64xf32, #tpu.memory_space<hbm>>) target(%dma_start3A_512 : memref<1x64xf32, #tpu.memory_space<vmem>>) target_semaphore(%arg10 : memref<!tpu.dma_semaphore, #tpu.memory_space<semaphore_mem>>)
      %slice3A_515 = vector.extract_strided_slice %get3A_336 {offsets = [15], sizes = [1], strides = [1]} : vector<16xi32> to vector<1xi32>
      %squeeze3A_516 = vector.extract %slice3A_515[0] : i32 from vector<1xi32>
      %add3A_517 = arith.constant 15 : i32
      %add3A_518 = arith.addi %add3A_332, %add3A_517 : i32
      %dma_start3A_519 = arith.constant 0 : i32
      %dma_start3A_520 = tpu.memref_slice %arg9[%add3A_518, %dma_start3A_519] : memref<512x64xf32, #tpu.memory_space<vmem>> -> memref<1x64xf32, #tpu.memory_space<vmem>>
      %dma_start3A_521 = arith.constant 0 : i32
      %dma_start3A_522 = tpu.memref_slice %arg4[%squeeze3A_516, %dma_start3A_521] : memref<1000000x64xf32, #tpu.memory_space<hbm>> -> memref<1x64xf32, #tpu.memory_space<hbm>>
      %dma_start3A_523 = arith.constant 0 : i32
      %dma_start3A_524 = tpu.memref_slice %arg9[%add3A_518, %dma_start3A_523] : memref<512x64xf32, #tpu.memory_space<vmem>> -> memref<1x64xf32, #tpu.memory_space<vmem>>
      %dma_start3A_525 = arith.constant 0 : i32
      %dma_start3A_526 = tpu.memref_slice %arg4[%squeeze3A_516, %dma_start3A_525] : memref<1000000x64xf32, #tpu.memory_space<hbm>> -> memref<1x64xf32, #tpu.memory_space<hbm>>
      tpu.enqueue_dma source(%dma_start3A_526 : memref<1x64xf32, #tpu.memory_space<hbm>>) target(%dma_start3A_524 : memref<1x64xf32, #tpu.memory_space<vmem>>) target_semaphore(%arg10 : memref<!tpu.dma_semaphore, #tpu.memory_space<semaphore_mem>>)
    }
    %scan3A_6 = arith.constant 8 : i32
    %scan3A_7 = arith.constant 0 : i32
    %scan3A_8 = arith.constant 8 : i32
    %scan3A_9 = arith.addi %scan3A_7, %scan3A_8 : i32
    %scan3A_10 = arith.constant 1 : i32
    scf.for %scan3A_328 = %scan3A_7 to %scan3A_9 step %scan3A_10  : i32 {
      %mul3A_329 = arith.constant 16 : i32
      %mul3A_330 = arith.muli %scan3A_328, %mul3A_329 : i32
      %add3A_331 = arith.constant 128 : i32
      %add3A_332 = arith.addi %add3A_331, %mul3A_330 : i32
      %add3A_333 = arith.constant 0 : i32
      %add3A_334 = arith.addi %add3A_333, %add3A_332 : i32
      %get3A = arith.index_cast %add3A_334 : i32 to index
      %get3A_335 = tpu.vector_load %arg8[%get3A] {strides = array<i32>} : memref<1024xi32, #tpu.memory_space<vmem>>, vector<16xi32>,
      %get3A_336 = vector.shape_cast %get3A_335 : vector<16xi32> to vector<16xi32>
      %slice3A = vector.extract_strided_slice %get3A_336 {offsets = [0], sizes = [1], strides = [1]} : vector<16xi32> to vector<1xi32>
      %squeeze3A = vector.extract %slice3A[0] : i32 from vector<1xi32>
      %add3A_337 = arith.constant 0 : i32
      %add3A_338 = arith.addi %add3A_332, %add3A_337 : i32
      %dma_start3A_339 = arith.constant 0 : i32
      %dma_start3A_340 = tpu.memref_slice %arg9[%add3A_338, %dma_start3A_339] : memref<512x64xf32, #tpu.memory_space<vmem>> -> memref<1x64xf32, #tpu.memory_space<vmem>>
      %dma_start3A_341 = arith.constant 0 : i32
      %dma_start3A_342 = tpu.memref_slice %arg4[%squeeze3A, %dma_start3A_341] : memref<1000000x64xf32, #tpu.memory_space<hbm>> -> memref<1x64xf32, #tpu.memory_space<hbm>>
      %dma_start3A_343 = arith.constant 0 : i32
      %dma_start3A_344 = tpu.memref_slice %arg9[%add3A_338, %dma_start3A_343] : memref<512x64xf32, #tpu.memory_space<vmem>> -> memref<1x64xf32, #tpu.memory_space<vmem>>
      %dma_start3A_345 = arith.constant 0 : i32
      %dma_start3A_346 = tpu.memref_slice %arg4[%squeeze3A, %dma_start3A_345] : memref<1000000x64xf32, #tpu.memory_space<hbm>> -> memref<1x64xf32, #tpu.memory_space<hbm>>
      tpu.enqueue_dma source(%dma_start3A_346 : memref<1x64xf32, #tpu.memory_space<hbm>>) target(%dma_start3A_344 : memref<1x64xf32, #tpu.memory_space<vmem>>) target_semaphore(%arg11 : memref<!tpu.dma_semaphore, #tpu.memory_space<semaphore_mem>>)
      %slice3A_347 = vector.extract_strided_slice %get3A_336 {offsets = [1], sizes = [1], strides = [1]} : vector<16xi32> to vector<1xi32>
      %squeeze3A_348 = vector.extract %slice3A_347[0] : i32 from vector<1xi32>
      %add3A_349 = arith.constant 1 : i32
      %add3A_350 = arith.addi %add3A_332, %add3A_349 : i32
      %dma_start3A_351 = arith.constant 0 : i32
      %dma_start3A_352 = tpu.memref_slice %arg9[%add3A_350, %dma_start3A_351] : memref<512x64xf32, #tpu.memory_space<vmem>> -> memref<1x64xf32, #tpu.memory_space<vmem>>
      %dma_start3A_353 = arith.constant 0 : i32
      %dma_start3A_354 = tpu.memref_slice %arg4[%squeeze3A_348, %dma_start3A_353] : memref<1000000x64xf32, #tpu.memory_space<hbm>> -> memref<1x64xf32, #tpu.memory_space<hbm>>
      %dma_start3A_355 = arith.constant 0 : i32
      %dma_start3A_356 = tpu.memref_slice %arg9[%add3A_350, %dma_start3A_355] : memref<512x64xf32, #tpu.memory_space<vmem>> -> memref<1x64xf32, #tpu.memory_space<vmem>>
      %dma_start3A_357 = arith.constant 0 : i32
      %dma_start3A_358 = tpu.memref_slice %arg4[%squeeze3A_348, %dma_start3A_357] : memref<1000000x64xf32, #tpu.memory_space<hbm>> -> memref<1x64xf32, #tpu.memory_space<hbm>>
      tpu.enqueue_dma source(%dma_start3A_358 : memref<1x64xf32, #tpu.memory_space<hbm>>) target(%dma_start3A_356 : memref<1x64xf32, #tpu.memory_space<vmem>>) target_semaphore(%arg11 : memref<!tpu.dma_semaphore, #tpu.memory_space<semaphore_mem>>)
      %slice3A_359 = vector.extract_strided_slice %get3A_336 {offsets = [2], sizes = [1], strides = [1]} : vector<16xi32> to vector<1xi32>
      %squeeze3A_360 = vector.extract %slice3A_359[0] : i32 from vector<1xi32>
      %add3A_361 = arith.constant 2 : i32
      %add3A_362 = arith.addi %add3A_332, %add3A_361 : i32
      %dma_start3A_363 = arith.constant 0 : i32
      %dma_start3A_364 = tpu.memref_slice %arg9[%add3A_362, %dma_start3A_363] : memref<512x64xf32, #tpu.memory_space<vmem>> -> memref<1x64xf32, #tpu.memory_space<vmem>>
      %dma_start3A_365 = arith.constant 0 : i32
      %dma_start3A_366 = tpu.memref_slice %arg4[%squeeze3A_360, %dma_start3A_365] : memref<1000000x64xf32, #tpu.memory_space<hbm>> -> memref<1x64xf32, #tpu.memory_space<hbm>>
      %dma_start3A_367 = arith.constant 0 : i32
      %dma_start3A_368 = tpu.memref_slice %arg9[%add3A_362, %dma_start3A_367] : memref<512x64xf32, #tpu.memory_space<vmem>> -> memref<1x64xf32, #tpu.memory_space<vmem>>
      %dma_start3A_369 = arith.constant 0 : i32
      %dma_start3A_370 = tpu.memref_slice %arg4[%squeeze3A_360, %dma_start3A_369] : memref<1000000x64xf32, #tpu.memory_space<hbm>> -> memref<1x64xf32, #tpu.memory_space<hbm>>
      tpu.enqueue_dma source(%dma_start3A_370 : memref<1x64xf32, #tpu.memory_space<hbm>>) target(%dma_start3A_368 : memref<1x64xf32, #tpu.memory_space<vmem>>) target_semaphore(%arg11 : memref<!tpu.dma_semaphore, #tpu.memory_space<semaphore_mem>>)
      %slice3A_371 = vector.extract_strided_slice %get3A_336 {offsets = [3], sizes = [1], strides = [1]} : vector<16xi32> to vector<1xi32>
      %squeeze3A_372 = vector.extract %slice3A_371[0] : i32 from vector<1xi32>
      %add3A_373 = arith.constant 3 : i32
      %add3A_374 = arith.addi %add3A_332, %add3A_373 : i32
      %dma_start3A_375 = arith.constant 0 : i32
      %dma_start3A_376 = tpu.memref_slice %arg9[%add3A_374, %dma_start3A_375] : memref<512x64xf32, #tpu.memory_space<vmem>> -> memref<1x64xf32, #tpu.memory_space<vmem>>
      %dma_start3A_377 = arith.constant 0 : i32
      %dma_start3A_378 = tpu.memref_slice %arg4[%squeeze3A_372, %dma_start3A_377] : memref<1000000x64xf32, #tpu.memory_space<hbm>> -> memref<1x64xf32, #tpu.memory_space<hbm>>
      %dma_start3A_379 = arith.constant 0 : i32
      %dma_start3A_380 = tpu.memref_slice %arg9[%add3A_374, %dma_start3A_379] : memref<512x64xf32, #tpu.memory_space<vmem>> -> memref<1x64xf32, #tpu.memory_space<vmem>>
      %dma_start3A_381 = arith.constant 0 : i32
      %dma_start3A_382 = tpu.memref_slice %arg4[%squeeze3A_372, %dma_start3A_381] : memref<1000000x64xf32, #tpu.memory_space<hbm>> -> memref<1x64xf32, #tpu.memory_space<hbm>>
      tpu.enqueue_dma source(%dma_start3A_382 : memref<1x64xf32, #tpu.memory_space<hbm>>) target(%dma_start3A_380 : memref<1x64xf32, #tpu.memory_space<vmem>>) target_semaphore(%arg11 : memref<!tpu.dma_semaphore, #tpu.memory_space<semaphore_mem>>)
      %slice3A_383 = vector.extract_strided_slice %get3A_336 {offsets = [4], sizes = [1], strides = [1]} : vector<16xi32> to vector<1xi32>
      %squeeze3A_384 = vector.extract %slice3A_383[0] : i32 from vector<1xi32>
      %add3A_385 = arith.constant 4 : i32
      %add3A_386 = arith.addi %add3A_332, %add3A_385 : i32
      %dma_start3A_387 = arith.constant 0 : i32
      %dma_start3A_388 = tpu.memref_slice %arg9[%add3A_386, %dma_start3A_387] : memref<512x64xf32, #tpu.memory_space<vmem>> -> memref<1x64xf32, #tpu.memory_space<vmem>>
      %dma_start3A_389 = arith.constant 0 : i32
      %dma_start3A_390 = tpu.memref_slice %arg4[%squeeze3A_384, %dma_start3A_389] : memref<1000000x64xf32, #tpu.memory_space<hbm>> -> memref<1x64xf32, #tpu.memory_space<hbm>>
      %dma_start3A_391 = arith.constant 0 : i32
      %dma_start3A_392 = tpu.memref_slice %arg9[%add3A_386, %dma_start3A_391] : memref<512x64xf32, #tpu.memory_space<vmem>> -> memref<1x64xf32, #tpu.memory_space<vmem>>
      %dma_start3A_393 = arith.constant 0 : i32
      %dma_start3A_394 = tpu.memref_slice %arg4[%squeeze3A_384, %dma_start3A_393] : memref<1000000x64xf32, #tpu.memory_space<hbm>> -> memref<1x64xf32, #tpu.memory_space<hbm>>
      tpu.enqueue_dma source(%dma_start3A_394 : memref<1x64xf32, #tpu.memory_space<hbm>>) target(%dma_start3A_392 : memref<1x64xf32, #tpu.memory_space<vmem>>) target_semaphore(%arg11 : memref<!tpu.dma_semaphore, #tpu.memory_space<semaphore_mem>>)
      %slice3A_395 = vector.extract_strided_slice %get3A_336 {offsets = [5], sizes = [1], strides = [1]} : vector<16xi32> to vector<1xi32>
      %squeeze3A_396 = vector.extract %slice3A_395[0] : i32 from vector<1xi32>
      %add3A_397 = arith.constant 5 : i32
      %add3A_398 = arith.addi %add3A_332, %add3A_397 : i32
      %dma_start3A_399 = arith.constant 0 : i32
      %dma_start3A_400 = tpu.memref_slice %arg9[%add3A_398, %dma_start3A_399] : memref<512x64xf32, #tpu.memory_space<vmem>> -> memref<1x64xf32, #tpu.memory_space<vmem>>
      %dma_start3A_401 = arith.constant 0 : i32
      %dma_start3A_402 = tpu.memref_slice %arg4[%squeeze3A_396, %dma_start3A_401] : memref<1000000x64xf32, #tpu.memory_space<hbm>> -> memref<1x64xf32, #tpu.memory_space<hbm>>
      %dma_start3A_403 = arith.constant 0 : i32
      %dma_start3A_404 = tpu.memref_slice %arg9[%add3A_398, %dma_start3A_403] : memref<512x64xf32, #tpu.memory_space<vmem>> -> memref<1x64xf32, #tpu.memory_space<vmem>>
      %dma_start3A_405 = arith.constant 0 : i32
      %dma_start3A_406 = tpu.memref_slice %arg4[%squeeze3A_396, %dma_start3A_405] : memref<1000000x64xf32, #tpu.memory_space<hbm>> -> memref<1x64xf32, #tpu.memory_space<hbm>>
      tpu.enqueue_dma source(%dma_start3A_406 : memref<1x64xf32, #tpu.memory_space<hbm>>) target(%dma_start3A_404 : memref<1x64xf32, #tpu.memory_space<vmem>>) target_semaphore(%arg11 : memref<!tpu.dma_semaphore, #tpu.memory_space<semaphore_mem>>)
      %slice3A_407 = vector.extract_strided_slice %get3A_336 {offsets = [6], sizes = [1], strides = [1]} : vector<16xi32> to vector<1xi32>
      %squeeze3A_408 = vector.extract %slice3A_407[0] : i32 from vector<1xi32>
      %add3A_409 = arith.constant 6 : i32
      %add3A_410 = arith.addi %add3A_332, %add3A_409 : i32
      %dma_start3A_411 = arith.constant 0 : i32
      %dma_start3A_412 = tpu.memref_slice %arg9[%add3A_410, %dma_start3A_411] : memref<512x64xf32, #tpu.memory_space<vmem>> -> memref<1x64xf32, #tpu.memory_space<vmem>>
      %dma_start3A_413 = arith.constant 0 : i32
      %dma_start3A_414 = tpu.memref_slice %arg4[%squeeze3A_408, %dma_start3A_413] : memref<1000000x64xf32, #tpu.memory_space<hbm>> -> memref<1x64xf32, #tpu.memory_space<hbm>>
      %dma_start3A_415 = arith.constant 0 : i32
      %dma_start3A_416 = tpu.memref_slice %arg9[%add3A_410, %dma_start3A_415] : memref<512x64xf32, #tpu.memory_space<vmem>> -> memref<1x64xf32, #tpu.memory_space<vmem>>
      %dma_start3A_417 = arith.constant 0 : i32
      %dma_start3A_418 = tpu.memref_slice %arg4[%squeeze3A_408, %dma_start3A_417] : memref<1000000x64xf32, #tpu.memory_space<hbm>> -> memref<1x64xf32, #tpu.memory_space<hbm>>
      tpu.enqueue_dma source(%dma_start3A_418 : memref<1x64xf32, #tpu.memory_space<hbm>>) target(%dma_start3A_416 : memref<1x64xf32, #tpu.memory_space<vmem>>) target_semaphore(%arg11 : memref<!tpu.dma_semaphore, #tpu.memory_space<semaphore_mem>>)
      %slice3A_419 = vector.extract_strided_slice %get3A_336 {offsets = [7], sizes = [1], strides = [1]} : vector<16xi32> to vector<1xi32>
      %squeeze3A_420 = vector.extract %slice3A_419[0] : i32 from vector<1xi32>
      %add3A_421 = arith.constant 7 : i32
      %add3A_422 = arith.addi %add3A_332, %add3A_421 : i32
      %dma_start3A_423 = arith.constant 0 : i32
      %dma_start3A_424 = tpu.memref_slice %arg9[%add3A_422, %dma_start3A_423] : memref<512x64xf32, #tpu.memory_space<vmem>> -> memref<1x64xf32, #tpu.memory_space<vmem>>
      %dma_start3A_425 = arith.constant 0 : i32
      %dma_start3A_426 = tpu.memref_slice %arg4[%squeeze3A_420, %dma_start3A_425] : memref<1000000x64xf32, #tpu.memory_space<hbm>> -> memref<1x64xf32, #tpu.memory_space<hbm>>
      %dma_start3A_427 = arith.constant 0 : i32
      %dma_start3A_428 = tpu.memref_slice %arg9[%add3A_422, %dma_start3A_427] : memref<512x64xf32, #tpu.memory_space<vmem>> -> memref<1x64xf32, #tpu.memory_space<vmem>>
      %dma_start3A_429 = arith.constant 0 : i32
      %dma_start3A_430 = tpu.memref_slice %arg4[%squeeze3A_420, %dma_start3A_429] : memref<1000000x64xf32, #tpu.memory_space<hbm>> -> memref<1x64xf32, #tpu.memory_space<hbm>>
      tpu.enqueue_dma source(%dma_start3A_430 : memref<1x64xf32, #tpu.memory_space<hbm>>) target(%dma_start3A_428 : memref<1x64xf32, #tpu.memory_space<vmem>>) target_semaphore(%arg11 : memref<!tpu.dma_semaphore, #tpu.memory_space<semaphore_mem>>)
      %slice3A_431 = vector.extract_strided_slice %get3A_336 {offsets = [8], sizes = [1], strides = [1]} : vector<16xi32> to vector<1xi32>
      %squeeze3A_432 = vector.extract %slice3A_431[0] : i32 from vector<1xi32>
      %add3A_433 = arith.constant 8 : i32
      %add3A_434 = arith.addi %add3A_332, %add3A_433 : i32
      %dma_start3A_435 = arith.constant 0 : i32
      %dma_start3A_436 = tpu.memref_slice %arg9[%add3A_434, %dma_start3A_435] : memref<512x64xf32, #tpu.memory_space<vmem>> -> memref<1x64xf32, #tpu.memory_space<vmem>>
      %dma_start3A_437 = arith.constant 0 : i32
      %dma_start3A_438 = tpu.memref_slice %arg4[%squeeze3A_432, %dma_start3A_437] : memref<1000000x64xf32, #tpu.memory_space<hbm>> -> memref<1x64xf32, #tpu.memory_space<hbm>>
      %dma_start3A_439 = arith.constant 0 : i32
      %dma_start3A_440 = tpu.memref_slice %arg9[%add3A_434, %dma_start3A_439] : memref<512x64xf32, #tpu.memory_space<vmem>> -> memref<1x64xf32, #tpu.memory_space<vmem>>
      %dma_start3A_441 = arith.constant 0 : i32
      %dma_start3A_442 = tpu.memref_slice %arg4[%squeeze3A_432, %dma_start3A_441] : memref<1000000x64xf32, #tpu.memory_space<hbm>> -> memref<1x64xf32, #tpu.memory_space<hbm>>
      tpu.enqueue_dma source(%dma_start3A_442 : memref<1x64xf32, #tpu.memory_space<hbm>>) target(%dma_start3A_440 : memref<1x64xf32, #tpu.memory_space<vmem>>) target_semaphore(%arg11 : memref<!tpu.dma_semaphore, #tpu.memory_space<semaphore_mem>>)
      %slice3A_443 = vector.extract_strided_slice %get3A_336 {offsets = [9], sizes = [1], strides = [1]} : vector<16xi32> to vector<1xi32>
      %squeeze3A_444 = vector.extract %slice3A_443[0] : i32 from vector<1xi32>
      %add3A_445 = arith.constant 9 : i32
      %add3A_446 = arith.addi %add3A_332, %add3A_445 : i32
      %dma_start3A_447 = arith.constant 0 : i32
      %dma_start3A_448 = tpu.memref_slice %arg9[%add3A_446, %dma_start3A_447] : memref<512x64xf32, #tpu.memory_space<vmem>> -> memref<1x64xf32, #tpu.memory_space<vmem>>
      %dma_start3A_449 = arith.constant 0 : i32
      %dma_start3A_450 = tpu.memref_slice %arg4[%squeeze3A_444, %dma_start3A_449] : memref<1000000x64xf32, #tpu.memory_space<hbm>> -> memref<1x64xf32, #tpu.memory_space<hbm>>
      %dma_start3A_451 = arith.constant 0 : i32
      %dma_start3A_452 = tpu.memref_slice %arg9[%add3A_446, %dma_start3A_451] : memref<512x64xf32, #tpu.memory_space<vmem>> -> memref<1x64xf32, #tpu.memory_space<vmem>>
      %dma_start3A_453 = arith.constant 0 : i32
      %dma_start3A_454 = tpu.memref_slice %arg4[%squeeze3A_444, %dma_start3A_453] : memref<1000000x64xf32, #tpu.memory_space<hbm>> -> memref<1x64xf32, #tpu.memory_space<hbm>>
      tpu.enqueue_dma source(%dma_start3A_454 : memref<1x64xf32, #tpu.memory_space<hbm>>) target(%dma_start3A_452 : memref<1x64xf32, #tpu.memory_space<vmem>>) target_semaphore(%arg11 : memref<!tpu.dma_semaphore, #tpu.memory_space<semaphore_mem>>)
      %slice3A_455 = vector.extract_strided_slice %get3A_336 {offsets = [10], sizes = [1], strides = [1]} : vector<16xi32> to vector<1xi32>
      %squeeze3A_456 = vector.extract %slice3A_455[0] : i32 from vector<1xi32>
      %add3A_457 = arith.constant 10 : i32
      %add3A_458 = arith.addi %add3A_332, %add3A_457 : i32
      %dma_start3A_459 = arith.constant 0 : i32
      %dma_start3A_460 = tpu.memref_slice %arg9[%add3A_458, %dma_start3A_459] : memref<512x64xf32, #tpu.memory_space<vmem>> -> memref<1x64xf32, #tpu.memory_space<vmem>>
      %dma_start3A_461 = arith.constant 0 : i32
      %dma_start3A_462 = tpu.memref_slice %arg4[%squeeze3A_456, %dma_start3A_461] : memref<1000000x64xf32, #tpu.memory_space<hbm>> -> memref<1x64xf32, #tpu.memory_space<hbm>>
      %dma_start3A_463 = arith.constant 0 : i32
      %dma_start3A_464 = tpu.memref_slice %arg9[%add3A_458, %dma_start3A_463] : memref<512x64xf32, #tpu.memory_space<vmem>> -> memref<1x64xf32, #tpu.memory_space<vmem>>
      %dma_start3A_465 = arith.constant 0 : i32
      %dma_start3A_466 = tpu.memref_slice %arg4[%squeeze3A_456, %dma_start3A_465] : memref<1000000x64xf32, #tpu.memory_space<hbm>> -> memref<1x64xf32, #tpu.memory_space<hbm>>
      tpu.enqueue_dma source(%dma_start3A_466 : memref<1x64xf32, #tpu.memory_space<hbm>>) target(%dma_start3A_464 : memref<1x64xf32, #tpu.memory_space<vmem>>) target_semaphore(%arg11 : memref<!tpu.dma_semaphore, #tpu.memory_space<semaphore_mem>>)
      %slice3A_467 = vector.extract_strided_slice %get3A_336 {offsets = [11], sizes = [1], strides = [1]} : vector<16xi32> to vector<1xi32>
      %squeeze3A_468 = vector.extract %slice3A_467[0] : i32 from vector<1xi32>
      %add3A_469 = arith.constant 11 : i32
      %add3A_470 = arith.addi %add3A_332, %add3A_469 : i32
      %dma_start3A_471 = arith.constant 0 : i32
      %dma_start3A_472 = tpu.memref_slice %arg9[%add3A_470, %dma_start3A_471] : memref<512x64xf32, #tpu.memory_space<vmem>> -> memref<1x64xf32, #tpu.memory_space<vmem>>
      %dma_start3A_473 = arith.constant 0 : i32
      %dma_start3A_474 = tpu.memref_slice %arg4[%squeeze3A_468, %dma_start3A_473] : memref<1000000x64xf32, #tpu.memory_space<hbm>> -> memref<1x64xf32, #tpu.memory_space<hbm>>
      %dma_start3A_475 = arith.constant 0 : i32
      %dma_start3A_476 = tpu.memref_slice %arg9[%add3A_470, %dma_start3A_475] : memref<512x64xf32, #tpu.memory_space<vmem>> -> memref<1x64xf32, #tpu.memory_space<vmem>>
      %dma_start3A_477 = arith.constant 0 : i32
      %dma_start3A_478 = tpu.memref_slice %arg4[%squeeze3A_468, %dma_start3A_477] : memref<1000000x64xf32, #tpu.memory_space<hbm>> -> memref<1x64xf32, #tpu.memory_space<hbm>>
      tpu.enqueue_dma source(%dma_start3A_478 : memref<1x64xf32, #tpu.memory_space<hbm>>) target(%dma_start3A_476 : memref<1x64xf32, #tpu.memory_space<vmem>>) target_semaphore(%arg11 : memref<!tpu.dma_semaphore, #tpu.memory_space<semaphore_mem>>)
      %slice3A_479 = vector.extract_strided_slice %get3A_336 {offsets = [12], sizes = [1], strides = [1]} : vector<16xi32> to vector<1xi32>
      %squeeze3A_480 = vector.extract %slice3A_479[0] : i32 from vector<1xi32>
      %add3A_481 = arith.constant 12 : i32
      %add3A_482 = arith.addi %add3A_332, %add3A_481 : i32
      %dma_start3A_483 = arith.constant 0 : i32
      %dma_start3A_484 = tpu.memref_slice %arg9[%add3A_482, %dma_start3A_483] : memref<512x64xf32, #tpu.memory_space<vmem>> -> memref<1x64xf32, #tpu.memory_space<vmem>>
      %dma_start3A_485 = arith.constant 0 : i32
      %dma_start3A_486 = tpu.memref_slice %arg4[%squeeze3A_480, %dma_start3A_485] : memref<1000000x64xf32, #tpu.memory_space<hbm>> -> memref<1x64xf32, #tpu.memory_space<hbm>>
      %dma_start3A_487 = arith.constant 0 : i32
      %dma_start3A_488 = tpu.memref_slice %arg9[%add3A_482, %dma_start3A_487] : memref<512x64xf32, #tpu.memory_space<vmem>> -> memref<1x64xf32, #tpu.memory_space<vmem>>
      %dma_start3A_489 = arith.constant 0 : i32
      %dma_start3A_490 = tpu.memref_slice %arg4[%squeeze3A_480, %dma_start3A_489] : memref<1000000x64xf32, #tpu.memory_space<hbm>> -> memref<1x64xf32, #tpu.memory_space<hbm>>
      tpu.enqueue_dma source(%dma_start3A_490 : memref<1x64xf32, #tpu.memory_space<hbm>>) target(%dma_start3A_488 : memref<1x64xf32, #tpu.memory_space<vmem>>) target_semaphore(%arg11 : memref<!tpu.dma_semaphore, #tpu.memory_space<semaphore_mem>>)
      %slice3A_491 = vector.extract_strided_slice %get3A_336 {offsets = [13], sizes = [1], strides = [1]} : vector<16xi32> to vector<1xi32>
      %squeeze3A_492 = vector.extract %slice3A_491[0] : i32 from vector<1xi32>
      %add3A_493 = arith.constant 13 : i32
      %add3A_494 = arith.addi %add3A_332, %add3A_493 : i32
      %dma_start3A_495 = arith.constant 0 : i32
      %dma_start3A_496 = tpu.memref_slice %arg9[%add3A_494, %dma_start3A_495] : memref<512x64xf32, #tpu.memory_space<vmem>> -> memref<1x64xf32, #tpu.memory_space<vmem>>
      %dma_start3A_497 = arith.constant 0 : i32
      %dma_start3A_498 = tpu.memref_slice %arg4[%squeeze3A_492, %dma_start3A_497] : memref<1000000x64xf32, #tpu.memory_space<hbm>> -> memref<1x64xf32, #tpu.memory_space<hbm>>
      %dma_start3A_499 = arith.constant 0 : i32
      %dma_start3A_500 = tpu.memref_slice %arg9[%add3A_494, %dma_start3A_499] : memref<512x64xf32, #tpu.memory_space<vmem>> -> memref<1x64xf32, #tpu.memory_space<vmem>>
      %dma_start3A_501 = arith.constant 0 : i32
      %dma_start3A_502 = tpu.memref_slice %arg4[%squeeze3A_492, %dma_start3A_501] : memref<1000000x64xf32, #tpu.memory_space<hbm>> -> memref<1x64xf32, #tpu.memory_space<hbm>>
      tpu.enqueue_dma source(%dma_start3A_502 : memref<1x64xf32, #tpu.memory_space<hbm>>) target(%dma_start3A_500 : memref<1x64xf32, #tpu.memory_space<vmem>>) target_semaphore(%arg11 : memref<!tpu.dma_semaphore, #tpu.memory_space<semaphore_mem>>)
      %slice3A_503 = vector.extract_strided_slice %get3A_336 {offsets = [14], sizes = [1], strides = [1]} : vector<16xi32> to vector<1xi32>
      %squeeze3A_504 = vector.extract %slice3A_503[0] : i32 from vector<1xi32>
      %add3A_505 = arith.constant 14 : i32
      %add3A_506 = arith.addi %add3A_332, %add3A_505 : i32
      %dma_start3A_507 = arith.constant 0 : i32
      %dma_start3A_508 = tpu.memref_slice %arg9[%add3A_506, %dma_start3A_507] : memref<512x64xf32, #tpu.memory_space<vmem>> -> memref<1x64xf32, #tpu.memory_space<vmem>>
      %dma_start3A_509 = arith.constant 0 : i32
      %dma_start3A_510 = tpu.memref_slice %arg4[%squeeze3A_504, %dma_start3A_509] : memref<1000000x64xf32, #tpu.memory_space<hbm>> -> memref<1x64xf32, #tpu.memory_space<hbm>>
      %dma_start3A_511 = arith.constant 0 : i32
      %dma_start3A_512 = tpu.memref_slice %arg9[%add3A_506, %dma_start3A_511] : memref<512x64xf32, #tpu.memory_space<vmem>> -> memref<1x64xf32, #tpu.memory_space<vmem>>
      %dma_start3A_513 = arith.constant 0 : i32
      %dma_start3A_514 = tpu.memref_slice %arg4[%squeeze3A_504, %dma_start3A_513] : memref<1000000x64xf32, #tpu.memory_space<hbm>> -> memref<1x64xf32, #tpu.memory_space<hbm>>
      tpu.enqueue_dma source(%dma_start3A_514 : memref<1x64xf32, #tpu.memory_space<hbm>>) target(%dma_start3A_512 : memref<1x64xf32, #tpu.memory_space<vmem>>) target_semaphore(%arg11 : memref<!tpu.dma_semaphore, #tpu.memory_space<semaphore_mem>>)
      %slice3A_515 = vector.extract_strided_slice %get3A_336 {offsets = [15], sizes = [1], strides = [1]} : vector<16xi32> to vector<1xi32>
      %squeeze3A_516 = vector.extract %slice3A_515[0] : i32 from vector<1xi32>
      %add3A_517 = arith.constant 15 : i32
      %add3A_518 = arith.addi %add3A_332, %add3A_517 : i32
      %dma_start3A_519 = arith.constant 0 : i32
      %dma_start3A_520 = tpu.memref_slice %arg9[%add3A_518, %dma_start3A_519] : memref<512x64xf32, #tpu.memory_space<vmem>> -> memref<1x64xf32, #tpu.memory_space<vmem>>
      %dma_start3A_521 = arith.constant 0 : i32
      %dma_start3A_522 = tpu.memref_slice %arg4[%squeeze3A_516, %dma_start3A_521] : memref<1000000x64xf32, #tpu.memory_space<hbm>> -> memref<1x64xf32, #tpu.memory_space<hbm>>
      %dma_start3A_523 = arith.constant 0 : i32
      %dma_start3A_524 = tpu.memref_slice %arg9[%add3A_518, %dma_start3A_523] : memref<512x64xf32, #tpu.memory_space<vmem>> -> memref<1x64xf32, #tpu.memory_space<vmem>>
      %dma_start3A_525 = arith.constant 0 : i32
      %dma_start3A_526 = tpu.memref_slice %arg4[%squeeze3A_516, %dma_start3A_525] : memref<1000000x64xf32, #tpu.memory_space<hbm>> -> memref<1x64xf32, #tpu.memory_space<hbm>>
      tpu.enqueue_dma source(%dma_start3A_526 : memref<1x64xf32, #tpu.memory_space<hbm>>) target(%dma_start3A_524 : memref<1x64xf32, #tpu.memory_space<vmem>>) target_semaphore(%arg11 : memref<!tpu.dma_semaphore, #tpu.memory_space<semaphore_mem>>)
    }
    %scan3A_11 = arith.constant 8 : i32
    %dma_wait3A = arith.constant 0 : i32
    %dma_wait3A_12 = arith.constant 0 : i32
    %dma_wait3A_13 = tpu.memref_slice %arg9[%dma_wait3A, %dma_wait3A_12] : memref<512x64xf32, #tpu.memory_space<vmem>> -> memref<128x64xf32, #tpu.memory_space<vmem>>
    %dma_wait3A_14 = arith.constant 0 : i32
    %dma_wait3A_15 = arith.constant 0 : i32
    %dma_wait3A_16 = tpu.memref_slice %arg4[%dma_wait3A_14, %dma_wait3A_15] : memref<1000000x64xf32, #tpu.memory_space<hbm>> -> memref<128x64xf32, #tpu.memory_space<hbm>>
    %dma_wait3A_17 = arith.constant 0 : i32
    %dma_wait3A_18 = arith.constant 0 : i32
    %dma_wait3A_19 = tpu.memref_slice %arg9[%dma_wait3A_17, %dma_wait3A_18] : memref<512x64xf32, #tpu.memory_space<vmem>> -> memref<128x64xf32, #tpu.memory_space<vmem>>
    %dma_wait3A_20 = arith.constant 0 : i32
    %dma_wait3A_21 = arith.constant 0 : i32
    %dma_wait3A_22 = tpu.memref_slice %arg4[%dma_wait3A_20, %dma_wait3A_21] : memref<1000000x64xf32, #tpu.memory_space<hbm>> -> memref<128x64xf32, #tpu.memory_space<hbm>>
    tpu.wait_dma2 semaphore(%arg10 : memref<!tpu.dma_semaphore, #tpu.memory_space<semaphore_mem>>) src(%dma_wait3A_22 : memref<128x64xf32, #tpu.memory_space<hbm>>) dst(%dma_wait3A_19 : memref<128x64xf32, #tpu.memory_space<vmem>>)
    %add3A_23 = arith.constant 0 : i32
    %add3A_24 = arith.addi %mul3A_2, %add3A_23 : i32
    %dma_start3A = arith.constant 0 : i32
    %dma_start3A_25 = arith.constant 0 : i32
    %dma_start3A_26 = tpu.memref_slice %arg9[%dma_start3A, %dma_start3A_25] : memref<512x64xf32, #tpu.memory_space<vmem>> -> memref<128x64xf32, #tpu.memory_space<vmem>>
    %dma_start3A_27 = arith.constant 0 : i32
    %dma_start3A_28 = tpu.memref_slice %arg6[%add3A_24, %dma_start3A_27] : memref<16384x64xf32, #tpu.memory_space<hbm>> -> memref<128x64xf32, #tpu.memory_space<hbm>>
    %dma_start3A_29 = arith.constant 0 : i32
    %dma_start3A_30 = tpu.memref_slice %arg6[%add3A_24, %dma_start3A_29] : memref<16384x64xf32, #tpu.memory_space<hbm>> -> memref<128x64xf32, #tpu.memory_space<hbm>>
    %dma_start3A_31 = arith.constant 0 : i32
    %dma_start3A_32 = arith.constant 0 : i32
    %dma_start3A_33 = tpu.memref_slice %arg9[%dma_start3A_31, %dma_start3A_32] : memref<512x64xf32, #tpu.memory_space<vmem>> -> memref<128x64xf32, #tpu.memory_space<vmem>>
    tpu.enqueue_dma source(%dma_start3A_33 : memref<128x64xf32, #tpu.memory_space<vmem>>) target(%dma_start3A_30 : memref<128x64xf32, #tpu.memory_space<hbm>>) target_semaphore(%arg12 : memref<!tpu.dma_semaphore, #tpu.memory_space<semaphore_mem>>)
    %scan3A_34 = arith.constant 0 : i32
    %scan3A_35 = arith.constant 8 : i32
    %scan3A_36 = arith.addi %scan3A_34, %scan3A_35 : i32
    %scan3A_37 = arith.constant 1 : i32
    scf.for %scan3A_328 = %scan3A_34 to %scan3A_36 step %scan3A_37  : i32 {
      %mul3A_329 = arith.constant 16 : i32
      %mul3A_330 = arith.muli %scan3A_328, %mul3A_329 : i32
      %add3A_331 = arith.constant 256 : i32
      %add3A_332 = arith.addi %add3A_331, %mul3A_330 : i32
      %add3A_333 = arith.constant 0 : i32
      %add3A_334 = arith.addi %add3A_333, %add3A_332 : i32
      %get3A = arith.index_cast %add3A_334 : i32 to index
      %get3A_335 = tpu.vector_load %arg8[%get3A] {strides = array<i32>} : memref<1024xi32, #tpu.memory_space<vmem>>, vector<16xi32>,
      %get3A_336 = vector.shape_cast %get3A_335 : vector<16xi32> to vector<16xi32>
      %slice3A = vector.extract_strided_slice %get3A_336 {offsets = [0], sizes = [1], strides = [1]} : vector<16xi32> to vector<1xi32>
      %squeeze3A = vector.extract %slice3A[0] : i32 from vector<1xi32>
      %add3A_337 = arith.constant 0 : i32
      %add3A_338 = arith.addi %add3A_332, %add3A_337 : i32
      %dma_start3A_339 = arith.constant 0 : i32
      %dma_start3A_340 = tpu.memref_slice %arg9[%add3A_338, %dma_start3A_339] : memref<512x64xf32, #tpu.memory_space<vmem>> -> memref<1x64xf32, #tpu.memory_space<vmem>>
      %dma_start3A_341 = arith.constant 0 : i32
      %dma_start3A_342 = tpu.memref_slice %arg4[%squeeze3A, %dma_start3A_341] : memref<1000000x64xf32, #tpu.memory_space<hbm>> -> memref<1x64xf32, #tpu.memory_space<hbm>>
      %dma_start3A_343 = arith.constant 0 : i32
      %dma_start3A_344 = tpu.memref_slice %arg9[%add3A_338, %dma_start3A_343] : memref<512x64xf32, #tpu.memory_space<vmem>> -> memref<1x64xf32, #tpu.memory_space<vmem>>
      %dma_start3A_345 = arith.constant 0 : i32
      %dma_start3A_346 = tpu.memref_slice %arg4[%squeeze3A, %dma_start3A_345] : memref<1000000x64xf32, #tpu.memory_space<hbm>> -> memref<1x64xf32, #tpu.memory_space<hbm>>
      tpu.enqueue_dma source(%dma_start3A_346 : memref<1x64xf32, #tpu.memory_space<hbm>>) target(%dma_start3A_344 : memref<1x64xf32, #tpu.memory_space<vmem>>) target_semaphore(%arg10 : memref<!tpu.dma_semaphore, #tpu.memory_space<semaphore_mem>>)
      %slice3A_347 = vector.extract_strided_slice %get3A_336 {offsets = [1], sizes = [1], strides = [1]} : vector<16xi32> to vector<1xi32>
      %squeeze3A_348 = vector.extract %slice3A_347[0] : i32 from vector<1xi32>
      %add3A_349 = arith.constant 1 : i32
      %add3A_350 = arith.addi %add3A_332, %add3A_349 : i32
      %dma_start3A_351 = arith.constant 0 : i32
      %dma_start3A_352 = tpu.memref_slice %arg9[%add3A_350, %dma_start3A_351] : memref<512x64xf32, #tpu.memory_space<vmem>> -> memref<1x64xf32, #tpu.memory_space<vmem>>
      %dma_start3A_353 = arith.constant 0 : i32
      %dma_start3A_354 = tpu.memref_slice %arg4[%squeeze3A_348, %dma_start3A_353] : memref<1000000x64xf32, #tpu.memory_space<hbm>> -> memref<1x64xf32, #tpu.memory_space<hbm>>
      %dma_start3A_355 = arith.constant 0 : i32
      %dma_start3A_356 = tpu.memref_slice %arg9[%add3A_350, %dma_start3A_355] : memref<512x64xf32, #tpu.memory_space<vmem>> -> memref<1x64xf32, #tpu.memory_space<vmem>>
      %dma_start3A_357 = arith.constant 0 : i32
      %dma_start3A_358 = tpu.memref_slice %arg4[%squeeze3A_348, %dma_start3A_357] : memref<1000000x64xf32, #tpu.memory_space<hbm>> -> memref<1x64xf32, #tpu.memory_space<hbm>>
      tpu.enqueue_dma source(%dma_start3A_358 : memref<1x64xf32, #tpu.memory_space<hbm>>) target(%dma_start3A_356 : memref<1x64xf32, #tpu.memory_space<vmem>>) target_semaphore(%arg10 : memref<!tpu.dma_semaphore, #tpu.memory_space<semaphore_mem>>)
      %slice3A_359 = vector.extract_strided_slice %get3A_336 {offsets = [2], sizes = [1], strides = [1]} : vector<16xi32> to vector<1xi32>
      %squeeze3A_360 = vector.extract %slice3A_359[0] : i32 from vector<1xi32>
      %add3A_361 = arith.constant 2 : i32
      %add3A_362 = arith.addi %add3A_332, %add3A_361 : i32
      %dma_start3A_363 = arith.constant 0 : i32
      %dma_start3A_364 = tpu.memref_slice %arg9[%add3A_362, %dma_start3A_363] : memref<512x64xf32, #tpu.memory_space<vmem>> -> memref<1x64xf32, #tpu.memory_space<vmem>>
      %dma_start3A_365 = arith.constant 0 : i32
      %dma_start3A_366 = tpu.memref_slice %arg4[%squeeze3A_360, %dma_start3A_365] : memref<1000000x64xf32, #tpu.memory_space<hbm>> -> memref<1x64xf32, #tpu.memory_space<hbm>>
      %dma_start3A_367 = arith.constant 0 : i32
      %dma_start3A_368 = tpu.memref_slice %arg9[%add3A_362, %dma_start3A_367] : memref<512x64xf32, #tpu.memory_space<vmem>> -> memref<1x64xf32, #tpu.memory_space<vmem>>
      %dma_start3A_369 = arith.constant 0 : i32
      %dma_start3A_370 = tpu.memref_slice %arg4[%squeeze3A_360, %dma_start3A_369] : memref<1000000x64xf32, #tpu.memory_space<hbm>> -> memref<1x64xf32, #tpu.memory_space<hbm>>
      tpu.enqueue_dma source(%dma_start3A_370 : memref<1x64xf32, #tpu.memory_space<hbm>>) target(%dma_start3A_368 : memref<1x64xf32, #tpu.memory_space<vmem>>) target_semaphore(%arg10 : memref<!tpu.dma_semaphore, #tpu.memory_space<semaphore_mem>>)
      %slice3A_371 = vector.extract_strided_slice %get3A_336 {offsets = [3], sizes = [1], strides = [1]} : vector<16xi32> to vector<1xi32>
      %squeeze3A_372 = vector.extract %slice3A_371[0] : i32 from vector<1xi32>
      %add3A_373 = arith.constant 3 : i32
      %add3A_374 = arith.addi %add3A_332, %add3A_373 : i32
      %dma_start3A_375 = arith.constant 0 : i32
      %dma_start3A_376 = tpu.memref_slice %arg9[%add3A_374, %dma_start3A_375] : memref<512x64xf32, #tpu.memory_space<vmem>> -> memref<1x64xf32, #tpu.memory_space<vmem>>
      %dma_start3A_377 = arith.constant 0 : i32
      %dma_start3A_378 = tpu.memref_slice %arg4[%squeeze3A_372, %dma_start3A_377] : memref<1000000x64xf32, #tpu.memory_space<hbm>> -> memref<1x64xf32, #tpu.memory_space<hbm>>
      %dma_start3A_379 = arith.constant 0 : i32
      %dma_start3A_380 = tpu.memref_slice %arg9[%add3A_374, %dma_start3A_379] : memref<512x64xf32, #tpu.memory_space<vmem>> -> memref<1x64xf32, #tpu.memory_space<vmem>>
      %dma_start3A_381 = arith.constant 0 : i32
      %dma_start3A_382 = tpu.memref_slice %arg4[%squeeze3A_372, %dma_start3A_381] : memref<1000000x64xf32, #tpu.memory_space<hbm>> -> memref<1x64xf32, #tpu.memory_space<hbm>>
      tpu.enqueue_dma source(%dma_start3A_382 : memref<1x64xf32, #tpu.memory_space<hbm>>) target(%dma_start3A_380 : memref<1x64xf32, #tpu.memory_space<vmem>>) target_semaphore(%arg10 : memref<!tpu.dma_semaphore, #tpu.memory_space<semaphore_mem>>)
      %slice3A_383 = vector.extract_strided_slice %get3A_336 {offsets = [4], sizes = [1], strides = [1]} : vector<16xi32> to vector<1xi32>
      %squeeze3A_384 = vector.extract %slice3A_383[0] : i32 from vector<1xi32>
      %add3A_385 = arith.constant 4 : i32
      %add3A_386 = arith.addi %add3A_332, %add3A_385 : i32
      %dma_start3A_387 = arith.constant 0 : i32
      %dma_start3A_388 = tpu.memref_slice %arg9[%add3A_386, %dma_start3A_387] : memref<512x64xf32, #tpu.memory_space<vmem>> -> memref<1x64xf32, #tpu.memory_space<vmem>>
      %dma_start3A_389 = arith.constant 0 : i32
      %dma_start3A_390 = tpu.memref_slice %arg4[%squeeze3A_384, %dma_start3A_389] : memref<1000000x64xf32, #tpu.memory_space<hbm>> -> memref<1x64xf32, #tpu.memory_space<hbm>>
      %dma_start3A_391 = arith.constant 0 : i32
      %dma_start3A_392 = tpu.memref_slice %arg9[%add3A_386, %dma_start3A_391] : memref<512x64xf32, #tpu.memory_space<vmem>> -> memref<1x64xf32, #tpu.memory_space<vmem>>
      %dma_start3A_393 = arith.constant 0 : i32
      %dma_start3A_394 = tpu.memref_slice %arg4[%squeeze3A_384, %dma_start3A_393] : memref<1000000x64xf32, #tpu.memory_space<hbm>> -> memref<1x64xf32, #tpu.memory_space<hbm>>
      tpu.enqueue_dma source(%dma_start3A_394 : memref<1x64xf32, #tpu.memory_space<hbm>>) target(%dma_start3A_392 : memref<1x64xf32, #tpu.memory_space<vmem>>) target_semaphore(%arg10 : memref<!tpu.dma_semaphore, #tpu.memory_space<semaphore_mem>>)
      %slice3A_395 = vector.extract_strided_slice %get3A_336 {offsets = [5], sizes = [1], strides = [1]} : vector<16xi32> to vector<1xi32>
      %squeeze3A_396 = vector.extract %slice3A_395[0] : i32 from vector<1xi32>
      %add3A_397 = arith.constant 5 : i32
      %add3A_398 = arith.addi %add3A_332, %add3A_397 : i32
      %dma_start3A_399 = arith.constant 0 : i32
      %dma_start3A_400 = tpu.memref_slice %arg9[%add3A_398, %dma_start3A_399] : memref<512x64xf32, #tpu.memory_space<vmem>> -> memref<1x64xf32, #tpu.memory_space<vmem>>
      %dma_start3A_401 = arith.constant 0 : i32
      %dma_start3A_402 = tpu.memref_slice %arg4[%squeeze3A_396, %dma_start3A_401] : memref<1000000x64xf32, #tpu.memory_space<hbm>> -> memref<1x64xf32, #tpu.memory_space<hbm>>
      %dma_start3A_403 = arith.constant 0 : i32
      %dma_start3A_404 = tpu.memref_slice %arg9[%add3A_398, %dma_start3A_403] : memref<512x64xf32, #tpu.memory_space<vmem>> -> memref<1x64xf32, #tpu.memory_space<vmem>>
      %dma_start3A_405 = arith.constant 0 : i32
      %dma_start3A_406 = tpu.memref_slice %arg4[%squeeze3A_396, %dma_start3A_405] : memref<1000000x64xf32, #tpu.memory_space<hbm>> -> memref<1x64xf32, #tpu.memory_space<hbm>>
      tpu.enqueue_dma source(%dma_start3A_406 : memref<1x64xf32, #tpu.memory_space<hbm>>) target(%dma_start3A_404 : memref<1x64xf32, #tpu.memory_space<vmem>>) target_semaphore(%arg10 : memref<!tpu.dma_semaphore, #tpu.memory_space<semaphore_mem>>)
      %slice3A_407 = vector.extract_strided_slice %get3A_336 {offsets = [6], sizes = [1], strides = [1]} : vector<16xi32> to vector<1xi32>
      %squeeze3A_408 = vector.extract %slice3A_407[0] : i32 from vector<1xi32>
      %add3A_409 = arith.constant 6 : i32
      %add3A_410 = arith.addi %add3A_332, %add3A_409 : i32
      %dma_start3A_411 = arith.constant 0 : i32
      %dma_start3A_412 = tpu.memref_slice %arg9[%add3A_410, %dma_start3A_411] : memref<512x64xf32, #tpu.memory_space<vmem>> -> memref<1x64xf32, #tpu.memory_space<vmem>>
      %dma_start3A_413 = arith.constant 0 : i32
      %dma_start3A_414 = tpu.memref_slice %arg4[%squeeze3A_408, %dma_start3A_413] : memref<1000000x64xf32, #tpu.memory_space<hbm>> -> memref<1x64xf32, #tpu.memory_space<hbm>>
      %dma_start3A_415 = arith.constant 0 : i32
      %dma_start3A_416 = tpu.memref_slice %arg9[%add3A_410, %dma_start3A_415] : memref<512x64xf32, #tpu.memory_space<vmem>> -> memref<1x64xf32, #tpu.memory_space<vmem>>
      %dma_start3A_417 = arith.constant 0 : i32
      %dma_start3A_418 = tpu.memref_slice %arg4[%squeeze3A_408, %dma_start3A_417] : memref<1000000x64xf32, #tpu.memory_space<hbm>> -> memref<1x64xf32, #tpu.memory_space<hbm>>
      tpu.enqueue_dma source(%dma_start3A_418 : memref<1x64xf32, #tpu.memory_space<hbm>>) target(%dma_start3A_416 : memref<1x64xf32, #tpu.memory_space<vmem>>) target_semaphore(%arg10 : memref<!tpu.dma_semaphore, #tpu.memory_space<semaphore_mem>>)
      %slice3A_419 = vector.extract_strided_slice %get3A_336 {offsets = [7], sizes = [1], strides = [1]} : vector<16xi32> to vector<1xi32>
      %squeeze3A_420 = vector.extract %slice3A_419[0] : i32 from vector<1xi32>
      %add3A_421 = arith.constant 7 : i32
      %add3A_422 = arith.addi %add3A_332, %add3A_421 : i32
      %dma_start3A_423 = arith.constant 0 : i32
      %dma_start3A_424 = tpu.memref_slice %arg9[%add3A_422, %dma_start3A_423] : memref<512x64xf32, #tpu.memory_space<vmem>> -> memref<1x64xf32, #tpu.memory_space<vmem>>
      %dma_start3A_425 = arith.constant 0 : i32
      %dma_start3A_426 = tpu.memref_slice %arg4[%squeeze3A_420, %dma_start3A_425] : memref<1000000x64xf32, #tpu.memory_space<hbm>> -> memref<1x64xf32, #tpu.memory_space<hbm>>
      %dma_start3A_427 = arith.constant 0 : i32
      %dma_start3A_428 = tpu.memref_slice %arg9[%add3A_422, %dma_start3A_427] : memref<512x64xf32, #tpu.memory_space<vmem>> -> memref<1x64xf32, #tpu.memory_space<vmem>>
      %dma_start3A_429 = arith.constant 0 : i32
      %dma_start3A_430 = tpu.memref_slice %arg4[%squeeze3A_420, %dma_start3A_429] : memref<1000000x64xf32, #tpu.memory_space<hbm>> -> memref<1x64xf32, #tpu.memory_space<hbm>>
      tpu.enqueue_dma source(%dma_start3A_430 : memref<1x64xf32, #tpu.memory_space<hbm>>) target(%dma_start3A_428 : memref<1x64xf32, #tpu.memory_space<vmem>>) target_semaphore(%arg10 : memref<!tpu.dma_semaphore, #tpu.memory_space<semaphore_mem>>)
      %slice3A_431 = vector.extract_strided_slice %get3A_336 {offsets = [8], sizes = [1], strides = [1]} : vector<16xi32> to vector<1xi32>
      %squeeze3A_432 = vector.extract %slice3A_431[0] : i32 from vector<1xi32>
      %add3A_433 = arith.constant 8 : i32
      %add3A_434 = arith.addi %add3A_332, %add3A_433 : i32
      %dma_start3A_435 = arith.constant 0 : i32
      %dma_start3A_436 = tpu.memref_slice %arg9[%add3A_434, %dma_start3A_435] : memref<512x64xf32, #tpu.memory_space<vmem>> -> memref<1x64xf32, #tpu.memory_space<vmem>>
      %dma_start3A_437 = arith.constant 0 : i32
      %dma_start3A_438 = tpu.memref_slice %arg4[%squeeze3A_432, %dma_start3A_437] : memref<1000000x64xf32, #tpu.memory_space<hbm>> -> memref<1x64xf32, #tpu.memory_space<hbm>>
      %dma_start3A_439 = arith.constant 0 : i32
      %dma_start3A_440 = tpu.memref_slice %arg9[%add3A_434, %dma_start3A_439] : memref<512x64xf32, #tpu.memory_space<vmem>> -> memref<1x64xf32, #tpu.memory_space<vmem>>
      %dma_start3A_441 = arith.constant 0 : i32
      %dma_start3A_442 = tpu.memref_slice %arg4[%squeeze3A_432, %dma_start3A_441] : memref<1000000x64xf32, #tpu.memory_space<hbm>> -> memref<1x64xf32, #tpu.memory_space<hbm>>
      tpu.enqueue_dma source(%dma_start3A_442 : memref<1x64xf32, #tpu.memory_space<hbm>>) target(%dma_start3A_440 : memref<1x64xf32, #tpu.memory_space<vmem>>) target_semaphore(%arg10 : memref<!tpu.dma_semaphore, #tpu.memory_space<semaphore_mem>>)
      %slice3A_443 = vector.extract_strided_slice %get3A_336 {offsets = [9], sizes = [1], strides = [1]} : vector<16xi32> to vector<1xi32>
      %squeeze3A_444 = vector.extract %slice3A_443[0] : i32 from vector<1xi32>
      %add3A_445 = arith.constant 9 : i32
      %add3A_446 = arith.addi %add3A_332, %add3A_445 : i32
      %dma_start3A_447 = arith.constant 0 : i32
      %dma_start3A_448 = tpu.memref_slice %arg9[%add3A_446, %dma_start3A_447] : memref<512x64xf32, #tpu.memory_space<vmem>> -> memref<1x64xf32, #tpu.memory_space<vmem>>
      %dma_start3A_449 = arith.constant 0 : i32
      %dma_start3A_450 = tpu.memref_slice %arg4[%squeeze3A_444, %dma_start3A_449] : memref<1000000x64xf32, #tpu.memory_space<hbm>> -> memref<1x64xf32, #tpu.memory_space<hbm>>
      %dma_start3A_451 = arith.constant 0 : i32
      %dma_start3A_452 = tpu.memref_slice %arg9[%add3A_446, %dma_start3A_451] : memref<512x64xf32, #tpu.memory_space<vmem>> -> memref<1x64xf32, #tpu.memory_space<vmem>>
      %dma_start3A_453 = arith.constant 0 : i32
      %dma_start3A_454 = tpu.memref_slice %arg4[%squeeze3A_444, %dma_start3A_453] : memref<1000000x64xf32, #tpu.memory_space<hbm>> -> memref<1x64xf32, #tpu.memory_space<hbm>>
      tpu.enqueue_dma source(%dma_start3A_454 : memref<1x64xf32, #tpu.memory_space<hbm>>) target(%dma_start3A_452 : memref<1x64xf32, #tpu.memory_space<vmem>>) target_semaphore(%arg10 : memref<!tpu.dma_semaphore, #tpu.memory_space<semaphore_mem>>)
      %slice3A_455 = vector.extract_strided_slice %get3A_336 {offsets = [10], sizes = [1], strides = [1]} : vector<16xi32> to vector<1xi32>
      %squeeze3A_456 = vector.extract %slice3A_455[0] : i32 from vector<1xi32>
      %add3A_457 = arith.constant 10 : i32
      %add3A_458 = arith.addi %add3A_332, %add3A_457 : i32
      %dma_start3A_459 = arith.constant 0 : i32
      %dma_start3A_460 = tpu.memref_slice %arg9[%add3A_458, %dma_start3A_459] : memref<512x64xf32, #tpu.memory_space<vmem>> -> memref<1x64xf32, #tpu.memory_space<vmem>>
      %dma_start3A_461 = arith.constant 0 : i32
      %dma_start3A_462 = tpu.memref_slice %arg4[%squeeze3A_456, %dma_start3A_461] : memref<1000000x64xf32, #tpu.memory_space<hbm>> -> memref<1x64xf32, #tpu.memory_space<hbm>>
      %dma_start3A_463 = arith.constant 0 : i32
      %dma_start3A_464 = tpu.memref_slice %arg9[%add3A_458, %dma_start3A_463] : memref<512x64xf32, #tpu.memory_space<vmem>> -> memref<1x64xf32, #tpu.memory_space<vmem>>
      %dma_start3A_465 = arith.constant 0 : i32
      %dma_start3A_466 = tpu.memref_slice %arg4[%squeeze3A_456, %dma_start3A_465] : memref<1000000x64xf32, #tpu.memory_space<hbm>> -> memref<1x64xf32, #tpu.memory_space<hbm>>
      tpu.enqueue_dma source(%dma_start3A_466 : memref<1x64xf32, #tpu.memory_space<hbm>>) target(%dma_start3A_464 : memref<1x64xf32, #tpu.memory_space<vmem>>) target_semaphore(%arg10 : memref<!tpu.dma_semaphore, #tpu.memory_space<semaphore_mem>>)
      %slice3A_467 = vector.extract_strided_slice %get3A_336 {offsets = [11], sizes = [1], strides = [1]} : vector<16xi32> to vector<1xi32>
      %squeeze3A_468 = vector.extract %slice3A_467[0] : i32 from vector<1xi32>
      %add3A_469 = arith.constant 11 : i32
      %add3A_470 = arith.addi %add3A_332, %add3A_469 : i32
      %dma_start3A_471 = arith.constant 0 : i32
      %dma_start3A_472 = tpu.memref_slice %arg9[%add3A_470, %dma_start3A_471] : memref<512x64xf32, #tpu.memory_space<vmem>> -> memref<1x64xf32, #tpu.memory_space<vmem>>
      %dma_start3A_473 = arith.constant 0 : i32
      %dma_start3A_474 = tpu.memref_slice %arg4[%squeeze3A_468, %dma_start3A_473] : memref<1000000x64xf32, #tpu.memory_space<hbm>> -> memref<1x64xf32, #tpu.memory_space<hbm>>
      %dma_start3A_475 = arith.constant 0 : i32
      %dma_start3A_476 = tpu.memref_slice %arg9[%add3A_470, %dma_start3A_475] : memref<512x64xf32, #tpu.memory_space<vmem>> -> memref<1x64xf32, #tpu.memory_space<vmem>>
      %dma_start3A_477 = arith.constant 0 : i32
      %dma_start3A_478 = tpu.memref_slice %arg4[%squeeze3A_468, %dma_start3A_477] : memref<1000000x64xf32, #tpu.memory_space<hbm>> -> memref<1x64xf32, #tpu.memory_space<hbm>>
      tpu.enqueue_dma source(%dma_start3A_478 : memref<1x64xf32, #tpu.memory_space<hbm>>) target(%dma_start3A_476 : memref<1x64xf32, #tpu.memory_space<vmem>>) target_semaphore(%arg10 : memref<!tpu.dma_semaphore, #tpu.memory_space<semaphore_mem>>)
      %slice3A_479 = vector.extract_strided_slice %get3A_336 {offsets = [12], sizes = [1], strides = [1]} : vector<16xi32> to vector<1xi32>
      %squeeze3A_480 = vector.extract %slice3A_479[0] : i32 from vector<1xi32>
      %add3A_481 = arith.constant 12 : i32
      %add3A_482 = arith.addi %add3A_332, %add3A_481 : i32
      %dma_start3A_483 = arith.constant 0 : i32
      %dma_start3A_484 = tpu.memref_slice %arg9[%add3A_482, %dma_start3A_483] : memref<512x64xf32, #tpu.memory_space<vmem>> -> memref<1x64xf32, #tpu.memory_space<vmem>>
      %dma_start3A_485 = arith.constant 0 : i32
      %dma_start3A_486 = tpu.memref_slice %arg4[%squeeze3A_480, %dma_start3A_485] : memref<1000000x64xf32, #tpu.memory_space<hbm>> -> memref<1x64xf32, #tpu.memory_space<hbm>>
      %dma_start3A_487 = arith.constant 0 : i32
      %dma_start3A_488 = tpu.memref_slice %arg9[%add3A_482, %dma_start3A_487] : memref<512x64xf32, #tpu.memory_space<vmem>> -> memref<1x64xf32, #tpu.memory_space<vmem>>
      %dma_start3A_489 = arith.constant 0 : i32
      %dma_start3A_490 = tpu.memref_slice %arg4[%squeeze3A_480, %dma_start3A_489] : memref<1000000x64xf32, #tpu.memory_space<hbm>> -> memref<1x64xf32, #tpu.memory_space<hbm>>
      tpu.enqueue_dma source(%dma_start3A_490 : memref<1x64xf32, #tpu.memory_space<hbm>>) target(%dma_start3A_488 : memref<1x64xf32, #tpu.memory_space<vmem>>) target_semaphore(%arg10 : memref<!tpu.dma_semaphore, #tpu.memory_space<semaphore_mem>>)
      %slice3A_491 = vector.extract_strided_slice %get3A_336 {offsets = [13], sizes = [1], strides = [1]} : vector<16xi32> to vector<1xi32>
      %squeeze3A_492 = vector.extract %slice3A_491[0] : i32 from vector<1xi32>
      %add3A_493 = arith.constant 13 : i32
      %add3A_494 = arith.addi %add3A_332, %add3A_493 : i32
      %dma_start3A_495 = arith.constant 0 : i32
      %dma_start3A_496 = tpu.memref_slice %arg9[%add3A_494, %dma_start3A_495] : memref<512x64xf32, #tpu.memory_space<vmem>> -> memref<1x64xf32, #tpu.memory_space<vmem>>
      %dma_start3A_497 = arith.constant 0 : i32
      %dma_start3A_498 = tpu.memref_slice %arg4[%squeeze3A_492, %dma_start3A_497] : memref<1000000x64xf32, #tpu.memory_space<hbm>> -> memref<1x64xf32, #tpu.memory_space<hbm>>
      %dma_start3A_499 = arith.constant 0 : i32
      %dma_start3A_500 = tpu.memref_slice %arg9[%add3A_494, %dma_start3A_499] : memref<512x64xf32, #tpu.memory_space<vmem>> -> memref<1x64xf32, #tpu.memory_space<vmem>>
      %dma_start3A_501 = arith.constant 0 : i32
      %dma_start3A_502 = tpu.memref_slice %arg4[%squeeze3A_492, %dma_start3A_501] : memref<1000000x64xf32, #tpu.memory_space<hbm>> -> memref<1x64xf32, #tpu.memory_space<hbm>>
      tpu.enqueue_dma source(%dma_start3A_502 : memref<1x64xf32, #tpu.memory_space<hbm>>) target(%dma_start3A_500 : memref<1x64xf32, #tpu.memory_space<vmem>>) target_semaphore(%arg10 : memref<!tpu.dma_semaphore, #tpu.memory_space<semaphore_mem>>)
      %slice3A_503 = vector.extract_strided_slice %get3A_336 {offsets = [14], sizes = [1], strides = [1]} : vector<16xi32> to vector<1xi32>
      %squeeze3A_504 = vector.extract %slice3A_503[0] : i32 from vector<1xi32>
      %add3A_505 = arith.constant 14 : i32
      %add3A_506 = arith.addi %add3A_332, %add3A_505 : i32
      %dma_start3A_507 = arith.constant 0 : i32
      %dma_start3A_508 = tpu.memref_slice %arg9[%add3A_506, %dma_start3A_507] : memref<512x64xf32, #tpu.memory_space<vmem>> -> memref<1x64xf32, #tpu.memory_space<vmem>>
      %dma_start3A_509 = arith.constant 0 : i32
      %dma_start3A_510 = tpu.memref_slice %arg4[%squeeze3A_504, %dma_start3A_509] : memref<1000000x64xf32, #tpu.memory_space<hbm>> -> memref<1x64xf32, #tpu.memory_space<hbm>>
      %dma_start3A_511 = arith.constant 0 : i32
      %dma_start3A_512 = tpu.memref_slice %arg9[%add3A_506, %dma_start3A_511] : memref<512x64xf32, #tpu.memory_space<vmem>> -> memref<1x64xf32, #tpu.memory_space<vmem>>
      %dma_start3A_513 = arith.constant 0 : i32
      %dma_start3A_514 = tpu.memref_slice %arg4[%squeeze3A_504, %dma_start3A_513] : memref<1000000x64xf32, #tpu.memory_space<hbm>> -> memref<1x64xf32, #tpu.memory_space<hbm>>
      tpu.enqueue_dma source(%dma_start3A_514 : memref<1x64xf32, #tpu.memory_space<hbm>>) target(%dma_start3A_512 : memref<1x64xf32, #tpu.memory_space<vmem>>) target_semaphore(%arg10 : memref<!tpu.dma_semaphore, #tpu.memory_space<semaphore_mem>>)
      %slice3A_515 = vector.extract_strided_slice %get3A_336 {offsets = [15], sizes = [1], strides = [1]} : vector<16xi32> to vector<1xi32>
      %squeeze3A_516 = vector.extract %slice3A_515[0] : i32 from vector<1xi32>
      %add3A_517 = arith.constant 15 : i32
      %add3A_518 = arith.addi %add3A_332, %add3A_517 : i32
      %dma_start3A_519 = arith.constant 0 : i32
      %dma_start3A_520 = tpu.memref_slice %arg9[%add3A_518, %dma_start3A_519] : memref<512x64xf32, #tpu.memory_space<vmem>> -> memref<1x64xf32, #tpu.memory_space<vmem>>
      %dma_start3A_521 = arith.constant 0 : i32
      %dma_start3A_522 = tpu.memref_slice %arg4[%squeeze3A_516, %dma_start3A_521] : memref<1000000x64xf32, #tpu.memory_space<hbm>> -> memref<1x64xf32, #tpu.memory_space<hbm>>
      %dma_start3A_523 = arith.constant 0 : i32
      %dma_start3A_524 = tpu.memref_slice %arg9[%add3A_518, %dma_start3A_523] : memref<512x64xf32, #tpu.memory_space<vmem>> -> memref<1x64xf32, #tpu.memory_space<vmem>>
      %dma_start3A_525 = arith.constant 0 : i32
      %dma_start3A_526 = tpu.memref_slice %arg4[%squeeze3A_516, %dma_start3A_525] : memref<1000000x64xf32, #tpu.memory_space<hbm>> -> memref<1x64xf32, #tpu.memory_space<hbm>>
      tpu.enqueue_dma source(%dma_start3A_526 : memref<1x64xf32, #tpu.memory_space<hbm>>) target(%dma_start3A_524 : memref<1x64xf32, #tpu.memory_space<vmem>>) target_semaphore(%arg10 : memref<!tpu.dma_semaphore, #tpu.memory_space<semaphore_mem>>)
    }
    %scan3A_38 = arith.constant 8 : i32
    %dma_wait3A_39 = arith.constant 0 : i32
    %dma_wait3A_40 = arith.constant 0 : i32
    %dma_wait3A_41 = tpu.memref_slice %arg9[%dma_wait3A_39, %dma_wait3A_40] : memref<512x64xf32, #tpu.memory_space<vmem>> -> memref<128x64xf32, #tpu.memory_space<vmem>>
    %dma_wait3A_42 = arith.constant 0 : i32
    %dma_wait3A_43 = arith.constant 0 : i32
    %dma_wait3A_44 = tpu.memref_slice %arg4[%dma_wait3A_42, %dma_wait3A_43] : memref<1000000x64xf32, #tpu.memory_space<hbm>> -> memref<128x64xf32, #tpu.memory_space<hbm>>
    %dma_wait3A_45 = arith.constant 0 : i32
    %dma_wait3A_46 = arith.constant 0 : i32
    %dma_wait3A_47 = tpu.memref_slice %arg9[%dma_wait3A_45, %dma_wait3A_46] : memref<512x64xf32, #tpu.memory_space<vmem>> -> memref<128x64xf32, #tpu.memory_space<vmem>>
    %dma_wait3A_48 = arith.constant 0 : i32
    %dma_wait3A_49 = arith.constant 0 : i32
    %dma_wait3A_50 = tpu.memref_slice %arg4[%dma_wait3A_48, %dma_wait3A_49] : memref<1000000x64xf32, #tpu.memory_space<hbm>> -> memref<128x64xf32, #tpu.memory_space<hbm>>
    tpu.wait_dma2 semaphore(%arg11 : memref<!tpu.dma_semaphore, #tpu.memory_space<semaphore_mem>>) src(%dma_wait3A_50 : memref<128x64xf32, #tpu.memory_space<hbm>>) dst(%dma_wait3A_47 : memref<128x64xf32, #tpu.memory_space<vmem>>)
    %add3A_51 = arith.constant 128 : i32
    %add3A_52 = arith.addi %mul3A_2, %add3A_51 : i32
    %dma_start3A_53 = arith.constant 128 : i32
    %dma_start3A_54 = arith.constant 0 : i32
    %dma_start3A_55 = tpu.memref_slice %arg9[%dma_start3A_53, %dma_start3A_54] : memref<512x64xf32, #tpu.memory_space<vmem>> -> memref<128x64xf32, #tpu.memory_space<vmem>>
    %dma_start3A_56 = arith.constant 0 : i32
    %dma_start3A_57 = tpu.memref_slice %arg6[%add3A_52, %dma_start3A_56] : memref<16384x64xf32, #tpu.memory_space<hbm>> -> memref<128x64xf32, #tpu.memory_space<hbm>>
    %dma_start3A_58 = arith.constant 0 : i32
    %dma_start3A_59 = tpu.memref_slice %arg6[%add3A_52, %dma_start3A_58] : memref<16384x64xf32, #tpu.memory_space<hbm>> -> memref<128x64xf32, #tpu.memory_space<hbm>>
    %dma_start3A_60 = arith.constant 128 : i32
    %dma_start3A_61 = arith.constant 0 : i32
    %dma_start3A_62 = tpu.memref_slice %arg9[%dma_start3A_60, %dma_start3A_61] : memref<512x64xf32, #tpu.memory_space<vmem>> -> memref<128x64xf32, #tpu.memory_space<vmem>>
    tpu.enqueue_dma source(%dma_start3A_62 : memref<128x64xf32, #tpu.memory_space<vmem>>) target(%dma_start3A_59 : memref<128x64xf32, #tpu.memory_space<hbm>>) target_semaphore(%arg12 : memref<!tpu.dma_semaphore, #tpu.memory_space<semaphore_mem>>)
    %scan3A_63 = arith.constant 0 : i32
    %scan3A_64 = arith.constant 8 : i32
    %scan3A_65 = arith.addi %scan3A_63, %scan3A_64 : i32
    %scan3A_66 = arith.constant 1 : i32
    scf.for %scan3A_328 = %scan3A_63 to %scan3A_65 step %scan3A_66  : i32 {
      %mul3A_329 = arith.constant 16 : i32
      %mul3A_330 = arith.muli %scan3A_328, %mul3A_329 : i32
      %add3A_331 = arith.constant 384 : i32
      %add3A_332 = arith.addi %add3A_331, %mul3A_330 : i32
      %add3A_333 = arith.constant 0 : i32
      %add3A_334 = arith.addi %add3A_333, %add3A_332 : i32
      %get3A = arith.index_cast %add3A_334 : i32 to index
      %get3A_335 = tpu.vector_load %arg8[%get3A] {strides = array<i32>} : memref<1024xi32, #tpu.memory_space<vmem>>, vector<16xi32>,
      %get3A_336 = vector.shape_cast %get3A_335 : vector<16xi32> to vector<16xi32>
      %slice3A = vector.extract_strided_slice %get3A_336 {offsets = [0], sizes = [1], strides = [1]} : vector<16xi32> to vector<1xi32>
      %squeeze3A = vector.extract %slice3A[0] : i32 from vector<1xi32>
      %add3A_337 = arith.constant 0 : i32
      %add3A_338 = arith.addi %add3A_332, %add3A_337 : i32
      %dma_start3A_339 = arith.constant 0 : i32
      %dma_start3A_340 = tpu.memref_slice %arg9[%add3A_338, %dma_start3A_339] : memref<512x64xf32, #tpu.memory_space<vmem>> -> memref<1x64xf32, #tpu.memory_space<vmem>>
      %dma_start3A_341 = arith.constant 0 : i32
      %dma_start3A_342 = tpu.memref_slice %arg4[%squeeze3A, %dma_start3A_341] : memref<1000000x64xf32, #tpu.memory_space<hbm>> -> memref<1x64xf32, #tpu.memory_space<hbm>>
      %dma_start3A_343 = arith.constant 0 : i32
      %dma_start3A_344 = tpu.memref_slice %arg9[%add3A_338, %dma_start3A_343] : memref<512x64xf32, #tpu.memory_space<vmem>> -> memref<1x64xf32, #tpu.memory_space<vmem>>
      %dma_start3A_345 = arith.constant 0 : i32
      %dma_start3A_346 = tpu.memref_slice %arg4[%squeeze3A, %dma_start3A_345] : memref<1000000x64xf32, #tpu.memory_space<hbm>> -> memref<1x64xf32, #tpu.memory_space<hbm>>
      tpu.enqueue_dma source(%dma_start3A_346 : memref<1x64xf32, #tpu.memory_space<hbm>>) target(%dma_start3A_344 : memref<1x64xf32, #tpu.memory_space<vmem>>) target_semaphore(%arg11 : memref<!tpu.dma_semaphore, #tpu.memory_space<semaphore_mem>>)
      %slice3A_347 = vector.extract_strided_slice %get3A_336 {offsets = [1], sizes = [1], strides = [1]} : vector<16xi32> to vector<1xi32>
      %squeeze3A_348 = vector.extract %slice3A_347[0] : i32 from vector<1xi32>
      %add3A_349 = arith.constant 1 : i32
      %add3A_350 = arith.addi %add3A_332, %add3A_349 : i32
      %dma_start3A_351 = arith.constant 0 : i32
      %dma_start3A_352 = tpu.memref_slice %arg9[%add3A_350, %dma_start3A_351] : memref<512x64xf32, #tpu.memory_space<vmem>> -> memref<1x64xf32, #tpu.memory_space<vmem>>
      %dma_start3A_353 = arith.constant 0 : i32
      %dma_start3A_354 = tpu.memref_slice %arg4[%squeeze3A_348, %dma_start3A_353] : memref<1000000x64xf32, #tpu.memory_space<hbm>> -> memref<1x64xf32, #tpu.memory_space<hbm>>
      %dma_start3A_355 = arith.constant 0 : i32
      %dma_start3A_356 = tpu.memref_slice %arg9[%add3A_350, %dma_start3A_355] : memref<512x64xf32, #tpu.memory_space<vmem>> -> memref<1x64xf32, #tpu.memory_space<vmem>>
      %dma_start3A_357 = arith.constant 0 : i32
      %dma_start3A_358 = tpu.memref_slice %arg4[%squeeze3A_348, %dma_start3A_357] : memref<1000000x64xf32, #tpu.memory_space<hbm>> -> memref<1x64xf32, #tpu.memory_space<hbm>>
      tpu.enqueue_dma source(%dma_start3A_358 : memref<1x64xf32, #tpu.memory_space<hbm>>) target(%dma_start3A_356 : memref<1x64xf32, #tpu.memory_space<vmem>>) target_semaphore(%arg11 : memref<!tpu.dma_semaphore, #tpu.memory_space<semaphore_mem>>)
      %slice3A_359 = vector.extract_strided_slice %get3A_336 {offsets = [2], sizes = [1], strides = [1]} : vector<16xi32> to vector<1xi32>
      %squeeze3A_360 = vector.extract %slice3A_359[0] : i32 from vector<1xi32>
      %add3A_361 = arith.constant 2 : i32
      %add3A_362 = arith.addi %add3A_332, %add3A_361 : i32
      %dma_start3A_363 = arith.constant 0 : i32
      %dma_start3A_364 = tpu.memref_slice %arg9[%add3A_362, %dma_start3A_363] : memref<512x64xf32, #tpu.memory_space<vmem>> -> memref<1x64xf32, #tpu.memory_space<vmem>>
      %dma_start3A_365 = arith.constant 0 : i32
      %dma_start3A_366 = tpu.memref_slice %arg4[%squeeze3A_360, %dma_start3A_365] : memref<1000000x64xf32, #tpu.memory_space<hbm>> -> memref<1x64xf32, #tpu.memory_space<hbm>>
      %dma_start3A_367 = arith.constant 0 : i32
      %dma_start3A_368 = tpu.memref_slice %arg9[%add3A_362, %dma_start3A_367] : memref<512x64xf32, #tpu.memory_space<vmem>> -> memref<1x64xf32, #tpu.memory_space<vmem>>
      %dma_start3A_369 = arith.constant 0 : i32
      %dma_start3A_370 = tpu.memref_slice %arg4[%squeeze3A_360, %dma_start3A_369] : memref<1000000x64xf32, #tpu.memory_space<hbm>> -> memref<1x64xf32, #tpu.memory_space<hbm>>
      tpu.enqueue_dma source(%dma_start3A_370 : memref<1x64xf32, #tpu.memory_space<hbm>>) target(%dma_start3A_368 : memref<1x64xf32, #tpu.memory_space<vmem>>) target_semaphore(%arg11 : memref<!tpu.dma_semaphore, #tpu.memory_space<semaphore_mem>>)
      %slice3A_371 = vector.extract_strided_slice %get3A_336 {offsets = [3], sizes = [1], strides = [1]} : vector<16xi32> to vector<1xi32>
      %squeeze3A_372 = vector.extract %slice3A_371[0] : i32 from vector<1xi32>
      %add3A_373 = arith.constant 3 : i32
      %add3A_374 = arith.addi %add3A_332, %add3A_373 : i32
      %dma_start3A_375 = arith.constant 0 : i32
      %dma_start3A_376 = tpu.memref_slice %arg9[%add3A_374, %dma_start3A_375] : memref<512x64xf32, #tpu.memory_space<vmem>> -> memref<1x64xf32, #tpu.memory_space<vmem>>
      %dma_start3A_377 = arith.constant 0 : i32
      %dma_start3A_378 = tpu.memref_slice %arg4[%squeeze3A_372, %dma_start3A_377] : memref<1000000x64xf32, #tpu.memory_space<hbm>> -> memref<1x64xf32, #tpu.memory_space<hbm>>
      %dma_start3A_379 = arith.constant 0 : i32
      %dma_start3A_380 = tpu.memref_slice %arg9[%add3A_374, %dma_start3A_379] : memref<512x64xf32, #tpu.memory_space<vmem>> -> memref<1x64xf32, #tpu.memory_space<vmem>>
      %dma_start3A_381 = arith.constant 0 : i32
      %dma_start3A_382 = tpu.memref_slice %arg4[%squeeze3A_372, %dma_start3A_381] : memref<1000000x64xf32, #tpu.memory_space<hbm>> -> memref<1x64xf32, #tpu.memory_space<hbm>>
      tpu.enqueue_dma source(%dma_start3A_382 : memref<1x64xf32, #tpu.memory_space<hbm>>) target(%dma_start3A_380 : memref<1x64xf32, #tpu.memory_space<vmem>>) target_semaphore(%arg11 : memref<!tpu.dma_semaphore, #tpu.memory_space<semaphore_mem>>)
      %slice3A_383 = vector.extract_strided_slice %get3A_336 {offsets = [4], sizes = [1], strides = [1]} : vector<16xi32> to vector<1xi32>
      %squeeze3A_384 = vector.extract %slice3A_383[0] : i32 from vector<1xi32>
      %add3A_385 = arith.constant 4 : i32
      %add3A_386 = arith.addi %add3A_332, %add3A_385 : i32
      %dma_start3A_387 = arith.constant 0 : i32
      %dma_start3A_388 = tpu.memref_slice %arg9[%add3A_386, %dma_start3A_387] : memref<512x64xf32, #tpu.memory_space<vmem>> -> memref<1x64xf32, #tpu.memory_space<vmem>>
      %dma_start3A_389 = arith.constant 0 : i32
      %dma_start3A_390 = tpu.memref_slice %arg4[%squeeze3A_384, %dma_start3A_389] : memref<1000000x64xf32, #tpu.memory_space<hbm>> -> memref<1x64xf32, #tpu.memory_space<hbm>>
      %dma_start3A_391 = arith.constant 0 : i32
      %dma_start3A_392 = tpu.memref_slice %arg9[%add3A_386, %dma_start3A_391] : memref<512x64xf32, #tpu.memory_space<vmem>> -> memref<1x64xf32, #tpu.memory_space<vmem>>
      %dma_start3A_393 = arith.constant 0 : i32
      %dma_start3A_394 = tpu.memref_slice %arg4[%squeeze3A_384, %dma_start3A_393] : memref<1000000x64xf32, #tpu.memory_space<hbm>> -> memref<1x64xf32, #tpu.memory_space<hbm>>
      tpu.enqueue_dma source(%dma_start3A_394 : memref<1x64xf32, #tpu.memory_space<hbm>>) target(%dma_start3A_392 : memref<1x64xf32, #tpu.memory_space<vmem>>) target_semaphore(%arg11 : memref<!tpu.dma_semaphore, #tpu.memory_space<semaphore_mem>>)
      %slice3A_395 = vector.extract_strided_slice %get3A_336 {offsets = [5], sizes = [1], strides = [1]} : vector<16xi32> to vector<1xi32>
      %squeeze3A_396 = vector.extract %slice3A_395[0] : i32 from vector<1xi32>
      %add3A_397 = arith.constant 5 : i32
      %add3A_398 = arith.addi %add3A_332, %add3A_397 : i32
      %dma_start3A_399 = arith.constant 0 : i32
      %dma_start3A_400 = tpu.memref_slice %arg9[%add3A_398, %dma_start3A_399] : memref<512x64xf32, #tpu.memory_space<vmem>> -> memref<1x64xf32, #tpu.memory_space<vmem>>
      %dma_start3A_401 = arith.constant 0 : i32
      %dma_start3A_402 = tpu.memref_slice %arg4[%squeeze3A_396, %dma_start3A_401] : memref<1000000x64xf32, #tpu.memory_space<hbm>> -> memref<1x64xf32, #tpu.memory_space<hbm>>
      %dma_start3A_403 = arith.constant 0 : i32
      %dma_start3A_404 = tpu.memref_slice %arg9[%add3A_398, %dma_start3A_403] : memref<512x64xf32, #tpu.memory_space<vmem>> -> memref<1x64xf32, #tpu.memory_space<vmem>>
      %dma_start3A_405 = arith.constant 0 : i32
      %dma_start3A_406 = tpu.memref_slice %arg4[%squeeze3A_396, %dma_start3A_405] : memref<1000000x64xf32, #tpu.memory_space<hbm>> -> memref<1x64xf32, #tpu.memory_space<hbm>>
      tpu.enqueue_dma source(%dma_start3A_406 : memref<1x64xf32, #tpu.memory_space<hbm>>) target(%dma_start3A_404 : memref<1x64xf32, #tpu.memory_space<vmem>>) target_semaphore(%arg11 : memref<!tpu.dma_semaphore, #tpu.memory_space<semaphore_mem>>)
      %slice3A_407 = vector.extract_strided_slice %get3A_336 {offsets = [6], sizes = [1], strides = [1]} : vector<16xi32> to vector<1xi32>
      %squeeze3A_408 = vector.extract %slice3A_407[0] : i32 from vector<1xi32>
      %add3A_409 = arith.constant 6 : i32
      %add3A_410 = arith.addi %add3A_332, %add3A_409 : i32
      %dma_start3A_411 = arith.constant 0 : i32
      %dma_start3A_412 = tpu.memref_slice %arg9[%add3A_410, %dma_start3A_411] : memref<512x64xf32, #tpu.memory_space<vmem>> -> memref<1x64xf32, #tpu.memory_space<vmem>>
      %dma_start3A_413 = arith.constant 0 : i32
      %dma_start3A_414 = tpu.memref_slice %arg4[%squeeze3A_408, %dma_start3A_413] : memref<1000000x64xf32, #tpu.memory_space<hbm>> -> memref<1x64xf32, #tpu.memory_space<hbm>>
      %dma_start3A_415 = arith.constant 0 : i32
      %dma_start3A_416 = tpu.memref_slice %arg9[%add3A_410, %dma_start3A_415] : memref<512x64xf32, #tpu.memory_space<vmem>> -> memref<1x64xf32, #tpu.memory_space<vmem>>
      %dma_start3A_417 = arith.constant 0 : i32
      %dma_start3A_418 = tpu.memref_slice %arg4[%squeeze3A_408, %dma_start3A_417] : memref<1000000x64xf32, #tpu.memory_space<hbm>> -> memref<1x64xf32, #tpu.memory_space<hbm>>
      tpu.enqueue_dma source(%dma_start3A_418 : memref<1x64xf32, #tpu.memory_space<hbm>>) target(%dma_start3A_416 : memref<1x64xf32, #tpu.memory_space<vmem>>) target_semaphore(%arg11 : memref<!tpu.dma_semaphore, #tpu.memory_space<semaphore_mem>>)
      %slice3A_419 = vector.extract_strided_slice %get3A_336 {offsets = [7], sizes = [1], strides = [1]} : vector<16xi32> to vector<1xi32>
      %squeeze3A_420 = vector.extract %slice3A_419[0] : i32 from vector<1xi32>
      %add3A_421 = arith.constant 7 : i32
      %add3A_422 = arith.addi %add3A_332, %add3A_421 : i32
      %dma_start3A_423 = arith.constant 0 : i32
      %dma_start3A_424 = tpu.memref_slice %arg9[%add3A_422, %dma_start3A_423] : memref<512x64xf32, #tpu.memory_space<vmem>> -> memref<1x64xf32, #tpu.memory_space<vmem>>
      %dma_start3A_425 = arith.constant 0 : i32
      %dma_start3A_426 = tpu.memref_slice %arg4[%squeeze3A_420, %dma_start3A_425] : memref<1000000x64xf32, #tpu.memory_space<hbm>> -> memref<1x64xf32, #tpu.memory_space<hbm>>
      %dma_start3A_427 = arith.constant 0 : i32
      %dma_start3A_428 = tpu.memref_slice %arg9[%add3A_422, %dma_start3A_427] : memref<512x64xf32, #tpu.memory_space<vmem>> -> memref<1x64xf32, #tpu.memory_space<vmem>>
      %dma_start3A_429 = arith.constant 0 : i32
      %dma_start3A_430 = tpu.memref_slice %arg4[%squeeze3A_420, %dma_start3A_429] : memref<1000000x64xf32, #tpu.memory_space<hbm>> -> memref<1x64xf32, #tpu.memory_space<hbm>>
      tpu.enqueue_dma source(%dma_start3A_430 : memref<1x64xf32, #tpu.memory_space<hbm>>) target(%dma_start3A_428 : memref<1x64xf32, #tpu.memory_space<vmem>>) target_semaphore(%arg11 : memref<!tpu.dma_semaphore, #tpu.memory_space<semaphore_mem>>)
      %slice3A_431 = vector.extract_strided_slice %get3A_336 {offsets = [8], sizes = [1], strides = [1]} : vector<16xi32> to vector<1xi32>
      %squeeze3A_432 = vector.extract %slice3A_431[0] : i32 from vector<1xi32>
      %add3A_433 = arith.constant 8 : i32
      %add3A_434 = arith.addi %add3A_332, %add3A_433 : i32
      %dma_start3A_435 = arith.constant 0 : i32
      %dma_start3A_436 = tpu.memref_slice %arg9[%add3A_434, %dma_start3A_435] : memref<512x64xf32, #tpu.memory_space<vmem>> -> memref<1x64xf32, #tpu.memory_space<vmem>>
      %dma_start3A_437 = arith.constant 0 : i32
      %dma_start3A_438 = tpu.memref_slice %arg4[%squeeze3A_432, %dma_start3A_437] : memref<1000000x64xf32, #tpu.memory_space<hbm>> -> memref<1x64xf32, #tpu.memory_space<hbm>>
      %dma_start3A_439 = arith.constant 0 : i32
      %dma_start3A_440 = tpu.memref_slice %arg9[%add3A_434, %dma_start3A_439] : memref<512x64xf32, #tpu.memory_space<vmem>> -> memref<1x64xf32, #tpu.memory_space<vmem>>
      %dma_start3A_441 = arith.constant 0 : i32
      %dma_start3A_442 = tpu.memref_slice %arg4[%squeeze3A_432, %dma_start3A_441] : memref<1000000x64xf32, #tpu.memory_space<hbm>> -> memref<1x64xf32, #tpu.memory_space<hbm>>
      tpu.enqueue_dma source(%dma_start3A_442 : memref<1x64xf32, #tpu.memory_space<hbm>>) target(%dma_start3A_440 : memref<1x64xf32, #tpu.memory_space<vmem>>) target_semaphore(%arg11 : memref<!tpu.dma_semaphore, #tpu.memory_space<semaphore_mem>>)
      %slice3A_443 = vector.extract_strided_slice %get3A_336 {offsets = [9], sizes = [1], strides = [1]} : vector<16xi32> to vector<1xi32>
      %squeeze3A_444 = vector.extract %slice3A_443[0] : i32 from vector<1xi32>
      %add3A_445 = arith.constant 9 : i32
      %add3A_446 = arith.addi %add3A_332, %add3A_445 : i32
      %dma_start3A_447 = arith.constant 0 : i32
      %dma_start3A_448 = tpu.memref_slice %arg9[%add3A_446, %dma_start3A_447] : memref<512x64xf32, #tpu.memory_space<vmem>> -> memref<1x64xf32, #tpu.memory_space<vmem>>
      %dma_start3A_449 = arith.constant 0 : i32
      %dma_start3A_450 = tpu.memref_slice %arg4[%squeeze3A_444, %dma_start3A_449] : memref<1000000x64xf32, #tpu.memory_space<hbm>> -> memref<1x64xf32, #tpu.memory_space<hbm>>
      %dma_start3A_451 = arith.constant 0 : i32
      %dma_start3A_452 = tpu.memref_slice %arg9[%add3A_446, %dma_start3A_451] : memref<512x64xf32, #tpu.memory_space<vmem>> -> memref<1x64xf32, #tpu.memory_space<vmem>>
      %dma_start3A_453 = arith.constant 0 : i32
      %dma_start3A_454 = tpu.memref_slice %arg4[%squeeze3A_444, %dma_start3A_453] : memref<1000000x64xf32, #tpu.memory_space<hbm>> -> memref<1x64xf32, #tpu.memory_space<hbm>>
      tpu.enqueue_dma source(%dma_start3A_454 : memref<1x64xf32, #tpu.memory_space<hbm>>) target(%dma_start3A_452 : memref<1x64xf32, #tpu.memory_space<vmem>>) target_semaphore(%arg11 : memref<!tpu.dma_semaphore, #tpu.memory_space<semaphore_mem>>)
      %slice3A_455 = vector.extract_strided_slice %get3A_336 {offsets = [10], sizes = [1], strides = [1]} : vector<16xi32> to vector<1xi32>
      %squeeze3A_456 = vector.extract %slice3A_455[0] : i32 from vector<1xi32>
      %add3A_457 = arith.constant 10 : i32
      %add3A_458 = arith.addi %add3A_332, %add3A_457 : i32
      %dma_start3A_459 = arith.constant 0 : i32
      %dma_start3A_460 = tpu.memref_slice %arg9[%add3A_458, %dma_start3A_459] : memref<512x64xf32, #tpu.memory_space<vmem>> -> memref<1x64xf32, #tpu.memory_space<vmem>>
      %dma_start3A_461 = arith.constant 0 : i32
      %dma_start3A_462 = tpu.memref_slice %arg4[%squeeze3A_456, %dma_start3A_461] : memref<1000000x64xf32, #tpu.memory_space<hbm>> -> memref<1x64xf32, #tpu.memory_space<hbm>>
      %dma_start3A_463 = arith.constant 0 : i32
      %dma_start3A_464 = tpu.memref_slice %arg9[%add3A_458, %dma_start3A_463] : memref<512x64xf32, #tpu.memory_space<vmem>> -> memref<1x64xf32, #tpu.memory_space<vmem>>
      %dma_start3A_465 = arith.constant 0 : i32
      %dma_start3A_466 = tpu.memref_slice %arg4[%squeeze3A_456, %dma_start3A_465] : memref<1000000x64xf32, #tpu.memory_space<hbm>> -> memref<1x64xf32, #tpu.memory_space<hbm>>
      tpu.enqueue_dma source(%dma_start3A_466 : memref<1x64xf32, #tpu.memory_space<hbm>>) target(%dma_start3A_464 : memref<1x64xf32, #tpu.memory_space<vmem>>) target_semaphore(%arg11 : memref<!tpu.dma_semaphore, #tpu.memory_space<semaphore_mem>>)
      %slice3A_467 = vector.extract_strided_slice %get3A_336 {offsets = [11], sizes = [1], strides = [1]} : vector<16xi32> to vector<1xi32>
      %squeeze3A_468 = vector.extract %slice3A_467[0] : i32 from vector<1xi32>
      %add3A_469 = arith.constant 11 : i32
      %add3A_470 = arith.addi %add3A_332, %add3A_469 : i32
      %dma_start3A_471 = arith.constant 0 : i32
      %dma_start3A_472 = tpu.memref_slice %arg9[%add3A_470, %dma_start3A_471] : memref<512x64xf32, #tpu.memory_space<vmem>> -> memref<1x64xf32, #tpu.memory_space<vmem>>
      %dma_start3A_473 = arith.constant 0 : i32
      %dma_start3A_474 = tpu.memref_slice %arg4[%squeeze3A_468, %dma_start3A_473] : memref<1000000x64xf32, #tpu.memory_space<hbm>> -> memref<1x64xf32, #tpu.memory_space<hbm>>
      %dma_start3A_475 = arith.constant 0 : i32
      %dma_start3A_476 = tpu.memref_slice %arg9[%add3A_470, %dma_start3A_475] : memref<512x64xf32, #tpu.memory_space<vmem>> -> memref<1x64xf32, #tpu.memory_space<vmem>>
      %dma_start3A_477 = arith.constant 0 : i32
      %dma_start3A_478 = tpu.memref_slice %arg4[%squeeze3A_468, %dma_start3A_477] : memref<1000000x64xf32, #tpu.memory_space<hbm>> -> memref<1x64xf32, #tpu.memory_space<hbm>>
      tpu.enqueue_dma source(%dma_start3A_478 : memref<1x64xf32, #tpu.memory_space<hbm>>) target(%dma_start3A_476 : memref<1x64xf32, #tpu.memory_space<vmem>>) target_semaphore(%arg11 : memref<!tpu.dma_semaphore, #tpu.memory_space<semaphore_mem>>)
      %slice3A_479 = vector.extract_strided_slice %get3A_336 {offsets = [12], sizes = [1], strides = [1]} : vector<16xi32> to vector<1xi32>
      %squeeze3A_480 = vector.extract %slice3A_479[0] : i32 from vector<1xi32>
      %add3A_481 = arith.constant 12 : i32
      %add3A_482 = arith.addi %add3A_332, %add3A_481 : i32
      %dma_start3A_483 = arith.constant 0 : i32
      %dma_start3A_484 = tpu.memref_slice %arg9[%add3A_482, %dma_start3A_483] : memref<512x64xf32, #tpu.memory_space<vmem>> -> memref<1x64xf32, #tpu.memory_space<vmem>>
      %dma_start3A_485 = arith.constant 0 : i32
      %dma_start3A_486 = tpu.memref_slice %arg4[%squeeze3A_480, %dma_start3A_485] : memref<1000000x64xf32, #tpu.memory_space<hbm>> -> memref<1x64xf32, #tpu.memory_space<hbm>>
      %dma_start3A_487 = arith.constant 0 : i32
      %dma_start3A_488 = tpu.memref_slice %arg9[%add3A_482, %dma_start3A_487] : memref<512x64xf32, #tpu.memory_space<vmem>> -> memref<1x64xf32, #tpu.memory_space<vmem>>
      %dma_start3A_489 = arith.constant 0 : i32
      %dma_start3A_490 = tpu.memref_slice %arg4[%squeeze3A_480, %dma_start3A_489] : memref<1000000x64xf32, #tpu.memory_space<hbm>> -> memref<1x64xf32, #tpu.memory_space<hbm>>
      tpu.enqueue_dma source(%dma_start3A_490 : memref<1x64xf32, #tpu.memory_space<hbm>>) target(%dma_start3A_488 : memref<1x64xf32, #tpu.memory_space<vmem>>) target_semaphore(%arg11 : memref<!tpu.dma_semaphore, #tpu.memory_space<semaphore_mem>>)
      %slice3A_491 = vector.extract_strided_slice %get3A_336 {offsets = [13], sizes = [1], strides = [1]} : vector<16xi32> to vector<1xi32>
      %squeeze3A_492 = vector.extract %slice3A_491[0] : i32 from vector<1xi32>
      %add3A_493 = arith.constant 13 : i32
      %add3A_494 = arith.addi %add3A_332, %add3A_493 : i32
      %dma_start3A_495 = arith.constant 0 : i32
      %dma_start3A_496 = tpu.memref_slice %arg9[%add3A_494, %dma_start3A_495] : memref<512x64xf32, #tpu.memory_space<vmem>> -> memref<1x64xf32, #tpu.memory_space<vmem>>
      %dma_start3A_497 = arith.constant 0 : i32
      %dma_start3A_498 = tpu.memref_slice %arg4[%squeeze3A_492, %dma_start3A_497] : memref<1000000x64xf32, #tpu.memory_space<hbm>> -> memref<1x64xf32, #tpu.memory_space<hbm>>
      %dma_start3A_499 = arith.constant 0 : i32
      %dma_start3A_500 = tpu.memref_slice %arg9[%add3A_494, %dma_start3A_499] : memref<512x64xf32, #tpu.memory_space<vmem>> -> memref<1x64xf32, #tpu.memory_space<vmem>>
      %dma_start3A_501 = arith.constant 0 : i32
      %dma_start3A_502 = tpu.memref_slice %arg4[%squeeze3A_492, %dma_start3A_501] : memref<1000000x64xf32, #tpu.memory_space<hbm>> -> memref<1x64xf32, #tpu.memory_space<hbm>>
      tpu.enqueue_dma source(%dma_start3A_502 : memref<1x64xf32, #tpu.memory_space<hbm>>) target(%dma_start3A_500 : memref<1x64xf32, #tpu.memory_space<vmem>>) target_semaphore(%arg11 : memref<!tpu.dma_semaphore, #tpu.memory_space<semaphore_mem>>)
      %slice3A_503 = vector.extract_strided_slice %get3A_336 {offsets = [14], sizes = [1], strides = [1]} : vector<16xi32> to vector<1xi32>
      %squeeze3A_504 = vector.extract %slice3A_503[0] : i32 from vector<1xi32>
      %add3A_505 = arith.constant 14 : i32
      %add3A_506 = arith.addi %add3A_332, %add3A_505 : i32
      %dma_start3A_507 = arith.constant 0 : i32
      %dma_start3A_508 = tpu.memref_slice %arg9[%add3A_506, %dma_start3A_507] : memref<512x64xf32, #tpu.memory_space<vmem>> -> memref<1x64xf32, #tpu.memory_space<vmem>>
      %dma_start3A_509 = arith.constant 0 : i32
      %dma_start3A_510 = tpu.memref_slice %arg4[%squeeze3A_504, %dma_start3A_509] : memref<1000000x64xf32, #tpu.memory_space<hbm>> -> memref<1x64xf32, #tpu.memory_space<hbm>>
      %dma_start3A_511 = arith.constant 0 : i32
      %dma_start3A_512 = tpu.memref_slice %arg9[%add3A_506, %dma_start3A_511] : memref<512x64xf32, #tpu.memory_space<vmem>> -> memref<1x64xf32, #tpu.memory_space<vmem>>
      %dma_start3A_513 = arith.constant 0 : i32
      %dma_start3A_514 = tpu.memref_slice %arg4[%squeeze3A_504, %dma_start3A_513] : memref<1000000x64xf32, #tpu.memory_space<hbm>> -> memref<1x64xf32, #tpu.memory_space<hbm>>
      tpu.enqueue_dma source(%dma_start3A_514 : memref<1x64xf32, #tpu.memory_space<hbm>>) target(%dma_start3A_512 : memref<1x64xf32, #tpu.memory_space<vmem>>) target_semaphore(%arg11 : memref<!tpu.dma_semaphore, #tpu.memory_space<semaphore_mem>>)
      %slice3A_515 = vector.extract_strided_slice %get3A_336 {offsets = [15], sizes = [1], strides = [1]} : vector<16xi32> to vector<1xi32>
      %squeeze3A_516 = vector.extract %slice3A_515[0] : i32 from vector<1xi32>
      %add3A_517 = arith.constant 15 : i32
      %add3A_518 = arith.addi %add3A_332, %add3A_517 : i32
      %dma_start3A_519 = arith.constant 0 : i32
      %dma_start3A_520 = tpu.memref_slice %arg9[%add3A_518, %dma_start3A_519] : memref<512x64xf32, #tpu.memory_space<vmem>> -> memref<1x64xf32, #tpu.memory_space<vmem>>
      %dma_start3A_521 = arith.constant 0 : i32
      %dma_start3A_522 = tpu.memref_slice %arg4[%squeeze3A_516, %dma_start3A_521] : memref<1000000x64xf32, #tpu.memory_space<hbm>> -> memref<1x64xf32, #tpu.memory_space<hbm>>
      %dma_start3A_523 = arith.constant 0 : i32
      %dma_start3A_524 = tpu.memref_slice %arg9[%add3A_518, %dma_start3A_523] : memref<512x64xf32, #tpu.memory_space<vmem>> -> memref<1x64xf32, #tpu.memory_space<vmem>>
      %dma_start3A_525 = arith.constant 0 : i32
      %dma_start3A_526 = tpu.memref_slice %arg4[%squeeze3A_516, %dma_start3A_525] : memref<1000000x64xf32, #tpu.memory_space<hbm>> -> memref<1x64xf32, #tpu.memory_space<hbm>>
      tpu.enqueue_dma source(%dma_start3A_526 : memref<1x64xf32, #tpu.memory_space<hbm>>) target(%dma_start3A_524 : memref<1x64xf32, #tpu.memory_space<vmem>>) target_semaphore(%arg11 : memref<!tpu.dma_semaphore, #tpu.memory_space<semaphore_mem>>)
    }
    %scan3A_67 = arith.constant 8 : i32
    %dma_wait3A_68 = arith.constant 0 : i32
    %dma_wait3A_69 = arith.constant 0 : i32
    %dma_wait3A_70 = tpu.memref_slice %arg9[%dma_wait3A_68, %dma_wait3A_69] : memref<512x64xf32, #tpu.memory_space<vmem>> -> memref<128x64xf32, #tpu.memory_space<vmem>>
    %dma_wait3A_71 = arith.constant 0 : i32
    %dma_wait3A_72 = arith.constant 0 : i32
    %dma_wait3A_73 = tpu.memref_slice %arg4[%dma_wait3A_71, %dma_wait3A_72] : memref<1000000x64xf32, #tpu.memory_space<hbm>> -> memref<128x64xf32, #tpu.memory_space<hbm>>
    %dma_wait3A_74 = arith.constant 0 : i32
    %dma_wait3A_75 = arith.constant 0 : i32
    %dma_wait3A_76 = tpu.memref_slice %arg9[%dma_wait3A_74, %dma_wait3A_75] : memref<512x64xf32, #tpu.memory_space<vmem>> -> memref<128x64xf32, #tpu.memory_space<vmem>>
    %dma_wait3A_77 = arith.constant 0 : i32
    %dma_wait3A_78 = arith.constant 0 : i32
    %dma_wait3A_79 = tpu.memref_slice %arg4[%dma_wait3A_77, %dma_wait3A_78] : memref<1000000x64xf32, #tpu.memory_space<hbm>> -> memref<128x64xf32, #tpu.memory_space<hbm>>
    tpu.wait_dma2 semaphore(%arg10 : memref<!tpu.dma_semaphore, #tpu.memory_space<semaphore_mem>>) src(%dma_wait3A_79 : memref<128x64xf32, #tpu.memory_space<hbm>>) dst(%dma_wait3A_76 : memref<128x64xf32, #tpu.memory_space<vmem>>)
    %add3A_80 = arith.constant 256 : i32
    %add3A_81 = arith.addi %mul3A_2, %add3A_80 : i32
    %dma_start3A_82 = arith.constant 256 : i32
    %dma_start3A_83 = arith.constant 0 : i32
    %dma_start3A_84 = tpu.memref_slice %arg9[%dma_start3A_82, %dma_start3A_83] : memref<512x64xf32, #tpu.memory_space<vmem>> -> memref<128x64xf32, #tpu.memory_space<vmem>>
    %dma_start3A_85 = arith.constant 0 : i32
    %dma_start3A_86 = tpu.memref_slice %arg6[%add3A_81, %dma_start3A_85] : memref<16384x64xf32, #tpu.memory_space<hbm>> -> memref<128x64xf32, #tpu.memory_space<hbm>>
    %dma_start3A_87 = arith.constant 0 : i32
    %dma_start3A_88 = tpu.memref_slice %arg6[%add3A_81, %dma_start3A_87] : memref<16384x64xf32, #tpu.memory_space<hbm>> -> memref<128x64xf32, #tpu.memory_space<hbm>>
    %dma_start3A_89 = arith.constant 256 : i32
    %dma_start3A_90 = arith.constant 0 : i32
    %dma_start3A_91 = tpu.memref_slice %arg9[%dma_start3A_89, %dma_start3A_90] : memref<512x64xf32, #tpu.memory_space<vmem>> -> memref<128x64xf32, #tpu.memory_space<vmem>>
    tpu.enqueue_dma source(%dma_start3A_91 : memref<128x64xf32, #tpu.memory_space<vmem>>) target(%dma_start3A_88 : memref<128x64xf32, #tpu.memory_space<hbm>>) target_semaphore(%arg12 : memref<!tpu.dma_semaphore, #tpu.memory_space<semaphore_mem>>)
    %dma_wait3A_92 = arith.constant 0 : i32
    %dma_wait3A_93 = arith.constant 0 : i32
    %dma_wait3A_94 = tpu.memref_slice %arg9[%dma_wait3A_92, %dma_wait3A_93] : memref<512x64xf32, #tpu.memory_space<vmem>> -> memref<128x64xf32, #tpu.memory_space<vmem>>
    %dma_wait3A_95 = arith.constant 0 : i32
    %dma_wait3A_96 = arith.constant 0 : i32
    %dma_wait3A_97 = tpu.memref_slice %arg4[%dma_wait3A_95, %dma_wait3A_96] : memref<1000000x64xf32, #tpu.memory_space<hbm>> -> memref<128x64xf32, #tpu.memory_space<hbm>>
    %dma_wait3A_98 = arith.constant 0 : i32
    %dma_wait3A_99 = arith.constant 0 : i32
    %dma_wait3A_100 = tpu.memref_slice %arg9[%dma_wait3A_98, %dma_wait3A_99] : memref<512x64xf32, #tpu.memory_space<vmem>> -> memref<128x64xf32, #tpu.memory_space<vmem>>
    %dma_wait3A_101 = arith.constant 0 : i32
    %dma_wait3A_102 = arith.constant 0 : i32
    %dma_wait3A_103 = tpu.memref_slice %arg4[%dma_wait3A_101, %dma_wait3A_102] : memref<1000000x64xf32, #tpu.memory_space<hbm>> -> memref<128x64xf32, #tpu.memory_space<hbm>>
    tpu.wait_dma2 semaphore(%arg11 : memref<!tpu.dma_semaphore, #tpu.memory_space<semaphore_mem>>) src(%dma_wait3A_103 : memref<128x64xf32, #tpu.memory_space<hbm>>) dst(%dma_wait3A_100 : memref<128x64xf32, #tpu.memory_space<vmem>>)
    %add3A_104 = arith.constant 384 : i32
    %add3A_105 = arith.addi %mul3A_2, %add3A_104 : i32
    %dma_start3A_106 = arith.constant 384 : i32
    %dma_start3A_107 = arith.constant 0 : i32
    %dma_start3A_108 = tpu.memref_slice %arg9[%dma_start3A_106, %dma_start3A_107] : memref<512x64xf32, #tpu.memory_space<vmem>> -> memref<128x64xf32, #tpu.memory_space<vmem>>
    %dma_start3A_109 = arith.constant 0 : i32
    %dma_start3A_110 = tpu.memref_slice %arg6[%add3A_105, %dma_start3A_109] : memref<16384x64xf32, #tpu.memory_space<hbm>> -> memref<128x64xf32, #tpu.memory_space<hbm>>
    %dma_start3A_111 = arith.constant 0 : i32
    %dma_start3A_112 = tpu.memref_slice %arg6[%add3A_105, %dma_start3A_111] : memref<16384x64xf32, #tpu.memory_space<hbm>> -> memref<128x64xf32, #tpu.memory_space<hbm>>
    %dma_start3A_113 = arith.constant 384 : i32
    %dma_start3A_114 = arith.constant 0 : i32
    %dma_start3A_115 = tpu.memref_slice %arg9[%dma_start3A_113, %dma_start3A_114] : memref<512x64xf32, #tpu.memory_space<vmem>> -> memref<128x64xf32, #tpu.memory_space<vmem>>
    tpu.enqueue_dma source(%dma_start3A_115 : memref<128x64xf32, #tpu.memory_space<vmem>>) target(%dma_start3A_112 : memref<128x64xf32, #tpu.memory_space<hbm>>) target_semaphore(%arg12 : memref<!tpu.dma_semaphore, #tpu.memory_space<semaphore_mem>>)
    %dma_wait3A_116 = arith.constant 0 : i32
    %dma_wait3A_117 = arith.constant 0 : i32
    %dma_wait3A_118 = tpu.memref_slice %arg9[%dma_wait3A_116, %dma_wait3A_117] : memref<512x64xf32, #tpu.memory_space<vmem>> -> memref<128x64xf32, #tpu.memory_space<vmem>>
    %dma_wait3A_119 = arith.constant 0 : i32
    %dma_wait3A_120 = arith.constant 0 : i32
    %dma_wait3A_121 = tpu.memref_slice %arg6[%dma_wait3A_119, %dma_wait3A_120] : memref<16384x64xf32, #tpu.memory_space<hbm>> -> memref<128x64xf32, #tpu.memory_space<hbm>>
    %dma_wait3A_122 = arith.constant 0 : i32
    %dma_wait3A_123 = arith.constant 0 : i32
    %dma_wait3A_124 = tpu.memref_slice %arg9[%dma_wait3A_122, %dma_wait3A_123] : memref<512x64xf32, #tpu.memory_space<vmem>> -> memref<128x64xf32, #tpu.memory_space<vmem>>
    %dma_wait3A_125 = arith.constant 0 : i32
    %dma_wait3A_126 = arith.constant 0 : i32
    %dma_wait3A_127 = tpu.memref_slice %arg6[%dma_wait3A_125, %dma_wait3A_126] : memref<16384x64xf32, #tpu.memory_space<hbm>> -> memref<128x64xf32, #tpu.memory_space<hbm>>
    tpu.wait_dma2 semaphore(%arg12 : memref<!tpu.dma_semaphore, #tpu.memory_space<semaphore_mem>>) src(%dma_wait3A_127 : memref<128x64xf32, #tpu.memory_space<hbm>>) dst(%dma_wait3A_124 : memref<128x64xf32, #tpu.memory_space<vmem>>)
    %dma_wait3A_128 = arith.constant 0 : i32
    %dma_wait3A_129 = arith.constant 0 : i32
    %dma_wait3A_130 = tpu.memref_slice %arg9[%dma_wait3A_128, %dma_wait3A_129] : memref<512x64xf32, #tpu.memory_space<vmem>> -> memref<128x64xf32, #tpu.memory_space<vmem>>
    %dma_wait3A_131 = arith.constant 0 : i32
    %dma_wait3A_132 = arith.constant 0 : i32
    %dma_wait3A_133 = tpu.memref_slice %arg6[%dma_wait3A_131, %dma_wait3A_132] : memref<16384x64xf32, #tpu.memory_space<hbm>> -> memref<128x64xf32, #tpu.memory_space<hbm>>
    %dma_wait3A_134 = arith.constant 0 : i32
    %dma_wait3A_135 = arith.constant 0 : i32
    %dma_wait3A_136 = tpu.memref_slice %arg9[%dma_wait3A_134, %dma_wait3A_135] : memref<512x64xf32, #tpu.memory_space<vmem>> -> memref<128x64xf32, #tpu.memory_space<vmem>>
    %dma_wait3A_137 = arith.constant 0 : i32
    %dma_wait3A_138 = arith.constant 0 : i32
    %dma_wait3A_139 = tpu.memref_slice %arg6[%dma_wait3A_137, %dma_wait3A_138] : memref<16384x64xf32, #tpu.memory_space<hbm>> -> memref<128x64xf32, #tpu.memory_space<hbm>>
    tpu.wait_dma2 semaphore(%arg12 : memref<!tpu.dma_semaphore, #tpu.memory_space<semaphore_mem>>) src(%dma_wait3A_139 : memref<128x64xf32, #tpu.memory_space<hbm>>) dst(%dma_wait3A_136 : memref<128x64xf32, #tpu.memory_space<vmem>>)
    %dma_wait3A_140 = arith.constant 0 : i32
    %dma_wait3A_141 = arith.constant 0 : i32
    %dma_wait3A_142 = tpu.memref_slice %arg9[%dma_wait3A_140, %dma_wait3A_141] : memref<512x64xf32, #tpu.memory_space<vmem>> -> memref<128x64xf32, #tpu.memory_space<vmem>>
    %dma_wait3A_143 = arith.constant 0 : i32
    %dma_wait3A_144 = arith.constant 0 : i32
    %dma_wait3A_145 = tpu.memref_slice %arg6[%dma_wait3A_143, %dma_wait3A_144] : memref<16384x64xf32, #tpu.memory_space<hbm>> -> memref<128x64xf32, #tpu.memory_space<hbm>>
    %dma_wait3A_146 = arith.constant 0 : i32
    %dma_wait3A_147 = arith.constant 0 : i32
    %dma_wait3A_148 = tpu.memref_slice %arg9[%dma_wait3A_146, %dma_wait3A_147] : memref<512x64xf32, #tpu.memory_space<vmem>> -> memref<128x64xf32, #tpu.memory_space<vmem>>
    %dma_wait3A_149 = arith.constant 0 : i32
    %dma_wait3A_150 = arith.constant 0 : i32
    %dma_wait3A_151 = tpu.memref_slice %arg6[%dma_wait3A_149, %dma_wait3A_150] : memref<16384x64xf32, #tpu.memory_space<hbm>> -> memref<128x64xf32, #tpu.memory_space<hbm>>
    tpu.wait_dma2 semaphore(%arg12 : memref<!tpu.dma_semaphore, #tpu.memory_space<semaphore_mem>>) src(%dma_wait3A_151 : memref<128x64xf32, #tpu.memory_space<hbm>>) dst(%dma_wait3A_148 : memref<128x64xf32, #tpu.memory_space<vmem>>)
    %dma_wait3A_152 = arith.constant 0 : i32
    %dma_wait3A_153 = arith.constant 0 : i32
    %dma_wait3A_154 = tpu.memref_slice %arg9[%dma_wait3A_152, %dma_wait3A_153] : memref<512x64xf32, #tpu.memory_space<vmem>> -> memref<128x64xf32, #tpu.memory_space<vmem>>
    %dma_wait3A_155 = arith.constant 0 : i32
    %dma_wait3A_156 = arith.constant 0 : i32
    %dma_wait3A_157 = tpu.memref_slice %arg6[%dma_wait3A_155, %dma_wait3A_156] : memref<16384x64xf32, #tpu.memory_space<hbm>> -> memref<128x64xf32, #tpu.memory_space<hbm>>
    %dma_wait3A_158 = arith.constant 0 : i32
    %dma_wait3A_159 = arith.constant 0 : i32
    %dma_wait3A_160 = tpu.memref_slice %arg9[%dma_wait3A_158, %dma_wait3A_159] : memref<512x64xf32, #tpu.memory_space<vmem>> -> memref<128x64xf32, #tpu.memory_space<vmem>>
    %dma_wait3A_161 = arith.constant 0 : i32
    %dma_wait3A_162 = arith.constant 0 : i32
    %dma_wait3A_163 = tpu.memref_slice %arg6[%dma_wait3A_161, %dma_wait3A_162] : memref<16384x64xf32, #tpu.memory_space<hbm>> -> memref<128x64xf32, #tpu.memory_space<hbm>>
    tpu.wait_dma2 semaphore(%arg12 : memref<!tpu.dma_semaphore, #tpu.memory_space<semaphore_mem>>) src(%dma_wait3A_163 : memref<128x64xf32, #tpu.memory_space<hbm>>) dst(%dma_wait3A_160 : memref<128x64xf32, #tpu.memory_space<vmem>>)
    %scan3A_164 = arith.constant 0 : i32
    %scan3A_165 = arith.constant 8 : i32
    %scan3A_166 = arith.addi %scan3A_164, %scan3A_165 : i32
    %scan3A_167 = arith.constant 1 : i32
    scf.for %scan3A_328 = %scan3A_164 to %scan3A_166 step %scan3A_167  : i32 {
      %mul3A_329 = arith.constant 16 : i32
      %mul3A_330 = arith.muli %scan3A_328, %mul3A_329 : i32
      %add3A_331 = arith.constant 0 : i32
      %add3A_332 = arith.addi %add3A_331, %mul3A_330 : i32
      %add3A_333 = arith.constant 512 : i32
      %add3A_334 = arith.addi %add3A_333, %add3A_332 : i32
      %get3A = arith.index_cast %add3A_334 : i32 to index
      %get3A_335 = tpu.vector_load %arg8[%get3A] {strides = array<i32>} : memref<1024xi32, #tpu.memory_space<vmem>>, vector<16xi32>,
      %get3A_336 = vector.shape_cast %get3A_335 : vector<16xi32> to vector<16xi32>
      %slice3A = vector.extract_strided_slice %get3A_336 {offsets = [0], sizes = [1], strides = [1]} : vector<16xi32> to vector<1xi32>
      %squeeze3A = vector.extract %slice3A[0] : i32 from vector<1xi32>
      %add3A_337 = arith.constant 0 : i32
      %add3A_338 = arith.addi %add3A_332, %add3A_337 : i32
      %dma_start3A_339 = arith.constant 0 : i32
      %dma_start3A_340 = tpu.memref_slice %arg9[%add3A_338, %dma_start3A_339] : memref<512x64xf32, #tpu.memory_space<vmem>> -> memref<1x64xf32, #tpu.memory_space<vmem>>
      %dma_start3A_341 = arith.constant 0 : i32
      %dma_start3A_342 = tpu.memref_slice %arg5[%squeeze3A, %dma_start3A_341] : memref<1000000x64xf32, #tpu.memory_space<hbm>> -> memref<1x64xf32, #tpu.memory_space<hbm>>
      %dma_start3A_343 = arith.constant 0 : i32
      %dma_start3A_344 = tpu.memref_slice %arg9[%add3A_338, %dma_start3A_343] : memref<512x64xf32, #tpu.memory_space<vmem>> -> memref<1x64xf32, #tpu.memory_space<vmem>>
      %dma_start3A_345 = arith.constant 0 : i32
      %dma_start3A_346 = tpu.memref_slice %arg5[%squeeze3A, %dma_start3A_345] : memref<1000000x64xf32, #tpu.memory_space<hbm>> -> memref<1x64xf32, #tpu.memory_space<hbm>>
      tpu.enqueue_dma source(%dma_start3A_346 : memref<1x64xf32, #tpu.memory_space<hbm>>) target(%dma_start3A_344 : memref<1x64xf32, #tpu.memory_space<vmem>>) target_semaphore(%arg10 : memref<!tpu.dma_semaphore, #tpu.memory_space<semaphore_mem>>)
      %slice3A_347 = vector.extract_strided_slice %get3A_336 {offsets = [1], sizes = [1], strides = [1]} : vector<16xi32> to vector<1xi32>
      %squeeze3A_348 = vector.extract %slice3A_347[0] : i32 from vector<1xi32>
      %add3A_349 = arith.constant 1 : i32
      %add3A_350 = arith.addi %add3A_332, %add3A_349 : i32
      %dma_start3A_351 = arith.constant 0 : i32
      %dma_start3A_352 = tpu.memref_slice %arg9[%add3A_350, %dma_start3A_351] : memref<512x64xf32, #tpu.memory_space<vmem>> -> memref<1x64xf32, #tpu.memory_space<vmem>>
      %dma_start3A_353 = arith.constant 0 : i32
      %dma_start3A_354 = tpu.memref_slice %arg5[%squeeze3A_348, %dma_start3A_353] : memref<1000000x64xf32, #tpu.memory_space<hbm>> -> memref<1x64xf32, #tpu.memory_space<hbm>>
      %dma_start3A_355 = arith.constant 0 : i32
      %dma_start3A_356 = tpu.memref_slice %arg9[%add3A_350, %dma_start3A_355] : memref<512x64xf32, #tpu.memory_space<vmem>> -> memref<1x64xf32, #tpu.memory_space<vmem>>
      %dma_start3A_357 = arith.constant 0 : i32
      %dma_start3A_358 = tpu.memref_slice %arg5[%squeeze3A_348, %dma_start3A_357] : memref<1000000x64xf32, #tpu.memory_space<hbm>> -> memref<1x64xf32, #tpu.memory_space<hbm>>
      tpu.enqueue_dma source(%dma_start3A_358 : memref<1x64xf32, #tpu.memory_space<hbm>>) target(%dma_start3A_356 : memref<1x64xf32, #tpu.memory_space<vmem>>) target_semaphore(%arg10 : memref<!tpu.dma_semaphore, #tpu.memory_space<semaphore_mem>>)
      %slice3A_359 = vector.extract_strided_slice %get3A_336 {offsets = [2], sizes = [1], strides = [1]} : vector<16xi32> to vector<1xi32>
      %squeeze3A_360 = vector.extract %slice3A_359[0] : i32 from vector<1xi32>
      %add3A_361 = arith.constant 2 : i32
      %add3A_362 = arith.addi %add3A_332, %add3A_361 : i32
      %dma_start3A_363 = arith.constant 0 : i32
      %dma_start3A_364 = tpu.memref_slice %arg9[%add3A_362, %dma_start3A_363] : memref<512x64xf32, #tpu.memory_space<vmem>> -> memref<1x64xf32, #tpu.memory_space<vmem>>
      %dma_start3A_365 = arith.constant 0 : i32
      %dma_start3A_366 = tpu.memref_slice %arg5[%squeeze3A_360, %dma_start3A_365] : memref<1000000x64xf32, #tpu.memory_space<hbm>> -> memref<1x64xf32, #tpu.memory_space<hbm>>
      %dma_start3A_367 = arith.constant 0 : i32
      %dma_start3A_368 = tpu.memref_slice %arg9[%add3A_362, %dma_start3A_367] : memref<512x64xf32, #tpu.memory_space<vmem>> -> memref<1x64xf32, #tpu.memory_space<vmem>>
      %dma_start3A_369 = arith.constant 0 : i32
      %dma_start3A_370 = tpu.memref_slice %arg5[%squeeze3A_360, %dma_start3A_369] : memref<1000000x64xf32, #tpu.memory_space<hbm>> -> memref<1x64xf32, #tpu.memory_space<hbm>>
      tpu.enqueue_dma source(%dma_start3A_370 : memref<1x64xf32, #tpu.memory_space<hbm>>) target(%dma_start3A_368 : memref<1x64xf32, #tpu.memory_space<vmem>>) target_semaphore(%arg10 : memref<!tpu.dma_semaphore, #tpu.memory_space<semaphore_mem>>)
      %slice3A_371 = vector.extract_strided_slice %get3A_336 {offsets = [3], sizes = [1], strides = [1]} : vector<16xi32> to vector<1xi32>
      %squeeze3A_372 = vector.extract %slice3A_371[0] : i32 from vector<1xi32>
      %add3A_373 = arith.constant 3 : i32
      %add3A_374 = arith.addi %add3A_332, %add3A_373 : i32
      %dma_start3A_375 = arith.constant 0 : i32
      %dma_start3A_376 = tpu.memref_slice %arg9[%add3A_374, %dma_start3A_375] : memref<512x64xf32, #tpu.memory_space<vmem>> -> memref<1x64xf32, #tpu.memory_space<vmem>>
      %dma_start3A_377 = arith.constant 0 : i32
      %dma_start3A_378 = tpu.memref_slice %arg5[%squeeze3A_372, %dma_start3A_377] : memref<1000000x64xf32, #tpu.memory_space<hbm>> -> memref<1x64xf32, #tpu.memory_space<hbm>>
      %dma_start3A_379 = arith.constant 0 : i32
      %dma_start3A_380 = tpu.memref_slice %arg9[%add3A_374, %dma_start3A_379] : memref<512x64xf32, #tpu.memory_space<vmem>> -> memref<1x64xf32, #tpu.memory_space<vmem>>
      %dma_start3A_381 = arith.constant 0 : i32
      %dma_start3A_382 = tpu.memref_slice %arg5[%squeeze3A_372, %dma_start3A_381] : memref<1000000x64xf32, #tpu.memory_space<hbm>> -> memref<1x64xf32, #tpu.memory_space<hbm>>
      tpu.enqueue_dma source(%dma_start3A_382 : memref<1x64xf32, #tpu.memory_space<hbm>>) target(%dma_start3A_380 : memref<1x64xf32, #tpu.memory_space<vmem>>) target_semaphore(%arg10 : memref<!tpu.dma_semaphore, #tpu.memory_space<semaphore_mem>>)
      %slice3A_383 = vector.extract_strided_slice %get3A_336 {offsets = [4], sizes = [1], strides = [1]} : vector<16xi32> to vector<1xi32>
      %squeeze3A_384 = vector.extract %slice3A_383[0] : i32 from vector<1xi32>
      %add3A_385 = arith.constant 4 : i32
      %add3A_386 = arith.addi %add3A_332, %add3A_385 : i32
      %dma_start3A_387 = arith.constant 0 : i32
      %dma_start3A_388 = tpu.memref_slice %arg9[%add3A_386, %dma_start3A_387] : memref<512x64xf32, #tpu.memory_space<vmem>> -> memref<1x64xf32, #tpu.memory_space<vmem>>
      %dma_start3A_389 = arith.constant 0 : i32
      %dma_start3A_390 = tpu.memref_slice %arg5[%squeeze3A_384, %dma_start3A_389] : memref<1000000x64xf32, #tpu.memory_space<hbm>> -> memref<1x64xf32, #tpu.memory_space<hbm>>
      %dma_start3A_391 = arith.constant 0 : i32
      %dma_start3A_392 = tpu.memref_slice %arg9[%add3A_386, %dma_start3A_391] : memref<512x64xf32, #tpu.memory_space<vmem>> -> memref<1x64xf32, #tpu.memory_space<vmem>>
      %dma_start3A_393 = arith.constant 0 : i32
      %dma_start3A_394 = tpu.memref_slice %arg5[%squeeze3A_384, %dma_start3A_393] : memref<1000000x64xf32, #tpu.memory_space<hbm>> -> memref<1x64xf32, #tpu.memory_space<hbm>>
      tpu.enqueue_dma source(%dma_start3A_394 : memref<1x64xf32, #tpu.memory_space<hbm>>) target(%dma_start3A_392 : memref<1x64xf32, #tpu.memory_space<vmem>>) target_semaphore(%arg10 : memref<!tpu.dma_semaphore, #tpu.memory_space<semaphore_mem>>)
      %slice3A_395 = vector.extract_strided_slice %get3A_336 {offsets = [5], sizes = [1], strides = [1]} : vector<16xi32> to vector<1xi32>
      %squeeze3A_396 = vector.extract %slice3A_395[0] : i32 from vector<1xi32>
      %add3A_397 = arith.constant 5 : i32
      %add3A_398 = arith.addi %add3A_332, %add3A_397 : i32
      %dma_start3A_399 = arith.constant 0 : i32
      %dma_start3A_400 = tpu.memref_slice %arg9[%add3A_398, %dma_start3A_399] : memref<512x64xf32, #tpu.memory_space<vmem>> -> memref<1x64xf32, #tpu.memory_space<vmem>>
      %dma_start3A_401 = arith.constant 0 : i32
      %dma_start3A_402 = tpu.memref_slice %arg5[%squeeze3A_396, %dma_start3A_401] : memref<1000000x64xf32, #tpu.memory_space<hbm>> -> memref<1x64xf32, #tpu.memory_space<hbm>>
      %dma_start3A_403 = arith.constant 0 : i32
      %dma_start3A_404 = tpu.memref_slice %arg9[%add3A_398, %dma_start3A_403] : memref<512x64xf32, #tpu.memory_space<vmem>> -> memref<1x64xf32, #tpu.memory_space<vmem>>
      %dma_start3A_405 = arith.constant 0 : i32
      %dma_start3A_406 = tpu.memref_slice %arg5[%squeeze3A_396, %dma_start3A_405] : memref<1000000x64xf32, #tpu.memory_space<hbm>> -> memref<1x64xf32, #tpu.memory_space<hbm>>
      tpu.enqueue_dma source(%dma_start3A_406 : memref<1x64xf32, #tpu.memory_space<hbm>>) target(%dma_start3A_404 : memref<1x64xf32, #tpu.memory_space<vmem>>) target_semaphore(%arg10 : memref<!tpu.dma_semaphore, #tpu.memory_space<semaphore_mem>>)
      %slice3A_407 = vector.extract_strided_slice %get3A_336 {offsets = [6], sizes = [1], strides = [1]} : vector<16xi32> to vector<1xi32>
      %squeeze3A_408 = vector.extract %slice3A_407[0] : i32 from vector<1xi32>
      %add3A_409 = arith.constant 6 : i32
      %add3A_410 = arith.addi %add3A_332, %add3A_409 : i32
      %dma_start3A_411 = arith.constant 0 : i32
      %dma_start3A_412 = tpu.memref_slice %arg9[%add3A_410, %dma_start3A_411] : memref<512x64xf32, #tpu.memory_space<vmem>> -> memref<1x64xf32, #tpu.memory_space<vmem>>
      %dma_start3A_413 = arith.constant 0 : i32
      %dma_start3A_414 = tpu.memref_slice %arg5[%squeeze3A_408, %dma_start3A_413] : memref<1000000x64xf32, #tpu.memory_space<hbm>> -> memref<1x64xf32, #tpu.memory_space<hbm>>
      %dma_start3A_415 = arith.constant 0 : i32
      %dma_start3A_416 = tpu.memref_slice %arg9[%add3A_410, %dma_start3A_415] : memref<512x64xf32, #tpu.memory_space<vmem>> -> memref<1x64xf32, #tpu.memory_space<vmem>>
      %dma_start3A_417 = arith.constant 0 : i32
      %dma_start3A_418 = tpu.memref_slice %arg5[%squeeze3A_408, %dma_start3A_417] : memref<1000000x64xf32, #tpu.memory_space<hbm>> -> memref<1x64xf32, #tpu.memory_space<hbm>>
      tpu.enqueue_dma source(%dma_start3A_418 : memref<1x64xf32, #tpu.memory_space<hbm>>) target(%dma_start3A_416 : memref<1x64xf32, #tpu.memory_space<vmem>>) target_semaphore(%arg10 : memref<!tpu.dma_semaphore, #tpu.memory_space<semaphore_mem>>)
      %slice3A_419 = vector.extract_strided_slice %get3A_336 {offsets = [7], sizes = [1], strides = [1]} : vector<16xi32> to vector<1xi32>
      %squeeze3A_420 = vector.extract %slice3A_419[0] : i32 from vector<1xi32>
      %add3A_421 = arith.constant 7 : i32
      %add3A_422 = arith.addi %add3A_332, %add3A_421 : i32
      %dma_start3A_423 = arith.constant 0 : i32
      %dma_start3A_424 = tpu.memref_slice %arg9[%add3A_422, %dma_start3A_423] : memref<512x64xf32, #tpu.memory_space<vmem>> -> memref<1x64xf32, #tpu.memory_space<vmem>>
      %dma_start3A_425 = arith.constant 0 : i32
      %dma_start3A_426 = tpu.memref_slice %arg5[%squeeze3A_420, %dma_start3A_425] : memref<1000000x64xf32, #tpu.memory_space<hbm>> -> memref<1x64xf32, #tpu.memory_space<hbm>>
      %dma_start3A_427 = arith.constant 0 : i32
      %dma_start3A_428 = tpu.memref_slice %arg9[%add3A_422, %dma_start3A_427] : memref<512x64xf32, #tpu.memory_space<vmem>> -> memref<1x64xf32, #tpu.memory_space<vmem>>
      %dma_start3A_429 = arith.constant 0 : i32
      %dma_start3A_430 = tpu.memref_slice %arg5[%squeeze3A_420, %dma_start3A_429] : memref<1000000x64xf32, #tpu.memory_space<hbm>> -> memref<1x64xf32, #tpu.memory_space<hbm>>
      tpu.enqueue_dma source(%dma_start3A_430 : memref<1x64xf32, #tpu.memory_space<hbm>>) target(%dma_start3A_428 : memref<1x64xf32, #tpu.memory_space<vmem>>) target_semaphore(%arg10 : memref<!tpu.dma_semaphore, #tpu.memory_space<semaphore_mem>>)
      %slice3A_431 = vector.extract_strided_slice %get3A_336 {offsets = [8], sizes = [1], strides = [1]} : vector<16xi32> to vector<1xi32>
      %squeeze3A_432 = vector.extract %slice3A_431[0] : i32 from vector<1xi32>
      %add3A_433 = arith.constant 8 : i32
      %add3A_434 = arith.addi %add3A_332, %add3A_433 : i32
      %dma_start3A_435 = arith.constant 0 : i32
      %dma_start3A_436 = tpu.memref_slice %arg9[%add3A_434, %dma_start3A_435] : memref<512x64xf32, #tpu.memory_space<vmem>> -> memref<1x64xf32, #tpu.memory_space<vmem>>
      %dma_start3A_437 = arith.constant 0 : i32
      %dma_start3A_438 = tpu.memref_slice %arg5[%squeeze3A_432, %dma_start3A_437] : memref<1000000x64xf32, #tpu.memory_space<hbm>> -> memref<1x64xf32, #tpu.memory_space<hbm>>
      %dma_start3A_439 = arith.constant 0 : i32
      %dma_start3A_440 = tpu.memref_slice %arg9[%add3A_434, %dma_start3A_439] : memref<512x64xf32, #tpu.memory_space<vmem>> -> memref<1x64xf32, #tpu.memory_space<vmem>>
      %dma_start3A_441 = arith.constant 0 : i32
      %dma_start3A_442 = tpu.memref_slice %arg5[%squeeze3A_432, %dma_start3A_441] : memref<1000000x64xf32, #tpu.memory_space<hbm>> -> memref<1x64xf32, #tpu.memory_space<hbm>>
      tpu.enqueue_dma source(%dma_start3A_442 : memref<1x64xf32, #tpu.memory_space<hbm>>) target(%dma_start3A_440 : memref<1x64xf32, #tpu.memory_space<vmem>>) target_semaphore(%arg10 : memref<!tpu.dma_semaphore, #tpu.memory_space<semaphore_mem>>)
      %slice3A_443 = vector.extract_strided_slice %get3A_336 {offsets = [9], sizes = [1], strides = [1]} : vector<16xi32> to vector<1xi32>
      %squeeze3A_444 = vector.extract %slice3A_443[0] : i32 from vector<1xi32>
      %add3A_445 = arith.constant 9 : i32
      %add3A_446 = arith.addi %add3A_332, %add3A_445 : i32
      %dma_start3A_447 = arith.constant 0 : i32
      %dma_start3A_448 = tpu.memref_slice %arg9[%add3A_446, %dma_start3A_447] : memref<512x64xf32, #tpu.memory_space<vmem>> -> memref<1x64xf32, #tpu.memory_space<vmem>>
      %dma_start3A_449 = arith.constant 0 : i32
      %dma_start3A_450 = tpu.memref_slice %arg5[%squeeze3A_444, %dma_start3A_449] : memref<1000000x64xf32, #tpu.memory_space<hbm>> -> memref<1x64xf32, #tpu.memory_space<hbm>>
      %dma_start3A_451 = arith.constant 0 : i32
      %dma_start3A_452 = tpu.memref_slice %arg9[%add3A_446, %dma_start3A_451] : memref<512x64xf32, #tpu.memory_space<vmem>> -> memref<1x64xf32, #tpu.memory_space<vmem>>
      %dma_start3A_453 = arith.constant 0 : i32
      %dma_start3A_454 = tpu.memref_slice %arg5[%squeeze3A_444, %dma_start3A_453] : memref<1000000x64xf32, #tpu.memory_space<hbm>> -> memref<1x64xf32, #tpu.memory_space<hbm>>
      tpu.enqueue_dma source(%dma_start3A_454 : memref<1x64xf32, #tpu.memory_space<hbm>>) target(%dma_start3A_452 : memref<1x64xf32, #tpu.memory_space<vmem>>) target_semaphore(%arg10 : memref<!tpu.dma_semaphore, #tpu.memory_space<semaphore_mem>>)
      %slice3A_455 = vector.extract_strided_slice %get3A_336 {offsets = [10], sizes = [1], strides = [1]} : vector<16xi32> to vector<1xi32>
      %squeeze3A_456 = vector.extract %slice3A_455[0] : i32 from vector<1xi32>
      %add3A_457 = arith.constant 10 : i32
      %add3A_458 = arith.addi %add3A_332, %add3A_457 : i32
      %dma_start3A_459 = arith.constant 0 : i32
      %dma_start3A_460 = tpu.memref_slice %arg9[%add3A_458, %dma_start3A_459] : memref<512x64xf32, #tpu.memory_space<vmem>> -> memref<1x64xf32, #tpu.memory_space<vmem>>
      %dma_start3A_461 = arith.constant 0 : i32
      %dma_start3A_462 = tpu.memref_slice %arg5[%squeeze3A_456, %dma_start3A_461] : memref<1000000x64xf32, #tpu.memory_space<hbm>> -> memref<1x64xf32, #tpu.memory_space<hbm>>
      %dma_start3A_463 = arith.constant 0 : i32
      %dma_start3A_464 = tpu.memref_slice %arg9[%add3A_458, %dma_start3A_463] : memref<512x64xf32, #tpu.memory_space<vmem>> -> memref<1x64xf32, #tpu.memory_space<vmem>>
      %dma_start3A_465 = arith.constant 0 : i32
      %dma_start3A_466 = tpu.memref_slice %arg5[%squeeze3A_456, %dma_start3A_465] : memref<1000000x64xf32, #tpu.memory_space<hbm>> -> memref<1x64xf32, #tpu.memory_space<hbm>>
      tpu.enqueue_dma source(%dma_start3A_466 : memref<1x64xf32, #tpu.memory_space<hbm>>) target(%dma_start3A_464 : memref<1x64xf32, #tpu.memory_space<vmem>>) target_semaphore(%arg10 : memref<!tpu.dma_semaphore, #tpu.memory_space<semaphore_mem>>)
      %slice3A_467 = vector.extract_strided_slice %get3A_336 {offsets = [11], sizes = [1], strides = [1]} : vector<16xi32> to vector<1xi32>
      %squeeze3A_468 = vector.extract %slice3A_467[0] : i32 from vector<1xi32>
      %add3A_469 = arith.constant 11 : i32
      %add3A_470 = arith.addi %add3A_332, %add3A_469 : i32
      %dma_start3A_471 = arith.constant 0 : i32
      %dma_start3A_472 = tpu.memref_slice %arg9[%add3A_470, %dma_start3A_471] : memref<512x64xf32, #tpu.memory_space<vmem>> -> memref<1x64xf32, #tpu.memory_space<vmem>>
      %dma_start3A_473 = arith.constant 0 : i32
      %dma_start3A_474 = tpu.memref_slice %arg5[%squeeze3A_468, %dma_start3A_473] : memref<1000000x64xf32, #tpu.memory_space<hbm>> -> memref<1x64xf32, #tpu.memory_space<hbm>>
      %dma_start3A_475 = arith.constant 0 : i32
      %dma_start3A_476 = tpu.memref_slice %arg9[%add3A_470, %dma_start3A_475] : memref<512x64xf32, #tpu.memory_space<vmem>> -> memref<1x64xf32, #tpu.memory_space<vmem>>
      %dma_start3A_477 = arith.constant 0 : i32
      %dma_start3A_478 = tpu.memref_slice %arg5[%squeeze3A_468, %dma_start3A_477] : memref<1000000x64xf32, #tpu.memory_space<hbm>> -> memref<1x64xf32, #tpu.memory_space<hbm>>
      tpu.enqueue_dma source(%dma_start3A_478 : memref<1x64xf32, #tpu.memory_space<hbm>>) target(%dma_start3A_476 : memref<1x64xf32, #tpu.memory_space<vmem>>) target_semaphore(%arg10 : memref<!tpu.dma_semaphore, #tpu.memory_space<semaphore_mem>>)
      %slice3A_479 = vector.extract_strided_slice %get3A_336 {offsets = [12], sizes = [1], strides = [1]} : vector<16xi32> to vector<1xi32>
      %squeeze3A_480 = vector.extract %slice3A_479[0] : i32 from vector<1xi32>
      %add3A_481 = arith.constant 12 : i32
      %add3A_482 = arith.addi %add3A_332, %add3A_481 : i32
      %dma_start3A_483 = arith.constant 0 : i32
      %dma_start3A_484 = tpu.memref_slice %arg9[%add3A_482, %dma_start3A_483] : memref<512x64xf32, #tpu.memory_space<vmem>> -> memref<1x64xf32, #tpu.memory_space<vmem>>
      %dma_start3A_485 = arith.constant 0 : i32
      %dma_start3A_486 = tpu.memref_slice %arg5[%squeeze3A_480, %dma_start3A_485] : memref<1000000x64xf32, #tpu.memory_space<hbm>> -> memref<1x64xf32, #tpu.memory_space<hbm>>
      %dma_start3A_487 = arith.constant 0 : i32
      %dma_start3A_488 = tpu.memref_slice %arg9[%add3A_482, %dma_start3A_487] : memref<512x64xf32, #tpu.memory_space<vmem>> -> memref<1x64xf32, #tpu.memory_space<vmem>>
      %dma_start3A_489 = arith.constant 0 : i32
      %dma_start3A_490 = tpu.memref_slice %arg5[%squeeze3A_480, %dma_start3A_489] : memref<1000000x64xf32, #tpu.memory_space<hbm>> -> memref<1x64xf32, #tpu.memory_space<hbm>>
      tpu.enqueue_dma source(%dma_start3A_490 : memref<1x64xf32, #tpu.memory_space<hbm>>) target(%dma_start3A_488 : memref<1x64xf32, #tpu.memory_space<vmem>>) target_semaphore(%arg10 : memref<!tpu.dma_semaphore, #tpu.memory_space<semaphore_mem>>)
      %slice3A_491 = vector.extract_strided_slice %get3A_336 {offsets = [13], sizes = [1], strides = [1]} : vector<16xi32> to vector<1xi32>
      %squeeze3A_492 = vector.extract %slice3A_491[0] : i32 from vector<1xi32>
      %add3A_493 = arith.constant 13 : i32
      %add3A_494 = arith.addi %add3A_332, %add3A_493 : i32
      %dma_start3A_495 = arith.constant 0 : i32
      %dma_start3A_496 = tpu.memref_slice %arg9[%add3A_494, %dma_start3A_495] : memref<512x64xf32, #tpu.memory_space<vmem>> -> memref<1x64xf32, #tpu.memory_space<vmem>>
      %dma_start3A_497 = arith.constant 0 : i32
      %dma_start3A_498 = tpu.memref_slice %arg5[%squeeze3A_492, %dma_start3A_497] : memref<1000000x64xf32, #tpu.memory_space<hbm>> -> memref<1x64xf32, #tpu.memory_space<hbm>>
      %dma_start3A_499 = arith.constant 0 : i32
      %dma_start3A_500 = tpu.memref_slice %arg9[%add3A_494, %dma_start3A_499] : memref<512x64xf32, #tpu.memory_space<vmem>> -> memref<1x64xf32, #tpu.memory_space<vmem>>
      %dma_start3A_501 = arith.constant 0 : i32
      %dma_start3A_502 = tpu.memref_slice %arg5[%squeeze3A_492, %dma_start3A_501] : memref<1000000x64xf32, #tpu.memory_space<hbm>> -> memref<1x64xf32, #tpu.memory_space<hbm>>
      tpu.enqueue_dma source(%dma_start3A_502 : memref<1x64xf32, #tpu.memory_space<hbm>>) target(%dma_start3A_500 : memref<1x64xf32, #tpu.memory_space<vmem>>) target_semaphore(%arg10 : memref<!tpu.dma_semaphore, #tpu.memory_space<semaphore_mem>>)
      %slice3A_503 = vector.extract_strided_slice %get3A_336 {offsets = [14], sizes = [1], strides = [1]} : vector<16xi32> to vector<1xi32>
      %squeeze3A_504 = vector.extract %slice3A_503[0] : i32 from vector<1xi32>
      %add3A_505 = arith.constant 14 : i32
      %add3A_506 = arith.addi %add3A_332, %add3A_505 : i32
      %dma_start3A_507 = arith.constant 0 : i32
      %dma_start3A_508 = tpu.memref_slice %arg9[%add3A_506, %dma_start3A_507] : memref<512x64xf32, #tpu.memory_space<vmem>> -> memref<1x64xf32, #tpu.memory_space<vmem>>
      %dma_start3A_509 = arith.constant 0 : i32
      %dma_start3A_510 = tpu.memref_slice %arg5[%squeeze3A_504, %dma_start3A_509] : memref<1000000x64xf32, #tpu.memory_space<hbm>> -> memref<1x64xf32, #tpu.memory_space<hbm>>
      %dma_start3A_511 = arith.constant 0 : i32
      %dma_start3A_512 = tpu.memref_slice %arg9[%add3A_506, %dma_start3A_511] : memref<512x64xf32, #tpu.memory_space<vmem>> -> memref<1x64xf32, #tpu.memory_space<vmem>>
      %dma_start3A_513 = arith.constant 0 : i32
      %dma_start3A_514 = tpu.memref_slice %arg5[%squeeze3A_504, %dma_start3A_513] : memref<1000000x64xf32, #tpu.memory_space<hbm>> -> memref<1x64xf32, #tpu.memory_space<hbm>>
      tpu.enqueue_dma source(%dma_start3A_514 : memref<1x64xf32, #tpu.memory_space<hbm>>) target(%dma_start3A_512 : memref<1x64xf32, #tpu.memory_space<vmem>>) target_semaphore(%arg10 : memref<!tpu.dma_semaphore, #tpu.memory_space<semaphore_mem>>)
      %slice3A_515 = vector.extract_strided_slice %get3A_336 {offsets = [15], sizes = [1], strides = [1]} : vector<16xi32> to vector<1xi32>
      %squeeze3A_516 = vector.extract %slice3A_515[0] : i32 from vector<1xi32>
      %add3A_517 = arith.constant 15 : i32
      %add3A_518 = arith.addi %add3A_332, %add3A_517 : i32
      %dma_start3A_519 = arith.constant 0 : i32
      %dma_start3A_520 = tpu.memref_slice %arg9[%add3A_518, %dma_start3A_519] : memref<512x64xf32, #tpu.memory_space<vmem>> -> memref<1x64xf32, #tpu.memory_space<vmem>>
      %dma_start3A_521 = arith.constant 0 : i32
      %dma_start3A_522 = tpu.memref_slice %arg5[%squeeze3A_516, %dma_start3A_521] : memref<1000000x64xf32, #tpu.memory_space<hbm>> -> memref<1x64xf32, #tpu.memory_space<hbm>>
      %dma_start3A_523 = arith.constant 0 : i32
      %dma_start3A_524 = tpu.memref_slice %arg9[%add3A_518, %dma_start3A_523] : memref<512x64xf32, #tpu.memory_space<vmem>> -> memref<1x64xf32, #tpu.memory_space<vmem>>
      %dma_start3A_525 = arith.constant 0 : i32
      %dma_start3A_526 = tpu.memref_slice %arg5[%squeeze3A_516, %dma_start3A_525] : memref<1000000x64xf32, #tpu.memory_space<hbm>> -> memref<1x64xf32, #tpu.memory_space<hbm>>
      tpu.enqueue_dma source(%dma_start3A_526 : memref<1x64xf32, #tpu.memory_space<hbm>>) target(%dma_start3A_524 : memref<1x64xf32, #tpu.memory_space<vmem>>) target_semaphore(%arg10 : memref<!tpu.dma_semaphore, #tpu.memory_space<semaphore_mem>>)
    }
    %scan3A_168 = arith.constant 8 : i32
    %scan3A_169 = arith.constant 0 : i32
    %scan3A_170 = arith.constant 8 : i32
    %scan3A_171 = arith.addi %scan3A_169, %scan3A_170 : i32
    %scan3A_172 = arith.constant 1 : i32
    scf.for %scan3A_328 = %scan3A_169 to %scan3A_171 step %scan3A_172  : i32 {
      %mul3A_329 = arith.constant 16 : i32
      %mul3A_330 = arith.muli %scan3A_328, %mul3A_329 : i32
      %add3A_331 = arith.constant 128 : i32
      %add3A_332 = arith.addi %add3A_331, %mul3A_330 : i32
      %add3A_333 = arith.constant 512 : i32
      %add3A_334 = arith.addi %add3A_333, %add3A_332 : i32
      %get3A = arith.index_cast %add3A_334 : i32 to index
      %get3A_335 = tpu.vector_load %arg8[%get3A] {strides = array<i32>} : memref<1024xi32, #tpu.memory_space<vmem>>, vector<16xi32>,
      %get3A_336 = vector.shape_cast %get3A_335 : vector<16xi32> to vector<16xi32>
      %slice3A = vector.extract_strided_slice %get3A_336 {offsets = [0], sizes = [1], strides = [1]} : vector<16xi32> to vector<1xi32>
      %squeeze3A = vector.extract %slice3A[0] : i32 from vector<1xi32>
      %add3A_337 = arith.constant 0 : i32
      %add3A_338 = arith.addi %add3A_332, %add3A_337 : i32
      %dma_start3A_339 = arith.constant 0 : i32
      %dma_start3A_340 = tpu.memref_slice %arg9[%add3A_338, %dma_start3A_339] : memref<512x64xf32, #tpu.memory_space<vmem>> -> memref<1x64xf32, #tpu.memory_space<vmem>>
      %dma_start3A_341 = arith.constant 0 : i32
      %dma_start3A_342 = tpu.memref_slice %arg5[%squeeze3A, %dma_start3A_341] : memref<1000000x64xf32, #tpu.memory_space<hbm>> -> memref<1x64xf32, #tpu.memory_space<hbm>>
      %dma_start3A_343 = arith.constant 0 : i32
      %dma_start3A_344 = tpu.memref_slice %arg9[%add3A_338, %dma_start3A_343] : memref<512x64xf32, #tpu.memory_space<vmem>> -> memref<1x64xf32, #tpu.memory_space<vmem>>
      %dma_start3A_345 = arith.constant 0 : i32
      %dma_start3A_346 = tpu.memref_slice %arg5[%squeeze3A, %dma_start3A_345] : memref<1000000x64xf32, #tpu.memory_space<hbm>> -> memref<1x64xf32, #tpu.memory_space<hbm>>
      tpu.enqueue_dma source(%dma_start3A_346 : memref<1x64xf32, #tpu.memory_space<hbm>>) target(%dma_start3A_344 : memref<1x64xf32, #tpu.memory_space<vmem>>) target_semaphore(%arg11 : memref<!tpu.dma_semaphore, #tpu.memory_space<semaphore_mem>>)
      %slice3A_347 = vector.extract_strided_slice %get3A_336 {offsets = [1], sizes = [1], strides = [1]} : vector<16xi32> to vector<1xi32>
      %squeeze3A_348 = vector.extract %slice3A_347[0] : i32 from vector<1xi32>
      %add3A_349 = arith.constant 1 : i32
      %add3A_350 = arith.addi %add3A_332, %add3A_349 : i32
      %dma_start3A_351 = arith.constant 0 : i32
      %dma_start3A_352 = tpu.memref_slice %arg9[%add3A_350, %dma_start3A_351] : memref<512x64xf32, #tpu.memory_space<vmem>> -> memref<1x64xf32, #tpu.memory_space<vmem>>
      %dma_start3A_353 = arith.constant 0 : i32
      %dma_start3A_354 = tpu.memref_slice %arg5[%squeeze3A_348, %dma_start3A_353] : memref<1000000x64xf32, #tpu.memory_space<hbm>> -> memref<1x64xf32, #tpu.memory_space<hbm>>
      %dma_start3A_355 = arith.constant 0 : i32
      %dma_start3A_356 = tpu.memref_slice %arg9[%add3A_350, %dma_start3A_355] : memref<512x64xf32, #tpu.memory_space<vmem>> -> memref<1x64xf32, #tpu.memory_space<vmem>>
      %dma_start3A_357 = arith.constant 0 : i32
      %dma_start3A_358 = tpu.memref_slice %arg5[%squeeze3A_348, %dma_start3A_357] : memref<1000000x64xf32, #tpu.memory_space<hbm>> -> memref<1x64xf32, #tpu.memory_space<hbm>>
      tpu.enqueue_dma source(%dma_start3A_358 : memref<1x64xf32, #tpu.memory_space<hbm>>) target(%dma_start3A_356 : memref<1x64xf32, #tpu.memory_space<vmem>>) target_semaphore(%arg11 : memref<!tpu.dma_semaphore, #tpu.memory_space<semaphore_mem>>)
      %slice3A_359 = vector.extract_strided_slice %get3A_336 {offsets = [2], sizes = [1], strides = [1]} : vector<16xi32> to vector<1xi32>
      %squeeze3A_360 = vector.extract %slice3A_359[0] : i32 from vector<1xi32>
      %add3A_361 = arith.constant 2 : i32
      %add3A_362 = arith.addi %add3A_332, %add3A_361 : i32
      %dma_start3A_363 = arith.constant 0 : i32
      %dma_start3A_364 = tpu.memref_slice %arg9[%add3A_362, %dma_start3A_363] : memref<512x64xf32, #tpu.memory_space<vmem>> -> memref<1x64xf32, #tpu.memory_space<vmem>>
      %dma_start3A_365 = arith.constant 0 : i32
      %dma_start3A_366 = tpu.memref_slice %arg5[%squeeze3A_360, %dma_start3A_365] : memref<1000000x64xf32, #tpu.memory_space<hbm>> -> memref<1x64xf32, #tpu.memory_space<hbm>>
      %dma_start3A_367 = arith.constant 0 : i32
      %dma_start3A_368 = tpu.memref_slice %arg9[%add3A_362, %dma_start3A_367] : memref<512x64xf32, #tpu.memory_space<vmem>> -> memref<1x64xf32, #tpu.memory_space<vmem>>
      %dma_start3A_369 = arith.constant 0 : i32
      %dma_start3A_370 = tpu.memref_slice %arg5[%squeeze3A_360, %dma_start3A_369] : memref<1000000x64xf32, #tpu.memory_space<hbm>> -> memref<1x64xf32, #tpu.memory_space<hbm>>
      tpu.enqueue_dma source(%dma_start3A_370 : memref<1x64xf32, #tpu.memory_space<hbm>>) target(%dma_start3A_368 : memref<1x64xf32, #tpu.memory_space<vmem>>) target_semaphore(%arg11 : memref<!tpu.dma_semaphore, #tpu.memory_space<semaphore_mem>>)
      %slice3A_371 = vector.extract_strided_slice %get3A_336 {offsets = [3], sizes = [1], strides = [1]} : vector<16xi32> to vector<1xi32>
      %squeeze3A_372 = vector.extract %slice3A_371[0] : i32 from vector<1xi32>
      %add3A_373 = arith.constant 3 : i32
      %add3A_374 = arith.addi %add3A_332, %add3A_373 : i32
      %dma_start3A_375 = arith.constant 0 : i32
      %dma_start3A_376 = tpu.memref_slice %arg9[%add3A_374, %dma_start3A_375] : memref<512x64xf32, #tpu.memory_space<vmem>> -> memref<1x64xf32, #tpu.memory_space<vmem>>
      %dma_start3A_377 = arith.constant 0 : i32
      %dma_start3A_378 = tpu.memref_slice %arg5[%squeeze3A_372, %dma_start3A_377] : memref<1000000x64xf32, #tpu.memory_space<hbm>> -> memref<1x64xf32, #tpu.memory_space<hbm>>
      %dma_start3A_379 = arith.constant 0 : i32
      %dma_start3A_380 = tpu.memref_slice %arg9[%add3A_374, %dma_start3A_379] : memref<512x64xf32, #tpu.memory_space<vmem>> -> memref<1x64xf32, #tpu.memory_space<vmem>>
      %dma_start3A_381 = arith.constant 0 : i32
      %dma_start3A_382 = tpu.memref_slice %arg5[%squeeze3A_372, %dma_start3A_381] : memref<1000000x64xf32, #tpu.memory_space<hbm>> -> memref<1x64xf32, #tpu.memory_space<hbm>>
      tpu.enqueue_dma source(%dma_start3A_382 : memref<1x64xf32, #tpu.memory_space<hbm>>) target(%dma_start3A_380 : memref<1x64xf32, #tpu.memory_space<vmem>>) target_semaphore(%arg11 : memref<!tpu.dma_semaphore, #tpu.memory_space<semaphore_mem>>)
      %slice3A_383 = vector.extract_strided_slice %get3A_336 {offsets = [4], sizes = [1], strides = [1]} : vector<16xi32> to vector<1xi32>
      %squeeze3A_384 = vector.extract %slice3A_383[0] : i32 from vector<1xi32>
      %add3A_385 = arith.constant 4 : i32
      %add3A_386 = arith.addi %add3A_332, %add3A_385 : i32
      %dma_start3A_387 = arith.constant 0 : i32
      %dma_start3A_388 = tpu.memref_slice %arg9[%add3A_386, %dma_start3A_387] : memref<512x64xf32, #tpu.memory_space<vmem>> -> memref<1x64xf32, #tpu.memory_space<vmem>>
      %dma_start3A_389 = arith.constant 0 : i32
      %dma_start3A_390 = tpu.memref_slice %arg5[%squeeze3A_384, %dma_start3A_389] : memref<1000000x64xf32, #tpu.memory_space<hbm>> -> memref<1x64xf32, #tpu.memory_space<hbm>>
      %dma_start3A_391 = arith.constant 0 : i32
      %dma_start3A_392 = tpu.memref_slice %arg9[%add3A_386, %dma_start3A_391] : memref<512x64xf32, #tpu.memory_space<vmem>> -> memref<1x64xf32, #tpu.memory_space<vmem>>
      %dma_start3A_393 = arith.constant 0 : i32
      %dma_start3A_394 = tpu.memref_slice %arg5[%squeeze3A_384, %dma_start3A_393] : memref<1000000x64xf32, #tpu.memory_space<hbm>> -> memref<1x64xf32, #tpu.memory_space<hbm>>
      tpu.enqueue_dma source(%dma_start3A_394 : memref<1x64xf32, #tpu.memory_space<hbm>>) target(%dma_start3A_392 : memref<1x64xf32, #tpu.memory_space<vmem>>) target_semaphore(%arg11 : memref<!tpu.dma_semaphore, #tpu.memory_space<semaphore_mem>>)
      %slice3A_395 = vector.extract_strided_slice %get3A_336 {offsets = [5], sizes = [1], strides = [1]} : vector<16xi32> to vector<1xi32>
      %squeeze3A_396 = vector.extract %slice3A_395[0] : i32 from vector<1xi32>
      %add3A_397 = arith.constant 5 : i32
      %add3A_398 = arith.addi %add3A_332, %add3A_397 : i32
      %dma_start3A_399 = arith.constant 0 : i32
      %dma_start3A_400 = tpu.memref_slice %arg9[%add3A_398, %dma_start3A_399] : memref<512x64xf32, #tpu.memory_space<vmem>> -> memref<1x64xf32, #tpu.memory_space<vmem>>
      %dma_start3A_401 = arith.constant 0 : i32
      %dma_start3A_402 = tpu.memref_slice %arg5[%squeeze3A_396, %dma_start3A_401] : memref<1000000x64xf32, #tpu.memory_space<hbm>> -> memref<1x64xf32, #tpu.memory_space<hbm>>
      %dma_start3A_403 = arith.constant 0 : i32
      %dma_start3A_404 = tpu.memref_slice %arg9[%add3A_398, %dma_start3A_403] : memref<512x64xf32, #tpu.memory_space<vmem>> -> memref<1x64xf32, #tpu.memory_space<vmem>>
      %dma_start3A_405 = arith.constant 0 : i32
      %dma_start3A_406 = tpu.memref_slice %arg5[%squeeze3A_396, %dma_start3A_405] : memref<1000000x64xf32, #tpu.memory_space<hbm>> -> memref<1x64xf32, #tpu.memory_space<hbm>>
      tpu.enqueue_dma source(%dma_start3A_406 : memref<1x64xf32, #tpu.memory_space<hbm>>) target(%dma_start3A_404 : memref<1x64xf32, #tpu.memory_space<vmem>>) target_semaphore(%arg11 : memref<!tpu.dma_semaphore, #tpu.memory_space<semaphore_mem>>)
      %slice3A_407 = vector.extract_strided_slice %get3A_336 {offsets = [6], sizes = [1], strides = [1]} : vector<16xi32> to vector<1xi32>
      %squeeze3A_408 = vector.extract %slice3A_407[0] : i32 from vector<1xi32>
      %add3A_409 = arith.constant 6 : i32
      %add3A_410 = arith.addi %add3A_332, %add3A_409 : i32
      %dma_start3A_411 = arith.constant 0 : i32
      %dma_start3A_412 = tpu.memref_slice %arg9[%add3A_410, %dma_start3A_411] : memref<512x64xf32, #tpu.memory_space<vmem>> -> memref<1x64xf32, #tpu.memory_space<vmem>>
      %dma_start3A_413 = arith.constant 0 : i32
      %dma_start3A_414 = tpu.memref_slice %arg5[%squeeze3A_408, %dma_start3A_413] : memref<1000000x64xf32, #tpu.memory_space<hbm>> -> memref<1x64xf32, #tpu.memory_space<hbm>>
      %dma_start3A_415 = arith.constant 0 : i32
      %dma_start3A_416 = tpu.memref_slice %arg9[%add3A_410, %dma_start3A_415] : memref<512x64xf32, #tpu.memory_space<vmem>> -> memref<1x64xf32, #tpu.memory_space<vmem>>
      %dma_start3A_417 = arith.constant 0 : i32
      %dma_start3A_418 = tpu.memref_slice %arg5[%squeeze3A_408, %dma_start3A_417] : memref<1000000x64xf32, #tpu.memory_space<hbm>> -> memref<1x64xf32, #tpu.memory_space<hbm>>
      tpu.enqueue_dma source(%dma_start3A_418 : memref<1x64xf32, #tpu.memory_space<hbm>>) target(%dma_start3A_416 : memref<1x64xf32, #tpu.memory_space<vmem>>) target_semaphore(%arg11 : memref<!tpu.dma_semaphore, #tpu.memory_space<semaphore_mem>>)
      %slice3A_419 = vector.extract_strided_slice %get3A_336 {offsets = [7], sizes = [1], strides = [1]} : vector<16xi32> to vector<1xi32>
      %squeeze3A_420 = vector.extract %slice3A_419[0] : i32 from vector<1xi32>
      %add3A_421 = arith.constant 7 : i32
      %add3A_422 = arith.addi %add3A_332, %add3A_421 : i32
      %dma_start3A_423 = arith.constant 0 : i32
      %dma_start3A_424 = tpu.memref_slice %arg9[%add3A_422, %dma_start3A_423] : memref<512x64xf32, #tpu.memory_space<vmem>> -> memref<1x64xf32, #tpu.memory_space<vmem>>
      %dma_start3A_425 = arith.constant 0 : i32
      %dma_start3A_426 = tpu.memref_slice %arg5[%squeeze3A_420, %dma_start3A_425] : memref<1000000x64xf32, #tpu.memory_space<hbm>> -> memref<1x64xf32, #tpu.memory_space<hbm>>
      %dma_start3A_427 = arith.constant 0 : i32
      %dma_start3A_428 = tpu.memref_slice %arg9[%add3A_422, %dma_start3A_427] : memref<512x64xf32, #tpu.memory_space<vmem>> -> memref<1x64xf32, #tpu.memory_space<vmem>>
      %dma_start3A_429 = arith.constant 0 : i32
      %dma_start3A_430 = tpu.memref_slice %arg5[%squeeze3A_420, %dma_start3A_429] : memref<1000000x64xf32, #tpu.memory_space<hbm>> -> memref<1x64xf32, #tpu.memory_space<hbm>>
      tpu.enqueue_dma source(%dma_start3A_430 : memref<1x64xf32, #tpu.memory_space<hbm>>) target(%dma_start3A_428 : memref<1x64xf32, #tpu.memory_space<vmem>>) target_semaphore(%arg11 : memref<!tpu.dma_semaphore, #tpu.memory_space<semaphore_mem>>)
      %slice3A_431 = vector.extract_strided_slice %get3A_336 {offsets = [8], sizes = [1], strides = [1]} : vector<16xi32> to vector<1xi32>
      %squeeze3A_432 = vector.extract %slice3A_431[0] : i32 from vector<1xi32>
      %add3A_433 = arith.constant 8 : i32
      %add3A_434 = arith.addi %add3A_332, %add3A_433 : i32
      %dma_start3A_435 = arith.constant 0 : i32
      %dma_start3A_436 = tpu.memref_slice %arg9[%add3A_434, %dma_start3A_435] : memref<512x64xf32, #tpu.memory_space<vmem>> -> memref<1x64xf32, #tpu.memory_space<vmem>>
      %dma_start3A_437 = arith.constant 0 : i32
      %dma_start3A_438 = tpu.memref_slice %arg5[%squeeze3A_432, %dma_start3A_437] : memref<1000000x64xf32, #tpu.memory_space<hbm>> -> memref<1x64xf32, #tpu.memory_space<hbm>>
      %dma_start3A_439 = arith.constant 0 : i32
      %dma_start3A_440 = tpu.memref_slice %arg9[%add3A_434, %dma_start3A_439] : memref<512x64xf32, #tpu.memory_space<vmem>> -> memref<1x64xf32, #tpu.memory_space<vmem>>
      %dma_start3A_441 = arith.constant 0 : i32
      %dma_start3A_442 = tpu.memref_slice %arg5[%squeeze3A_432, %dma_start3A_441] : memref<1000000x64xf32, #tpu.memory_space<hbm>> -> memref<1x64xf32, #tpu.memory_space<hbm>>
      tpu.enqueue_dma source(%dma_start3A_442 : memref<1x64xf32, #tpu.memory_space<hbm>>) target(%dma_start3A_440 : memref<1x64xf32, #tpu.memory_space<vmem>>) target_semaphore(%arg11 : memref<!tpu.dma_semaphore, #tpu.memory_space<semaphore_mem>>)
      %slice3A_443 = vector.extract_strided_slice %get3A_336 {offsets = [9], sizes = [1], strides = [1]} : vector<16xi32> to vector<1xi32>
      %squeeze3A_444 = vector.extract %slice3A_443[0] : i32 from vector<1xi32>
      %add3A_445 = arith.constant 9 : i32
      %add3A_446 = arith.addi %add3A_332, %add3A_445 : i32
      %dma_start3A_447 = arith.constant 0 : i32
      %dma_start3A_448 = tpu.memref_slice %arg9[%add3A_446, %dma_start3A_447] : memref<512x64xf32, #tpu.memory_space<vmem>> -> memref<1x64xf32, #tpu.memory_space<vmem>>
      %dma_start3A_449 = arith.constant 0 : i32
      %dma_start3A_450 = tpu.memref_slice %arg5[%squeeze3A_444, %dma_start3A_449] : memref<1000000x64xf32, #tpu.memory_space<hbm>> -> memref<1x64xf32, #tpu.memory_space<hbm>>
      %dma_start3A_451 = arith.constant 0 : i32
      %dma_start3A_452 = tpu.memref_slice %arg9[%add3A_446, %dma_start3A_451] : memref<512x64xf32, #tpu.memory_space<vmem>> -> memref<1x64xf32, #tpu.memory_space<vmem>>
      %dma_start3A_453 = arith.constant 0 : i32
      %dma_start3A_454 = tpu.memref_slice %arg5[%squeeze3A_444, %dma_start3A_453] : memref<1000000x64xf32, #tpu.memory_space<hbm>> -> memref<1x64xf32, #tpu.memory_space<hbm>>
      tpu.enqueue_dma source(%dma_start3A_454 : memref<1x64xf32, #tpu.memory_space<hbm>>) target(%dma_start3A_452 : memref<1x64xf32, #tpu.memory_space<vmem>>) target_semaphore(%arg11 : memref<!tpu.dma_semaphore, #tpu.memory_space<semaphore_mem>>)
      %slice3A_455 = vector.extract_strided_slice %get3A_336 {offsets = [10], sizes = [1], strides = [1]} : vector<16xi32> to vector<1xi32>
      %squeeze3A_456 = vector.extract %slice3A_455[0] : i32 from vector<1xi32>
      %add3A_457 = arith.constant 10 : i32
      %add3A_458 = arith.addi %add3A_332, %add3A_457 : i32
      %dma_start3A_459 = arith.constant 0 : i32
      %dma_start3A_460 = tpu.memref_slice %arg9[%add3A_458, %dma_start3A_459] : memref<512x64xf32, #tpu.memory_space<vmem>> -> memref<1x64xf32, #tpu.memory_space<vmem>>
      %dma_start3A_461 = arith.constant 0 : i32
      %dma_start3A_462 = tpu.memref_slice %arg5[%squeeze3A_456, %dma_start3A_461] : memref<1000000x64xf32, #tpu.memory_space<hbm>> -> memref<1x64xf32, #tpu.memory_space<hbm>>
      %dma_start3A_463 = arith.constant 0 : i32
      %dma_start3A_464 = tpu.memref_slice %arg9[%add3A_458, %dma_start3A_463] : memref<512x64xf32, #tpu.memory_space<vmem>> -> memref<1x64xf32, #tpu.memory_space<vmem>>
      %dma_start3A_465 = arith.constant 0 : i32
      %dma_start3A_466 = tpu.memref_slice %arg5[%squeeze3A_456, %dma_start3A_465] : memref<1000000x64xf32, #tpu.memory_space<hbm>> -> memref<1x64xf32, #tpu.memory_space<hbm>>
      tpu.enqueue_dma source(%dma_start3A_466 : memref<1x64xf32, #tpu.memory_space<hbm>>) target(%dma_start3A_464 : memref<1x64xf32, #tpu.memory_space<vmem>>) target_semaphore(%arg11 : memref<!tpu.dma_semaphore, #tpu.memory_space<semaphore_mem>>)
      %slice3A_467 = vector.extract_strided_slice %get3A_336 {offsets = [11], sizes = [1], strides = [1]} : vector<16xi32> to vector<1xi32>
      %squeeze3A_468 = vector.extract %slice3A_467[0] : i32 from vector<1xi32>
      %add3A_469 = arith.constant 11 : i32
      %add3A_470 = arith.addi %add3A_332, %add3A_469 : i32
      %dma_start3A_471 = arith.constant 0 : i32
      %dma_start3A_472 = tpu.memref_slice %arg9[%add3A_470, %dma_start3A_471] : memref<512x64xf32, #tpu.memory_space<vmem>> -> memref<1x64xf32, #tpu.memory_space<vmem>>
      %dma_start3A_473 = arith.constant 0 : i32
      %dma_start3A_474 = tpu.memref_slice %arg5[%squeeze3A_468, %dma_start3A_473] : memref<1000000x64xf32, #tpu.memory_space<hbm>> -> memref<1x64xf32, #tpu.memory_space<hbm>>
      %dma_start3A_475 = arith.constant 0 : i32
      %dma_start3A_476 = tpu.memref_slice %arg9[%add3A_470, %dma_start3A_475] : memref<512x64xf32, #tpu.memory_space<vmem>> -> memref<1x64xf32, #tpu.memory_space<vmem>>
      %dma_start3A_477 = arith.constant 0 : i32
      %dma_start3A_478 = tpu.memref_slice %arg5[%squeeze3A_468, %dma_start3A_477] : memref<1000000x64xf32, #tpu.memory_space<hbm>> -> memref<1x64xf32, #tpu.memory_space<hbm>>
      tpu.enqueue_dma source(%dma_start3A_478 : memref<1x64xf32, #tpu.memory_space<hbm>>) target(%dma_start3A_476 : memref<1x64xf32, #tpu.memory_space<vmem>>) target_semaphore(%arg11 : memref<!tpu.dma_semaphore, #tpu.memory_space<semaphore_mem>>)
      %slice3A_479 = vector.extract_strided_slice %get3A_336 {offsets = [12], sizes = [1], strides = [1]} : vector<16xi32> to vector<1xi32>
      %squeeze3A_480 = vector.extract %slice3A_479[0] : i32 from vector<1xi32>
      %add3A_481 = arith.constant 12 : i32
      %add3A_482 = arith.addi %add3A_332, %add3A_481 : i32
      %dma_start3A_483 = arith.constant 0 : i32
      %dma_start3A_484 = tpu.memref_slice %arg9[%add3A_482, %dma_start3A_483] : memref<512x64xf32, #tpu.memory_space<vmem>> -> memref<1x64xf32, #tpu.memory_space<vmem>>
      %dma_start3A_485 = arith.constant 0 : i32
      %dma_start3A_486 = tpu.memref_slice %arg5[%squeeze3A_480, %dma_start3A_485] : memref<1000000x64xf32, #tpu.memory_space<hbm>> -> memref<1x64xf32, #tpu.memory_space<hbm>>
      %dma_start3A_487 = arith.constant 0 : i32
      %dma_start3A_488 = tpu.memref_slice %arg9[%add3A_482, %dma_start3A_487] : memref<512x64xf32, #tpu.memory_space<vmem>> -> memref<1x64xf32, #tpu.memory_space<vmem>>
      %dma_start3A_489 = arith.constant 0 : i32
      %dma_start3A_490 = tpu.memref_slice %arg5[%squeeze3A_480, %dma_start3A_489] : memref<1000000x64xf32, #tpu.memory_space<hbm>> -> memref<1x64xf32, #tpu.memory_space<hbm>>
      tpu.enqueue_dma source(%dma_start3A_490 : memref<1x64xf32, #tpu.memory_space<hbm>>) target(%dma_start3A_488 : memref<1x64xf32, #tpu.memory_space<vmem>>) target_semaphore(%arg11 : memref<!tpu.dma_semaphore, #tpu.memory_space<semaphore_mem>>)
      %slice3A_491 = vector.extract_strided_slice %get3A_336 {offsets = [13], sizes = [1], strides = [1]} : vector<16xi32> to vector<1xi32>
      %squeeze3A_492 = vector.extract %slice3A_491[0] : i32 from vector<1xi32>
      %add3A_493 = arith.constant 13 : i32
      %add3A_494 = arith.addi %add3A_332, %add3A_493 : i32
      %dma_start3A_495 = arith.constant 0 : i32
      %dma_start3A_496 = tpu.memref_slice %arg9[%add3A_494, %dma_start3A_495] : memref<512x64xf32, #tpu.memory_space<vmem>> -> memref<1x64xf32, #tpu.memory_space<vmem>>
      %dma_start3A_497 = arith.constant 0 : i32
      %dma_start3A_498 = tpu.memref_slice %arg5[%squeeze3A_492, %dma_start3A_497] : memref<1000000x64xf32, #tpu.memory_space<hbm>> -> memref<1x64xf32, #tpu.memory_space<hbm>>
      %dma_start3A_499 = arith.constant 0 : i32
      %dma_start3A_500 = tpu.memref_slice %arg9[%add3A_494, %dma_start3A_499] : memref<512x64xf32, #tpu.memory_space<vmem>> -> memref<1x64xf32, #tpu.memory_space<vmem>>
      %dma_start3A_501 = arith.constant 0 : i32
      %dma_start3A_502 = tpu.memref_slice %arg5[%squeeze3A_492, %dma_start3A_501] : memref<1000000x64xf32, #tpu.memory_space<hbm>> -> memref<1x64xf32, #tpu.memory_space<hbm>>
      tpu.enqueue_dma source(%dma_start3A_502 : memref<1x64xf32, #tpu.memory_space<hbm>>) target(%dma_start3A_500 : memref<1x64xf32, #tpu.memory_space<vmem>>) target_semaphore(%arg11 : memref<!tpu.dma_semaphore, #tpu.memory_space<semaphore_mem>>)
      %slice3A_503 = vector.extract_strided_slice %get3A_336 {offsets = [14], sizes = [1], strides = [1]} : vector<16xi32> to vector<1xi32>
      %squeeze3A_504 = vector.extract %slice3A_503[0] : i32 from vector<1xi32>
      %add3A_505 = arith.constant 14 : i32
      %add3A_506 = arith.addi %add3A_332, %add3A_505 : i32
      %dma_start3A_507 = arith.constant 0 : i32
      %dma_start3A_508 = tpu.memref_slice %arg9[%add3A_506, %dma_start3A_507] : memref<512x64xf32, #tpu.memory_space<vmem>> -> memref<1x64xf32, #tpu.memory_space<vmem>>
      %dma_start3A_509 = arith.constant 0 : i32
      %dma_start3A_510 = tpu.memref_slice %arg5[%squeeze3A_504, %dma_start3A_509] : memref<1000000x64xf32, #tpu.memory_space<hbm>> -> memref<1x64xf32, #tpu.memory_space<hbm>>
      %dma_start3A_511 = arith.constant 0 : i32
      %dma_start3A_512 = tpu.memref_slice %arg9[%add3A_506, %dma_start3A_511] : memref<512x64xf32, #tpu.memory_space<vmem>> -> memref<1x64xf32, #tpu.memory_space<vmem>>
      %dma_start3A_513 = arith.constant 0 : i32
      %dma_start3A_514 = tpu.memref_slice %arg5[%squeeze3A_504, %dma_start3A_513] : memref<1000000x64xf32, #tpu.memory_space<hbm>> -> memref<1x64xf32, #tpu.memory_space<hbm>>
      tpu.enqueue_dma source(%dma_start3A_514 : memref<1x64xf32, #tpu.memory_space<hbm>>) target(%dma_start3A_512 : memref<1x64xf32, #tpu.memory_space<vmem>>) target_semaphore(%arg11 : memref<!tpu.dma_semaphore, #tpu.memory_space<semaphore_mem>>)
      %slice3A_515 = vector.extract_strided_slice %get3A_336 {offsets = [15], sizes = [1], strides = [1]} : vector<16xi32> to vector<1xi32>
      %squeeze3A_516 = vector.extract %slice3A_515[0] : i32 from vector<1xi32>
      %add3A_517 = arith.constant 15 : i32
      %add3A_518 = arith.addi %add3A_332, %add3A_517 : i32
      %dma_start3A_519 = arith.constant 0 : i32
      %dma_start3A_520 = tpu.memref_slice %arg9[%add3A_518, %dma_start3A_519] : memref<512x64xf32, #tpu.memory_space<vmem>> -> memref<1x64xf32, #tpu.memory_space<vmem>>
      %dma_start3A_521 = arith.constant 0 : i32
      %dma_start3A_522 = tpu.memref_slice %arg5[%squeeze3A_516, %dma_start3A_521] : memref<1000000x64xf32, #tpu.memory_space<hbm>> -> memref<1x64xf32, #tpu.memory_space<hbm>>
      %dma_start3A_523 = arith.constant 0 : i32
      %dma_start3A_524 = tpu.memref_slice %arg9[%add3A_518, %dma_start3A_523] : memref<512x64xf32, #tpu.memory_space<vmem>> -> memref<1x64xf32, #tpu.memory_space<vmem>>
      %dma_start3A_525 = arith.constant 0 : i32
      %dma_start3A_526 = tpu.memref_slice %arg5[%squeeze3A_516, %dma_start3A_525] : memref<1000000x64xf32, #tpu.memory_space<hbm>> -> memref<1x64xf32, #tpu.memory_space<hbm>>
      tpu.enqueue_dma source(%dma_start3A_526 : memref<1x64xf32, #tpu.memory_space<hbm>>) target(%dma_start3A_524 : memref<1x64xf32, #tpu.memory_space<vmem>>) target_semaphore(%arg11 : memref<!tpu.dma_semaphore, #tpu.memory_space<semaphore_mem>>)
    }
    %scan3A_173 = arith.constant 8 : i32
    %dma_wait3A_174 = arith.constant 0 : i32
    %dma_wait3A_175 = arith.constant 0 : i32
    %dma_wait3A_176 = tpu.memref_slice %arg9[%dma_wait3A_174, %dma_wait3A_175] : memref<512x64xf32, #tpu.memory_space<vmem>> -> memref<128x64xf32, #tpu.memory_space<vmem>>
    %dma_wait3A_177 = arith.constant 0 : i32
    %dma_wait3A_178 = arith.constant 0 : i32
    %dma_wait3A_179 = tpu.memref_slice %arg4[%dma_wait3A_177, %dma_wait3A_178] : memref<1000000x64xf32, #tpu.memory_space<hbm>> -> memref<128x64xf32, #tpu.memory_space<hbm>>
    %dma_wait3A_180 = arith.constant 0 : i32
    %dma_wait3A_181 = arith.constant 0 : i32
    %dma_wait3A_182 = tpu.memref_slice %arg9[%dma_wait3A_180, %dma_wait3A_181] : memref<512x64xf32, #tpu.memory_space<vmem>> -> memref<128x64xf32, #tpu.memory_space<vmem>>
    %dma_wait3A_183 = arith.constant 0 : i32
    %dma_wait3A_184 = arith.constant 0 : i32
    %dma_wait3A_185 = tpu.memref_slice %arg4[%dma_wait3A_183, %dma_wait3A_184] : memref<1000000x64xf32, #tpu.memory_space<hbm>> -> memref<128x64xf32, #tpu.memory_space<hbm>>
    tpu.wait_dma2 semaphore(%arg10 : memref<!tpu.dma_semaphore, #tpu.memory_space<semaphore_mem>>) src(%dma_wait3A_185 : memref<128x64xf32, #tpu.memory_space<hbm>>) dst(%dma_wait3A_182 : memref<128x64xf32, #tpu.memory_space<vmem>>)
    %add3A_186 = arith.constant 0 : i32
    %add3A_187 = arith.addi %mul3A_2, %add3A_186 : i32
    %dma_start3A_188 = arith.constant 0 : i32
    %dma_start3A_189 = arith.constant 0 : i32
    %dma_start3A_190 = tpu.memref_slice %arg9[%dma_start3A_188, %dma_start3A_189] : memref<512x64xf32, #tpu.memory_space<vmem>> -> memref<128x64xf32, #tpu.memory_space<vmem>>
    %dma_start3A_191 = arith.constant 0 : i32
    %dma_start3A_192 = tpu.memref_slice %arg7[%add3A_187, %dma_start3A_191] : memref<16384x64xf32, #tpu.memory_space<hbm>> -> memref<128x64xf32, #tpu.memory_space<hbm>>
    %dma_start3A_193 = arith.constant 0 : i32
    %dma_start3A_194 = tpu.memref_slice %arg7[%add3A_187, %dma_start3A_193] : memref<16384x64xf32, #tpu.memory_space<hbm>> -> memref<128x64xf32, #tpu.memory_space<hbm>>
    %dma_start3A_195 = arith.constant 0 : i32
    %dma_start3A_196 = arith.constant 0 : i32
    %dma_start3A_197 = tpu.memref_slice %arg9[%dma_start3A_195, %dma_start3A_196] : memref<512x64xf32, #tpu.memory_space<vmem>> -> memref<128x64xf32, #tpu.memory_space<vmem>>
    tpu.enqueue_dma source(%dma_start3A_197 : memref<128x64xf32, #tpu.memory_space<vmem>>) target(%dma_start3A_194 : memref<128x64xf32, #tpu.memory_space<hbm>>) target_semaphore(%arg12 : memref<!tpu.dma_semaphore, #tpu.memory_space<semaphore_mem>>)
    %scan3A_198 = arith.constant 0 : i32
    %scan3A_199 = arith.constant 8 : i32
    %scan3A_200 = arith.addi %scan3A_198, %scan3A_199 : i32
    %scan3A_201 = arith.constant 1 : i32
    scf.for %scan3A_328 = %scan3A_198 to %scan3A_200 step %scan3A_201  : i32 {
      %mul3A_329 = arith.constant 16 : i32
      %mul3A_330 = arith.muli %scan3A_328, %mul3A_329 : i32
      %add3A_331 = arith.constant 256 : i32
      %add3A_332 = arith.addi %add3A_331, %mul3A_330 : i32
      %add3A_333 = arith.constant 512 : i32
      %add3A_334 = arith.addi %add3A_333, %add3A_332 : i32
      %get3A = arith.index_cast %add3A_334 : i32 to index
      %get3A_335 = tpu.vector_load %arg8[%get3A] {strides = array<i32>} : memref<1024xi32, #tpu.memory_space<vmem>>, vector<16xi32>,
      %get3A_336 = vector.shape_cast %get3A_335 : vector<16xi32> to vector<16xi32>
      %slice3A = vector.extract_strided_slice %get3A_336 {offsets = [0], sizes = [1], strides = [1]} : vector<16xi32> to vector<1xi32>
      %squeeze3A = vector.extract %slice3A[0] : i32 from vector<1xi32>
      %add3A_337 = arith.constant 0 : i32
      %add3A_338 = arith.addi %add3A_332, %add3A_337 : i32
      %dma_start3A_339 = arith.constant 0 : i32
      %dma_start3A_340 = tpu.memref_slice %arg9[%add3A_338, %dma_start3A_339] : memref<512x64xf32, #tpu.memory_space<vmem>> -> memref<1x64xf32, #tpu.memory_space<vmem>>
      %dma_start3A_341 = arith.constant 0 : i32
      %dma_start3A_342 = tpu.memref_slice %arg5[%squeeze3A, %dma_start3A_341] : memref<1000000x64xf32, #tpu.memory_space<hbm>> -> memref<1x64xf32, #tpu.memory_space<hbm>>
      %dma_start3A_343 = arith.constant 0 : i32
      %dma_start3A_344 = tpu.memref_slice %arg9[%add3A_338, %dma_start3A_343] : memref<512x64xf32, #tpu.memory_space<vmem>> -> memref<1x64xf32, #tpu.memory_space<vmem>>
      %dma_start3A_345 = arith.constant 0 : i32
      %dma_start3A_346 = tpu.memref_slice %arg5[%squeeze3A, %dma_start3A_345] : memref<1000000x64xf32, #tpu.memory_space<hbm>> -> memref<1x64xf32, #tpu.memory_space<hbm>>
      tpu.enqueue_dma source(%dma_start3A_346 : memref<1x64xf32, #tpu.memory_space<hbm>>) target(%dma_start3A_344 : memref<1x64xf32, #tpu.memory_space<vmem>>) target_semaphore(%arg10 : memref<!tpu.dma_semaphore, #tpu.memory_space<semaphore_mem>>)
      %slice3A_347 = vector.extract_strided_slice %get3A_336 {offsets = [1], sizes = [1], strides = [1]} : vector<16xi32> to vector<1xi32>
      %squeeze3A_348 = vector.extract %slice3A_347[0] : i32 from vector<1xi32>
      %add3A_349 = arith.constant 1 : i32
      %add3A_350 = arith.addi %add3A_332, %add3A_349 : i32
      %dma_start3A_351 = arith.constant 0 : i32
      %dma_start3A_352 = tpu.memref_slice %arg9[%add3A_350, %dma_start3A_351] : memref<512x64xf32, #tpu.memory_space<vmem>> -> memref<1x64xf32, #tpu.memory_space<vmem>>
      %dma_start3A_353 = arith.constant 0 : i32
      %dma_start3A_354 = tpu.memref_slice %arg5[%squeeze3A_348, %dma_start3A_353] : memref<1000000x64xf32, #tpu.memory_space<hbm>> -> memref<1x64xf32, #tpu.memory_space<hbm>>
      %dma_start3A_355 = arith.constant 0 : i32
      %dma_start3A_356 = tpu.memref_slice %arg9[%add3A_350, %dma_start3A_355] : memref<512x64xf32, #tpu.memory_space<vmem>> -> memref<1x64xf32, #tpu.memory_space<vmem>>
      %dma_start3A_357 = arith.constant 0 : i32
      %dma_start3A_358 = tpu.memref_slice %arg5[%squeeze3A_348, %dma_start3A_357] : memref<1000000x64xf32, #tpu.memory_space<hbm>> -> memref<1x64xf32, #tpu.memory_space<hbm>>
      tpu.enqueue_dma source(%dma_start3A_358 : memref<1x64xf32, #tpu.memory_space<hbm>>) target(%dma_start3A_356 : memref<1x64xf32, #tpu.memory_space<vmem>>) target_semaphore(%arg10 : memref<!tpu.dma_semaphore, #tpu.memory_space<semaphore_mem>>)
      %slice3A_359 = vector.extract_strided_slice %get3A_336 {offsets = [2], sizes = [1], strides = [1]} : vector<16xi32> to vector<1xi32>
      %squeeze3A_360 = vector.extract %slice3A_359[0] : i32 from vector<1xi32>
      %add3A_361 = arith.constant 2 : i32
      %add3A_362 = arith.addi %add3A_332, %add3A_361 : i32
      %dma_start3A_363 = arith.constant 0 : i32
      %dma_start3A_364 = tpu.memref_slice %arg9[%add3A_362, %dma_start3A_363] : memref<512x64xf32, #tpu.memory_space<vmem>> -> memref<1x64xf32, #tpu.memory_space<vmem>>
      %dma_start3A_365 = arith.constant 0 : i32
      %dma_start3A_366 = tpu.memref_slice %arg5[%squeeze3A_360, %dma_start3A_365] : memref<1000000x64xf32, #tpu.memory_space<hbm>> -> memref<1x64xf32, #tpu.memory_space<hbm>>
      %dma_start3A_367 = arith.constant 0 : i32
      %dma_start3A_368 = tpu.memref_slice %arg9[%add3A_362, %dma_start3A_367] : memref<512x64xf32, #tpu.memory_space<vmem>> -> memref<1x64xf32, #tpu.memory_space<vmem>>
      %dma_start3A_369 = arith.constant 0 : i32
      %dma_start3A_370 = tpu.memref_slice %arg5[%squeeze3A_360, %dma_start3A_369] : memref<1000000x64xf32, #tpu.memory_space<hbm>> -> memref<1x64xf32, #tpu.memory_space<hbm>>
      tpu.enqueue_dma source(%dma_start3A_370 : memref<1x64xf32, #tpu.memory_space<hbm>>) target(%dma_start3A_368 : memref<1x64xf32, #tpu.memory_space<vmem>>) target_semaphore(%arg10 : memref<!tpu.dma_semaphore, #tpu.memory_space<semaphore_mem>>)
      %slice3A_371 = vector.extract_strided_slice %get3A_336 {offsets = [3], sizes = [1], strides = [1]} : vector<16xi32> to vector<1xi32>
      %squeeze3A_372 = vector.extract %slice3A_371[0] : i32 from vector<1xi32>
      %add3A_373 = arith.constant 3 : i32
      %add3A_374 = arith.addi %add3A_332, %add3A_373 : i32
      %dma_start3A_375 = arith.constant 0 : i32
      %dma_start3A_376 = tpu.memref_slice %arg9[%add3A_374, %dma_start3A_375] : memref<512x64xf32, #tpu.memory_space<vmem>> -> memref<1x64xf32, #tpu.memory_space<vmem>>
      %dma_start3A_377 = arith.constant 0 : i32
      %dma_start3A_378 = tpu.memref_slice %arg5[%squeeze3A_372, %dma_start3A_377] : memref<1000000x64xf32, #tpu.memory_space<hbm>> -> memref<1x64xf32, #tpu.memory_space<hbm>>
      %dma_start3A_379 = arith.constant 0 : i32
      %dma_start3A_380 = tpu.memref_slice %arg9[%add3A_374, %dma_start3A_379] : memref<512x64xf32, #tpu.memory_space<vmem>> -> memref<1x64xf32, #tpu.memory_space<vmem>>
      %dma_start3A_381 = arith.constant 0 : i32
      %dma_start3A_382 = tpu.memref_slice %arg5[%squeeze3A_372, %dma_start3A_381] : memref<1000000x64xf32, #tpu.memory_space<hbm>> -> memref<1x64xf32, #tpu.memory_space<hbm>>
      tpu.enqueue_dma source(%dma_start3A_382 : memref<1x64xf32, #tpu.memory_space<hbm>>) target(%dma_start3A_380 : memref<1x64xf32, #tpu.memory_space<vmem>>) target_semaphore(%arg10 : memref<!tpu.dma_semaphore, #tpu.memory_space<semaphore_mem>>)
      %slice3A_383 = vector.extract_strided_slice %get3A_336 {offsets = [4], sizes = [1], strides = [1]} : vector<16xi32> to vector<1xi32>
      %squeeze3A_384 = vector.extract %slice3A_383[0] : i32 from vector<1xi32>
      %add3A_385 = arith.constant 4 : i32
      %add3A_386 = arith.addi %add3A_332, %add3A_385 : i32
      %dma_start3A_387 = arith.constant 0 : i32
      %dma_start3A_388 = tpu.memref_slice %arg9[%add3A_386, %dma_start3A_387] : memref<512x64xf32, #tpu.memory_space<vmem>> -> memref<1x64xf32, #tpu.memory_space<vmem>>
      %dma_start3A_389 = arith.constant 0 : i32
      %dma_start3A_390 = tpu.memref_slice %arg5[%squeeze3A_384, %dma_start3A_389] : memref<1000000x64xf32, #tpu.memory_space<hbm>> -> memref<1x64xf32, #tpu.memory_space<hbm>>
      %dma_start3A_391 = arith.constant 0 : i32
      %dma_start3A_392 = tpu.memref_slice %arg9[%add3A_386, %dma_start3A_391] : memref<512x64xf32, #tpu.memory_space<vmem>> -> memref<1x64xf32, #tpu.memory_space<vmem>>
      %dma_start3A_393 = arith.constant 0 : i32
      %dma_start3A_394 = tpu.memref_slice %arg5[%squeeze3A_384, %dma_start3A_393] : memref<1000000x64xf32, #tpu.memory_space<hbm>> -> memref<1x64xf32, #tpu.memory_space<hbm>>
      tpu.enqueue_dma source(%dma_start3A_394 : memref<1x64xf32, #tpu.memory_space<hbm>>) target(%dma_start3A_392 : memref<1x64xf32, #tpu.memory_space<vmem>>) target_semaphore(%arg10 : memref<!tpu.dma_semaphore, #tpu.memory_space<semaphore_mem>>)
      %slice3A_395 = vector.extract_strided_slice %get3A_336 {offsets = [5], sizes = [1], strides = [1]} : vector<16xi32> to vector<1xi32>
      %squeeze3A_396 = vector.extract %slice3A_395[0] : i32 from vector<1xi32>
      %add3A_397 = arith.constant 5 : i32
      %add3A_398 = arith.addi %add3A_332, %add3A_397 : i32
      %dma_start3A_399 = arith.constant 0 : i32
      %dma_start3A_400 = tpu.memref_slice %arg9[%add3A_398, %dma_start3A_399] : memref<512x64xf32, #tpu.memory_space<vmem>> -> memref<1x64xf32, #tpu.memory_space<vmem>>
      %dma_start3A_401 = arith.constant 0 : i32
      %dma_start3A_402 = tpu.memref_slice %arg5[%squeeze3A_396, %dma_start3A_401] : memref<1000000x64xf32, #tpu.memory_space<hbm>> -> memref<1x64xf32, #tpu.memory_space<hbm>>
      %dma_start3A_403 = arith.constant 0 : i32
      %dma_start3A_404 = tpu.memref_slice %arg9[%add3A_398, %dma_start3A_403] : memref<512x64xf32, #tpu.memory_space<vmem>> -> memref<1x64xf32, #tpu.memory_space<vmem>>
      %dma_start3A_405 = arith.constant 0 : i32
      %dma_start3A_406 = tpu.memref_slice %arg5[%squeeze3A_396, %dma_start3A_405] : memref<1000000x64xf32, #tpu.memory_space<hbm>> -> memref<1x64xf32, #tpu.memory_space<hbm>>
      tpu.enqueue_dma source(%dma_start3A_406 : memref<1x64xf32, #tpu.memory_space<hbm>>) target(%dma_start3A_404 : memref<1x64xf32, #tpu.memory_space<vmem>>) target_semaphore(%arg10 : memref<!tpu.dma_semaphore, #tpu.memory_space<semaphore_mem>>)
      %slice3A_407 = vector.extract_strided_slice %get3A_336 {offsets = [6], sizes = [1], strides = [1]} : vector<16xi32> to vector<1xi32>
      %squeeze3A_408 = vector.extract %slice3A_407[0] : i32 from vector<1xi32>
      %add3A_409 = arith.constant 6 : i32
      %add3A_410 = arith.addi %add3A_332, %add3A_409 : i32
      %dma_start3A_411 = arith.constant 0 : i32
      %dma_start3A_412 = tpu.memref_slice %arg9[%add3A_410, %dma_start3A_411] : memref<512x64xf32, #tpu.memory_space<vmem>> -> memref<1x64xf32, #tpu.memory_space<vmem>>
      %dma_start3A_413 = arith.constant 0 : i32
      %dma_start3A_414 = tpu.memref_slice %arg5[%squeeze3A_408, %dma_start3A_413] : memref<1000000x64xf32, #tpu.memory_space<hbm>> -> memref<1x64xf32, #tpu.memory_space<hbm>>
      %dma_start3A_415 = arith.constant 0 : i32
      %dma_start3A_416 = tpu.memref_slice %arg9[%add3A_410, %dma_start3A_415] : memref<512x64xf32, #tpu.memory_space<vmem>> -> memref<1x64xf32, #tpu.memory_space<vmem>>
      %dma_start3A_417 = arith.constant 0 : i32
      %dma_start3A_418 = tpu.memref_slice %arg5[%squeeze3A_408, %dma_start3A_417] : memref<1000000x64xf32, #tpu.memory_space<hbm>> -> memref<1x64xf32, #tpu.memory_space<hbm>>
      tpu.enqueue_dma source(%dma_start3A_418 : memref<1x64xf32, #tpu.memory_space<hbm>>) target(%dma_start3A_416 : memref<1x64xf32, #tpu.memory_space<vmem>>) target_semaphore(%arg10 : memref<!tpu.dma_semaphore, #tpu.memory_space<semaphore_mem>>)
      %slice3A_419 = vector.extract_strided_slice %get3A_336 {offsets = [7], sizes = [1], strides = [1]} : vector<16xi32> to vector<1xi32>
      %squeeze3A_420 = vector.extract %slice3A_419[0] : i32 from vector<1xi32>
      %add3A_421 = arith.constant 7 : i32
      %add3A_422 = arith.addi %add3A_332, %add3A_421 : i32
      %dma_start3A_423 = arith.constant 0 : i32
      %dma_start3A_424 = tpu.memref_slice %arg9[%add3A_422, %dma_start3A_423] : memref<512x64xf32, #tpu.memory_space<vmem>> -> memref<1x64xf32, #tpu.memory_space<vmem>>
      %dma_start3A_425 = arith.constant 0 : i32
      %dma_start3A_426 = tpu.memref_slice %arg5[%squeeze3A_420, %dma_start3A_425] : memref<1000000x64xf32, #tpu.memory_space<hbm>> -> memref<1x64xf32, #tpu.memory_space<hbm>>
      %dma_start3A_427 = arith.constant 0 : i32
      %dma_start3A_428 = tpu.memref_slice %arg9[%add3A_422, %dma_start3A_427] : memref<512x64xf32, #tpu.memory_space<vmem>> -> memref<1x64xf32, #tpu.memory_space<vmem>>
      %dma_start3A_429 = arith.constant 0 : i32
      %dma_start3A_430 = tpu.memref_slice %arg5[%squeeze3A_420, %dma_start3A_429] : memref<1000000x64xf32, #tpu.memory_space<hbm>> -> memref<1x64xf32, #tpu.memory_space<hbm>>
      tpu.enqueue_dma source(%dma_start3A_430 : memref<1x64xf32, #tpu.memory_space<hbm>>) target(%dma_start3A_428 : memref<1x64xf32, #tpu.memory_space<vmem>>) target_semaphore(%arg10 : memref<!tpu.dma_semaphore, #tpu.memory_space<semaphore_mem>>)
      %slice3A_431 = vector.extract_strided_slice %get3A_336 {offsets = [8], sizes = [1], strides = [1]} : vector<16xi32> to vector<1xi32>
      %squeeze3A_432 = vector.extract %slice3A_431[0] : i32 from vector<1xi32>
      %add3A_433 = arith.constant 8 : i32
      %add3A_434 = arith.addi %add3A_332, %add3A_433 : i32
      %dma_start3A_435 = arith.constant 0 : i32
      %dma_start3A_436 = tpu.memref_slice %arg9[%add3A_434, %dma_start3A_435] : memref<512x64xf32, #tpu.memory_space<vmem>> -> memref<1x64xf32, #tpu.memory_space<vmem>>
      %dma_start3A_437 = arith.constant 0 : i32
      %dma_start3A_438 = tpu.memref_slice %arg5[%squeeze3A_432, %dma_start3A_437] : memref<1000000x64xf32, #tpu.memory_space<hbm>> -> memref<1x64xf32, #tpu.memory_space<hbm>>
      %dma_start3A_439 = arith.constant 0 : i32
      %dma_start3A_440 = tpu.memref_slice %arg9[%add3A_434, %dma_start3A_439] : memref<512x64xf32, #tpu.memory_space<vmem>> -> memref<1x64xf32, #tpu.memory_space<vmem>>
      %dma_start3A_441 = arith.constant 0 : i32
      %dma_start3A_442 = tpu.memref_slice %arg5[%squeeze3A_432, %dma_start3A_441] : memref<1000000x64xf32, #tpu.memory_space<hbm>> -> memref<1x64xf32, #tpu.memory_space<hbm>>
      tpu.enqueue_dma source(%dma_start3A_442 : memref<1x64xf32, #tpu.memory_space<hbm>>) target(%dma_start3A_440 : memref<1x64xf32, #tpu.memory_space<vmem>>) target_semaphore(%arg10 : memref<!tpu.dma_semaphore, #tpu.memory_space<semaphore_mem>>)
      %slice3A_443 = vector.extract_strided_slice %get3A_336 {offsets = [9], sizes = [1], strides = [1]} : vector<16xi32> to vector<1xi32>
      %squeeze3A_444 = vector.extract %slice3A_443[0] : i32 from vector<1xi32>
      %add3A_445 = arith.constant 9 : i32
      %add3A_446 = arith.addi %add3A_332, %add3A_445 : i32
      %dma_start3A_447 = arith.constant 0 : i32
      %dma_start3A_448 = tpu.memref_slice %arg9[%add3A_446, %dma_start3A_447] : memref<512x64xf32, #tpu.memory_space<vmem>> -> memref<1x64xf32, #tpu.memory_space<vmem>>
      %dma_start3A_449 = arith.constant 0 : i32
      %dma_start3A_450 = tpu.memref_slice %arg5[%squeeze3A_444, %dma_start3A_449] : memref<1000000x64xf32, #tpu.memory_space<hbm>> -> memref<1x64xf32, #tpu.memory_space<hbm>>
      %dma_start3A_451 = arith.constant 0 : i32
      %dma_start3A_452 = tpu.memref_slice %arg9[%add3A_446, %dma_start3A_451] : memref<512x64xf32, #tpu.memory_space<vmem>> -> memref<1x64xf32, #tpu.memory_space<vmem>>
      %dma_start3A_453 = arith.constant 0 : i32
      %dma_start3A_454 = tpu.memref_slice %arg5[%squeeze3A_444, %dma_start3A_453] : memref<1000000x64xf32, #tpu.memory_space<hbm>> -> memref<1x64xf32, #tpu.memory_space<hbm>>
      tpu.enqueue_dma source(%dma_start3A_454 : memref<1x64xf32, #tpu.memory_space<hbm>>) target(%dma_start3A_452 : memref<1x64xf32, #tpu.memory_space<vmem>>) target_semaphore(%arg10 : memref<!tpu.dma_semaphore, #tpu.memory_space<semaphore_mem>>)
      %slice3A_455 = vector.extract_strided_slice %get3A_336 {offsets = [10], sizes = [1], strides = [1]} : vector<16xi32> to vector<1xi32>
      %squeeze3A_456 = vector.extract %slice3A_455[0] : i32 from vector<1xi32>
      %add3A_457 = arith.constant 10 : i32
      %add3A_458 = arith.addi %add3A_332, %add3A_457 : i32
      %dma_start3A_459 = arith.constant 0 : i32
      %dma_start3A_460 = tpu.memref_slice %arg9[%add3A_458, %dma_start3A_459] : memref<512x64xf32, #tpu.memory_space<vmem>> -> memref<1x64xf32, #tpu.memory_space<vmem>>
      %dma_start3A_461 = arith.constant 0 : i32
      %dma_start3A_462 = tpu.memref_slice %arg5[%squeeze3A_456, %dma_start3A_461] : memref<1000000x64xf32, #tpu.memory_space<hbm>> -> memref<1x64xf32, #tpu.memory_space<hbm>>
      %dma_start3A_463 = arith.constant 0 : i32
      %dma_start3A_464 = tpu.memref_slice %arg9[%add3A_458, %dma_start3A_463] : memref<512x64xf32, #tpu.memory_space<vmem>> -> memref<1x64xf32, #tpu.memory_space<vmem>>
      %dma_start3A_465 = arith.constant 0 : i32
      %dma_start3A_466 = tpu.memref_slice %arg5[%squeeze3A_456, %dma_start3A_465] : memref<1000000x64xf32, #tpu.memory_space<hbm>> -> memref<1x64xf32, #tpu.memory_space<hbm>>
      tpu.enqueue_dma source(%dma_start3A_466 : memref<1x64xf32, #tpu.memory_space<hbm>>) target(%dma_start3A_464 : memref<1x64xf32, #tpu.memory_space<vmem>>) target_semaphore(%arg10 : memref<!tpu.dma_semaphore, #tpu.memory_space<semaphore_mem>>)
      %slice3A_467 = vector.extract_strided_slice %get3A_336 {offsets = [11], sizes = [1], strides = [1]} : vector<16xi32> to vector<1xi32>
      %squeeze3A_468 = vector.extract %slice3A_467[0] : i32 from vector<1xi32>
      %add3A_469 = arith.constant 11 : i32
      %add3A_470 = arith.addi %add3A_332, %add3A_469 : i32
      %dma_start3A_471 = arith.constant 0 : i32
      %dma_start3A_472 = tpu.memref_slice %arg9[%add3A_470, %dma_start3A_471] : memref<512x64xf32, #tpu.memory_space<vmem>> -> memref<1x64xf32, #tpu.memory_space<vmem>>
      %dma_start3A_473 = arith.constant 0 : i32
      %dma_start3A_474 = tpu.memref_slice %arg5[%squeeze3A_468, %dma_start3A_473] : memref<1000000x64xf32, #tpu.memory_space<hbm>> -> memref<1x64xf32, #tpu.memory_space<hbm>>
      %dma_start3A_475 = arith.constant 0 : i32
      %dma_start3A_476 = tpu.memref_slice %arg9[%add3A_470, %dma_start3A_475] : memref<512x64xf32, #tpu.memory_space<vmem>> -> memref<1x64xf32, #tpu.memory_space<vmem>>
      %dma_start3A_477 = arith.constant 0 : i32
      %dma_start3A_478 = tpu.memref_slice %arg5[%squeeze3A_468, %dma_start3A_477] : memref<1000000x64xf32, #tpu.memory_space<hbm>> -> memref<1x64xf32, #tpu.memory_space<hbm>>
      tpu.enqueue_dma source(%dma_start3A_478 : memref<1x64xf32, #tpu.memory_space<hbm>>) target(%dma_start3A_476 : memref<1x64xf32, #tpu.memory_space<vmem>>) target_semaphore(%arg10 : memref<!tpu.dma_semaphore, #tpu.memory_space<semaphore_mem>>)
      %slice3A_479 = vector.extract_strided_slice %get3A_336 {offsets = [12], sizes = [1], strides = [1]} : vector<16xi32> to vector<1xi32>
      %squeeze3A_480 = vector.extract %slice3A_479[0] : i32 from vector<1xi32>
      %add3A_481 = arith.constant 12 : i32
      %add3A_482 = arith.addi %add3A_332, %add3A_481 : i32
      %dma_start3A_483 = arith.constant 0 : i32
      %dma_start3A_484 = tpu.memref_slice %arg9[%add3A_482, %dma_start3A_483] : memref<512x64xf32, #tpu.memory_space<vmem>> -> memref<1x64xf32, #tpu.memory_space<vmem>>
      %dma_start3A_485 = arith.constant 0 : i32
      %dma_start3A_486 = tpu.memref_slice %arg5[%squeeze3A_480, %dma_start3A_485] : memref<1000000x64xf32, #tpu.memory_space<hbm>> -> memref<1x64xf32, #tpu.memory_space<hbm>>
      %dma_start3A_487 = arith.constant 0 : i32
      %dma_start3A_488 = tpu.memref_slice %arg9[%add3A_482, %dma_start3A_487] : memref<512x64xf32, #tpu.memory_space<vmem>> -> memref<1x64xf32, #tpu.memory_space<vmem>>
      %dma_start3A_489 = arith.constant 0 : i32
      %dma_start3A_490 = tpu.memref_slice %arg5[%squeeze3A_480, %dma_start3A_489] : memref<1000000x64xf32, #tpu.memory_space<hbm>> -> memref<1x64xf32, #tpu.memory_space<hbm>>
      tpu.enqueue_dma source(%dma_start3A_490 : memref<1x64xf32, #tpu.memory_space<hbm>>) target(%dma_start3A_488 : memref<1x64xf32, #tpu.memory_space<vmem>>) target_semaphore(%arg10 : memref<!tpu.dma_semaphore, #tpu.memory_space<semaphore_mem>>)
      %slice3A_491 = vector.extract_strided_slice %get3A_336 {offsets = [13], sizes = [1], strides = [1]} : vector<16xi32> to vector<1xi32>
      %squeeze3A_492 = vector.extract %slice3A_491[0] : i32 from vector<1xi32>
      %add3A_493 = arith.constant 13 : i32
      %add3A_494 = arith.addi %add3A_332, %add3A_493 : i32
      %dma_start3A_495 = arith.constant 0 : i32
      %dma_start3A_496 = tpu.memref_slice %arg9[%add3A_494, %dma_start3A_495] : memref<512x64xf32, #tpu.memory_space<vmem>> -> memref<1x64xf32, #tpu.memory_space<vmem>>
      %dma_start3A_497 = arith.constant 0 : i32
      %dma_start3A_498 = tpu.memref_slice %arg5[%squeeze3A_492, %dma_start3A_497] : memref<1000000x64xf32, #tpu.memory_space<hbm>> -> memref<1x64xf32, #tpu.memory_space<hbm>>
      %dma_start3A_499 = arith.constant 0 : i32
      %dma_start3A_500 = tpu.memref_slice %arg9[%add3A_494, %dma_start3A_499] : memref<512x64xf32, #tpu.memory_space<vmem>> -> memref<1x64xf32, #tpu.memory_space<vmem>>
      %dma_start3A_501 = arith.constant 0 : i32
      %dma_start3A_502 = tpu.memref_slice %arg5[%squeeze3A_492, %dma_start3A_501] : memref<1000000x64xf32, #tpu.memory_space<hbm>> -> memref<1x64xf32, #tpu.memory_space<hbm>>
      tpu.enqueue_dma source(%dma_start3A_502 : memref<1x64xf32, #tpu.memory_space<hbm>>) target(%dma_start3A_500 : memref<1x64xf32, #tpu.memory_space<vmem>>) target_semaphore(%arg10 : memref<!tpu.dma_semaphore, #tpu.memory_space<semaphore_mem>>)
      %slice3A_503 = vector.extract_strided_slice %get3A_336 {offsets = [14], sizes = [1], strides = [1]} : vector<16xi32> to vector<1xi32>
      %squeeze3A_504 = vector.extract %slice3A_503[0] : i32 from vector<1xi32>
      %add3A_505 = arith.constant 14 : i32
      %add3A_506 = arith.addi %add3A_332, %add3A_505 : i32
      %dma_start3A_507 = arith.constant 0 : i32
      %dma_start3A_508 = tpu.memref_slice %arg9[%add3A_506, %dma_start3A_507] : memref<512x64xf32, #tpu.memory_space<vmem>> -> memref<1x64xf32, #tpu.memory_space<vmem>>
      %dma_start3A_509 = arith.constant 0 : i32
      %dma_start3A_510 = tpu.memref_slice %arg5[%squeeze3A_504, %dma_start3A_509] : memref<1000000x64xf32, #tpu.memory_space<hbm>> -> memref<1x64xf32, #tpu.memory_space<hbm>>
      %dma_start3A_511 = arith.constant 0 : i32
      %dma_start3A_512 = tpu.memref_slice %arg9[%add3A_506, %dma_start3A_511] : memref<512x64xf32, #tpu.memory_space<vmem>> -> memref<1x64xf32, #tpu.memory_space<vmem>>
      %dma_start3A_513 = arith.constant 0 : i32
      %dma_start3A_514 = tpu.memref_slice %arg5[%squeeze3A_504, %dma_start3A_513] : memref<1000000x64xf32, #tpu.memory_space<hbm>> -> memref<1x64xf32, #tpu.memory_space<hbm>>
      tpu.enqueue_dma source(%dma_start3A_514 : memref<1x64xf32, #tpu.memory_space<hbm>>) target(%dma_start3A_512 : memref<1x64xf32, #tpu.memory_space<vmem>>) target_semaphore(%arg10 : memref<!tpu.dma_semaphore, #tpu.memory_space<semaphore_mem>>)
      %slice3A_515 = vector.extract_strided_slice %get3A_336 {offsets = [15], sizes = [1], strides = [1]} : vector<16xi32> to vector<1xi32>
      %squeeze3A_516 = vector.extract %slice3A_515[0] : i32 from vector<1xi32>
      %add3A_517 = arith.constant 15 : i32
      %add3A_518 = arith.addi %add3A_332, %add3A_517 : i32
      %dma_start3A_519 = arith.constant 0 : i32
      %dma_start3A_520 = tpu.memref_slice %arg9[%add3A_518, %dma_start3A_519] : memref<512x64xf32, #tpu.memory_space<vmem>> -> memref<1x64xf32, #tpu.memory_space<vmem>>
      %dma_start3A_521 = arith.constant 0 : i32
      %dma_start3A_522 = tpu.memref_slice %arg5[%squeeze3A_516, %dma_start3A_521] : memref<1000000x64xf32, #tpu.memory_space<hbm>> -> memref<1x64xf32, #tpu.memory_space<hbm>>
      %dma_start3A_523 = arith.constant 0 : i32
      %dma_start3A_524 = tpu.memref_slice %arg9[%add3A_518, %dma_start3A_523] : memref<512x64xf32, #tpu.memory_space<vmem>> -> memref<1x64xf32, #tpu.memory_space<vmem>>
      %dma_start3A_525 = arith.constant 0 : i32
      %dma_start3A_526 = tpu.memref_slice %arg5[%squeeze3A_516, %dma_start3A_525] : memref<1000000x64xf32, #tpu.memory_space<hbm>> -> memref<1x64xf32, #tpu.memory_space<hbm>>
      tpu.enqueue_dma source(%dma_start3A_526 : memref<1x64xf32, #tpu.memory_space<hbm>>) target(%dma_start3A_524 : memref<1x64xf32, #tpu.memory_space<vmem>>) target_semaphore(%arg10 : memref<!tpu.dma_semaphore, #tpu.memory_space<semaphore_mem>>)
    }
    %scan3A_202 = arith.constant 8 : i32
    %dma_wait3A_203 = arith.constant 0 : i32
    %dma_wait3A_204 = arith.constant 0 : i32
    %dma_wait3A_205 = tpu.memref_slice %arg9[%dma_wait3A_203, %dma_wait3A_204] : memref<512x64xf32, #tpu.memory_space<vmem>> -> memref<128x64xf32, #tpu.memory_space<vmem>>
    %dma_wait3A_206 = arith.constant 0 : i32
    %dma_wait3A_207 = arith.constant 0 : i32
    %dma_wait3A_208 = tpu.memref_slice %arg4[%dma_wait3A_206, %dma_wait3A_207] : memref<1000000x64xf32, #tpu.memory_space<hbm>> -> memref<128x64xf32, #tpu.memory_space<hbm>>
    %dma_wait3A_209 = arith.constant 0 : i32
    %dma_wait3A_210 = arith.constant 0 : i32
    %dma_wait3A_211 = tpu.memref_slice %arg9[%dma_wait3A_209, %dma_wait3A_210] : memref<512x64xf32, #tpu.memory_space<vmem>> -> memref<128x64xf32, #tpu.memory_space<vmem>>
    %dma_wait3A_212 = arith.constant 0 : i32
    %dma_wait3A_213 = arith.constant 0 : i32
    %dma_wait3A_214 = tpu.memref_slice %arg4[%dma_wait3A_212, %dma_wait3A_213] : memref<1000000x64xf32, #tpu.memory_space<hbm>> -> memref<128x64xf32, #tpu.memory_space<hbm>>
    tpu.wait_dma2 semaphore(%arg11 : memref<!tpu.dma_semaphore, #tpu.memory_space<semaphore_mem>>) src(%dma_wait3A_214 : memref<128x64xf32, #tpu.memory_space<hbm>>) dst(%dma_wait3A_211 : memref<128x64xf32, #tpu.memory_space<vmem>>)
    %add3A_215 = arith.constant 128 : i32
    %add3A_216 = arith.addi %mul3A_2, %add3A_215 : i32
    %dma_start3A_217 = arith.constant 128 : i32
    %dma_start3A_218 = arith.constant 0 : i32
    %dma_start3A_219 = tpu.memref_slice %arg9[%dma_start3A_217, %dma_start3A_218] : memref<512x64xf32, #tpu.memory_space<vmem>> -> memref<128x64xf32, #tpu.memory_space<vmem>>
    %dma_start3A_220 = arith.constant 0 : i32
    %dma_start3A_221 = tpu.memref_slice %arg7[%add3A_216, %dma_start3A_220] : memref<16384x64xf32, #tpu.memory_space<hbm>> -> memref<128x64xf32, #tpu.memory_space<hbm>>
    %dma_start3A_222 = arith.constant 0 : i32
    %dma_start3A_223 = tpu.memref_slice %arg7[%add3A_216, %dma_start3A_222] : memref<16384x64xf32, #tpu.memory_space<hbm>> -> memref<128x64xf32, #tpu.memory_space<hbm>>
    %dma_start3A_224 = arith.constant 128 : i32
    %dma_start3A_225 = arith.constant 0 : i32
    %dma_start3A_226 = tpu.memref_slice %arg9[%dma_start3A_224, %dma_start3A_225] : memref<512x64xf32, #tpu.memory_space<vmem>> -> memref<128x64xf32, #tpu.memory_space<vmem>>
    tpu.enqueue_dma source(%dma_start3A_226 : memref<128x64xf32, #tpu.memory_space<vmem>>) target(%dma_start3A_223 : memref<128x64xf32, #tpu.memory_space<hbm>>) target_semaphore(%arg12 : memref<!tpu.dma_semaphore, #tpu.memory_space<semaphore_mem>>)
    %scan3A_227 = arith.constant 0 : i32
    %scan3A_228 = arith.constant 8 : i32
    %scan3A_229 = arith.addi %scan3A_227, %scan3A_228 : i32
    %scan3A_230 = arith.constant 1 : i32
    scf.for %scan3A_328 = %scan3A_227 to %scan3A_229 step %scan3A_230  : i32 {
      %mul3A_329 = arith.constant 16 : i32
      %mul3A_330 = arith.muli %scan3A_328, %mul3A_329 : i32
      %add3A_331 = arith.constant 384 : i32
      %add3A_332 = arith.addi %add3A_331, %mul3A_330 : i32
      %add3A_333 = arith.constant 512 : i32
      %add3A_334 = arith.addi %add3A_333, %add3A_332 : i32
      %get3A = arith.index_cast %add3A_334 : i32 to index
      %get3A_335 = tpu.vector_load %arg8[%get3A] {strides = array<i32>} : memref<1024xi32, #tpu.memory_space<vmem>>, vector<16xi32>,
      %get3A_336 = vector.shape_cast %get3A_335 : vector<16xi32> to vector<16xi32>
      %slice3A = vector.extract_strided_slice %get3A_336 {offsets = [0], sizes = [1], strides = [1]} : vector<16xi32> to vector<1xi32>
      %squeeze3A = vector.extract %slice3A[0] : i32 from vector<1xi32>
      %add3A_337 = arith.constant 0 : i32
      %add3A_338 = arith.addi %add3A_332, %add3A_337 : i32
      %dma_start3A_339 = arith.constant 0 : i32
      %dma_start3A_340 = tpu.memref_slice %arg9[%add3A_338, %dma_start3A_339] : memref<512x64xf32, #tpu.memory_space<vmem>> -> memref<1x64xf32, #tpu.memory_space<vmem>>
      %dma_start3A_341 = arith.constant 0 : i32
      %dma_start3A_342 = tpu.memref_slice %arg5[%squeeze3A, %dma_start3A_341] : memref<1000000x64xf32, #tpu.memory_space<hbm>> -> memref<1x64xf32, #tpu.memory_space<hbm>>
      %dma_start3A_343 = arith.constant 0 : i32
      %dma_start3A_344 = tpu.memref_slice %arg9[%add3A_338, %dma_start3A_343] : memref<512x64xf32, #tpu.memory_space<vmem>> -> memref<1x64xf32, #tpu.memory_space<vmem>>
      %dma_start3A_345 = arith.constant 0 : i32
      %dma_start3A_346 = tpu.memref_slice %arg5[%squeeze3A, %dma_start3A_345] : memref<1000000x64xf32, #tpu.memory_space<hbm>> -> memref<1x64xf32, #tpu.memory_space<hbm>>
      tpu.enqueue_dma source(%dma_start3A_346 : memref<1x64xf32, #tpu.memory_space<hbm>>) target(%dma_start3A_344 : memref<1x64xf32, #tpu.memory_space<vmem>>) target_semaphore(%arg11 : memref<!tpu.dma_semaphore, #tpu.memory_space<semaphore_mem>>)
      %slice3A_347 = vector.extract_strided_slice %get3A_336 {offsets = [1], sizes = [1], strides = [1]} : vector<16xi32> to vector<1xi32>
      %squeeze3A_348 = vector.extract %slice3A_347[0] : i32 from vector<1xi32>
      %add3A_349 = arith.constant 1 : i32
      %add3A_350 = arith.addi %add3A_332, %add3A_349 : i32
      %dma_start3A_351 = arith.constant 0 : i32
      %dma_start3A_352 = tpu.memref_slice %arg9[%add3A_350, %dma_start3A_351] : memref<512x64xf32, #tpu.memory_space<vmem>> -> memref<1x64xf32, #tpu.memory_space<vmem>>
      %dma_start3A_353 = arith.constant 0 : i32
      %dma_start3A_354 = tpu.memref_slice %arg5[%squeeze3A_348, %dma_start3A_353] : memref<1000000x64xf32, #tpu.memory_space<hbm>> -> memref<1x64xf32, #tpu.memory_space<hbm>>
      %dma_start3A_355 = arith.constant 0 : i32
      %dma_start3A_356 = tpu.memref_slice %arg9[%add3A_350, %dma_start3A_355] : memref<512x64xf32, #tpu.memory_space<vmem>> -> memref<1x64xf32, #tpu.memory_space<vmem>>
      %dma_start3A_357 = arith.constant 0 : i32
      %dma_start3A_358 = tpu.memref_slice %arg5[%squeeze3A_348, %dma_start3A_357] : memref<1000000x64xf32, #tpu.memory_space<hbm>> -> memref<1x64xf32, #tpu.memory_space<hbm>>
      tpu.enqueue_dma source(%dma_start3A_358 : memref<1x64xf32, #tpu.memory_space<hbm>>) target(%dma_start3A_356 : memref<1x64xf32, #tpu.memory_space<vmem>>) target_semaphore(%arg11 : memref<!tpu.dma_semaphore, #tpu.memory_space<semaphore_mem>>)
      %slice3A_359 = vector.extract_strided_slice %get3A_336 {offsets = [2], sizes = [1], strides = [1]} : vector<16xi32> to vector<1xi32>
      %squeeze3A_360 = vector.extract %slice3A_359[0] : i32 from vector<1xi32>
      %add3A_361 = arith.constant 2 : i32
      %add3A_362 = arith.addi %add3A_332, %add3A_361 : i32
      %dma_start3A_363 = arith.constant 0 : i32
      %dma_start3A_364 = tpu.memref_slice %arg9[%add3A_362, %dma_start3A_363] : memref<512x64xf32, #tpu.memory_space<vmem>> -> memref<1x64xf32, #tpu.memory_space<vmem>>
      %dma_start3A_365 = arith.constant 0 : i32
      %dma_start3A_366 = tpu.memref_slice %arg5[%squeeze3A_360, %dma_start3A_365] : memref<1000000x64xf32, #tpu.memory_space<hbm>> -> memref<1x64xf32, #tpu.memory_space<hbm>>
      %dma_start3A_367 = arith.constant 0 : i32
      %dma_start3A_368 = tpu.memref_slice %arg9[%add3A_362, %dma_start3A_367] : memref<512x64xf32, #tpu.memory_space<vmem>> -> memref<1x64xf32, #tpu.memory_space<vmem>>
      %dma_start3A_369 = arith.constant 0 : i32
      %dma_start3A_370 = tpu.memref_slice %arg5[%squeeze3A_360, %dma_start3A_369] : memref<1000000x64xf32, #tpu.memory_space<hbm>> -> memref<1x64xf32, #tpu.memory_space<hbm>>
      tpu.enqueue_dma source(%dma_start3A_370 : memref<1x64xf32, #tpu.memory_space<hbm>>) target(%dma_start3A_368 : memref<1x64xf32, #tpu.memory_space<vmem>>) target_semaphore(%arg11 : memref<!tpu.dma_semaphore, #tpu.memory_space<semaphore_mem>>)
      %slice3A_371 = vector.extract_strided_slice %get3A_336 {offsets = [3], sizes = [1], strides = [1]} : vector<16xi32> to vector<1xi32>
      %squeeze3A_372 = vector.extract %slice3A_371[0] : i32 from vector<1xi32>
      %add3A_373 = arith.constant 3 : i32
      %add3A_374 = arith.addi %add3A_332, %add3A_373 : i32
      %dma_start3A_375 = arith.constant 0 : i32
      %dma_start3A_376 = tpu.memref_slice %arg9[%add3A_374, %dma_start3A_375] : memref<512x64xf32, #tpu.memory_space<vmem>> -> memref<1x64xf32, #tpu.memory_space<vmem>>
      %dma_start3A_377 = arith.constant 0 : i32
      %dma_start3A_378 = tpu.memref_slice %arg5[%squeeze3A_372, %dma_start3A_377] : memref<1000000x64xf32, #tpu.memory_space<hbm>> -> memref<1x64xf32, #tpu.memory_space<hbm>>
      %dma_start3A_379 = arith.constant 0 : i32
      %dma_start3A_380 = tpu.memref_slice %arg9[%add3A_374, %dma_start3A_379] : memref<512x64xf32, #tpu.memory_space<vmem>> -> memref<1x64xf32, #tpu.memory_space<vmem>>
      %dma_start3A_381 = arith.constant 0 : i32
      %dma_start3A_382 = tpu.memref_slice %arg5[%squeeze3A_372, %dma_start3A_381] : memref<1000000x64xf32, #tpu.memory_space<hbm>> -> memref<1x64xf32, #tpu.memory_space<hbm>>
      tpu.enqueue_dma source(%dma_start3A_382 : memref<1x64xf32, #tpu.memory_space<hbm>>) target(%dma_start3A_380 : memref<1x64xf32, #tpu.memory_space<vmem>>) target_semaphore(%arg11 : memref<!tpu.dma_semaphore, #tpu.memory_space<semaphore_mem>>)
      %slice3A_383 = vector.extract_strided_slice %get3A_336 {offsets = [4], sizes = [1], strides = [1]} : vector<16xi32> to vector<1xi32>
      %squeeze3A_384 = vector.extract %slice3A_383[0] : i32 from vector<1xi32>
      %add3A_385 = arith.constant 4 : i32
      %add3A_386 = arith.addi %add3A_332, %add3A_385 : i32
      %dma_start3A_387 = arith.constant 0 : i32
      %dma_start3A_388 = tpu.memref_slice %arg9[%add3A_386, %dma_start3A_387] : memref<512x64xf32, #tpu.memory_space<vmem>> -> memref<1x64xf32, #tpu.memory_space<vmem>>
      %dma_start3A_389 = arith.constant 0 : i32
      %dma_start3A_390 = tpu.memref_slice %arg5[%squeeze3A_384, %dma_start3A_389] : memref<1000000x64xf32, #tpu.memory_space<hbm>> -> memref<1x64xf32, #tpu.memory_space<hbm>>
      %dma_start3A_391 = arith.constant 0 : i32
      %dma_start3A_392 = tpu.memref_slice %arg9[%add3A_386, %dma_start3A_391] : memref<512x64xf32, #tpu.memory_space<vmem>> -> memref<1x64xf32, #tpu.memory_space<vmem>>
      %dma_start3A_393 = arith.constant 0 : i32
      %dma_start3A_394 = tpu.memref_slice %arg5[%squeeze3A_384, %dma_start3A_393] : memref<1000000x64xf32, #tpu.memory_space<hbm>> -> memref<1x64xf32, #tpu.memory_space<hbm>>
      tpu.enqueue_dma source(%dma_start3A_394 : memref<1x64xf32, #tpu.memory_space<hbm>>) target(%dma_start3A_392 : memref<1x64xf32, #tpu.memory_space<vmem>>) target_semaphore(%arg11 : memref<!tpu.dma_semaphore, #tpu.memory_space<semaphore_mem>>)
      %slice3A_395 = vector.extract_strided_slice %get3A_336 {offsets = [5], sizes = [1], strides = [1]} : vector<16xi32> to vector<1xi32>
      %squeeze3A_396 = vector.extract %slice3A_395[0] : i32 from vector<1xi32>
      %add3A_397 = arith.constant 5 : i32
      %add3A_398 = arith.addi %add3A_332, %add3A_397 : i32
      %dma_start3A_399 = arith.constant 0 : i32
      %dma_start3A_400 = tpu.memref_slice %arg9[%add3A_398, %dma_start3A_399] : memref<512x64xf32, #tpu.memory_space<vmem>> -> memref<1x64xf32, #tpu.memory_space<vmem>>
      %dma_start3A_401 = arith.constant 0 : i32
      %dma_start3A_402 = tpu.memref_slice %arg5[%squeeze3A_396, %dma_start3A_401] : memref<1000000x64xf32, #tpu.memory_space<hbm>> -> memref<1x64xf32, #tpu.memory_space<hbm>>
      %dma_start3A_403 = arith.constant 0 : i32
      %dma_start3A_404 = tpu.memref_slice %arg9[%add3A_398, %dma_start3A_403] : memref<512x64xf32, #tpu.memory_space<vmem>> -> memref<1x64xf32, #tpu.memory_space<vmem>>
      %dma_start3A_405 = arith.constant 0 : i32
      %dma_start3A_406 = tpu.memref_slice %arg5[%squeeze3A_396, %dma_start3A_405] : memref<1000000x64xf32, #tpu.memory_space<hbm>> -> memref<1x64xf32, #tpu.memory_space<hbm>>
      tpu.enqueue_dma source(%dma_start3A_406 : memref<1x64xf32, #tpu.memory_space<hbm>>) target(%dma_start3A_404 : memref<1x64xf32, #tpu.memory_space<vmem>>) target_semaphore(%arg11 : memref<!tpu.dma_semaphore, #tpu.memory_space<semaphore_mem>>)
      %slice3A_407 = vector.extract_strided_slice %get3A_336 {offsets = [6], sizes = [1], strides = [1]} : vector<16xi32> to vector<1xi32>
      %squeeze3A_408 = vector.extract %slice3A_407[0] : i32 from vector<1xi32>
      %add3A_409 = arith.constant 6 : i32
      %add3A_410 = arith.addi %add3A_332, %add3A_409 : i32
      %dma_start3A_411 = arith.constant 0 : i32
      %dma_start3A_412 = tpu.memref_slice %arg9[%add3A_410, %dma_start3A_411] : memref<512x64xf32, #tpu.memory_space<vmem>> -> memref<1x64xf32, #tpu.memory_space<vmem>>
      %dma_start3A_413 = arith.constant 0 : i32
      %dma_start3A_414 = tpu.memref_slice %arg5[%squeeze3A_408, %dma_start3A_413] : memref<1000000x64xf32, #tpu.memory_space<hbm>> -> memref<1x64xf32, #tpu.memory_space<hbm>>
      %dma_start3A_415 = arith.constant 0 : i32
      %dma_start3A_416 = tpu.memref_slice %arg9[%add3A_410, %dma_start3A_415] : memref<512x64xf32, #tpu.memory_space<vmem>> -> memref<1x64xf32, #tpu.memory_space<vmem>>
      %dma_start3A_417 = arith.constant 0 : i32
      %dma_start3A_418 = tpu.memref_slice %arg5[%squeeze3A_408, %dma_start3A_417] : memref<1000000x64xf32, #tpu.memory_space<hbm>> -> memref<1x64xf32, #tpu.memory_space<hbm>>
      tpu.enqueue_dma source(%dma_start3A_418 : memref<1x64xf32, #tpu.memory_space<hbm>>) target(%dma_start3A_416 : memref<1x64xf32, #tpu.memory_space<vmem>>) target_semaphore(%arg11 : memref<!tpu.dma_semaphore, #tpu.memory_space<semaphore_mem>>)
      %slice3A_419 = vector.extract_strided_slice %get3A_336 {offsets = [7], sizes = [1], strides = [1]} : vector<16xi32> to vector<1xi32>
      %squeeze3A_420 = vector.extract %slice3A_419[0] : i32 from vector<1xi32>
      %add3A_421 = arith.constant 7 : i32
      %add3A_422 = arith.addi %add3A_332, %add3A_421 : i32
      %dma_start3A_423 = arith.constant 0 : i32
      %dma_start3A_424 = tpu.memref_slice %arg9[%add3A_422, %dma_start3A_423] : memref<512x64xf32, #tpu.memory_space<vmem>> -> memref<1x64xf32, #tpu.memory_space<vmem>>
      %dma_start3A_425 = arith.constant 0 : i32
      %dma_start3A_426 = tpu.memref_slice %arg5[%squeeze3A_420, %dma_start3A_425] : memref<1000000x64xf32, #tpu.memory_space<hbm>> -> memref<1x64xf32, #tpu.memory_space<hbm>>
      %dma_start3A_427 = arith.constant 0 : i32
      %dma_start3A_428 = tpu.memref_slice %arg9[%add3A_422, %dma_start3A_427] : memref<512x64xf32, #tpu.memory_space<vmem>> -> memref<1x64xf32, #tpu.memory_space<vmem>>
      %dma_start3A_429 = arith.constant 0 : i32
      %dma_start3A_430 = tpu.memref_slice %arg5[%squeeze3A_420, %dma_start3A_429] : memref<1000000x64xf32, #tpu.memory_space<hbm>> -> memref<1x64xf32, #tpu.memory_space<hbm>>
      tpu.enqueue_dma source(%dma_start3A_430 : memref<1x64xf32, #tpu.memory_space<hbm>>) target(%dma_start3A_428 : memref<1x64xf32, #tpu.memory_space<vmem>>) target_semaphore(%arg11 : memref<!tpu.dma_semaphore, #tpu.memory_space<semaphore_mem>>)
      %slice3A_431 = vector.extract_strided_slice %get3A_336 {offsets = [8], sizes = [1], strides = [1]} : vector<16xi32> to vector<1xi32>
      %squeeze3A_432 = vector.extract %slice3A_431[0] : i32 from vector<1xi32>
      %add3A_433 = arith.constant 8 : i32
      %add3A_434 = arith.addi %add3A_332, %add3A_433 : i32
      %dma_start3A_435 = arith.constant 0 : i32
      %dma_start3A_436 = tpu.memref_slice %arg9[%add3A_434, %dma_start3A_435] : memref<512x64xf32, #tpu.memory_space<vmem>> -> memref<1x64xf32, #tpu.memory_space<vmem>>
      %dma_start3A_437 = arith.constant 0 : i32
      %dma_start3A_438 = tpu.memref_slice %arg5[%squeeze3A_432, %dma_start3A_437] : memref<1000000x64xf32, #tpu.memory_space<hbm>> -> memref<1x64xf32, #tpu.memory_space<hbm>>
      %dma_start3A_439 = arith.constant 0 : i32
      %dma_start3A_440 = tpu.memref_slice %arg9[%add3A_434, %dma_start3A_439] : memref<512x64xf32, #tpu.memory_space<vmem>> -> memref<1x64xf32, #tpu.memory_space<vmem>>
      %dma_start3A_441 = arith.constant 0 : i32
      %dma_start3A_442 = tpu.memref_slice %arg5[%squeeze3A_432, %dma_start3A_441] : memref<1000000x64xf32, #tpu.memory_space<hbm>> -> memref<1x64xf32, #tpu.memory_space<hbm>>
      tpu.enqueue_dma source(%dma_start3A_442 : memref<1x64xf32, #tpu.memory_space<hbm>>) target(%dma_start3A_440 : memref<1x64xf32, #tpu.memory_space<vmem>>) target_semaphore(%arg11 : memref<!tpu.dma_semaphore, #tpu.memory_space<semaphore_mem>>)
      %slice3A_443 = vector.extract_strided_slice %get3A_336 {offsets = [9], sizes = [1], strides = [1]} : vector<16xi32> to vector<1xi32>
      %squeeze3A_444 = vector.extract %slice3A_443[0] : i32 from vector<1xi32>
      %add3A_445 = arith.constant 9 : i32
      %add3A_446 = arith.addi %add3A_332, %add3A_445 : i32
      %dma_start3A_447 = arith.constant 0 : i32
      %dma_start3A_448 = tpu.memref_slice %arg9[%add3A_446, %dma_start3A_447] : memref<512x64xf32, #tpu.memory_space<vmem>> -> memref<1x64xf32, #tpu.memory_space<vmem>>
      %dma_start3A_449 = arith.constant 0 : i32
      %dma_start3A_450 = tpu.memref_slice %arg5[%squeeze3A_444, %dma_start3A_449] : memref<1000000x64xf32, #tpu.memory_space<hbm>> -> memref<1x64xf32, #tpu.memory_space<hbm>>
      %dma_start3A_451 = arith.constant 0 : i32
      %dma_start3A_452 = tpu.memref_slice %arg9[%add3A_446, %dma_start3A_451] : memref<512x64xf32, #tpu.memory_space<vmem>> -> memref<1x64xf32, #tpu.memory_space<vmem>>
      %dma_start3A_453 = arith.constant 0 : i32
      %dma_start3A_454 = tpu.memref_slice %arg5[%squeeze3A_444, %dma_start3A_453] : memref<1000000x64xf32, #tpu.memory_space<hbm>> -> memref<1x64xf32, #tpu.memory_space<hbm>>
      tpu.enqueue_dma source(%dma_start3A_454 : memref<1x64xf32, #tpu.memory_space<hbm>>) target(%dma_start3A_452 : memref<1x64xf32, #tpu.memory_space<vmem>>) target_semaphore(%arg11 : memref<!tpu.dma_semaphore, #tpu.memory_space<semaphore_mem>>)
      %slice3A_455 = vector.extract_strided_slice %get3A_336 {offsets = [10], sizes = [1], strides = [1]} : vector<16xi32> to vector<1xi32>
      %squeeze3A_456 = vector.extract %slice3A_455[0] : i32 from vector<1xi32>
      %add3A_457 = arith.constant 10 : i32
      %add3A_458 = arith.addi %add3A_332, %add3A_457 : i32
      %dma_start3A_459 = arith.constant 0 : i32
      %dma_start3A_460 = tpu.memref_slice %arg9[%add3A_458, %dma_start3A_459] : memref<512x64xf32, #tpu.memory_space<vmem>> -> memref<1x64xf32, #tpu.memory_space<vmem>>
      %dma_start3A_461 = arith.constant 0 : i32
      %dma_start3A_462 = tpu.memref_slice %arg5[%squeeze3A_456, %dma_start3A_461] : memref<1000000x64xf32, #tpu.memory_space<hbm>> -> memref<1x64xf32, #tpu.memory_space<hbm>>
      %dma_start3A_463 = arith.constant 0 : i32
      %dma_start3A_464 = tpu.memref_slice %arg9[%add3A_458, %dma_start3A_463] : memref<512x64xf32, #tpu.memory_space<vmem>> -> memref<1x64xf32, #tpu.memory_space<vmem>>
      %dma_start3A_465 = arith.constant 0 : i32
      %dma_start3A_466 = tpu.memref_slice %arg5[%squeeze3A_456, %dma_start3A_465] : memref<1000000x64xf32, #tpu.memory_space<hbm>> -> memref<1x64xf32, #tpu.memory_space<hbm>>
      tpu.enqueue_dma source(%dma_start3A_466 : memref<1x64xf32, #tpu.memory_space<hbm>>) target(%dma_start3A_464 : memref<1x64xf32, #tpu.memory_space<vmem>>) target_semaphore(%arg11 : memref<!tpu.dma_semaphore, #tpu.memory_space<semaphore_mem>>)
      %slice3A_467 = vector.extract_strided_slice %get3A_336 {offsets = [11], sizes = [1], strides = [1]} : vector<16xi32> to vector<1xi32>
      %squeeze3A_468 = vector.extract %slice3A_467[0] : i32 from vector<1xi32>
      %add3A_469 = arith.constant 11 : i32
      %add3A_470 = arith.addi %add3A_332, %add3A_469 : i32
      %dma_start3A_471 = arith.constant 0 : i32
      %dma_start3A_472 = tpu.memref_slice %arg9[%add3A_470, %dma_start3A_471] : memref<512x64xf32, #tpu.memory_space<vmem>> -> memref<1x64xf32, #tpu.memory_space<vmem>>
      %dma_start3A_473 = arith.constant 0 : i32
      %dma_start3A_474 = tpu.memref_slice %arg5[%squeeze3A_468, %dma_start3A_473] : memref<1000000x64xf32, #tpu.memory_space<hbm>> -> memref<1x64xf32, #tpu.memory_space<hbm>>
      %dma_start3A_475 = arith.constant 0 : i32
      %dma_start3A_476 = tpu.memref_slice %arg9[%add3A_470, %dma_start3A_475] : memref<512x64xf32, #tpu.memory_space<vmem>> -> memref<1x64xf32, #tpu.memory_space<vmem>>
      %dma_start3A_477 = arith.constant 0 : i32
      %dma_start3A_478 = tpu.memref_slice %arg5[%squeeze3A_468, %dma_start3A_477] : memref<1000000x64xf32, #tpu.memory_space<hbm>> -> memref<1x64xf32, #tpu.memory_space<hbm>>
      tpu.enqueue_dma source(%dma_start3A_478 : memref<1x64xf32, #tpu.memory_space<hbm>>) target(%dma_start3A_476 : memref<1x64xf32, #tpu.memory_space<vmem>>) target_semaphore(%arg11 : memref<!tpu.dma_semaphore, #tpu.memory_space<semaphore_mem>>)
      %slice3A_479 = vector.extract_strided_slice %get3A_336 {offsets = [12], sizes = [1], strides = [1]} : vector<16xi32> to vector<1xi32>
      %squeeze3A_480 = vector.extract %slice3A_479[0] : i32 from vector<1xi32>
      %add3A_481 = arith.constant 12 : i32
      %add3A_482 = arith.addi %add3A_332, %add3A_481 : i32
      %dma_start3A_483 = arith.constant 0 : i32
      %dma_start3A_484 = tpu.memref_slice %arg9[%add3A_482, %dma_start3A_483] : memref<512x64xf32, #tpu.memory_space<vmem>> -> memref<1x64xf32, #tpu.memory_space<vmem>>
      %dma_start3A_485 = arith.constant 0 : i32
      %dma_start3A_486 = tpu.memref_slice %arg5[%squeeze3A_480, %dma_start3A_485] : memref<1000000x64xf32, #tpu.memory_space<hbm>> -> memref<1x64xf32, #tpu.memory_space<hbm>>
      %dma_start3A_487 = arith.constant 0 : i32
      %dma_start3A_488 = tpu.memref_slice %arg9[%add3A_482, %dma_start3A_487] : memref<512x64xf32, #tpu.memory_space<vmem>> -> memref<1x64xf32, #tpu.memory_space<vmem>>
      %dma_start3A_489 = arith.constant 0 : i32
      %dma_start3A_490 = tpu.memref_slice %arg5[%squeeze3A_480, %dma_start3A_489] : memref<1000000x64xf32, #tpu.memory_space<hbm>> -> memref<1x64xf32, #tpu.memory_space<hbm>>
      tpu.enqueue_dma source(%dma_start3A_490 : memref<1x64xf32, #tpu.memory_space<hbm>>) target(%dma_start3A_488 : memref<1x64xf32, #tpu.memory_space<vmem>>) target_semaphore(%arg11 : memref<!tpu.dma_semaphore, #tpu.memory_space<semaphore_mem>>)
      %slice3A_491 = vector.extract_strided_slice %get3A_336 {offsets = [13], sizes = [1], strides = [1]} : vector<16xi32> to vector<1xi32>
      %squeeze3A_492 = vector.extract %slice3A_491[0] : i32 from vector<1xi32>
      %add3A_493 = arith.constant 13 : i32
      %add3A_494 = arith.addi %add3A_332, %add3A_493 : i32
      %dma_start3A_495 = arith.constant 0 : i32
      %dma_start3A_496 = tpu.memref_slice %arg9[%add3A_494, %dma_start3A_495] : memref<512x64xf32, #tpu.memory_space<vmem>> -> memref<1x64xf32, #tpu.memory_space<vmem>>
      %dma_start3A_497 = arith.constant 0 : i32
      %dma_start3A_498 = tpu.memref_slice %arg5[%squeeze3A_492, %dma_start3A_497] : memref<1000000x64xf32, #tpu.memory_space<hbm>> -> memref<1x64xf32, #tpu.memory_space<hbm>>
      %dma_start3A_499 = arith.constant 0 : i32
      %dma_start3A_500 = tpu.memref_slice %arg9[%add3A_494, %dma_start3A_499] : memref<512x64xf32, #tpu.memory_space<vmem>> -> memref<1x64xf32, #tpu.memory_space<vmem>>
      %dma_start3A_501 = arith.constant 0 : i32
      %dma_start3A_502 = tpu.memref_slice %arg5[%squeeze3A_492, %dma_start3A_501] : memref<1000000x64xf32, #tpu.memory_space<hbm>> -> memref<1x64xf32, #tpu.memory_space<hbm>>
      tpu.enqueue_dma source(%dma_start3A_502 : memref<1x64xf32, #tpu.memory_space<hbm>>) target(%dma_start3A_500 : memref<1x64xf32, #tpu.memory_space<vmem>>) target_semaphore(%arg11 : memref<!tpu.dma_semaphore, #tpu.memory_space<semaphore_mem>>)
      %slice3A_503 = vector.extract_strided_slice %get3A_336 {offsets = [14], sizes = [1], strides = [1]} : vector<16xi32> to vector<1xi32>
      %squeeze3A_504 = vector.extract %slice3A_503[0] : i32 from vector<1xi32>
      %add3A_505 = arith.constant 14 : i32
      %add3A_506 = arith.addi %add3A_332, %add3A_505 : i32
      %dma_start3A_507 = arith.constant 0 : i32
      %dma_start3A_508 = tpu.memref_slice %arg9[%add3A_506, %dma_start3A_507] : memref<512x64xf32, #tpu.memory_space<vmem>> -> memref<1x64xf32, #tpu.memory_space<vmem>>
      %dma_start3A_509 = arith.constant 0 : i32
      %dma_start3A_510 = tpu.memref_slice %arg5[%squeeze3A_504, %dma_start3A_509] : memref<1000000x64xf32, #tpu.memory_space<hbm>> -> memref<1x64xf32, #tpu.memory_space<hbm>>
      %dma_start3A_511 = arith.constant 0 : i32
      %dma_start3A_512 = tpu.memref_slice %arg9[%add3A_506, %dma_start3A_511] : memref<512x64xf32, #tpu.memory_space<vmem>> -> memref<1x64xf32, #tpu.memory_space<vmem>>
      %dma_start3A_513 = arith.constant 0 : i32
      %dma_start3A_514 = tpu.memref_slice %arg5[%squeeze3A_504, %dma_start3A_513] : memref<1000000x64xf32, #tpu.memory_space<hbm>> -> memref<1x64xf32, #tpu.memory_space<hbm>>
      tpu.enqueue_dma source(%dma_start3A_514 : memref<1x64xf32, #tpu.memory_space<hbm>>) target(%dma_start3A_512 : memref<1x64xf32, #tpu.memory_space<vmem>>) target_semaphore(%arg11 : memref<!tpu.dma_semaphore, #tpu.memory_space<semaphore_mem>>)
      %slice3A_515 = vector.extract_strided_slice %get3A_336 {offsets = [15], sizes = [1], strides = [1]} : vector<16xi32> to vector<1xi32>
      %squeeze3A_516 = vector.extract %slice3A_515[0] : i32 from vector<1xi32>
      %add3A_517 = arith.constant 15 : i32
      %add3A_518 = arith.addi %add3A_332, %add3A_517 : i32
      %dma_start3A_519 = arith.constant 0 : i32
      %dma_start3A_520 = tpu.memref_slice %arg9[%add3A_518, %dma_start3A_519] : memref<512x64xf32, #tpu.memory_space<vmem>> -> memref<1x64xf32, #tpu.memory_space<vmem>>
      %dma_start3A_521 = arith.constant 0 : i32
      %dma_start3A_522 = tpu.memref_slice %arg5[%squeeze3A_516, %dma_start3A_521] : memref<1000000x64xf32, #tpu.memory_space<hbm>> -> memref<1x64xf32, #tpu.memory_space<hbm>>
      %dma_start3A_523 = arith.constant 0 : i32
      %dma_start3A_524 = tpu.memref_slice %arg9[%add3A_518, %dma_start3A_523] : memref<512x64xf32, #tpu.memory_space<vmem>> -> memref<1x64xf32, #tpu.memory_space<vmem>>
      %dma_start3A_525 = arith.constant 0 : i32
      %dma_start3A_526 = tpu.memref_slice %arg5[%squeeze3A_516, %dma_start3A_525] : memref<1000000x64xf32, #tpu.memory_space<hbm>> -> memref<1x64xf32, #tpu.memory_space<hbm>>
      tpu.enqueue_dma source(%dma_start3A_526 : memref<1x64xf32, #tpu.memory_space<hbm>>) target(%dma_start3A_524 : memref<1x64xf32, #tpu.memory_space<vmem>>) target_semaphore(%arg11 : memref<!tpu.dma_semaphore, #tpu.memory_space<semaphore_mem>>)
    }
    %scan3A_231 = arith.constant 8 : i32
    %dma_wait3A_232 = arith.constant 0 : i32
    %dma_wait3A_233 = arith.constant 0 : i32
    %dma_wait3A_234 = tpu.memref_slice %arg9[%dma_wait3A_232, %dma_wait3A_233] : memref<512x64xf32, #tpu.memory_space<vmem>> -> memref<128x64xf32, #tpu.memory_space<vmem>>
    %dma_wait3A_235 = arith.constant 0 : i32
    %dma_wait3A_236 = arith.constant 0 : i32
    %dma_wait3A_237 = tpu.memref_slice %arg4[%dma_wait3A_235, %dma_wait3A_236] : memref<1000000x64xf32, #tpu.memory_space<hbm>> -> memref<128x64xf32, #tpu.memory_space<hbm>>
    %dma_wait3A_238 = arith.constant 0 : i32
    %dma_wait3A_239 = arith.constant 0 : i32
    %dma_wait3A_240 = tpu.memref_slice %arg9[%dma_wait3A_238, %dma_wait3A_239] : memref<512x64xf32, #tpu.memory_space<vmem>> -> memref<128x64xf32, #tpu.memory_space<vmem>>
    %dma_wait3A_241 = arith.constant 0 : i32
    %dma_wait3A_242 = arith.constant 0 : i32
    %dma_wait3A_243 = tpu.memref_slice %arg4[%dma_wait3A_241, %dma_wait3A_242] : memref<1000000x64xf32, #tpu.memory_space<hbm>> -> memref<128x64xf32, #tpu.memory_space<hbm>>
    tpu.wait_dma2 semaphore(%arg10 : memref<!tpu.dma_semaphore, #tpu.memory_space<semaphore_mem>>) src(%dma_wait3A_243 : memref<128x64xf32, #tpu.memory_space<hbm>>) dst(%dma_wait3A_240 : memref<128x64xf32, #tpu.memory_space<vmem>>)
    %add3A_244 = arith.constant 256 : i32
    %add3A_245 = arith.addi %mul3A_2, %add3A_244 : i32
    %dma_start3A_246 = arith.constant 256 : i32
    %dma_start3A_247 = arith.constant 0 : i32
    %dma_start3A_248 = tpu.memref_slice %arg9[%dma_start3A_246, %dma_start3A_247] : memref<512x64xf32, #tpu.memory_space<vmem>> -> memref<128x64xf32, #tpu.memory_space<vmem>>
    %dma_start3A_249 = arith.constant 0 : i32
    %dma_start3A_250 = tpu.memref_slice %arg7[%add3A_245, %dma_start3A_249] : memref<16384x64xf32, #tpu.memory_space<hbm>> -> memref<128x64xf32, #tpu.memory_space<hbm>>
    %dma_start3A_251 = arith.constant 0 : i32
    %dma_start3A_252 = tpu.memref_slice %arg7[%add3A_245, %dma_start3A_251] : memref<16384x64xf32, #tpu.memory_space<hbm>> -> memref<128x64xf32, #tpu.memory_space<hbm>>
    %dma_start3A_253 = arith.constant 256 : i32
    %dma_start3A_254 = arith.constant 0 : i32
    %dma_start3A_255 = tpu.memref_slice %arg9[%dma_start3A_253, %dma_start3A_254] : memref<512x64xf32, #tpu.memory_space<vmem>> -> memref<128x64xf32, #tpu.memory_space<vmem>>
    tpu.enqueue_dma source(%dma_start3A_255 : memref<128x64xf32, #tpu.memory_space<vmem>>) target(%dma_start3A_252 : memref<128x64xf32, #tpu.memory_space<hbm>>) target_semaphore(%arg12 : memref<!tpu.dma_semaphore, #tpu.memory_space<semaphore_mem>>)
    %dma_wait3A_256 = arith.constant 0 : i32
    %dma_wait3A_257 = arith.constant 0 : i32
    %dma_wait3A_258 = tpu.memref_slice %arg9[%dma_wait3A_256, %dma_wait3A_257] : memref<512x64xf32, #tpu.memory_space<vmem>> -> memref<128x64xf32, #tpu.memory_space<vmem>>
    %dma_wait3A_259 = arith.constant 0 : i32
    %dma_wait3A_260 = arith.constant 0 : i32
    %dma_wait3A_261 = tpu.memref_slice %arg4[%dma_wait3A_259, %dma_wait3A_260] : memref<1000000x64xf32, #tpu.memory_space<hbm>> -> memref<128x64xf32, #tpu.memory_space<hbm>>
    %dma_wait3A_262 = arith.constant 0 : i32
    %dma_wait3A_263 = arith.constant 0 : i32
    %dma_wait3A_264 = tpu.memref_slice %arg9[%dma_wait3A_262, %dma_wait3A_263] : memref<512x64xf32, #tpu.memory_space<vmem>> -> memref<128x64xf32, #tpu.memory_space<vmem>>
    %dma_wait3A_265 = arith.constant 0 : i32
    %dma_wait3A_266 = arith.constant 0 : i32
    %dma_wait3A_267 = tpu.memref_slice %arg4[%dma_wait3A_265, %dma_wait3A_266] : memref<1000000x64xf32, #tpu.memory_space<hbm>> -> memref<128x64xf32, #tpu.memory_space<hbm>>
    tpu.wait_dma2 semaphore(%arg11 : memref<!tpu.dma_semaphore, #tpu.memory_space<semaphore_mem>>) src(%dma_wait3A_267 : memref<128x64xf32, #tpu.memory_space<hbm>>) dst(%dma_wait3A_264 : memref<128x64xf32, #tpu.memory_space<vmem>>)
    %add3A_268 = arith.constant 384 : i32
    %add3A_269 = arith.addi %mul3A_2, %add3A_268 : i32
    %dma_start3A_270 = arith.constant 384 : i32
    %dma_start3A_271 = arith.constant 0 : i32
    %dma_start3A_272 = tpu.memref_slice %arg9[%dma_start3A_270, %dma_start3A_271] : memref<512x64xf32, #tpu.memory_space<vmem>> -> memref<128x64xf32, #tpu.memory_space<vmem>>
    %dma_start3A_273 = arith.constant 0 : i32
    %dma_start3A_274 = tpu.memref_slice %arg7[%add3A_269, %dma_start3A_273] : memref<16384x64xf32, #tpu.memory_space<hbm>> -> memref<128x64xf32, #tpu.memory_space<hbm>>
    %dma_start3A_275 = arith.constant 0 : i32
    %dma_start3A_276 = tpu.memref_slice %arg7[%add3A_269, %dma_start3A_275] : memref<16384x64xf32, #tpu.memory_space<hbm>> -> memref<128x64xf32, #tpu.memory_space<hbm>>
    %dma_start3A_277 = arith.constant 384 : i32
    %dma_start3A_278 = arith.constant 0 : i32
    %dma_start3A_279 = tpu.memref_slice %arg9[%dma_start3A_277, %dma_start3A_278] : memref<512x64xf32, #tpu.memory_space<vmem>> -> memref<128x64xf32, #tpu.memory_space<vmem>>
    tpu.enqueue_dma source(%dma_start3A_279 : memref<128x64xf32, #tpu.memory_space<vmem>>) target(%dma_start3A_276 : memref<128x64xf32, #tpu.memory_space<hbm>>) target_semaphore(%arg12 : memref<!tpu.dma_semaphore, #tpu.memory_space<semaphore_mem>>)
    %dma_wait3A_280 = arith.constant 0 : i32
    %dma_wait3A_281 = arith.constant 0 : i32
    %dma_wait3A_282 = tpu.memref_slice %arg9[%dma_wait3A_280, %dma_wait3A_281] : memref<512x64xf32, #tpu.memory_space<vmem>> -> memref<128x64xf32, #tpu.memory_space<vmem>>
    %dma_wait3A_283 = arith.constant 0 : i32
    %dma_wait3A_284 = arith.constant 0 : i32
    %dma_wait3A_285 = tpu.memref_slice %arg6[%dma_wait3A_283, %dma_wait3A_284] : memref<16384x64xf32, #tpu.memory_space<hbm>> -> memref<128x64xf32, #tpu.memory_space<hbm>>
    %dma_wait3A_286 = arith.constant 0 : i32
    %dma_wait3A_287 = arith.constant 0 : i32
    %dma_wait3A_288 = tpu.memref_slice %arg9[%dma_wait3A_286, %dma_wait3A_287] : memref<512x64xf32, #tpu.memory_space<vmem>> -> memref<128x64xf32, #tpu.memory_space<vmem>>
    %dma_wait3A_289 = arith.constant 0 : i32
    %dma_wait3A_290 = arith.constant 0 : i32
    %dma_wait3A_291 = tpu.memref_slice %arg6[%dma_wait3A_289, %dma_wait3A_290] : memref<16384x64xf32, #tpu.memory_space<hbm>> -> memref<128x64xf32, #tpu.memory_space<hbm>>
    tpu.wait_dma2 semaphore(%arg12 : memref<!tpu.dma_semaphore, #tpu.memory_space<semaphore_mem>>) src(%dma_wait3A_291 : memref<128x64xf32, #tpu.memory_space<hbm>>) dst(%dma_wait3A_288 : memref<128x64xf32, #tpu.memory_space<vmem>>)
    %dma_wait3A_292 = arith.constant 0 : i32
    %dma_wait3A_293 = arith.constant 0 : i32
    %dma_wait3A_294 = tpu.memref_slice %arg9[%dma_wait3A_292, %dma_wait3A_293] : memref<512x64xf32, #tpu.memory_space<vmem>> -> memref<128x64xf32, #tpu.memory_space<vmem>>
    %dma_wait3A_295 = arith.constant 0 : i32
    %dma_wait3A_296 = arith.constant 0 : i32
    %dma_wait3A_297 = tpu.memref_slice %arg6[%dma_wait3A_295, %dma_wait3A_296] : memref<16384x64xf32, #tpu.memory_space<hbm>> -> memref<128x64xf32, #tpu.memory_space<hbm>>
    %dma_wait3A_298 = arith.constant 0 : i32
    %dma_wait3A_299 = arith.constant 0 : i32
    %dma_wait3A_300 = tpu.memref_slice %arg9[%dma_wait3A_298, %dma_wait3A_299] : memref<512x64xf32, #tpu.memory_space<vmem>> -> memref<128x64xf32, #tpu.memory_space<vmem>>
    %dma_wait3A_301 = arith.constant 0 : i32
    %dma_wait3A_302 = arith.constant 0 : i32
    %dma_wait3A_303 = tpu.memref_slice %arg6[%dma_wait3A_301, %dma_wait3A_302] : memref<16384x64xf32, #tpu.memory_space<hbm>> -> memref<128x64xf32, #tpu.memory_space<hbm>>
    tpu.wait_dma2 semaphore(%arg12 : memref<!tpu.dma_semaphore, #tpu.memory_space<semaphore_mem>>) src(%dma_wait3A_303 : memref<128x64xf32, #tpu.memory_space<hbm>>) dst(%dma_wait3A_300 : memref<128x64xf32, #tpu.memory_space<vmem>>)
    %dma_wait3A_304 = arith.constant 0 : i32
    %dma_wait3A_305 = arith.constant 0 : i32
    %dma_wait3A_306 = tpu.memref_slice %arg9[%dma_wait3A_304, %dma_wait3A_305] : memref<512x64xf32, #tpu.memory_space<vmem>> -> memref<128x64xf32, #tpu.memory_space<vmem>>
    %dma_wait3A_307 = arith.constant 0 : i32
    %dma_wait3A_308 = arith.constant 0 : i32
    %dma_wait3A_309 = tpu.memref_slice %arg6[%dma_wait3A_307, %dma_wait3A_308] : memref<16384x64xf32, #tpu.memory_space<hbm>> -> memref<128x64xf32, #tpu.memory_space<hbm>>
    %dma_wait3A_310 = arith.constant 0 : i32
    %dma_wait3A_311 = arith.constant 0 : i32
    %dma_wait3A_312 = tpu.memref_slice %arg9[%dma_wait3A_310, %dma_wait3A_311] : memref<512x64xf32, #tpu.memory_space<vmem>> -> memref<128x64xf32, #tpu.memory_space<vmem>>
    %dma_wait3A_313 = arith.constant 0 : i32
    %dma_wait3A_314 = arith.constant 0 : i32
    %dma_wait3A_315 = tpu.memref_slice %arg6[%dma_wait3A_313, %dma_wait3A_314] : memref<16384x64xf32, #tpu.memory_space<hbm>> -> memref<128x64xf32, #tpu.memory_space<hbm>>
    tpu.wait_dma2 semaphore(%arg12 : memref<!tpu.dma_semaphore, #tpu.memory_space<semaphore_mem>>) src(%dma_wait3A_315 : memref<128x64xf32, #tpu.memory_space<hbm>>) dst(%dma_wait3A_312 : memref<128x64xf32, #tpu.memory_space<vmem>>)
    %dma_wait3A_316 = arith.constant 0 : i32
    %dma_wait3A_317 = arith.constant 0 : i32
    %dma_wait3A_318 = tpu.memref_slice %arg9[%dma_wait3A_316, %dma_wait3A_317] : memref<512x64xf32, #tpu.memory_space<vmem>> -> memref<128x64xf32, #tpu.memory_space<vmem>>
    %dma_wait3A_319 = arith.constant 0 : i32
    %dma_wait3A_320 = arith.constant 0 : i32
    %dma_wait3A_321 = tpu.memref_slice %arg6[%dma_wait3A_319, %dma_wait3A_320] : memref<16384x64xf32, #tpu.memory_space<hbm>> -> memref<128x64xf32, #tpu.memory_space<hbm>>
    %dma_wait3A_322 = arith.constant 0 : i32
    %dma_wait3A_323 = arith.constant 0 : i32
    %dma_wait3A_324 = tpu.memref_slice %arg9[%dma_wait3A_322, %dma_wait3A_323] : memref<512x64xf32, #tpu.memory_space<vmem>> -> memref<128x64xf32, #tpu.memory_space<vmem>>
    %dma_wait3A_325 = arith.constant 0 : i32
    %dma_wait3A_326 = arith.constant 0 : i32
    %dma_wait3A_327 = tpu.memref_slice %arg6[%dma_wait3A_325, %dma_wait3A_326] : memref<16384x64xf32, #tpu.memory_space<hbm>> -> memref<128x64xf32, #tpu.memory_space<hbm>>
    tpu.wait_dma2 semaphore(%arg12 : memref<!tpu.dma_semaphore, #tpu.memory_space<semaphore_mem>>) src(%dma_wait3A_327 : memref<128x64xf32, #tpu.memory_space<hbm>>) dst(%dma_wait3A_324 : memref<128x64xf32, #tpu.memory_space<vmem>>)
    return
  }
}

</mosaic_0001>

<sc_bundles>
// kernel: kernel.3.cloned.1.call-start
scs
__scs_entry_jumppad:
0x0: {  	(pc) =	sbr.rel $0x88, $3  }
0x1: {  	(tag) =	ssettag $0x0;
	lr =	simm.s32 $0x1  }
0x2: {  	[smem:$0x3F9D] =	sst lr;
	_ =	strace $0xD0000000  }
0x3: {  	_ = 	snop  }
0x4: {  	_ = 	snop  }
0x5: {  	_ = 	snop  }
0x6: {  	_ = 	snop  }
0x7: {  	_ = 	snop  }
__scs_overlays_trampoline_lowered:
0x8: {  	[smem:$0x3FAC] =	sst s0  }
0x9: {  	[smem:$0x3FAD] =	sst s1  }
0xa: {  	[smem:$0x3FAE] =	sst s2  }
0xb: {  	[smem:$0x3FAF] =	sst s3  }
0xc: {  	[smem:$0x3FB0] =	sst s4  }
0xd: {  	[smem:$0x3FB1] =	sst s5  }
0xe: {  	[smem:$0x3FB2] =	sst s6  }
0xf: {  	[smem:$0x3FB3] =	sst s7  }
0x10: {  	[smem:$0x3FB4] =	sst s8  }
0x11: {  	[smem:$0x3FB5] =	sst s9;
	s0 =	simm.s32 @!p0 $0x0  }
0x12: {  	s1 =	sld [smem:$0x3F9B];
	s0 =	simm.s32 @p0 $0x1  }
0x13: {  	[smem:$0x3FB6] =	sst s0;
	s0 =	simm.s32 @!p1 $0x0  }
0x14: {  	s2 =	sld [smem:$0x3F9A];
	s0 =	simm.s32 @p1 $0x1  }
0x15: {  	[smem:$0x3FB7] =	sst s0;
	s0 =	simm.s32 @!p2 $0x0  }
0x16: {  	s3 =	sld [smem:$0x3FDB];
	s0 =	simm.s32 @p2 $0x1  }
0x17: {  	s4 =	simm.s32 $0x1BF5;
	[smem:$0x3FB9] =	sst s0  }
0x18: {  	s0 =	sld [smem:$0x3F9C];
	_ =	swait.ge [sflag:s4], $0x0  }
0x19: {  	s7 =	sld [smem:$0x3F9D]  }
0x1a: {  	s8 =	sadd.s32 $0xFFFFE003, lr  }
0x1b: {  	s9 =	sadd.s32 $0xFFFFFEF7, lr;
	s5 =	simm.s32 $0xFFFFFFFF;
	p2 =	slt.u32 s8, $0xFFFFF086  }
0x1c: {  	p1 =	slt.u32 s9, $0xF7A;
	s5 =	simm.s32 @!p2 $0x0  }
0x1d: {  	s5 =	simm.s32 @p1 $0x1;
	p0 =	seq.s32 s7, s2  }
0x1e: {  	s7 =	smul.u32 @!p0 $0xF7A, s2;
	p2 =	seq.s32 @!p0 s5, $0x0  }
0x1f: {  	s9 =	smul.u32 $0xF7A, s1;
	s8 =	simm.s32 @!p0 $0x1BF5;
	p2 =	por !p2, p0  }
0x20: {  	[sflag:s8] =	ssyncset.s32 @!p0 $0xFFFFF086;
	s6 =	sadd.s32 @!p0 s3, s7;
	s7 =	simm.s32 @!p0 $0x108  }
0x21: {  	s3 =	sadd.s32 s3, s9;
	s6 =	sadd.s32 @!p0 $0x88, s6;
	s7 =	simm.s32 @p2 $0x1082  }
0x22: {  	[simem:s7], [sflag:s8] =	dma.local @!p0 [hbm:s6], $0xF7A  }
0x23: {  	s9 =	sor.u32 $0xD0000000, s2;
	s6 =	simm.s32 $0x108;
	_ =	swait.ge @!p0 [sflag:s8], $0x0  }
0x24: {  	s3 =	sadd.s32 $0x88, s3;
	s6 =	simm.s32 @!p1 $0x1082;
	[sflag:s4] =	ssyncset.s32 $0xFFFFF086  }
0x25: {  	[simem:s6], [sflag:s4] =	dma.local [hbm:s3], $0xF7A  }
0x26: {  	[smem:$0x3F9D] =	sst s1;
	(tag) =	ssettag s2;
	_ =	strace s9  }
0x27: {  	s1 =	sld [smem:$0x3FAD]  }
0x28: {  	s2 =	sld [smem:$0x3FAE]  }
0x29: {  	s4 =	sld [smem:$0x3FB0]  }
0x2a: {  	p0 =	seq.s32 s5, $0x0;
	s5 =	sld [smem:$0x3FB1]  }
0x2b: {  	s6 =	sld [smem:$0x3FB2]  }
0x2c: {  	s7 =	sld [smem:$0x3FB3]  }
0x2d: {  	s3 =	simm.s32 $0x108;
	s8 =	sld [smem:$0x3FB4]  }
0x2e: {  	s3 =	simm.s32 @!p0 $0x1082;
	s9 =	sld [smem:$0x3FB5]  }
0x2f: {  	lr =	sadd.s32 s0, s3;
	s0 =	sld [smem:$0x3FAC]  }
0x30: {  	s3 =	sld [smem:$0x3FAF]  }
0x31: {  	[smem:$0x3FB8] =	sst s10  }
0x32: {  	s10 =	sld [smem:$0x3FB6];
	_ =	sdelay $0x3  }
0x33: {  	p0 =	seq.s32 s10, $0x1;
	s10 =	sld [smem:$0x3FB8];
	_ =	sdelay $0x3  }
0x34: {  	[smem:$0x3FB8] =	sst s10  }
0x35: {  	s10 =	sld [smem:$0x3FB7];
	_ =	sdelay $0x3  }
0x36: {  	p1 =	seq.s32 s10, $0x1;
	s10 =	sld [smem:$0x3FB8];
	_ =	sdelay $0x3  }
0x37: {  	[smem:$0x3FB8] =	sst s10  }
0x38: {  	s10 =	sld [smem:$0x3FB9]  }
0x39: {  	_ = 	snop;
	(pc) =	sbr.ind lr, $3  }
0x3a: {  	_ = 	snop  }
0x3b: {  	_ = 	snop  }
0x3c: {  	p2 =	seq.s32 s10, $0x1;
	s10 =	sld [smem:$0x3FB8]  }
0x3d: {  	_ =	shalt  }
0x3e: {  	_ =	shalt  }
0x3f: {  	_ =	shalt  }
0x40: {  	_ =	shalt  }
0x41: {  	_ =	shalt  }
0x42: {  	_ =	shalt  }
0x43: {  	_ =	shalt  }
0x44: {  	_ =	shalt  }
0x45: {  	_ =	shalt  }
0x46: {  	_ =	shalt  }
0x47: {  	_ =	shalt  }
0x48: {  	_ =	shalt  }
0x49: {  	_ =	shalt  }
0x4a: {  	_ =	shalt  }
0x4b: {  	_ =	shalt  }
0x4c: {  	_ =	shalt  }
0x4d: {  	_ =	shalt  }
0x4e: {  	_ =	shalt  }
0x4f: {  	_ =	shalt  }
0x50: {  	_ =	shalt  }
0x51: {  	_ =	shalt  }
0x52: {  	_ =	shalt  }
0x53: {  	_ =	shalt  }
0x54: {  	_ =	shalt  }
0x55: {  	_ =	shalt  }
0x56: {  	_ =	shalt  }
0x57: {  	_ =	shalt  }
0x58: {  	_ =	shalt  }
0x59: {  	_ =	shalt  }
0x5a: {  	_ =	shalt  }
0x5b: {  	_ =	shalt  }
0x5c: {  	_ =	shalt  }
0x5d: {  	_ =	shalt  }
0x5e: {  	_ =	shalt  }
0x5f: {  	_ =	shalt  }
0x60: {  	_ =	shalt  }
0x61: {  	_ =	shalt  }
0x62: {  	_ =	shalt  }
0x63: {  	_ =	shalt  }
0x64: {  	_ =	shalt  }
0x65: {  	_ =	shalt  }
0x66: {  	_ =	shalt  }
0x67: {  	_ =	shalt  }
0x68: {  	_ =	shalt  }
0x69: {  	_ =	shalt  }
0x6a: {  	_ =	shalt  }
0x6b: {  	_ =	shalt  }
0x6c: {  	_ =	shalt  }
0x6d: {  	_ =	shalt  }
0x6e: {  	_ =	shalt  }
0x6f: {  	_ =	shalt  }
0x70: {  	_ =	shalt  }
0x71: {  	_ =	shalt  }
0x72: {  	_ =	shalt  }
0x73: {  	_ =	shalt  }
0x74: {  	_ =	shalt  }
0x75: {  	_ =	shalt  }
0x76: {  	_ =	shalt  }
0x77: {  	_ =	shalt  }
0x78: {  	_ =	shalt  }
0x79: {  	_ =	shalt  }
0x7a: {  	_ =	shalt  }
0x7b: {  	_ =	shalt  }
0x7c: {  	_ =	shalt  }
0x7d: {  	_ =	shalt  }
0x7e: {  	_ =	shalt  }
0x7f: {  	_ =	shalt  }
0x80: {  	_ =	shalt  }
0x81: {  	_ =	shalt  }
0x82: {  	_ =	shalt  }
0x83: {  	_ =	shalt  }
0x84: {  	_ =	shalt  }
0x85: {  	_ =	shalt  }
0x86: {  	_ =	shalt  }
0x87: {  	_ =	shalt  }
.Lfunc_end0:
.L_simem_size_0:
called_computation_lowered:
.L_overlay_start_0:
0x88: {  	s2 =	sld [smem:$0x3FD9]  }
0x89: {  	s3 =	sld [smem:$0x3FFE];
	_ =	sdelay $0x1  }
0x8a: {  	s1 =	srdreg.scid  }
0x8b: {  	s0 =	sand.u32 $0x1, s1  }
0x8c: {  	s17 =	sshll.u32 s0, $0xA;
	s2 =	sadd.s32 s3, s2  }
0x8d: {  	s2 =	sadd.s32 s2, s17  }
0x8e: {  	[smem:$0x3FC4] =	sst s2  }
0x8f: {  	_ = 	snop  }
0x90: {  	s2 =	sld [smem:$0x3FC9]  }
0x91: {  	s18 =	sld [smem:$0x3FC8];
	(tm) =	ssettm $0x1  }
0x92: {  	s4 =	sld [smem:$0x3FFB];
	_ =	sdelay $0x3  }
0x93: {  	_ =	strace s4  }
0x94: {  	s4 =	sld [smem:$0x3FFC];
	_ =	sdelay $0x3  }
0x95: {  	_ =	strace s4  }
0x96: {  	s4 =	sld [smem:$0x3FFD];
	_ =	sdelay $0x3  }
0x97: {  	_ =	strace s4  }
0x98: {  	_ =	strace $0x8FFFFFFF  }
0x99: {  	s19 =	sld [smem:$0x3FDB];
	_ =	sdelay $0x1  }
0x9a: {  	s5 =	simm.s32 $_scs_section_size  }
0x9b: {  	s6 =	simm.s32 $_size__tile_overlayer_lowered;
	s7 =	simm.s32 $_tile_overlayer_lowered  }
0x9c: {  	s22 =	simm.s32 $0x1BFF;
	s21 =	sshll.u32 s7, $0x1;
	s4 =	sadd.s32 s5, s19  }
0x9d: {  	s8 =	simm.s32 $0x0;
	s20 =	sshll.u32 s6, $0x1;
	s6 =	sadd.s32 s21, s4  }
0x9e: {  	[timem:s8], [sflag:s22] =	dma.local [hbm:s6], s20  }
0x9f: {  	_ =	swait.ge [sflag:s22], s20  }
0xa0: {  	s5 =	ssub.s32 $0x0, s20;
	[sflag:s22] =	ssyncset.done $0x0  }
0xa1: {  	[sflag:s22] =	ssyncadd.s32 s5;
	_ =	sdelay $0x1  }
0xa2: {  	s23 =	simm.s32 $0x1B8B  }
0xa3: {  	_ =	swait.ge [sflag:s23], $0x1  }
0xa4: {  	[sflag:s23] =	ssyncset.done $0x0  }
0xa5: {  	s25 =	simm.s32 $0x1B8E;
	s24 =	sld [smem:$0x3FFE];
	[sflag:s23] =	ssyncadd.s32 $0xFFFFFFFF  }
0xa6: {  	s26 =	simm.s32 $execute0_lowered;
	[smem:$0x3FD2] =	sst s25  }
0xa7: {  	s6 =	sshll.u32 s26, $0x1;
	_ =	strace $0x80000046;
	[dreg:$0x1] =	wrdreg $0xFFFFFFFF  }
0xa8: {  	s28 =	simm.s32 $_size_execute0_lowered;
	s4 =	sadd.s32 s4, s6;
	[dreg:$0x0] =	wrdreg $0x0  }
0xa9: {  	s6 =	sshll.u32 s28, $0x1;
	[dreg:$0x2] =	wrdreg s4  }
0xaa: {  	[dreg:$0x3] =	wrdreg s6  }
0xab: {  	[dreg:$0x4] =	wrdreg $0xC0  }
0xac: {  	_ =	task [dreg:s8], $0x5FFFF  }
0xad: {  	[dreg:$0x1] =	wrdreg $0xFFFFFFFF  }
0xae: {  	[dreg:$0x0] =	wrdreg $0x60  }
0xaf: {  	[dreg:$0x2] =	wrdreg s2  }
0xb0: {  	[dreg:$0x3] =	wrdreg s18  }
0xb1: {  	[dreg:$0x4] =	wrdreg s24  }
0xb2: {  	[dreg:$0x5] =	wrdreg $0x9  }
0xb3: {  	_ =	task.clear_ibuf [dreg:s8], $0x6FFFF;
	_ =	strace $0x90000046  }
0xb4: {  	s29 =	simm.s32 $0x9;
	_ =	strace $0x80000048  }
0xb5: {  	_ =	swait.ge [sflag:s29], $0x1  }
0xb6: {  	[sflag:s29] =	ssyncadd.s32 $0xFFFFFFFF  }
0xb7: {  	_ =	strace $0x90000048  }
0xb8: {  	_ =	sfence  }
0xb9: {  	s30 =	sld [smem:$0x0];
	_ =	sdelay $0x2  }
0xba: {  	s31 =	sshll.u32 s1, $0xD;
	s1 =	sshrl.u32 s1, $0x2  }
0xbb: {  	s3 =	sand.u32 $0x4000, s31;
	s1 =	sadd.s32 s1, s30  }
0xbc: {  	s0 =	sor.u32 s3, s0;
	s1 =	sshll.u32 s1, $0x11  }
0xbd: {  	s0 =	sor.u32 s1, s0  }
0xbe: {  	s0 =	sadd.s32 $0x8F2B, s0  }
0xbf: {  	[sflag:s0] =	ssyncadd.remote.s32 $0x1  }
0xc0: {  	_ =	sfence.sel $0xFFFF  }
0xc1: {  	[dreg:$0x0] =	wrdreg $0xFFFFFFFF;
	(pc) =	sbr.abs _section_cstart, $3  }
0xc2: {  	[dreg:$0x1] =	wrdreg $0xFFFFFFFF  }
0xc3: {  	_ =	task.clear_ibuf [dreg:s8], $0x2FFFF;
	_ =	strace $0x9FFFFFFF  }
0xc4: {  	(tm) =	ssettm $0x7FFFFFFF  }
0xc5: {  	_ =	shalt  }
tec
execute0_lowered:
.L_overlay_start_1:
0x0: {  	(tag) =	ssettag $0x1  }
0x1: {  	s0 =	rddreg [dreg:$0x0]  }
0x2: {  	s2 =	rddreg [dreg:$0x1]  }
0x3: {  	s5 =	rddreg [dreg:$0x2];
	s1 =	simm.s32 $0x0  }
0x4: {  	s6 =	srdreg.scid;
	s8 =	stileid.u32;
	s16 =	simm.s32 $0x4  }
0x5: {  	s18 =	simm.s32 $0x1;
	s20 =	simm.s32 $0x2;
	s6 =	sand.u32 $0x1, s6  }
0x6: {  	s8 =	sshll.u32 s8, $0xA;
	s7 =	ssub.s32 $0x2, s6;
	s6 =	sshll.u32 s6, $0x9  }
0x7: {  	[smem:$0x7FF] =	sst s1;
	s3 =	sadd.s32 $0x800, s5;
	s6 =	sor.u32 s6, s8  }
0x8: {  	s4 =	sadd.s32 $0xF42C00, s5;
	s10 =	sadd.s32 $0x1E85000, s5;
	s21 =	sshrl.u32 s6, $0x3  }
0x9: {  	s5 =	sadd.s32 $0x1EC5000, s5;
	_ =	strace $0x80000047;
	s0 =	sadd.s32 s0, s21  }
0xa: {  	s11 =	sshll.u32 s6, $0x4;
	s22 =	sadd.s32 s2, s21;
	[dreg:$0x4] =	wrdreg s0  }
0xb: {  	s9 =	sshrl.u32 s7, $0x1;
	s23 =	sadd.s32 s10, s11;
	[dreg:$0x5] =	wrdreg s22  }
0xc: {  	s24 =	sor.u32 $0x800, s11;
	s30 =	sadd.s32 s5, s11;
	[dreg:$0x6] =	wrdreg s23  }
0xd: {  	s25 =	sor.u32 $0x1000, s11;
	s26 =	sadd.s32 s10, s24;
	[dreg:$0xa] =	wrdreg s30  }
0xe: {  	s14 =	sor.u32 $0x1800, s11;
	s28 =	sadd.s32 s10, s25;
	[dreg:$0x7] =	wrdreg s26  }
0xf: {  	s15 =	ssub.s32 s7, s9;
	s29 =	sadd.s32 s10, s14;
	[dreg:$0x8] =	wrdreg s28  }
0x10: {  	s15 =	smax.u32 s15, $0x1;
	s0 =	sadd.s32 s5, s24;
	[dreg:$0x9] =	wrdreg s29  }
0x11: {  	s31 =	sadd.s32 s5, s25;
	s14 =	sadd.s32 s5, s14;
	[dreg:$0xb] =	wrdreg s0  }
0x12: {  	s24 =	simm.s32 $0x3;
	s25 =	simm.s32 $0x0;
	[dreg:$0xc] =	wrdreg s31  }
.LBB2_1:
0x13: {  	s0 =	rddreg [dreg:$0x4]  }
0x14: {  	[tilespmem:s1], [sflag:$0x4] =	stream.linear.gather [hbm4b:s0+s1], $0x200, $0x38;
	[tilespmem:$0x10400] =	vst v63  }
0x15: {  	_ =	swait.ge [sflag:s16], $0x200  }
0x16: {  	[sflag:s16] =	ssyncset.done $0x0  }
0x17: {  	s2 =	simm.s32 $0x200;
	s31 =	rddreg [dreg:$0x5];
	[sflag:s16] =	ssyncadd.s32 $0xFFFFFE00  }
0x18: {  	[tilespmem:s2], [sflag:$0x4] =	stream.linear.gather [hbm4b:s31+s1], $0x200, $0x38;
	[tilespmem:$0x10400] =	vst v63  }
0x19: {  	_ =	swait.ge [sflag:s16], $0x200  }
0x1a: {  	[sflag:s16] =	ssyncset.done $0x0  }
0x1b: {  	[sflag:s16] =	ssyncadd.s32 $0xFFFFFE00  }
0x1c: {  	v0 =	vld [tilespmem:s1+$0x0];
	_ =	sdelay $0x4  }
0x1d: {  	v0 =	vshll.u32 v0, $0x4  }
0x1e: {  	(v2sf) =	vpush v0, $0x0  }
0x1f: {  	(v2sf) =	vpush v0, $0x1  }
0x20: {  	(v2sf) =	vpush v0, $0x2;
	_ =	sdelay $0x1  }
0x21: {  	(v2sf) =	vpush v0, $0x4;
	_ =	sdelay $0x1  }
0x22: {  	(v2sf) =	vpush v0, $0x3  }
0x23: {  	(v2sf) =	vpush v0, $0x5  }
0x24: {  	s29 =	simm.s32 $0x2000;
	s28 =	simm.s32 $0x0;
	s30 =	simm.s32 $0x0;
	(v2sf) =	vpush v0, $0x6  }
.LBB2_2:
0x25: {  	p0 =	sne.s32 s29, $0xE000  }
0x26: {  	s6 =	sadd.s32 $0x480, s28;
	s17 =	sadd.s32 $0x980, s28;
	s31 =	smov.u32 s29  }
0x27: {  	s29 =	sadd.s32 $0x2000, s29;
	s22 =	sadd.s32 $0x780, s28;
	s0 =	sadd.s32 $0xA00, s28;
	(v2sf) =	vpush v0, $0x7  }
0x28: {  	s5 =	sadd.s32 $0x680, s28;
	s19 =	sadd.s32 $0x800, s28;
	s2 =	sadd.s32 $0xA80, s28  }
0x29: {  	s7 =	sadd.s32 $0x400, s28;
	s8 =	sadd.s32 $0x600, s28;
	(v2sf) =	vpush v0, $0x8  }
0x2a: {  	s26 =	simm.s32 $0x0;
	s9 =	sadd.s32 $0x700, s28;
	s30 =	sadd.s32 $0x10, s30  }
0x2b: {  	s10 =	sadd.s32 $0x500, s28;
	s21 =	sadd.s32 $0x900, s28;
	s23 =	spop (v2sf);
	(v2sf) =	vpush v0, $0x9  }
0x2c: {  	s11 =	sand.u32 $0x1FFFFFF0, s23;
	s23 =	sadd.s32 $0x880, s28;
	s12 =	spop (v2sf)  }
0x2d: {  	s11 =	sadd.s32 s3, s11;
	s12 =	sand.u32 $0x1FFFFFF0, s12;
	s13 =	spop (v2sf);
	(v2sf) =	vpush v0, $0xA  }
0x2e: {  	[tilespmem:s7], [sflag:$0x1] =	stream.linear.gather [hbm4b:s11+s26], $0x80, $0x38;
	[tilespmem:$0x10400] =	vst v63  }
0x2f: {  	s7 =	sadd.s32 s3, s12;
	s11 =	sadd.s32 $0x580, s28;
	s12 =	spop (v2sf);
	(v2sf) =	vpush v0, $0xB  }
0x30: {  	[tilespmem:s6], [sflag:$0x1] =	stream.linear.gather [hbm4b:s7+s26], $0x80, $0x38;
	[tilespmem:$0x10400] =	vst v63  }
0x31: {  	s6 =	sand.u32 $0x1FFFFFF0, s13;
	s7 =	sand.u32 $0x1FFFFFF0, s12;
	s12 =	spop (v2sf);
	(v2sf) =	vpush v0, $0xC  }
0x32: {  	s6 =	sadd.s32 s3, s6;
	s12 =	sand.u32 $0x1FFFFFF0, s12;
	s13 =	spop (v2sf)  }
0x33: {  	[tilespmem:s10], [sflag:$0x1] =	stream.linear.gather [hbm4b:s6+s26], $0x80, $0x38;
	(v2sf) =	vpush v0, $0xD;
	[tilespmem:$0x10400] =	vst v63  }
0x34: {  	s6 =	sadd.s32 s3, s12;
	s10 =	sand.u32 $0x1FFFFFF0, s13;
	s12 =	spop (v2sf)  }
0x35: {  	[tilespmem:s11], [sflag:$0x1] =	stream.linear.gather [hbm4b:s6+s26], $0x80, $0x38;
	(v2sf) =	vpush v0, $0xE;
	[tilespmem:$0x10400] =	vst v63  }
0x36: {  	s6 =	sadd.s32 s3, s7;
	s7 =	sand.u32 $0x1FFFFFF0, s12;
	s11 =	spop (v2sf)  }
0x37: {  	[tilespmem:s8], [sflag:$0x1] =	stream.linear.gather [hbm4b:s6+s26], $0x80, $0x38;
	(v2sf) =	vpush v0, $0xF;
	[tilespmem:$0x10400] =	vst v63  }
0x38: {  	s6 =	sadd.s32 s3, s10;
	s8 =	sand.u32 $0x1FFFFFF0, s11;
	s10 =	spop (v2sf)  }
0x39: {  	[tilespmem:s5], [sflag:$0x1] =	stream.linear.gather [hbm4b:s6+s26], $0x80, $0x38;
	[tilespmem:$0x10400] =	vst v63  }
0x3a: {  	s5 =	sadd.s32 s3, s7;
	s6 =	sand.u32 $0x1FFFFFF0, s10;
	s7 =	spop (v2sf)  }
0x3b: {  	[tilespmem:s9], [sflag:$0x1] =	stream.linear.gather [hbm4b:s5+s26], $0x80, $0x38;
	[tilespmem:$0x10400] =	vst v63  }
0x3c: {  	s5 =	sadd.s32 s3, s8;
	s7 =	sand.u32 $0x1FFFFFF0, s7;
	s8 =	spop (v2sf)  }
0x3d: {  	[tilespmem:s22], [sflag:$0x1] =	stream.linear.gather [hbm4b:s5+s26], $0x80, $0x38;
	[tilespmem:$0x10400] =	vst v63  }
0x3e: {  	s5 =	sadd.s32 s3, s6;
	s6 =	sand.u32 $0x1FFFFFF0, s8;
	s8 =	spop (v2sf)  }
0x3f: {  	[tilespmem:s19], [sflag:$0x1] =	stream.linear.gather [hbm4b:s5+s26], $0x80, $0x38;
	[tilespmem:$0x10400] =	vst v63  }
0x40: {  	s5 =	sadd.s32 s3, s7;
	s7 =	sand.u32 $0x1FFFFFF0, s8;
	s8 =	spop (v2sf)  }
0x41: {  	[tilespmem:s23], [sflag:$0x1] =	stream.linear.gather [hbm4b:s5+s26], $0x80, $0x38;
	[tilespmem:$0x10400] =	vst v63  }
0x42: {  	s5 =	sadd.s32 s3, s6;
	s6 =	sand.u32 $0x1FFFFFF0, s8;
	s8 =	spop (v2sf)  }
0x43: {  	[tilespmem:s21], [sflag:$0x1] =	stream.linear.gather [hbm4b:s5+s26], $0x80, $0x38;
	[tilespmem:$0x10400] =	vst v63  }
0x44: {  	s5 =	sadd.s32 s3, s7;
	s7 =	sand.u32 $0x1FFFFFF0, s8;
	s8 =	spop (v2sf)  }
0x45: {  	[tilespmem:s17], [sflag:$0x1] =	stream.linear.gather [hbm4b:s5+s26], $0x80, $0x38;
	[tilespmem:$0x10400] =	vst v63  }
0x46: {  	s5 =	sadd.s32 s3, s6;
	s6 =	sand.u32 $0x1FFFFFF0, s8;
	s8 =	spop (v2sf)  }
0x47: {  	[tilespmem:s0], [sflag:$0x1] =	stream.linear.gather [hbm4b:s5+s26], $0x80, $0x38;
	[tilespmem:$0x10400] =	vst v63  }
0x48: {  	s0 =	sadd.s32 s3, s7;
	s5 =	sand.u32 $0x1FFFFFF0, s8  }
0x49: {  	[tilespmem:s2], [sflag:$0x1] =	stream.linear.gather [hbm4b:s0+s26], $0x80, $0x38;
	[tilespmem:$0x10400] =	vst v63  }
0x4a: {  	s0 =	sadd.s32 $0xB00, s28;
	s2 =	sadd.s32 s3, s6  }
0x4b: {  	[tilespmem:s0], [sflag:$0x1] =	stream.linear.gather [hbm4b:s2+s26], $0x80, $0x38;
	[tilespmem:$0x10400] =	vst v63  }
0x4c: {  	s0 =	sadd.s32 $0xB80, s28;
	s2 =	sadd.s32 s3, s5  }
0x4d: {  	[tilespmem:s0], [sflag:$0x1] =	stream.linear.gather [hbm4b:s2+s26], $0x80, $0x38;
	[tilespmem:$0x10400] =	vst v63  }
0x4e: {  	v0 =	vld [tilespmem:s30+$0x0];
	_ =	sdelay $0x4  }
0x4f: {  	v0 =	vshll.u32 v0, $0x4  }
0x50: {  	(v2sf) =	vpush v0, $0x0  }
0x51: {  	(v2sf) =	vpush v0, $0x1  }
0x52: {  	(v2sf) =	vpush v0, $0x2;
	_ =	sdelay $0x1  }
0x53: {  	(v2sf) =	vpush v0, $0x4  }
.Ltmp0:
0x54: {  	(pc) =	sbr.rel @p0 .LBB2_2-.Ltmp0, $3  }
0x55: {  	(v2sf) =	vpush v0, $0x3  }
0x56: {  	(v2sf) =	vpush v0, $0x5;
	_ =	sdelay $0x1  }
0x57: {  	s28 =	sshra.s32 s31, $0x2;
	(v2sf) =	vpush v0, $0x6  }
0x58: {  	_ =	sdelay $0x1  }
0x59: {  	s5 =	sadd.s32 $0x480, s28;
	s17 =	sadd.s32 $0x980, s28  }
0x5a: {  	s6 =	sadd.s32 $0x780, s28;
	s0 =	sadd.s32 $0xA00, s28;
	(v2sf) =	vpush v0, $0x7;
	s7 =	sadd.s32 $0x680, s28  }
0x5b: {  	s8 =	sadd.s32 $0x800, s28;
	s2 =	sadd.s32 $0xA80, s28;
	s9 =	sadd.s32 $0x400, s28  }
0x5c: {  	s10 =	sadd.s32 $0x600, s28;
	s11 =	sadd.s32 $0x700, s28;
	(v2sf) =	vpush v0, $0x8;
	s12 =	spop (v2sf)  }
0x5d: {  	s13 =	sadd.s32 $0x500, s28;
	s12 =	sand.u32 $0x1FFFFFF0, s12;
	s19 =	spop (v2sf)  }
0x5e: {  	(v2sf) =	vpush v0, $0x9;
	s12 =	sadd.s32 s3, s12;
	s19 =	sand.u32 $0x1FFFFFF0, s19;
	s21 =	spop (v2sf)  }
0x5f: {  	[tilespmem:s9], [sflag:$0x1] =	stream.linear.gather [hbm4b:s12+s26], $0x80, $0x38;
	[tilespmem:$0x10400] =	vst v63  }
0x60: {  	s22 =	sadd.s32 $0x580, s28;
	(v2sf) =	vpush v0, $0xA;
	s30 =	sadd.s32 s3, s19;
	s31 =	spop (v2sf)  }
0x61: {  	[tilespmem:s5], [sflag:$0x1] =	stream.linear.gather [hbm4b:s30+s26], $0x80, $0x38;
	[tilespmem:$0x10400] =	vst v63  }
0x62: {  	s9 =	sadd.s32 $0x900, s28;
	s21 =	sand.u32 $0x1FFFFFF0, s21;
	(v2sf) =	vpush v0, $0xB;
	s23 =	spop (v2sf)  }
0x63: {  	s12 =	sadd.s32 s3, s21;
	s5 =	sadd.s32 $0x880, s28;
	s21 =	sand.u32 $0x1FFFFFF0, s23  }
0x64: {  	(v2sf) =	vpush v0, $0xC;
	[tilespmem:s13], [sflag:$0x1] =	stream.linear.gather [hbm4b:s12+s26], $0x80, $0x38;
	[tilespmem:$0x10400] =	vst v63  }
0x65: {  	s30 =	sand.u32 $0x1FFFFFF0, s31;
	s31 =	spop (v2sf);
	s21 =	sadd.s32 s3, s21  }
0x66: {  	(v2sf) =	vpush v0, $0xD;
	[tilespmem:s22], [sflag:$0x1] =	stream.linear.gather [hbm4b:s21+s26], $0x80, $0x38;
	[tilespmem:$0x10400] =	vst v63  }
0x67: {  	s12 =	sadd.s32 s3, s30;
	s13 =	sand.u32 $0x1FFFFFF0, s31;
	s23 =	spop (v2sf)  }
0x68: {  	(v2sf) =	vpush v0, $0xE;
	[tilespmem:s10], [sflag:$0x1] =	stream.linear.gather [hbm4b:s12+s26], $0x80, $0x38;
	[tilespmem:$0x10400] =	vst v63  }
0x69: {  	s13 =	sadd.s32 s3, s13;
	s30 =	sand.u32 $0x1FFFFFF0, s23;
	s31 =	spop (v2sf)  }
0x6a: {  	(v2sf) =	vpush v0, $0xF;
	[tilespmem:s7], [sflag:$0x1] =	stream.linear.gather [hbm4b:s13+s26], $0x80, $0x38;
	[tilespmem:$0x10400] =	vst v63  }
0x6b: {  	s19 =	sand.u32 $0x1FFFFFF0, s31;
	s21 =	spop (v2sf);
	s10 =	sadd.s32 s3, s30  }
0x6c: {  	[tilespmem:s11], [sflag:$0x1] =	stream.linear.gather [hbm4b:s10+s26], $0x80, $0x38;
	[tilespmem:$0x10400] =	vst v63  }
0x6d: {  	s22 =	sand.u32 $0x1FFFFFF0, s21;
	s7 =	sadd.s32 s3, s19;
	s23 =	spop (v2sf)  }
0x6e: {  	[tilespmem:s6], [sflag:$0x1] =	stream.linear.gather [hbm4b:s7+s26], $0x80, $0x38;
	[tilespmem:$0x10400] =	vst v63  }
0x6f: {  	s10 =	sadd.s32 s3, s22;
	s30 =	sand.u32 $0x1FFFFFF0, s23;
	s31 =	spop (v2sf)  }
0x70: {  	[tilespmem:s8], [sflag:$0x1] =	stream.linear.gather [hbm4b:s10+s26], $0x80, $0x38;
	[tilespmem:$0x10400] =	vst v63  }
0x71: {  	s7 =	sand.u32 $0x1FFFFFF0, s31;
	s6 =	sadd.s32 s3, s30;
	s10 =	spop (v2sf)  }
0x72: {  	[tilespmem:s5], [sflag:$0x1] =	stream.linear.gather [hbm4b:s6+s26], $0x80, $0x38;
	[tilespmem:$0x10400] =	vst v63  }
0x73: {  	s7 =	sadd.s32 s3, s7;
	s11 =	sand.u32 $0x1FFFFFF0, s10;
	s12 =	spop (v2sf)  }
0x74: {  	[tilespmem:s9], [sflag:$0x1] =	stream.linear.gather [hbm4b:s7+s26], $0x80, $0x38;
	[tilespmem:$0x10400] =	vst v63  }
0x75: {  	s5 =	sadd.s32 s3, s11;
	s6 =	sand.u32 $0x1FFFFFF0, s12;
	s13 =	spop (v2sf)  }
0x76: {  	[tilespmem:s17], [sflag:$0x1] =	stream.linear.gather [hbm4b:s5+s26], $0x80, $0x38;
	[tilespmem:$0x10400] =	vst v63  }
0x77: {  	s6 =	sadd.s32 s3, s6;
	s19 =	spop (v2sf);
	s17 =	sand.u32 $0x1FFFFFF0, s13  }
0x78: {  	[tilespmem:s0], [sflag:$0x1] =	stream.linear.gather [hbm4b:s6+s26], $0x80, $0x38;
	[tilespmem:$0x10400] =	vst v63  }
0x79: {  	s21 =	sand.u32 $0x1FFFFFF0, s19;
	s22 =	spop (v2sf);
	s5 =	sadd.s32 s3, s17  }
0x7a: {  	[tilespmem:s2], [sflag:$0x1] =	stream.linear.gather [hbm4b:s5+s26], $0x80, $0x38;
	[tilespmem:$0x10400] =	vst v63  }
0x7b: {  	s30 =	sadd.s32 $0xB00, s28;
	s23 =	sand.u32 $0x1FFFFFF0, s22;
	s0 =	sadd.s32 s3, s21  }
0x7c: {  	[tilespmem:s30], [sflag:$0x1] =	stream.linear.gather [hbm4b:s0+s26], $0x80, $0x38;
	[tilespmem:$0x10400] =	vst v63  }
0x7d: {  	s31 =	sadd.s32 $0xB80, s28;
	s28 =	simm.s32 $0x80;
	s2 =	sadd.s32 s3, s23  }
0x7e: {  	[tilespmem:s31], [sflag:$0x1] =	stream.linear.gather [hbm4b:s2+s26], $0x80, $0x38;
	[tilespmem:$0x10400] =	vst v63  }
0x7f: {  	v0 =	vld [tilespmem:s28+$0x0];
	_ =	sdelay $0x4  }
0x80: {  	v0 =	vshll.u32 v0, $0x4  }
0x81: {  	(v2sf) =	vpush v0, $0x0  }
0x82: {  	(v2sf) =	vpush v0, $0x1  }
0x83: {  	(v2sf) =	vpush v0, $0x2;
	_ =	sdelay $0x1  }
0x84: {  	(v2sf) =	vpush v0, $0x4;
	_ =	sdelay $0x1  }
0x85: {  	(v2sf) =	vpush v0, $0x3  }
0x86: {  	(v2sf) =	vpush v0, $0x5  }
0x87: {  	s29 =	simm.s32 $0x2000;
	s26 =	simm.s32 $0x0;
	(v2sf) =	vpush v0, $0x6  }
.LBB2_4:
0x88: {  	p0 =	sne.s32 s29, $0xE000  }
0x89: {  	s6 =	sadd.s32 $0x4480, s26;
	s17 =	sadd.s32 $0x4980, s26;
	s30 =	smov.u32 s29  }
0x8a: {  	s29 =	sadd.s32 $0x2000, s29;
	s22 =	sadd.s32 $0x4780, s26;
	s0 =	sadd.s32 $0x4A00, s26;
	(v2sf) =	vpush v0, $0x7  }
0x8b: {  	s5 =	sadd.s32 $0x4680, s26;
	s21 =	sadd.s32 $0x4800, s26;
	s2 =	sadd.s32 $0x4A80, s26  }
0x8c: {  	s7 =	sadd.s32 $0x4400, s26;
	s8 =	sadd.s32 $0x4600, s26;
	(v2sf) =	vpush v0, $0x8  }
0x8d: {  	s9 =	sadd.s32 $0x4700, s26;
	s28 =	sadd.s32 $0x10, s28  }
0x8e: {  	s10 =	sadd.s32 $0x4500, s26;
	s19 =	sadd.s32 $0x4900, s26;
	s11 =	spop (v2sf);
	(v2sf) =	vpush v0, $0x9  }
0x8f: {  	s23 =	sadd.s32 $0x4880, s26;
	s11 =	sand.u32 $0x1FFFFFF0, s11;
	s12 =	spop (v2sf)  }
0x90: {  	s11 =	sadd.s32 s3, s11;
	s12 =	sand.u32 $0x1FFFFFF0, s12;
	s13 =	spop (v2sf);
	(v2sf) =	vpush v0, $0xA  }
0x91: {  	[tilespmem:s7], [sflag:$0x2] =	stream.linear.gather [hbm4b:s11+s1], $0x80, $0x38;
	[tilespmem:$0x10400] =	vst v63  }
0x92: {  	s7 =	sadd.s32 s3, s12;
	s11 =	sadd.s32 $0x4580, s26;
	s12 =	spop (v2sf);
	(v2sf) =	vpush v0, $0xB  }
0x93: {  	[tilespmem:s6], [sflag:$0x2] =	stream.linear.gather [hbm4b:s7+s1], $0x80, $0x38;
	[tilespmem:$0x10400] =	vst v63  }
0x94: {  	s6 =	sand.u32 $0x1FFFFFF0, s13;
	s7 =	sand.u32 $0x1FFFFFF0, s12;
	s12 =	spop (v2sf);
	(v2sf) =	vpush v0, $0xC  }
0x95: {  	s6 =	sadd.s32 s3, s6;
	s12 =	sand.u32 $0x1FFFFFF0, s12;
	s13 =	spop (v2sf)  }
0x96: {  	[tilespmem:s10], [sflag:$0x2] =	stream.linear.gather [hbm4b:s6+s1], $0x80, $0x38;
	(v2sf) =	vpush v0, $0xD;
	[tilespmem:$0x10400] =	vst v63  }
0x97: {  	s6 =	sadd.s32 s3, s12;
	s10 =	sand.u32 $0x1FFFFFF0, s13;
	s12 =	spop (v2sf)  }
0x98: {  	[tilespmem:s11], [sflag:$0x2] =	stream.linear.gather [hbm4b:s6+s1], $0x80, $0x38;
	(v2sf) =	vpush v0, $0xE;
	[tilespmem:$0x10400] =	vst v63  }
0x99: {  	s6 =	sadd.s32 s3, s7;
	s7 =	sand.u32 $0x1FFFFFF0, s12;
	s11 =	spop (v2sf)  }
0x9a: {  	[tilespmem:s8], [sflag:$0x2] =	stream.linear.gather [hbm4b:s6+s1], $0x80, $0x38;
	(v2sf) =	vpush v0, $0xF;
	[tilespmem:$0x10400] =	vst v63  }
0x9b: {  	s6 =	sadd.s32 s3, s10;
	s8 =	sand.u32 $0x1FFFFFF0, s11;
	s10 =	spop (v2sf)  }
0x9c: {  	[tilespmem:s5], [sflag:$0x2] =	stream.linear.gather [hbm4b:s6+s1], $0x80, $0x38;
	[tilespmem:$0x10400] =	vst v63  }
0x9d: {  	s5 =	sadd.s32 s3, s7;
	s6 =	sand.u32 $0x1FFFFFF0, s10;
	s7 =	spop (v2sf)  }
0x9e: {  	[tilespmem:s9], [sflag:$0x2] =	stream.linear.gather [hbm4b:s5+s1], $0x80, $0x38;
	[tilespmem:$0x10400] =	vst v63  }
0x9f: {  	s5 =	sadd.s32 s3, s8;
	s7 =	sand.u32 $0x1FFFFFF0, s7;
	s8 =	spop (v2sf)  }
0xa0: {  	[tilespmem:s22], [sflag:$0x2] =	stream.linear.gather [hbm4b:s5+s1], $0x80, $0x38;
	[tilespmem:$0x10400] =	vst v63  }
0xa1: {  	s5 =	sadd.s32 s3, s6;
	s6 =	sand.u32 $0x1FFFFFF0, s8;
	s8 =	spop (v2sf)  }
0xa2: {  	[tilespmem:s21], [sflag:$0x2] =	stream.linear.gather [hbm4b:s5+s1], $0x80, $0x38;
	[tilespmem:$0x10400] =	vst v63  }
0xa3: {  	s5 =	sadd.s32 s3, s7;
	s7 =	sand.u32 $0x1FFFFFF0, s8;
	s8 =	spop (v2sf)  }
0xa4: {  	[tilespmem:s23], [sflag:$0x2] =	stream.linear.gather [hbm4b:s5+s1], $0x80, $0x38;
	[tilespmem:$0x10400] =	vst v63  }
0xa5: {  	s5 =	sadd.s32 s3, s6;
	s6 =	sand.u32 $0x1FFFFFF0, s8;
	s8 =	spop (v2sf)  }
0xa6: {  	[tilespmem:s19], [sflag:$0x2] =	stream.linear.gather [hbm4b:s5+s1], $0x80, $0x38;
	[tilespmem:$0x10400] =	vst v63  }
0xa7: {  	s5 =	sadd.s32 s3, s7;
	s7 =	sand.u32 $0x1FFFFFF0, s8;
	s8 =	spop (v2sf)  }
0xa8: {  	[tilespmem:s17], [sflag:$0x2] =	stream.linear.gather [hbm4b:s5+s1], $0x80, $0x38;
	[tilespmem:$0x10400] =	vst v63  }
0xa9: {  	s5 =	sadd.s32 s3, s6;
	s6 =	sand.u32 $0x1FFFFFF0, s8;
	s8 =	spop (v2sf)  }
0xaa: {  	[tilespmem:s0], [sflag:$0x2] =	stream.linear.gather [hbm4b:s5+s1], $0x80, $0x38;
	[tilespmem:$0x10400] =	vst v63  }
0xab: {  	s0 =	sadd.s32 s3, s7;
	s5 =	sand.u32 $0x1FFFFFF0, s8  }
0xac: {  	[tilespmem:s2], [sflag:$0x2] =	stream.linear.gather [hbm4b:s0+s1], $0x80, $0x38;
	[tilespmem:$0x10400] =	vst v63  }
0xad: {  	s0 =	sadd.s32 $0x4B00, s26;
	s2 =	sadd.s32 s3, s6  }
0xae: {  	[tilespmem:s0], [sflag:$0x2] =	stream.linear.gather [hbm4b:s2+s1], $0x80, $0x38;
	[tilespmem:$0x10400] =	vst v63  }
0xaf: {  	s0 =	sadd.s32 $0x4B80, s26;
	s2 =	sadd.s32 s3, s5  }
0xb0: {  	[tilespmem:s0], [sflag:$0x2] =	stream.linear.gather [hbm4b:s2+s1], $0x80, $0x38;
	[tilespmem:$0x10400] =	vst v63  }
0xb1: {  	v0 =	vld [tilespmem:s28+$0x0];
	_ =	sdelay $0x4  }
0xb2: {  	v0 =	vshll.u32 v0, $0x4  }
0xb3: {  	(v2sf) =	vpush v0, $0x0  }
0xb4: {  	(v2sf) =	vpush v0, $0x1  }
0xb5: {  	(v2sf) =	vpush v0, $0x2;
	_ =	sdelay $0x1  }
0xb6: {  	(v2sf) =	vpush v0, $0x4  }
.Ltmp1:
0xb7: {  	(pc) =	sbr.rel @p0 .LBB2_4-.Ltmp1, $3  }
0xb8: {  	(v2sf) =	vpush v0, $0x3  }
0xb9: {  	(v2sf) =	vpush v0, $0x5;
	_ =	sdelay $0x1  }
0xba: {  	s26 =	sshra.s32 s30, $0x2;
	(v2sf) =	vpush v0, $0x6  }
0xbb: {  	_ =	sdelay $0x1  }
0xbc: {  	s5 =	sadd.s32 $0x4480, s26;
	s17 =	sadd.s32 $0x4980, s26  }
0xbd: {  	s6 =	sadd.s32 $0x4780, s26;
	s0 =	sadd.s32 $0x4A00, s26;
	(v2sf) =	vpush v0, $0x7;
	s7 =	sadd.s32 $0x4680, s26  }
0xbe: {  	s8 =	sadd.s32 $0x4800, s26;
	s2 =	sadd.s32 $0x4A80, s26;
	s9 =	sadd.s32 $0x4400, s26  }
0xbf: {  	s10 =	sadd.s32 $0x4600, s26;
	s11 =	sadd.s32 $0x4700, s26;
	(v2sf) =	vpush v0, $0x8;
	s12 =	spop (v2sf)  }
0xc0: {  	s13 =	sadd.s32 $0x4500, s26;
	s12 =	sand.u32 $0x1FFFFFF0, s12;
	s19 =	spop (v2sf)  }
0xc1: {  	(v2sf) =	vpush v0, $0x9;
	s12 =	sadd.s32 s3, s12;
	s19 =	sand.u32 $0x1FFFFFF0, s19;
	s21 =	spop (v2sf)  }
0xc2: {  	[tilespmem:s9], [sflag:$0x2] =	stream.linear.gather [hbm4b:s12+s1], $0x80, $0x38;
	[tilespmem:$0x10400] =	vst v63  }
0xc3: {  	s22 =	sadd.s32 $0x4580, s26;
	(v2sf) =	vpush v0, $0xA;
	s30 =	sadd.s32 s3, s19;
	s31 =	spop (v2sf)  }
0xc4: {  	[tilespmem:s5], [sflag:$0x2] =	stream.linear.gather [hbm4b:s30+s1], $0x80, $0x38;
	[tilespmem:$0x10400] =	vst v63  }
0xc5: {  	s9 =	sadd.s32 $0x4900, s26;
	s21 =	sand.u32 $0x1FFFFFF0, s21;
	(v2sf) =	vpush v0, $0xB;
	s23 =	spop (v2sf)  }
0xc6: {  	s12 =	sadd.s32 s3, s21;
	s5 =	sadd.s32 $0x4880, s26;
	s21 =	sand.u32 $0x1FFFFFF0, s23  }
0xc7: {  	(v2sf) =	vpush v0, $0xC;
	[tilespmem:s13], [sflag:$0x2] =	stream.linear.gather [hbm4b:s12+s1], $0x80, $0x38;
	[tilespmem:$0x10400] =	vst v63  }
0xc8: {  	s30 =	sand.u32 $0x1FFFFFF0, s31;
	s31 =	spop (v2sf);
	s21 =	sadd.s32 s3, s21  }
0xc9: {  	(v2sf) =	vpush v0, $0xD;
	[tilespmem:s22], [sflag:$0x2] =	stream.linear.gather [hbm4b:s21+s1], $0x80, $0x38;
	[tilespmem:$0x10400] =	vst v63  }
0xca: {  	s12 =	sadd.s32 s3, s30;
	s13 =	sand.u32 $0x1FFFFFF0, s31;
	s23 =	spop (v2sf)  }
0xcb: {  	(v2sf) =	vpush v0, $0xE;
	[tilespmem:s10], [sflag:$0x2] =	stream.linear.gather [hbm4b:s12+s1], $0x80, $0x38;
	[tilespmem:$0x10400] =	vst v63  }
0xcc: {  	s13 =	sadd.s32 s3, s13;
	s30 =	sand.u32 $0x1FFFFFF0, s23;
	s31 =	spop (v2sf)  }
0xcd: {  	(v2sf) =	vpush v0, $0xF;
	[tilespmem:s7], [sflag:$0x2] =	stream.linear.gather [hbm4b:s13+s1], $0x80, $0x38;
	[tilespmem:$0x10400] =	vst v63  }
0xce: {  	s19 =	spop (v2sf);
	s10 =	sadd.s32 s3, s30;
	s13 =	sand.u32 $0x1FFFFFF0, s31  }
0xcf: {  	[tilespmem:s11], [sflag:$0x2] =	stream.linear.gather [hbm4b:s10+s1], $0x80, $0x38;
	[tilespmem:$0x10400] =	vst v63  }
0xd0: {  	s21 =	sand.u32 $0x1FFFFFF0, s19;
	s7 =	sadd.s32 s3, s13;
	s22 =	spop (v2sf)  }
0xd1: {  	[tilespmem:s6], [sflag:$0x2] =	stream.linear.gather [hbm4b:s7+s1], $0x80, $0x38;
	[tilespmem:$0x10400] =	vst v63  }
0xd2: {  	s10 =	sadd.s32 s3, s21;
	s23 =	sand.u32 $0x1FFFFFF0, s22;
	s30 =	spop (v2sf)  }
0xd3: {  	[tilespmem:s8], [sflag:$0x2] =	stream.linear.gather [hbm4b:s10+s1], $0x80, $0x38;
	[tilespmem:$0x10400] =	vst v63  }
0xd4: {  	s7 =	sand.u32 $0x1FFFFFF0, s30;
	s6 =	sadd.s32 s3, s23;
	s31 =	spop (v2sf)  }
0xd5: {  	[tilespmem:s5], [sflag:$0x2] =	stream.linear.gather [hbm4b:s6+s1], $0x80, $0x38;
	[tilespmem:$0x10400] =	vst v63  }
0xd6: {  	s7 =	sadd.s32 s3, s7;
	s8 =	sand.u32 $0x1FFFFFF0, s31;
	s10 =	spop (v2sf)  }
0xd7: {  	[tilespmem:s9], [sflag:$0x2] =	stream.linear.gather [hbm4b:s7+s1], $0x80, $0x38;
	[tilespmem:$0x10400] =	vst v63  }
0xd8: {  	s5 =	sadd.s32 s3, s8;
	s6 =	sand.u32 $0x1FFFFFF0, s10;
	s11 =	spop (v2sf)  }
0xd9: {  	[tilespmem:s17], [sflag:$0x2] =	stream.linear.gather [hbm4b:s5+s1], $0x80, $0x38;
	[tilespmem:$0x10400] =	vst v63  }
0xda: {  	s12 =	sand.u32 $0x1FFFFFF0, s11;
	s6 =	sadd.s32 s3, s6;
	s13 =	spop (v2sf)  }
0xdb: {  	[tilespmem:s0], [sflag:$0x2] =	stream.linear.gather [hbm4b:s6+s1], $0x80, $0x38;
	[tilespmem:$0x10400] =	vst v63  }
0xdc: {  	s17 =	sand.u32 $0x1FFFFFF0, s13;
	s19 =	spop (v2sf);
	s5 =	sadd.s32 s3, s12  }
0xdd: {  	[tilespmem:s2], [sflag:$0x2] =	stream.linear.gather [hbm4b:s5+s1], $0x80, $0x38;
	[tilespmem:$0x10400] =	vst v63  }
0xde: {  	s22 =	sadd.s32 $0x4B00, s26;
	s21 =	sand.u32 $0x1FFFFFF0, s19;
	s0 =	sadd.s32 s3, s17  }
0xdf: {  	[tilespmem:s22], [sflag:$0x2] =	stream.linear.gather [hbm4b:s0+s1], $0x80, $0x38;
	[tilespmem:$0x10400] =	vst v63  }
0xe0: {  	s23 =	sadd.s32 $0x4B80, s26;
	s2 =	sadd.s32 s3, s21  }
0xe1: {  	[tilespmem:s23], [sflag:$0x2] =	stream.linear.gather [hbm4b:s2+s1], $0x80, $0x38;
	[tilespmem:$0x10400] =	vst v63  }
0xe2: {  	_ =	swait.ge [sflag:s18], $0x4000  }
0xe3: {  	s28 =	simm.s32 $0x100;
	s26 =	simm.s32 $0x0;
	[sflag:s18] =	ssyncset.done $0x0  }
0xe4: {  	s31 =	simm.s32 $0x400;
	s30 =	rddreg [dreg:$0x6];
	[sflag:s18] =	ssyncadd.s32 $0xFFFFC000  }
0xe5: {  	[hbm4b:s30+s26] =	stream.linear.scatter [tilespmem:s31], [sflag:$0x3], $0x4000, $0x38;
	[tilespmem:$0x10400] =	vst v63  }
0xe6: {  	v0 =	vld [tilespmem:s28+$0x0];
	_ =	sdelay $0x4  }
0xe7: {  	v0 =	vshll.u32 v0, $0x4  }
0xe8: {  	(v2sf) =	vpush v0, $0x0  }
0xe9: {  	(v2sf) =	vpush v0, $0x1  }
0xea: {  	(v2sf) =	vpush v0, $0x2;
	_ =	sdelay $0x1  }
0xeb: {  	(v2sf) =	vpush v0, $0x4;
	_ =	sdelay $0x1  }
0xec: {  	(v2sf) =	vpush v0, $0x3  }
0xed: {  	(v2sf) =	vpush v0, $0x5  }
0xee: {  	s29 =	simm.s32 $0x2000;
	s26 =	simm.s32 $0x0;
	(v2sf) =	vpush v0, $0x6  }
.LBB2_6:
0xef: {  	p0 =	sne.s32 s29, $0xE000  }
0xf0: {  	s6 =	sadd.s32 $0x8480, s26;
	s17 =	sadd.s32 $0x8980, s26;
	s30 =	smov.u32 s29  }
0xf1: {  	s29 =	sadd.s32 $0x2000, s29;
	s22 =	sadd.s32 $0x8780, s26;
	s0 =	sadd.s32 $0x8A00, s26;
	(v2sf) =	vpush v0, $0x7  }
0xf2: {  	s5 =	sadd.s32 $0x8680, s26;
	s21 =	sadd.s32 $0x8800, s26;
	s2 =	sadd.s32 $0x8A80, s26  }
0xf3: {  	s7 =	sadd.s32 $0x8400, s26;
	s8 =	sadd.s32 $0x8600, s26;
	(v2sf) =	vpush v0, $0x8  }
0xf4: {  	s9 =	sadd.s32 $0x8700, s26;
	s28 =	sadd.s32 $0x10, s28  }
0xf5: {  	s10 =	sadd.s32 $0x8500, s26;
	s19 =	sadd.s32 $0x8900, s26;
	s11 =	spop (v2sf);
	(v2sf) =	vpush v0, $0x9  }
0xf6: {  	s23 =	sadd.s32 $0x8880, s26;
	s11 =	sand.u32 $0x1FFFFFF0, s11;
	s12 =	spop (v2sf)  }
0xf7: {  	s11 =	sadd.s32 s3, s11;
	s12 =	sand.u32 $0x1FFFFFF0, s12;
	s13 =	spop (v2sf);
	(v2sf) =	vpush v0, $0xA  }
0xf8: {  	[tilespmem:s7], [sflag:$0x1] =	stream.linear.gather [hbm4b:s11+s1], $0x80, $0x38;
	[tilespmem:$0x10400] =	vst v63  }
0xf9: {  	s7 =	sadd.s32 s3, s12;
	s11 =	sadd.s32 $0x8580, s26;
	s12 =	spop (v2sf);
	(v2sf) =	vpush v0, $0xB  }
0xfa: {  	[tilespmem:s6], [sflag:$0x1] =	stream.linear.gather [hbm4b:s7+s1], $0x80, $0x38;
	[tilespmem:$0x10400] =	vst v63  }
0xfb: {  	s6 =	sand.u32 $0x1FFFFFF0, s13;
	s7 =	sand.u32 $0x1FFFFFF0, s12;
	s12 =	spop (v2sf);
	(v2sf) =	vpush v0, $0xC  }
0xfc: {  	s6 =	sadd.s32 s3, s6;
	s12 =	sand.u32 $0x1FFFFFF0, s12;
	s13 =	spop (v2sf)  }
0xfd: {  	[tilespmem:s10], [sflag:$0x1] =	stream.linear.gather [hbm4b:s6+s1], $0x80, $0x38;
	(v2sf) =	vpush v0, $0xD;
	[tilespmem:$0x10400] =	vst v63  }
0xfe: {  	s6 =	sadd.s32 s3, s12;
	s10 =	sand.u32 $0x1FFFFFF0, s13;
	s12 =	spop (v2sf)  }
0xff: {  	[tilespmem:s11], [sflag:$0x1] =	stream.linear.gather [hbm4b:s6+s1], $0x80, $0x38;
	(v2sf) =	vpush v0, $0xE;
	[tilespmem:$0x10400] =	vst v63  }
0x100: {  	s6 =	sadd.s32 s3, s7;
	s7 =	sand.u32 $0x1FFFFFF0, s12;
	s11 =	spop (v2sf)  }
0x101: {  	[tilespmem:s8], [sflag:$0x1] =	stream.linear.gather [hbm4b:s6+s1], $0x80, $0x38;
	(v2sf) =	vpush v0, $0xF;
	[tilespmem:$0x10400] =	vst v63  }
0x102: {  	s6 =	sadd.s32 s3, s10;
	s8 =	sand.u32 $0x1FFFFFF0, s11;
	s10 =	spop (v2sf)  }
0x103: {  	[tilespmem:s5], [sflag:$0x1] =	stream.linear.gather [hbm4b:s6+s1], $0x80, $0x38;
	[tilespmem:$0x10400] =	vst v63  }
0x104: {  	s5 =	sadd.s32 s3, s7;
	s6 =	sand.u32 $0x1FFFFFF0, s10;
	s7 =	spop (v2sf)  }
0x105: {  	[tilespmem:s9], [sflag:$0x1] =	stream.linear.gather [hbm4b:s5+s1], $0x80, $0x38;
	[tilespmem:$0x10400] =	vst v63  }
0x106: {  	s5 =	sadd.s32 s3, s8;
	s7 =	sand.u32 $0x1FFFFFF0, s7;
	s8 =	spop (v2sf)  }
0x107: {  	[tilespmem:s22], [sflag:$0x1] =	stream.linear.gather [hbm4b:s5+s1], $0x80, $0x38;
	[tilespmem:$0x10400] =	vst v63  }
0x108: {  	s5 =	sadd.s32 s3, s6;
	s6 =	sand.u32 $0x1FFFFFF0, s8;
	s8 =	spop (v2sf)  }
0x109: {  	[tilespmem:s21], [sflag:$0x1] =	stream.linear.gather [hbm4b:s5+s1], $0x80, $0x38;
	[tilespmem:$0x10400] =	vst v63  }
0x10a: {  	s5 =	sadd.s32 s3, s7;
	s7 =	sand.u32 $0x1FFFFFF0, s8;
	s8 =	spop (v2sf)  }
0x10b: {  	[tilespmem:s23], [sflag:$0x1] =	stream.linear.gather [hbm4b:s5+s1], $0x80, $0x38;
	[tilespmem:$0x10400] =	vst v63  }
0x10c: {  	s5 =	sadd.s32 s3, s6;
	s6 =	sand.u32 $0x1FFFFFF0, s8;
	s8 =	spop (v2sf)  }
0x10d: {  	[tilespmem:s19], [sflag:$0x1] =	stream.linear.gather [hbm4b:s5+s1], $0x80, $0x38;
	[tilespmem:$0x10400] =	vst v63  }
0x10e: {  	s5 =	sadd.s32 s3, s7;
	s7 =	sand.u32 $0x1FFFFFF0, s8;
	s8 =	spop (v2sf)  }
0x10f: {  	[tilespmem:s17], [sflag:$0x1] =	stream.linear.gather [hbm4b:s5+s1], $0x80, $0x38;
	[tilespmem:$0x10400] =	vst v63  }
0x110: {  	s5 =	sadd.s32 s3, s6;
	s6 =	sand.u32 $0x1FFFFFF0, s8;
	s8 =	spop (v2sf)  }
0x111: {  	[tilespmem:s0], [sflag:$0x1] =	stream.linear.gather [hbm4b:s5+s1], $0x80, $0x38;
	[tilespmem:$0x10400] =	vst v63  }
0x112: {  	s0 =	sadd.s32 s3, s7;
	s5 =	sand.u32 $0x1FFFFFF0, s8  }
0x113: {  	[tilespmem:s2], [sflag:$0x1] =	stream.linear.gather [hbm4b:s0+s1], $0x80, $0x38;
	[tilespmem:$0x10400] =	vst v63  }
0x114: {  	s0 =	sadd.s32 $0x8B00, s26;
	s2 =	sadd.s32 s3, s6  }
0x115: {  	[tilespmem:s0], [sflag:$0x1] =	stream.linear.gather [hbm4b:s2+s1], $0x80, $0x38;
	[tilespmem:$0x10400] =	vst v63  }
0x116: {  	s0 =	sadd.s32 $0x8B80, s26;
	s2 =	sadd.s32 s3, s5  }
0x117: {  	[tilespmem:s0], [sflag:$0x1] =	stream.linear.gather [hbm4b:s2+s1], $0x80, $0x38;
	[tilespmem:$0x10400] =	vst v63  }
0x118: {  	v0 =	vld [tilespmem:s28+$0x0];
	_ =	sdelay $0x4  }
0x119: {  	v0 =	vshll.u32 v0, $0x4  }
0x11a: {  	(v2sf) =	vpush v0, $0x0  }
0x11b: {  	(v2sf) =	vpush v0, $0x1  }
0x11c: {  	(v2sf) =	vpush v0, $0x2;
	_ =	sdelay $0x1  }
0x11d: {  	(v2sf) =	vpush v0, $0x4  }
.Ltmp2:
0x11e: {  	(pc) =	sbr.rel @p0 .LBB2_6-.Ltmp2, $3  }
0x11f: {  	(v2sf) =	vpush v0, $0x3  }
0x120: {  	(v2sf) =	vpush v0, $0x5;
	_ =	sdelay $0x1  }
0x121: {  	s26 =	sshra.s32 s30, $0x2;
	(v2sf) =	vpush v0, $0x6  }
0x122: {  	_ =	sdelay $0x1  }
0x123: {  	s5 =	sadd.s32 $0x8480, s26;
	s17 =	sadd.s32 $0x8980, s26  }
0x124: {  	s6 =	sadd.s32 $0x8780, s26;
	s0 =	sadd.s32 $0x8A00, s26;
	(v2sf) =	vpush v0, $0x7;
	s7 =	sadd.s32 $0x8680, s26  }
0x125: {  	s8 =	sadd.s32 $0x8800, s26;
	s2 =	sadd.s32 $0x8A80, s26;
	s9 =	sadd.s32 $0x8400, s26  }
0x126: {  	s10 =	sadd.s32 $0x8600, s26;
	s11 =	sadd.s32 $0x8700, s26;
	(v2sf) =	vpush v0, $0x8;
	s12 =	spop (v2sf)  }
0x127: {  	s13 =	sadd.s32 $0x8500, s26;
	s12 =	sand.u32 $0x1FFFFFF0, s12;
	s19 =	spop (v2sf)  }
0x128: {  	(v2sf) =	vpush v0, $0x9;
	s12 =	sadd.s32 s3, s12;
	s19 =	sand.u32 $0x1FFFFFF0, s19;
	s21 =	spop (v2sf)  }
0x129: {  	[tilespmem:s9], [sflag:$0x1] =	stream.linear.gather [hbm4b:s12+s1], $0x80, $0x38;
	[tilespmem:$0x10400] =	vst v63  }
0x12a: {  	s22 =	sadd.s32 $0x8580, s26;
	(v2sf) =	vpush v0, $0xA;
	s30 =	sadd.s32 s3, s19;
	s31 =	spop (v2sf)  }
0x12b: {  	[tilespmem:s5], [sflag:$0x1] =	stream.linear.gather [hbm4b:s30+s1], $0x80, $0x38;
	[tilespmem:$0x10400] =	vst v63  }
0x12c: {  	s9 =	sadd.s32 $0x8900, s26;
	s21 =	sand.u32 $0x1FFFFFF0, s21;
	(v2sf) =	vpush v0, $0xB;
	s23 =	spop (v2sf)  }
0x12d: {  	s12 =	sadd.s32 s3, s21;
	s5 =	sadd.s32 $0x8880, s26;
	s21 =	sand.u32 $0x1FFFFFF0, s23  }
0x12e: {  	(v2sf) =	vpush v0, $0xC;
	[tilespmem:s13], [sflag:$0x1] =	stream.linear.gather [hbm4b:s12+s1], $0x80, $0x38;
	[tilespmem:$0x10400] =	vst v63  }
0x12f: {  	s30 =	sand.u32 $0x1FFFFFF0, s31;
	s31 =	spop (v2sf);
	s21 =	sadd.s32 s3, s21  }
0x130: {  	(v2sf) =	vpush v0, $0xD;
	[tilespmem:s22], [sflag:$0x1] =	stream.linear.gather [hbm4b:s21+s1], $0x80, $0x38;
	[tilespmem:$0x10400] =	vst v63  }
0x131: {  	s12 =	sadd.s32 s3, s30;
	s13 =	sand.u32 $0x1FFFFFF0, s31;
	s23 =	spop (v2sf)  }
0x132: {  	(v2sf) =	vpush v0, $0xE;
	[tilespmem:s10], [sflag:$0x1] =	stream.linear.gather [hbm4b:s12+s1], $0x80, $0x38;
	[tilespmem:$0x10400] =	vst v63  }
0x133: {  	s13 =	sadd.s32 s3, s13;
	s30 =	sand.u32 $0x1FFFFFF0, s23;
	s31 =	spop (v2sf)  }
0x134: {  	(v2sf) =	vpush v0, $0xF;
	[tilespmem:s7], [sflag:$0x1] =	stream.linear.gather [hbm4b:s13+s1], $0x80, $0x38;
	[tilespmem:$0x10400] =	vst v63  }
0x135: {  	s19 =	spop (v2sf);
	s10 =	sadd.s32 s3, s30;
	s13 =	sand.u32 $0x1FFFFFF0, s31  }
0x136: {  	[tilespmem:s11], [sflag:$0x1] =	stream.linear.gather [hbm4b:s10+s1], $0x80, $0x38;
	[tilespmem:$0x10400] =	vst v63  }
0x137: {  	s21 =	sand.u32 $0x1FFFFFF0, s19;
	s7 =	sadd.s32 s3, s13;
	s22 =	spop (v2sf)  }
0x138: {  	[tilespmem:s6], [sflag:$0x1] =	stream.linear.gather [hbm4b:s7+s1], $0x80, $0x38;
	[tilespmem:$0x10400] =	vst v63  }
0x139: {  	s10 =	sadd.s32 s3, s21;
	s23 =	sand.u32 $0x1FFFFFF0, s22;
	s30 =	spop (v2sf)  }
0x13a: {  	[tilespmem:s8], [sflag:$0x1] =	stream.linear.gather [hbm4b:s10+s1], $0x80, $0x38;
	[tilespmem:$0x10400] =	vst v63  }
0x13b: {  	s7 =	sand.u32 $0x1FFFFFF0, s30;
	s6 =	sadd.s32 s3, s23;
	s31 =	spop (v2sf)  }
0x13c: {  	[tilespmem:s5], [sflag:$0x1] =	stream.linear.gather [hbm4b:s6+s1], $0x80, $0x38;
	[tilespmem:$0x10400] =	vst v63  }
0x13d: {  	s7 =	sadd.s32 s3, s7;
	s8 =	sand.u32 $0x1FFFFFF0, s31;
	s10 =	spop (v2sf)  }
0x13e: {  	[tilespmem:s9], [sflag:$0x1] =	stream.linear.gather [hbm4b:s7+s1], $0x80, $0x38;
	[tilespmem:$0x10400] =	vst v63  }
0x13f: {  	s5 =	sadd.s32 s3, s8;
	s6 =	sand.u32 $0x1FFFFFF0, s10;
	s11 =	spop (v2sf)  }
0x140: {  	[tilespmem:s17], [sflag:$0x1] =	stream.linear.gather [hbm4b:s5+s1], $0x80, $0x38;
	[tilespmem:$0x10400] =	vst v63  }
0x141: {  	s12 =	sand.u32 $0x1FFFFFF0, s11;
	s6 =	sadd.s32 s3, s6;
	s13 =	spop (v2sf)  }
0x142: {  	[tilespmem:s0], [sflag:$0x1] =	stream.linear.gather [hbm4b:s6+s1], $0x80, $0x38;
	[tilespmem:$0x10400] =	vst v63  }
0x143: {  	s17 =	sand.u32 $0x1FFFFFF0, s13;
	s19 =	spop (v2sf);
	s5 =	sadd.s32 s3, s12  }
0x144: {  	[tilespmem:s2], [sflag:$0x1] =	stream.linear.gather [hbm4b:s5+s1], $0x80, $0x38;
	[tilespmem:$0x10400] =	vst v63  }
0x145: {  	s22 =	sadd.s32 $0x8B00, s26;
	s21 =	sand.u32 $0x1FFFFFF0, s19;
	s0 =	sadd.s32 s3, s17  }
0x146: {  	[tilespmem:s22], [sflag:$0x1] =	stream.linear.gather [hbm4b:s0+s1], $0x80, $0x38;
	[tilespmem:$0x10400] =	vst v63  }
0x147: {  	s23 =	sadd.s32 $0x8B80, s26;
	s2 =	sadd.s32 s3, s21  }
0x148: {  	[tilespmem:s23], [sflag:$0x1] =	stream.linear.gather [hbm4b:s2+s1], $0x80, $0x38;
	[tilespmem:$0x10400] =	vst v63  }
0x149: {  	_ =	swait.ge [sflag:s20], $0x4000  }
0x14a: {  	s28 =	simm.s32 $0x180;
	s26 =	simm.s32 $0x0;
	[sflag:s20] =	ssyncset.done $0x0  }
0x14b: {  	s31 =	simm.s32 $0x4400;
	s30 =	rddreg [dreg:$0x7];
	[sflag:s20] =	ssyncadd.s32 $0xFFFFC000  }
0x14c: {  	[hbm4b:s30+s26] =	stream.linear.scatter [tilespmem:s31], [sflag:$0x3], $0x4000, $0x38;
	[tilespmem:$0x10400] =	vst v63  }
0x14d: {  	v0 =	vld [tilespmem:s28+$0x0];
	_ =	sdelay $0x4  }
0x14e: {  	v0 =	vshll.u32 v0, $0x4  }
0x14f: {  	(v2sf) =	vpush v0, $0x0  }
0x150: {  	(v2sf) =	vpush v0, $0x1  }
0x151: {  	(v2sf) =	vpush v0, $0x2;
	_ =	sdelay $0x1  }
0x152: {  	(v2sf) =	vpush v0, $0x4;
	_ =	sdelay $0x1  }
0x153: {  	(v2sf) =	vpush v0, $0x3  }
0x154: {  	(v2sf) =	vpush v0, $0x5  }
0x155: {  	s29 =	simm.s32 $0x2000;
	s26 =	simm.s32 $0x0;
	(v2sf) =	vpush v0, $0x6  }
.LBB2_8:
0x156: {  	p0 =	sne.s32 s29, $0xE000  }
0x157: {  	s6 =	sadd.s32 $0xC480, s26;
	s17 =	sadd.s32 $0xC980, s26;
	s30 =	smov.u32 s29  }
0x158: {  	s29 =	sadd.s32 $0x2000, s29;
	s22 =	sadd.s32 $0xC780, s26;
	s0 =	sadd.s32 $0xCA00, s26;
	(v2sf) =	vpush v0, $0x7  }
0x159: {  	s5 =	sadd.s32 $0xC680, s26;
	s21 =	sadd.s32 $0xC800, s26;
	s2 =	sadd.s32 $0xCA80, s26  }
0x15a: {  	s7 =	sadd.s32 $0xC400, s26;
	s8 =	sadd.s32 $0xC600, s26;
	(v2sf) =	vpush v0, $0x8  }
0x15b: {  	s9 =	sadd.s32 $0xC700, s26;
	s28 =	sadd.s32 $0x10, s28  }
0x15c: {  	s10 =	sadd.s32 $0xC500, s26;
	s19 =	sadd.s32 $0xC900, s26;
	s11 =	spop (v2sf);
	(v2sf) =	vpush v0, $0x9  }
0x15d: {  	s23 =	sadd.s32 $0xC880, s26;
	s11 =	sand.u32 $0x1FFFFFF0, s11;
	s12 =	spop (v2sf)  }
0x15e: {  	s11 =	sadd.s32 s3, s11;
	s12 =	sand.u32 $0x1FFFFFF0, s12;
	s13 =	spop (v2sf);
	(v2sf) =	vpush v0, $0xA  }
0x15f: {  	[tilespmem:s7], [sflag:$0x2] =	stream.linear.gather [hbm4b:s11+s1], $0x80, $0x38;
	[tilespmem:$0x10400] =	vst v63  }
0x160: {  	s7 =	sadd.s32 s3, s12;
	s11 =	sadd.s32 $0xC580, s26;
	s12 =	spop (v2sf);
	(v2sf) =	vpush v0, $0xB  }
0x161: {  	[tilespmem:s6], [sflag:$0x2] =	stream.linear.gather [hbm4b:s7+s1], $0x80, $0x38;
	[tilespmem:$0x10400] =	vst v63  }
0x162: {  	s6 =	sand.u32 $0x1FFFFFF0, s13;
	s7 =	sand.u32 $0x1FFFFFF0, s12;
	s12 =	spop (v2sf);
	(v2sf) =	vpush v0, $0xC  }
0x163: {  	s6 =	sadd.s32 s3, s6;
	s12 =	sand.u32 $0x1FFFFFF0, s12;
	s13 =	spop (v2sf)  }
0x164: {  	[tilespmem:s10], [sflag:$0x2] =	stream.linear.gather [hbm4b:s6+s1], $0x80, $0x38;
	(v2sf) =	vpush v0, $0xD;
	[tilespmem:$0x10400] =	vst v63  }
0x165: {  	s6 =	sadd.s32 s3, s12;
	s10 =	sand.u32 $0x1FFFFFF0, s13;
	s12 =	spop (v2sf)  }
0x166: {  	[tilespmem:s11], [sflag:$0x2] =	stream.linear.gather [hbm4b:s6+s1], $0x80, $0x38;
	(v2sf) =	vpush v0, $0xE;
	[tilespmem:$0x10400] =	vst v63  }
0x167: {  	s6 =	sadd.s32 s3, s7;
	s7 =	sand.u32 $0x1FFFFFF0, s12;
	s11 =	spop (v2sf)  }
0x168: {  	[tilespmem:s8], [sflag:$0x2] =	stream.linear.gather [hbm4b:s6+s1], $0x80, $0x38;
	(v2sf) =	vpush v0, $0xF;
	[tilespmem:$0x10400] =	vst v63  }
0x169: {  	s6 =	sadd.s32 s3, s10;
	s8 =	sand.u32 $0x1FFFFFF0, s11;
	s10 =	spop (v2sf)  }
0x16a: {  	[tilespmem:s5], [sflag:$0x2] =	stream.linear.gather [hbm4b:s6+s1], $0x80, $0x38;
	[tilespmem:$0x10400] =	vst v63  }
0x16b: {  	s5 =	sadd.s32 s3, s7;
	s6 =	sand.u32 $0x1FFFFFF0, s10;
	s7 =	spop (v2sf)  }
0x16c: {  	[tilespmem:s9], [sflag:$0x2] =	stream.linear.gather [hbm4b:s5+s1], $0x80, $0x38;
	[tilespmem:$0x10400] =	vst v63  }
0x16d: {  	s5 =	sadd.s32 s3, s8;
	s7 =	sand.u32 $0x1FFFFFF0, s7;
	s8 =	spop (v2sf)  }
0x16e: {  	[tilespmem:s22], [sflag:$0x2] =	stream.linear.gather [hbm4b:s5+s1], $0x80, $0x38;
	[tilespmem:$0x10400] =	vst v63  }
0x16f: {  	s5 =	sadd.s32 s3, s6;
	s6 =	sand.u32 $0x1FFFFFF0, s8;
	s8 =	spop (v2sf)  }
0x170: {  	[tilespmem:s21], [sflag:$0x2] =	stream.linear.gather [hbm4b:s5+s1], $0x80, $0x38;
	[tilespmem:$0x10400] =	vst v63  }
0x171: {  	s5 =	sadd.s32 s3, s7;
	s7 =	sand.u32 $0x1FFFFFF0, s8;
	s8 =	spop (v2sf)  }
0x172: {  	[tilespmem:s23], [sflag:$0x2] =	stream.linear.gather [hbm4b:s5+s1], $0x80, $0x38;
	[tilespmem:$0x10400] =	vst v63  }
0x173: {  	s5 =	sadd.s32 s3, s6;
	s6 =	sand.u32 $0x1FFFFFF0, s8;
	s8 =	spop (v2sf)  }
0x174: {  	[tilespmem:s19], [sflag:$0x2] =	stream.linear.gather [hbm4b:s5+s1], $0x80, $0x38;
	[tilespmem:$0x10400] =	vst v63  }
0x175: {  	s5 =	sadd.s32 s3, s7;
	s7 =	sand.u32 $0x1FFFFFF0, s8;
	s8 =	spop (v2sf)  }
0x176: {  	[tilespmem:s17], [sflag:$0x2] =	stream.linear.gather [hbm4b:s5+s1], $0x80, $0x38;
	[tilespmem:$0x10400] =	vst v63  }
0x177: {  	s5 =	sadd.s32 s3, s6;
	s6 =	sand.u32 $0x1FFFFFF0, s8;
	s8 =	spop (v2sf)  }
0x178: {  	[tilespmem:s0], [sflag:$0x2] =	stream.linear.gather [hbm4b:s5+s1], $0x80, $0x38;
	[tilespmem:$0x10400] =	vst v63  }
0x179: {  	s0 =	sadd.s32 s3, s7;
	s5 =	sand.u32 $0x1FFFFFF0, s8  }
0x17a: {  	[tilespmem:s2], [sflag:$0x2] =	stream.linear.gather [hbm4b:s0+s1], $0x80, $0x38;
	[tilespmem:$0x10400] =	vst v63  }
0x17b: {  	s0 =	sadd.s32 $0xCB00, s26;
	s2 =	sadd.s32 s3, s6  }
0x17c: {  	[tilespmem:s0], [sflag:$0x2] =	stream.linear.gather [hbm4b:s2+s1], $0x80, $0x38;
	[tilespmem:$0x10400] =	vst v63  }
0x17d: {  	s0 =	sadd.s32 $0xCB80, s26;
	s2 =	sadd.s32 s3, s5  }
0x17e: {  	[tilespmem:s0], [sflag:$0x2] =	stream.linear.gather [hbm4b:s2+s1], $0x80, $0x38;
	[tilespmem:$0x10400] =	vst v63  }
0x17f: {  	v0 =	vld [tilespmem:s28+$0x0];
	_ =	sdelay $0x4  }
0x180: {  	v0 =	vshll.u32 v0, $0x4  }
0x181: {  	(v2sf) =	vpush v0, $0x0  }
0x182: {  	(v2sf) =	vpush v0, $0x1  }
0x183: {  	(v2sf) =	vpush v0, $0x2;
	_ =	sdelay $0x1  }
0x184: {  	(v2sf) =	vpush v0, $0x4  }
.Ltmp3:
0x185: {  	(pc) =	sbr.rel @p0 .LBB2_8-.Ltmp3, $3  }
0x186: {  	(v2sf) =	vpush v0, $0x3  }
0x187: {  	(v2sf) =	vpush v0, $0x5;
	_ =	sdelay $0x1  }
0x188: {  	s26 =	sshra.s32 s30, $0x2;
	(v2sf) =	vpush v0, $0x6  }
0x189: {  	_ =	sdelay $0x1  }
0x18a: {  	s5 =	sadd.s32 $0xC480, s26;
	s17 =	sadd.s32 $0xC980, s26  }
0x18b: {  	s6 =	sadd.s32 $0xC780, s26;
	s0 =	sadd.s32 $0xCA00, s26;
	(v2sf) =	vpush v0, $0x7;
	s7 =	sadd.s32 $0xC680, s26  }
0x18c: {  	s8 =	sadd.s32 $0xC800, s26;
	s2 =	sadd.s32 $0xCA80, s26;
	s9 =	sadd.s32 $0xC400, s26  }
0x18d: {  	s10 =	sadd.s32 $0xC600, s26;
	s11 =	sadd.s32 $0xC700, s26;
	(v2sf) =	vpush v0, $0x8;
	s12 =	spop (v2sf)  }
0x18e: {  	s13 =	sadd.s32 $0xC500, s26;
	s12 =	sand.u32 $0x1FFFFFF0, s12;
	s19 =	spop (v2sf)  }
0x18f: {  	(v2sf) =	vpush v0, $0x9;
	s12 =	sadd.s32 s3, s12;
	s19 =	sand.u32 $0x1FFFFFF0, s19;
	s21 =	spop (v2sf)  }
0x190: {  	[tilespmem:s9], [sflag:$0x2] =	stream.linear.gather [hbm4b:s12+s1], $0x80, $0x38;
	[tilespmem:$0x10400] =	vst v63  }
0x191: {  	s22 =	sadd.s32 $0xC580, s26;
	(v2sf) =	vpush v0, $0xA;
	s23 =	sadd.s32 s3, s19;
	s31 =	spop (v2sf)  }
0x192: {  	[tilespmem:s5], [sflag:$0x2] =	stream.linear.gather [hbm4b:s23+s1], $0x80, $0x38;
	[tilespmem:$0x10400] =	vst v63  }
0x193: {  	s9 =	sadd.s32 $0xC900, s26;
	s21 =	sand.u32 $0x1FFFFFF0, s21;
	(v2sf) =	vpush v0, $0xB;
	s23 =	spop (v2sf)  }
0x194: {  	s12 =	sadd.s32 s3, s21;
	s5 =	sadd.s32 $0xC880, s26;
	s21 =	sand.u32 $0x1FFFFFF0, s23  }
0x195: {  	(v2sf) =	vpush v0, $0xC;
	[tilespmem:s13], [sflag:$0x2] =	stream.linear.gather [hbm4b:s12+s1], $0x80, $0x38;
	[tilespmem:$0x10400] =	vst v63  }
0x196: {  	s12 =	sand.u32 $0x1FFFFFF0, s31;
	s31 =	spop (v2sf);
	s23 =	sadd.s32 s3, s21  }
0x197: {  	(v2sf) =	vpush v0, $0xD;
	[tilespmem:s22], [sflag:$0x2] =	stream.linear.gather [hbm4b:s23+s1], $0x80, $0x38;
	[tilespmem:$0x10400] =	vst v63  }
0x198: {  	s13 =	sand.u32 $0x1FFFFFF0, s31;
	s12 =	sadd.s32 s3, s12;
	s31 =	spop (v2sf)  }
0x199: {  	(v2sf) =	vpush v0, $0xE;
	[tilespmem:s10], [sflag:$0x2] =	stream.linear.gather [hbm4b:s12+s1], $0x80, $0x38;
	[tilespmem:$0x10400] =	vst v63  }
0x19a: {  	s13 =	sadd.s32 s3, s13;
	s21 =	sand.u32 $0x1FFFFFF0, s31;
	s22 =	spop (v2sf)  }
0x19b: {  	(v2sf) =	vpush v0, $0xF;
	[tilespmem:s7], [sflag:$0x2] =	stream.linear.gather [hbm4b:s13+s1], $0x80, $0x38;
	[tilespmem:$0x10400] =	vst v63  }
0x19c: {  	s23 =	sand.u32 $0x1FFFFFF0, s22;
	s31 =	spop (v2sf);
	s10 =	sadd.s32 s3, s21  }
0x19d: {  	[tilespmem:s11], [sflag:$0x2] =	stream.linear.gather [hbm4b:s10+s1], $0x80, $0x38;
	[tilespmem:$0x10400] =	vst v63  }
0x19e: {  	s12 =	sand.u32 $0x1FFFFFF0, s31;
	s7 =	sadd.s32 s3, s23;
	s13 =	spop (v2sf)  }
0x19f: {  	[tilespmem:s6], [sflag:$0x2] =	stream.linear.gather [hbm4b:s7+s1], $0x80, $0x38;
	[tilespmem:$0x10400] =	vst v63  }
0x1a0: {  	s10 =	sadd.s32 s3, s12;
	s19 =	sand.u32 $0x1FFFFFF0, s13;
	s21 =	spop (v2sf)  }
0x1a1: {  	[tilespmem:s8], [sflag:$0x2] =	stream.linear.gather [hbm4b:s10+s1], $0x80, $0x38;
	[tilespmem:$0x10400] =	vst v63  }
0x1a2: {  	s7 =	sand.u32 $0x1FFFFFF0, s21;
	s6 =	sadd.s32 s3, s19;
	s22 =	spop (v2sf)  }
0x1a3: {  	[tilespmem:s5], [sflag:$0x2] =	stream.linear.gather [hbm4b:s6+s1], $0x80, $0x38;
	[tilespmem:$0x10400] =	vst v63  }
0x1a4: {  	s7 =	sadd.s32 s3, s7;
	s23 =	sand.u32 $0x1FFFFFF0, s22;
	s31 =	spop (v2sf)  }
0x1a5: {  	[tilespmem:s9], [sflag:$0x2] =	stream.linear.gather [hbm4b:s7+s1], $0x80, $0x38;
	[tilespmem:$0x10400] =	vst v63  }
0x1a6: {  	s5 =	sadd.s32 s3, s23;
	s6 =	sand.u32 $0x1FFFFFF0, s31;
	s8 =	spop (v2sf)  }
0x1a7: {  	[tilespmem:s17], [sflag:$0x2] =	stream.linear.gather [hbm4b:s5+s1], $0x80, $0x38;
	[tilespmem:$0x10400] =	vst v63  }
0x1a8: {  	s9 =	sand.u32 $0x1FFFFFF0, s8;
	s6 =	sadd.s32 s3, s6;
	s10 =	spop (v2sf)  }
0x1a9: {  	[tilespmem:s0], [sflag:$0x2] =	stream.linear.gather [hbm4b:s6+s1], $0x80, $0x38;
	[tilespmem:$0x10400] =	vst v63  }
0x1aa: {  	s11 =	sand.u32 $0x1FFFFFF0, s10;
	s12 =	spop (v2sf);
	s5 =	sadd.s32 s3, s9  }
0x1ab: {  	[tilespmem:s2], [sflag:$0x2] =	stream.linear.gather [hbm4b:s5+s1], $0x80, $0x38;
	[tilespmem:$0x10400] =	vst v63  }
0x1ac: {  	s17 =	sadd.s32 $0xCB00, s26;
	s13 =	sand.u32 $0x1FFFFFF0, s12;
	s0 =	sadd.s32 s3, s11  }
0x1ad: {  	[tilespmem:s17], [sflag:$0x2] =	stream.linear.gather [hbm4b:s0+s1], $0x80, $0x38;
	[tilespmem:$0x10400] =	vst v63  }
0x1ae: {  	s19 =	sadd.s32 $0xCB80, s26;
	s2 =	sadd.s32 s3, s13  }
0x1af: {  	[tilespmem:s19], [sflag:$0x2] =	stream.linear.gather [hbm4b:s2+s1], $0x80, $0x38;
	[tilespmem:$0x10400] =	vst v63  }
0x1b0: {  	_ =	swait.ge [sflag:s18], $0x4000  }
0x1b1: {  	s22 =	simm.s32 $0x8400;
	[sflag:s18] =	ssyncset.done $0x0  }
0x1b2: {  	s26 =	simm.s32 $0x0;
	s21 =	rddreg [dreg:$0x8];
	[sflag:s18] =	ssyncadd.s32 $0xFFFFC000  }
0x1b3: {  	[hbm4b:s21+s26] =	stream.linear.scatter [tilespmem:s22], [sflag:$0x3], $0x4000, $0x38;
	[tilespmem:$0x10400] =	vst v63  }
0x1b4: {  	_ =	swait.ge [sflag:s20], $0x4000  }
0x1b5: {  	[sflag:s20] =	ssyncset.done $0x0  }
0x1b6: {  	s31 =	simm.s32 $0xC400;
	s23 =	rddreg [dreg:$0x9];
	[sflag:s20] =	ssyncadd.s32 $0xFFFFC000  }
0x1b7: {  	[hbm4b:s23+s26] =	stream.linear.scatter [tilespmem:s31], [sflag:$0x3], $0x4000, $0x38;
	[tilespmem:$0x10400] =	vst v63  }
0x1b8: {  	_ =	swait.ge [sflag:s24], $0x4000  }
0x1b9: {  	[sflag:s24] =	ssyncset.done $0x0  }
0x1ba: {  	[sflag:s24] =	ssyncadd.s32 $0xFFFFC000  }
0x1bb: {  	_ =	swait.ge [sflag:s24], $0x4000  }
0x1bc: {  	[sflag:s24] =	ssyncset.done $0x0  }
0x1bd: {  	[sflag:s24] =	ssyncadd.s32 $0xFFFFC000  }
0x1be: {  	_ =	swait.ge [sflag:s24], $0x4000  }
0x1bf: {  	[sflag:s24] =	ssyncset.done $0x0  }
0x1c0: {  	[sflag:s24] =	ssyncadd.s32 $0xFFFFC000  }
0x1c1: {  	_ =	swait.ge [sflag:s24], $0x4000  }
0x1c2: {  	[sflag:s24] =	ssyncset.done $0x0  }
0x1c3: {  	s29 =	simm.s32 $0x200;
	[sflag:s24] =	ssyncadd.s32 $0xFFFFC000  }
0x1c4: {  	v0 =	vld [tilespmem:s29+$0x0];
	_ =	sdelay $0x4  }
0x1c5: {  	v0 =	vshll.u32 v0, $0x4  }
0x1c6: {  	(v2sf) =	vpush v0, $0x0  }
0x1c7: {  	(v2sf) =	vpush v0, $0x1  }
0x1c8: {  	(v2sf) =	vpush v0, $0x2;
	_ =	sdelay $0x1  }
0x1c9: {  	(v2sf) =	vpush v0, $0x4;
	_ =	sdelay $0x1  }
0x1ca: {  	(v2sf) =	vpush v0, $0x3  }
0x1cb: {  	(v2sf) =	vpush v0, $0x5  }
0x1cc: {  	s30 =	simm.s32 $0x2000;
	s28 =	simm.s32 $0x0;
	(v2sf) =	vpush v0, $0x6  }
.LBB2_10:
0x1cd: {  	p0 =	sne.s32 s30, $0xE000  }
0x1ce: {  	s6 =	sadd.s32 $0x480, s28;
	s17 =	sadd.s32 $0x980, s28;
	s31 =	smov.u32 s30  }
0x1cf: {  	s30 =	sadd.s32 $0x2000, s30;
	s22 =	sadd.s32 $0x780, s28;
	s0 =	sadd.s32 $0xA00, s28;
	(v2sf) =	vpush v0, $0x7  }
0x1d0: {  	s5 =	sadd.s32 $0x680, s28;
	s21 =	sadd.s32 $0x800, s28;
	s2 =	sadd.s32 $0xA80, s28  }
0x1d1: {  	s7 =	sadd.s32 $0x400, s28;
	s8 =	sadd.s32 $0x600, s28;
	(v2sf) =	vpush v0, $0x8  }
0x1d2: {  	s9 =	sadd.s32 $0x700, s28;
	s29 =	sadd.s32 $0x10, s29  }
0x1d3: {  	s10 =	sadd.s32 $0x500, s28;
	s19 =	sadd.s32 $0x900, s28;
	s11 =	spop (v2sf);
	(v2sf) =	vpush v0, $0x9  }
0x1d4: {  	s23 =	sadd.s32 $0x880, s28;
	s11 =	sand.u32 $0x1FFFFFF0, s11;
	s12 =	spop (v2sf)  }
0x1d5: {  	s11 =	sadd.s32 s4, s11;
	s12 =	sand.u32 $0x1FFFFFF0, s12;
	s13 =	spop (v2sf);
	(v2sf) =	vpush v0, $0xA  }
0x1d6: {  	[tilespmem:s7], [sflag:$0x1] =	stream.linear.gather [hbm4b:s11+s26], $0x80, $0x38;
	[tilespmem:$0x10400] =	vst v63  }
0x1d7: {  	s7 =	sadd.s32 s4, s12;
	s11 =	sadd.s32 $0x580, s28;
	s12 =	spop (v2sf);
	(v2sf) =	vpush v0, $0xB  }
0x1d8: {  	[tilespmem:s6], [sflag:$0x1] =	stream.linear.gather [hbm4b:s7+s26], $0x80, $0x38;
	[tilespmem:$0x10400] =	vst v63  }
0x1d9: {  	s6 =	sand.u32 $0x1FFFFFF0, s13;
	s7 =	sand.u32 $0x1FFFFFF0, s12;
	s12 =	spop (v2sf);
	(v2sf) =	vpush v0, $0xC  }
0x1da: {  	s6 =	sadd.s32 s4, s6;
	s12 =	sand.u32 $0x1FFFFFF0, s12;
	s13 =	spop (v2sf)  }
0x1db: {  	[tilespmem:s10], [sflag:$0x1] =	stream.linear.gather [hbm4b:s6+s26], $0x80, $0x38;
	(v2sf) =	vpush v0, $0xD;
	[tilespmem:$0x10400] =	vst v63  }
0x1dc: {  	s6 =	sadd.s32 s4, s12;
	s10 =	sand.u32 $0x1FFFFFF0, s13;
	s12 =	spop (v2sf)  }
0x1dd: {  	[tilespmem:s11], [sflag:$0x1] =	stream.linear.gather [hbm4b:s6+s26], $0x80, $0x38;
	(v2sf) =	vpush v0, $0xE;
	[tilespmem:$0x10400] =	vst v63  }
0x1de: {  	s6 =	sadd.s32 s4, s7;
	s7 =	sand.u32 $0x1FFFFFF0, s12;
	s11 =	spop (v2sf)  }
0x1df: {  	[tilespmem:s8], [sflag:$0x1] =	stream.linear.gather [hbm4b:s6+s26], $0x80, $0x38;
	(v2sf) =	vpush v0, $0xF;
	[tilespmem:$0x10400] =	vst v63  }
0x1e0: {  	s6 =	sadd.s32 s4, s10;
	s8 =	sand.u32 $0x1FFFFFF0, s11;
	s10 =	spop (v2sf)  }
0x1e1: {  	[tilespmem:s5], [sflag:$0x1] =	stream.linear.gather [hbm4b:s6+s26], $0x80, $0x38;
	[tilespmem:$0x10400] =	vst v63  }
0x1e2: {  	s5 =	sadd.s32 s4, s7;
	s6 =	sand.u32 $0x1FFFFFF0, s10;
	s7 =	spop (v2sf)  }
0x1e3: {  	[tilespmem:s9], [sflag:$0x1] =	stream.linear.gather [hbm4b:s5+s26], $0x80, $0x38;
	[tilespmem:$0x10400] =	vst v63  }
0x1e4: {  	s5 =	sadd.s32 s4, s8;
	s7 =	sand.u32 $0x1FFFFFF0, s7;
	s8 =	spop (v2sf)  }
0x1e5: {  	[tilespmem:s22], [sflag:$0x1] =	stream.linear.gather [hbm4b:s5+s26], $0x80, $0x38;
	[tilespmem:$0x10400] =	vst v63  }
0x1e6: {  	s5 =	sadd.s32 s4, s6;
	s6 =	sand.u32 $0x1FFFFFF0, s8;
	s8 =	spop (v2sf)  }
0x1e7: {  	[tilespmem:s21], [sflag:$0x1] =	stream.linear.gather [hbm4b:s5+s26], $0x80, $0x38;
	[tilespmem:$0x10400] =	vst v63  }
0x1e8: {  	s5 =	sadd.s32 s4, s7;
	s7 =	sand.u32 $0x1FFFFFF0, s8;
	s8 =	spop (v2sf)  }
0x1e9: {  	[tilespmem:s23], [sflag:$0x1] =	stream.linear.gather [hbm4b:s5+s26], $0x80, $0x38;
	[tilespmem:$0x10400] =	vst v63  }
0x1ea: {  	s5 =	sadd.s32 s4, s6;
	s6 =	sand.u32 $0x1FFFFFF0, s8;
	s8 =	spop (v2sf)  }
0x1eb: {  	[tilespmem:s19], [sflag:$0x1] =	stream.linear.gather [hbm4b:s5+s26], $0x80, $0x38;
	[tilespmem:$0x10400] =	vst v63  }
0x1ec: {  	s5 =	sadd.s32 s4, s7;
	s7 =	sand.u32 $0x1FFFFFF0, s8;
	s8 =	spop (v2sf)  }
0x1ed: {  	[tilespmem:s17], [sflag:$0x1] =	stream.linear.gather [hbm4b:s5+s26], $0x80, $0x38;
	[tilespmem:$0x10400] =	vst v63  }
0x1ee: {  	s5 =	sadd.s32 s4, s6;
	s6 =	sand.u32 $0x1FFFFFF0, s8;
	s8 =	spop (v2sf)  }
0x1ef: {  	[tilespmem:s0], [sflag:$0x1] =	stream.linear.gather [hbm4b:s5+s26], $0x80, $0x38;
	[tilespmem:$0x10400] =	vst v63  }
0x1f0: {  	s0 =	sadd.s32 s4, s7;
	s5 =	sand.u32 $0x1FFFFFF0, s8  }
0x1f1: {  	[tilespmem:s2], [sflag:$0x1] =	stream.linear.gather [hbm4b:s0+s26], $0x80, $0x38;
	[tilespmem:$0x10400] =	vst v63  }
0x1f2: {  	s0 =	sadd.s32 $0xB00, s28;
	s2 =	sadd.s32 s4, s6  }
0x1f3: {  	[tilespmem:s0], [sflag:$0x1] =	stream.linear.gather [hbm4b:s2+s26], $0x80, $0x38;
	[tilespmem:$0x10400] =	vst v63  }
0x1f4: {  	s0 =	sadd.s32 $0xB80, s28;
	s2 =	sadd.s32 s4, s5  }
0x1f5: {  	[tilespmem:s0], [sflag:$0x1] =	stream.linear.gather [hbm4b:s2+s26], $0x80, $0x38;
	[tilespmem:$0x10400] =	vst v63  }
0x1f6: {  	v0 =	vld [tilespmem:s29+$0x0];
	_ =	sdelay $0x4  }
0x1f7: {  	v0 =	vshll.u32 v0, $0x4  }
0x1f8: {  	(v2sf) =	vpush v0, $0x0  }
0x1f9: {  	(v2sf) =	vpush v0, $0x1  }
0x1fa: {  	(v2sf) =	vpush v0, $0x2;
	_ =	sdelay $0x1  }
0x1fb: {  	(v2sf) =	vpush v0, $0x4  }
.Ltmp4:
0x1fc: {  	(pc) =	sbr.rel @p0 .LBB2_10-.Ltmp4, $3  }
0x1fd: {  	(v2sf) =	vpush v0, $0x3  }
0x1fe: {  	(v2sf) =	vpush v0, $0x5;
	_ =	sdelay $0x1  }
0x1ff: {  	s28 =	sshra.s32 s31, $0x2;
	(v2sf) =	vpush v0, $0x6  }
0x200: {  	_ =	sdelay $0x1  }
0x201: {  	s5 =	sadd.s32 $0x480, s28;
	s17 =	sadd.s32 $0x980, s28  }
0x202: {  	s6 =	sadd.s32 $0x780, s28;
	s0 =	sadd.s32 $0xA00, s28;
	(v2sf) =	vpush v0, $0x7;
	s7 =	sadd.s32 $0x680, s28  }
0x203: {  	s8 =	sadd.s32 $0x800, s28;
	s2 =	sadd.s32 $0xA80, s28;
	s9 =	sadd.s32 $0x400, s28  }
0x204: {  	s10 =	sadd.s32 $0x600, s28;
	s11 =	sadd.s32 $0x700, s28;
	(v2sf) =	vpush v0, $0x8;
	s12 =	spop (v2sf)  }
0x205: {  	s13 =	sadd.s32 $0x500, s28;
	s12 =	sand.u32 $0x1FFFFFF0, s12;
	s19 =	spop (v2sf)  }
0x206: {  	(v2sf) =	vpush v0, $0x9;
	s12 =	sadd.s32 s4, s12;
	s19 =	sand.u32 $0x1FFFFFF0, s19;
	s21 =	spop (v2sf)  }
0x207: {  	[tilespmem:s9], [sflag:$0x1] =	stream.linear.gather [hbm4b:s12+s26], $0x80, $0x38;
	[tilespmem:$0x10400] =	vst v63  }
0x208: {  	s22 =	sadd.s32 $0x580, s28;
	(v2sf) =	vpush v0, $0xA;
	s30 =	sadd.s32 s4, s19;
	s31 =	spop (v2sf)  }
0x209: {  	[tilespmem:s5], [sflag:$0x1] =	stream.linear.gather [hbm4b:s30+s26], $0x80, $0x38;
	[tilespmem:$0x10400] =	vst v63  }
0x20a: {  	s9 =	sadd.s32 $0x900, s28;
	s21 =	sand.u32 $0x1FFFFFF0, s21;
	(v2sf) =	vpush v0, $0xB;
	s23 =	spop (v2sf)  }
0x20b: {  	s12 =	sadd.s32 s4, s21;
	s5 =	sadd.s32 $0x880, s28;
	s21 =	sand.u32 $0x1FFFFFF0, s23  }
0x20c: {  	(v2sf) =	vpush v0, $0xC;
	[tilespmem:s13], [sflag:$0x1] =	stream.linear.gather [hbm4b:s12+s26], $0x80, $0x38;
	[tilespmem:$0x10400] =	vst v63  }
0x20d: {  	s30 =	sand.u32 $0x1FFFFFF0, s31;
	s31 =	spop (v2sf);
	s21 =	sadd.s32 s4, s21  }
0x20e: {  	(v2sf) =	vpush v0, $0xD;
	[tilespmem:s22], [sflag:$0x1] =	stream.linear.gather [hbm4b:s21+s26], $0x80, $0x38;
	[tilespmem:$0x10400] =	vst v63  }
0x20f: {  	s12 =	sadd.s32 s4, s30;
	s13 =	sand.u32 $0x1FFFFFF0, s31;
	s23 =	spop (v2sf)  }
0x210: {  	(v2sf) =	vpush v0, $0xE;
	[tilespmem:s10], [sflag:$0x1] =	stream.linear.gather [hbm4b:s12+s26], $0x80, $0x38;
	[tilespmem:$0x10400] =	vst v63  }
0x211: {  	s13 =	sadd.s32 s4, s13;
	s30 =	sand.u32 $0x1FFFFFF0, s23;
	s31 =	spop (v2sf)  }
0x212: {  	(v2sf) =	vpush v0, $0xF;
	[tilespmem:s7], [sflag:$0x1] =	stream.linear.gather [hbm4b:s13+s26], $0x80, $0x38;
	[tilespmem:$0x10400] =	vst v63  }
0x213: {  	s19 =	sand.u32 $0x1FFFFFF0, s31;
	s21 =	spop (v2sf);
	s10 =	sadd.s32 s4, s30  }
0x214: {  	[tilespmem:s11], [sflag:$0x1] =	stream.linear.gather [hbm4b:s10+s26], $0x80, $0x38;
	[tilespmem:$0x10400] =	vst v63  }
0x215: {  	s22 =	sand.u32 $0x1FFFFFF0, s21;
	s7 =	sadd.s32 s4, s19;
	s23 =	spop (v2sf)  }
0x216: {  	[tilespmem:s6], [sflag:$0x1] =	stream.linear.gather [hbm4b:s7+s26], $0x80, $0x38;
	[tilespmem:$0x10400] =	vst v63  }
0x217: {  	s10 =	sadd.s32 s4, s22;
	s30 =	sand.u32 $0x1FFFFFF0, s23;
	s31 =	spop (v2sf)  }
0x218: {  	[tilespmem:s8], [sflag:$0x1] =	stream.linear.gather [hbm4b:s10+s26], $0x80, $0x38;
	[tilespmem:$0x10400] =	vst v63  }
0x219: {  	s7 =	sand.u32 $0x1FFFFFF0, s31;
	s6 =	sadd.s32 s4, s30;
	s10 =	spop (v2sf)  }
0x21a: {  	[tilespmem:s5], [sflag:$0x1] =	stream.linear.gather [hbm4b:s6+s26], $0x80, $0x38;
	[tilespmem:$0x10400] =	vst v63  }
0x21b: {  	s7 =	sadd.s32 s4, s7;
	s11 =	sand.u32 $0x1FFFFFF0, s10;
	s12 =	spop (v2sf)  }
0x21c: {  	[tilespmem:s9], [sflag:$0x1] =	stream.linear.gather [hbm4b:s7+s26], $0x80, $0x38;
	[tilespmem:$0x10400] =	vst v63  }
0x21d: {  	s5 =	sadd.s32 s4, s11;
	s6 =	sand.u32 $0x1FFFFFF0, s12;
	s13 =	spop (v2sf)  }
0x21e: {  	[tilespmem:s17], [sflag:$0x1] =	stream.linear.gather [hbm4b:s5+s26], $0x80, $0x38;
	[tilespmem:$0x10400] =	vst v63  }
0x21f: {  	s6 =	sadd.s32 s4, s6;
	s19 =	spop (v2sf);
	s17 =	sand.u32 $0x1FFFFFF0, s13  }
0x220: {  	[tilespmem:s0], [sflag:$0x1] =	stream.linear.gather [hbm4b:s6+s26], $0x80, $0x38;
	[tilespmem:$0x10400] =	vst v63  }
0x221: {  	s21 =	sand.u32 $0x1FFFFFF0, s19;
	s22 =	spop (v2sf);
	s5 =	sadd.s32 s4, s17  }
0x222: {  	[tilespmem:s2], [sflag:$0x1] =	stream.linear.gather [hbm4b:s5+s26], $0x80, $0x38;
	[tilespmem:$0x10400] =	vst v63  }
0x223: {  	s30 =	sadd.s32 $0xB00, s28;
	s23 =	sand.u32 $0x1FFFFFF0, s22;
	s0 =	sadd.s32 s4, s21  }
0x224: {  	[tilespmem:s30], [sflag:$0x1] =	stream.linear.gather [hbm4b:s0+s26], $0x80, $0x38;
	[tilespmem:$0x10400] =	vst v63  }
0x225: {  	s31 =	sadd.s32 $0xB80, s28;
	s28 =	simm.s32 $0x280;
	s2 =	sadd.s32 s4, s23  }
0x226: {  	[tilespmem:s31], [sflag:$0x1] =	stream.linear.gather [hbm4b:s2+s26], $0x80, $0x38;
	[tilespmem:$0x10400] =	vst v63  }
0x227: {  	v0 =	vld [tilespmem:s28+$0x0];
	_ =	sdelay $0x4  }
0x228: {  	v0 =	vshll.u32 v0, $0x4  }
0x229: {  	(v2sf) =	vpush v0, $0x0  }
0x22a: {  	(v2sf) =	vpush v0, $0x1  }
0x22b: {  	(v2sf) =	vpush v0, $0x2;
	_ =	sdelay $0x1  }
0x22c: {  	(v2sf) =	vpush v0, $0x4;
	_ =	sdelay $0x1  }
0x22d: {  	(v2sf) =	vpush v0, $0x3  }
0x22e: {  	(v2sf) =	vpush v0, $0x5  }
0x22f: {  	s29 =	simm.s32 $0x2000;
	s26 =	simm.s32 $0x0;
	(v2sf) =	vpush v0, $0x6  }
.LBB2_12:
0x230: {  	p0 =	sne.s32 s29, $0xE000  }
0x231: {  	s6 =	sadd.s32 $0x4480, s26;
	s17 =	sadd.s32 $0x4980, s26;
	s30 =	smov.u32 s29  }
0x232: {  	s29 =	sadd.s32 $0x2000, s29;
	s22 =	sadd.s32 $0x4780, s26;
	s0 =	sadd.s32 $0x4A00, s26;
	(v2sf) =	vpush v0, $0x7  }
0x233: {  	s5 =	sadd.s32 $0x4680, s26;
	s21 =	sadd.s32 $0x4800, s26;
	s2 =	sadd.s32 $0x4A80, s26  }
0x234: {  	s7 =	sadd.s32 $0x4400, s26;
	s8 =	sadd.s32 $0x4600, s26;
	(v2sf) =	vpush v0, $0x8  }
0x235: {  	s9 =	sadd.s32 $0x4700, s26;
	s28 =	sadd.s32 $0x10, s28  }
0x236: {  	s10 =	sadd.s32 $0x4500, s26;
	s19 =	sadd.s32 $0x4900, s26;
	s11 =	spop (v2sf);
	(v2sf) =	vpush v0, $0x9  }
0x237: {  	s23 =	sadd.s32 $0x4880, s26;
	s11 =	sand.u32 $0x1FFFFFF0, s11;
	s12 =	spop (v2sf)  }
0x238: {  	s11 =	sadd.s32 s4, s11;
	s12 =	sand.u32 $0x1FFFFFF0, s12;
	s13 =	spop (v2sf);
	(v2sf) =	vpush v0, $0xA  }
0x239: {  	[tilespmem:s7], [sflag:$0x2] =	stream.linear.gather [hbm4b:s11+s1], $0x80, $0x38;
	[tilespmem:$0x10400] =	vst v63  }
0x23a: {  	s7 =	sadd.s32 s4, s12;
	s11 =	sadd.s32 $0x4580, s26;
	s12 =	spop (v2sf);
	(v2sf) =	vpush v0, $0xB  }
0x23b: {  	[tilespmem:s6], [sflag:$0x2] =	stream.linear.gather [hbm4b:s7+s1], $0x80, $0x38;
	[tilespmem:$0x10400] =	vst v63  }
0x23c: {  	s6 =	sand.u32 $0x1FFFFFF0, s13;
	s7 =	sand.u32 $0x1FFFFFF0, s12;
	s12 =	spop (v2sf);
	(v2sf) =	vpush v0, $0xC  }
0x23d: {  	s6 =	sadd.s32 s4, s6;
	s12 =	sand.u32 $0x1FFFFFF0, s12;
	s13 =	spop (v2sf)  }
0x23e: {  	[tilespmem:s10], [sflag:$0x2] =	stream.linear.gather [hbm4b:s6+s1], $0x80, $0x38;
	(v2sf) =	vpush v0, $0xD;
	[tilespmem:$0x10400] =	vst v63  }
0x23f: {  	s6 =	sadd.s32 s4, s12;
	s10 =	sand.u32 $0x1FFFFFF0, s13;
	s12 =	spop (v2sf)  }
0x240: {  	[tilespmem:s11], [sflag:$0x2] =	stream.linear.gather [hbm4b:s6+s1], $0x80, $0x38;
	(v2sf) =	vpush v0, $0xE;
	[tilespmem:$0x10400] =	vst v63  }
0x241: {  	s6 =	sadd.s32 s4, s7;
	s7 =	sand.u32 $0x1FFFFFF0, s12;
	s11 =	spop (v2sf)  }
0x242: {  	[tilespmem:s8], [sflag:$0x2] =	stream.linear.gather [hbm4b:s6+s1], $0x80, $0x38;
	(v2sf) =	vpush v0, $0xF;
	[tilespmem:$0x10400] =	vst v63  }
0x243: {  	s6 =	sadd.s32 s4, s10;
	s8 =	sand.u32 $0x1FFFFFF0, s11;
	s10 =	spop (v2sf)  }
0x244: {  	[tilespmem:s5], [sflag:$0x2] =	stream.linear.gather [hbm4b:s6+s1], $0x80, $0x38;
	[tilespmem:$0x10400] =	vst v63  }
0x245: {  	s5 =	sadd.s32 s4, s7;
	s6 =	sand.u32 $0x1FFFFFF0, s10;
	s7 =	spop (v2sf)  }
0x246: {  	[tilespmem:s9], [sflag:$0x2] =	stream.linear.gather [hbm4b:s5+s1], $0x80, $0x38;
	[tilespmem:$0x10400] =	vst v63  }
0x247: {  	s5 =	sadd.s32 s4, s8;
	s7 =	sand.u32 $0x1FFFFFF0, s7;
	s8 =	spop (v2sf)  }
0x248: {  	[tilespmem:s22], [sflag:$0x2] =	stream.linear.gather [hbm4b:s5+s1], $0x80, $0x38;
	[tilespmem:$0x10400] =	vst v63  }
0x249: {  	s5 =	sadd.s32 s4, s6;
	s6 =	sand.u32 $0x1FFFFFF0, s8;
	s8 =	spop (v2sf)  }
0x24a: {  	[tilespmem:s21], [sflag:$0x2] =	stream.linear.gather [hbm4b:s5+s1], $0x80, $0x38;
	[tilespmem:$0x10400] =	vst v63  }
0x24b: {  	s5 =	sadd.s32 s4, s7;
	s7 =	sand.u32 $0x1FFFFFF0, s8;
	s8 =	spop (v2sf)  }
0x24c: {  	[tilespmem:s23], [sflag:$0x2] =	stream.linear.gather [hbm4b:s5+s1], $0x80, $0x38;
	[tilespmem:$0x10400] =	vst v63  }
0x24d: {  	s5 =	sadd.s32 s4, s6;
	s6 =	sand.u32 $0x1FFFFFF0, s8;
	s8 =	spop (v2sf)  }
0x24e: {  	[tilespmem:s19], [sflag:$0x2] =	stream.linear.gather [hbm4b:s5+s1], $0x80, $0x38;
	[tilespmem:$0x10400] =	vst v63  }
0x24f: {  	s5 =	sadd.s32 s4, s7;
	s7 =	sand.u32 $0x1FFFFFF0, s8;
	s8 =	spop (v2sf)  }
0x250: {  	[tilespmem:s17], [sflag:$0x2] =	stream.linear.gather [hbm4b:s5+s1], $0x80, $0x38;
	[tilespmem:$0x10400] =	vst v63  }
0x251: {  	s5 =	sadd.s32 s4, s6;
	s6 =	sand.u32 $0x1FFFFFF0, s8;
	s8 =	spop (v2sf)  }
0x252: {  	[tilespmem:s0], [sflag:$0x2] =	stream.linear.gather [hbm4b:s5+s1], $0x80, $0x38;
	[tilespmem:$0x10400] =	vst v63  }
0x253: {  	s0 =	sadd.s32 s4, s7;
	s5 =	sand.u32 $0x1FFFFFF0, s8  }
0x254: {  	[tilespmem:s2], [sflag:$0x2] =	stream.linear.gather [hbm4b:s0+s1], $0x80, $0x38;
	[tilespmem:$0x10400] =	vst v63  }
0x255: {  	s0 =	sadd.s32 $0x4B00, s26;
	s2 =	sadd.s32 s4, s6  }
0x256: {  	[tilespmem:s0], [sflag:$0x2] =	stream.linear.gather [hbm4b:s2+s1], $0x80, $0x38;
	[tilespmem:$0x10400] =	vst v63  }
0x257: {  	s0 =	sadd.s32 $0x4B80, s26;
	s2 =	sadd.s32 s4, s5  }
0x258: {  	[tilespmem:s0], [sflag:$0x2] =	stream.linear.gather [hbm4b:s2+s1], $0x80, $0x38;
	[tilespmem:$0x10400] =	vst v63  }
0x259: {  	v0 =	vld [tilespmem:s28+$0x0];
	_ =	sdelay $0x4  }
0x25a: {  	v0 =	vshll.u32 v0, $0x4  }
0x25b: {  	(v2sf) =	vpush v0, $0x0  }
0x25c: {  	(v2sf) =	vpush v0, $0x1  }
0x25d: {  	(v2sf) =	vpush v0, $0x2;
	_ =	sdelay $0x1  }
0x25e: {  	(v2sf) =	vpush v0, $0x4  }
.Ltmp5:
0x25f: {  	(pc) =	sbr.rel @p0 .LBB2_12-.Ltmp5, $3  }
0x260: {  	(v2sf) =	vpush v0, $0x3  }
0x261: {  	(v2sf) =	vpush v0, $0x5;
	_ =	sdelay $0x1  }
0x262: {  	s26 =	sshra.s32 s30, $0x2;
	(v2sf) =	vpush v0, $0x6  }
0x263: {  	_ =	sdelay $0x1  }
0x264: {  	s5 =	sadd.s32 $0x4480, s26;
	s17 =	sadd.s32 $0x4980, s26  }
0x265: {  	s6 =	sadd.s32 $0x4780, s26;
	s0 =	sadd.s32 $0x4A00, s26;
	(v2sf) =	vpush v0, $0x7;
	s7 =	sadd.s32 $0x4680, s26  }
0x266: {  	s8 =	sadd.s32 $0x4800, s26;
	s2 =	sadd.s32 $0x4A80, s26;
	s9 =	sadd.s32 $0x4400, s26  }
0x267: {  	s10 =	sadd.s32 $0x4600, s26;
	s11 =	sadd.s32 $0x4700, s26;
	(v2sf) =	vpush v0, $0x8;
	s12 =	spop (v2sf)  }
0x268: {  	s13 =	sadd.s32 $0x4500, s26;
	s12 =	sand.u32 $0x1FFFFFF0, s12;
	s19 =	spop (v2sf)  }
0x269: {  	(v2sf) =	vpush v0, $0x9;
	s12 =	sadd.s32 s4, s12;
	s19 =	sand.u32 $0x1FFFFFF0, s19;
	s21 =	spop (v2sf)  }
0x26a: {  	[tilespmem:s9], [sflag:$0x2] =	stream.linear.gather [hbm4b:s12+s1], $0x80, $0x38;
	[tilespmem:$0x10400] =	vst v63  }
0x26b: {  	s22 =	sadd.s32 $0x4580, s26;
	(v2sf) =	vpush v0, $0xA;
	s30 =	sadd.s32 s4, s19;
	s31 =	spop (v2sf)  }
0x26c: {  	[tilespmem:s5], [sflag:$0x2] =	stream.linear.gather [hbm4b:s30+s1], $0x80, $0x38;
	[tilespmem:$0x10400] =	vst v63  }
0x26d: {  	s9 =	sadd.s32 $0x4900, s26;
	s21 =	sand.u32 $0x1FFFFFF0, s21;
	(v2sf) =	vpush v0, $0xB;
	s23 =	spop (v2sf)  }
0x26e: {  	s12 =	sadd.s32 s4, s21;
	s5 =	sadd.s32 $0x4880, s26;
	s21 =	sand.u32 $0x1FFFFFF0, s23  }
0x26f: {  	(v2sf) =	vpush v0, $0xC;
	[tilespmem:s13], [sflag:$0x2] =	stream.linear.gather [hbm4b:s12+s1], $0x80, $0x38;
	[tilespmem:$0x10400] =	vst v63  }
0x270: {  	s30 =	sand.u32 $0x1FFFFFF0, s31;
	s31 =	spop (v2sf);
	s21 =	sadd.s32 s4, s21  }
0x271: {  	(v2sf) =	vpush v0, $0xD;
	[tilespmem:s22], [sflag:$0x2] =	stream.linear.gather [hbm4b:s21+s1], $0x80, $0x38;
	[tilespmem:$0x10400] =	vst v63  }
0x272: {  	s12 =	sadd.s32 s4, s30;
	s13 =	sand.u32 $0x1FFFFFF0, s31;
	s23 =	spop (v2sf)  }
0x273: {  	(v2sf) =	vpush v0, $0xE;
	[tilespmem:s10], [sflag:$0x2] =	stream.linear.gather [hbm4b:s12+s1], $0x80, $0x38;
	[tilespmem:$0x10400] =	vst v63  }
0x274: {  	s13 =	sadd.s32 s4, s13;
	s30 =	sand.u32 $0x1FFFFFF0, s23;
	s31 =	spop (v2sf)  }
0x275: {  	(v2sf) =	vpush v0, $0xF;
	[tilespmem:s7], [sflag:$0x2] =	stream.linear.gather [hbm4b:s13+s1], $0x80, $0x38;
	[tilespmem:$0x10400] =	vst v63  }
0x276: {  	s19 =	spop (v2sf);
	s10 =	sadd.s32 s4, s30;
	s13 =	sand.u32 $0x1FFFFFF0, s31  }
0x277: {  	[tilespmem:s11], [sflag:$0x2] =	stream.linear.gather [hbm4b:s10+s1], $0x80, $0x38;
	[tilespmem:$0x10400] =	vst v63  }
0x278: {  	s21 =	sand.u32 $0x1FFFFFF0, s19;
	s7 =	sadd.s32 s4, s13;
	s22 =	spop (v2sf)  }
0x279: {  	[tilespmem:s6], [sflag:$0x2] =	stream.linear.gather [hbm4b:s7+s1], $0x80, $0x38;
	[tilespmem:$0x10400] =	vst v63  }
0x27a: {  	s10 =	sadd.s32 s4, s21;
	s23 =	sand.u32 $0x1FFFFFF0, s22;
	s30 =	spop (v2sf)  }
0x27b: {  	[tilespmem:s8], [sflag:$0x2] =	stream.linear.gather [hbm4b:s10+s1], $0x80, $0x38;
	[tilespmem:$0x10400] =	vst v63  }
0x27c: {  	s7 =	sand.u32 $0x1FFFFFF0, s30;
	s6 =	sadd.s32 s4, s23;
	s31 =	spop (v2sf)  }
0x27d: {  	[tilespmem:s5], [sflag:$0x2] =	stream.linear.gather [hbm4b:s6+s1], $0x80, $0x38;
	[tilespmem:$0x10400] =	vst v63  }
0x27e: {  	s7 =	sadd.s32 s4, s7;
	s8 =	sand.u32 $0x1FFFFFF0, s31;
	s10 =	spop (v2sf)  }
0x27f: {  	[tilespmem:s9], [sflag:$0x2] =	stream.linear.gather [hbm4b:s7+s1], $0x80, $0x38;
	[tilespmem:$0x10400] =	vst v63  }
0x280: {  	s5 =	sadd.s32 s4, s8;
	s6 =	sand.u32 $0x1FFFFFF0, s10;
	s11 =	spop (v2sf)  }
0x281: {  	[tilespmem:s17], [sflag:$0x2] =	stream.linear.gather [hbm4b:s5+s1], $0x80, $0x38;
	[tilespmem:$0x10400] =	vst v63  }
0x282: {  	s12 =	sand.u32 $0x1FFFFFF0, s11;
	s6 =	sadd.s32 s4, s6;
	s13 =	spop (v2sf)  }
0x283: {  	[tilespmem:s0], [sflag:$0x2] =	stream.linear.gather [hbm4b:s6+s1], $0x80, $0x38;
	[tilespmem:$0x10400] =	vst v63  }
0x284: {  	s17 =	sand.u32 $0x1FFFFFF0, s13;
	s19 =	spop (v2sf);
	s5 =	sadd.s32 s4, s12  }
0x285: {  	[tilespmem:s2], [sflag:$0x2] =	stream.linear.gather [hbm4b:s5+s1], $0x80, $0x38;
	[tilespmem:$0x10400] =	vst v63  }
0x286: {  	s22 =	sadd.s32 $0x4B00, s26;
	s21 =	sand.u32 $0x1FFFFFF0, s19;
	s0 =	sadd.s32 s4, s17  }
0x287: {  	[tilespmem:s22], [sflag:$0x2] =	stream.linear.gather [hbm4b:s0+s1], $0x80, $0x38;
	[tilespmem:$0x10400] =	vst v63  }
0x288: {  	s23 =	sadd.s32 $0x4B80, s26;
	s2 =	sadd.s32 s4, s21  }
0x289: {  	[tilespmem:s23], [sflag:$0x2] =	stream.linear.gather [hbm4b:s2+s1], $0x80, $0x38;
	[tilespmem:$0x10400] =	vst v63  }
0x28a: {  	_ =	swait.ge [sflag:s18], $0x4000  }
0x28b: {  	s28 =	simm.s32 $0x300;
	s26 =	simm.s32 $0x0;
	[sflag:s18] =	ssyncset.done $0x0  }
0x28c: {  	s31 =	simm.s32 $0x400;
	s30 =	rddreg [dreg:$0xa];
	[sflag:s18] =	ssyncadd.s32 $0xFFFFC000  }
0x28d: {  	[hbm4b:s30+s26] =	stream.linear.scatter [tilespmem:s31], [sflag:$0x3], $0x4000, $0x38;
	[tilespmem:$0x10400] =	vst v63  }
0x28e: {  	v0 =	vld [tilespmem:s28+$0x0];
	_ =	sdelay $0x4  }
0x28f: {  	v0 =	vshll.u32 v0, $0x4  }
0x290: {  	(v2sf) =	vpush v0, $0x0  }
0x291: {  	(v2sf) =	vpush v0, $0x1  }
0x292: {  	(v2sf) =	vpush v0, $0x2;
	_ =	sdelay $0x1  }
0x293: {  	(v2sf) =	vpush v0, $0x4;
	_ =	sdelay $0x1  }
0x294: {  	(v2sf) =	vpush v0, $0x3  }
0x295: {  	(v2sf) =	vpush v0, $0x5  }
0x296: {  	s29 =	simm.s32 $0x2000;
	s26 =	simm.s32 $0x0;
	(v2sf) =	vpush v0, $0x6  }
.LBB2_14:
0x297: {  	p0 =	sne.s32 s29, $0xE000  }
0x298: {  	s6 =	sadd.s32 $0x8480, s26;
	s17 =	sadd.s32 $0x8980, s26;
	s30 =	smov.u32 s29  }
0x299: {  	s29 =	sadd.s32 $0x2000, s29;
	s22 =	sadd.s32 $0x8780, s26;
	s0 =	sadd.s32 $0x8A00, s26;
	(v2sf) =	vpush v0, $0x7  }
0x29a: {  	s5 =	sadd.s32 $0x8680, s26;
	s21 =	sadd.s32 $0x8800, s26;
	s2 =	sadd.s32 $0x8A80, s26  }
0x29b: {  	s7 =	sadd.s32 $0x8400, s26;
	s8 =	sadd.s32 $0x8600, s26;
	(v2sf) =	vpush v0, $0x8  }
0x29c: {  	s9 =	sadd.s32 $0x8700, s26;
	s28 =	sadd.s32 $0x10, s28  }
0x29d: {  	s10 =	sadd.s32 $0x8500, s26;
	s19 =	sadd.s32 $0x8900, s26;
	s11 =	spop (v2sf);
	(v2sf) =	vpush v0, $0x9  }
0x29e: {  	s23 =	sadd.s32 $0x8880, s26;
	s11 =	sand.u32 $0x1FFFFFF0, s11;
	s12 =	spop (v2sf)  }
0x29f: {  	s11 =	sadd.s32 s4, s11;
	s12 =	sand.u32 $0x1FFFFFF0, s12;
	s13 =	spop (v2sf);
	(v2sf) =	vpush v0, $0xA  }
0x2a0: {  	[tilespmem:s7], [sflag:$0x1] =	stream.linear.gather [hbm4b:s11+s1], $0x80, $0x38;
	[tilespmem:$0x10400] =	vst v63  }
0x2a1: {  	s7 =	sadd.s32 s4, s12;
	s11 =	sadd.s32 $0x8580, s26;
	s12 =	spop (v2sf);
	(v2sf) =	vpush v0, $0xB  }
0x2a2: {  	[tilespmem:s6], [sflag:$0x1] =	stream.linear.gather [hbm4b:s7+s1], $0x80, $0x38;
	[tilespmem:$0x10400] =	vst v63  }
0x2a3: {  	s6 =	sand.u32 $0x1FFFFFF0, s13;
	s7 =	sand.u32 $0x1FFFFFF0, s12;
	s12 =	spop (v2sf);
	(v2sf) =	vpush v0, $0xC  }
0x2a4: {  	s6 =	sadd.s32 s4, s6;
	s12 =	sand.u32 $0x1FFFFFF0, s12;
	s13 =	spop (v2sf)  }
0x2a5: {  	[tilespmem:s10], [sflag:$0x1] =	stream.linear.gather [hbm4b:s6+s1], $0x80, $0x38;
	(v2sf) =	vpush v0, $0xD;
	[tilespmem:$0x10400] =	vst v63  }
0x2a6: {  	s6 =	sadd.s32 s4, s12;
	s10 =	sand.u32 $0x1FFFFFF0, s13;
	s12 =	spop (v2sf)  }
0x2a7: {  	[tilespmem:s11], [sflag:$0x1] =	stream.linear.gather [hbm4b:s6+s1], $0x80, $0x38;
	(v2sf) =	vpush v0, $0xE;
	[tilespmem:$0x10400] =	vst v63  }
0x2a8: {  	s6 =	sadd.s32 s4, s7;
	s7 =	sand.u32 $0x1FFFFFF0, s12;
	s11 =	spop (v2sf)  }
0x2a9: {  	[tilespmem:s8], [sflag:$0x1] =	stream.linear.gather [hbm4b:s6+s1], $0x80, $0x38;
	(v2sf) =	vpush v0, $0xF;
	[tilespmem:$0x10400] =	vst v63  }
0x2aa: {  	s6 =	sadd.s32 s4, s10;
	s8 =	sand.u32 $0x1FFFFFF0, s11;
	s10 =	spop (v2sf)  }
0x2ab: {  	[tilespmem:s5], [sflag:$0x1] =	stream.linear.gather [hbm4b:s6+s1], $0x80, $0x38;
	[tilespmem:$0x10400] =	vst v63  }
0x2ac: {  	s5 =	sadd.s32 s4, s7;
	s6 =	sand.u32 $0x1FFFFFF0, s10;
	s7 =	spop (v2sf)  }
0x2ad: {  	[tilespmem:s9], [sflag:$0x1] =	stream.linear.gather [hbm4b:s5+s1], $0x80, $0x38;
	[tilespmem:$0x10400] =	vst v63  }
0x2ae: {  	s5 =	sadd.s32 s4, s8;
	s7 =	sand.u32 $0x1FFFFFF0, s7;
	s8 =	spop (v2sf)  }
0x2af: {  	[tilespmem:s22], [sflag:$0x1] =	stream.linear.gather [hbm4b:s5+s1], $0x80, $0x38;
	[tilespmem:$0x10400] =	vst v63  }
0x2b0: {  	s5 =	sadd.s32 s4, s6;
	s6 =	sand.u32 $0x1FFFFFF0, s8;
	s8 =	spop (v2sf)  }
0x2b1: {  	[tilespmem:s21], [sflag:$0x1] =	stream.linear.gather [hbm4b:s5+s1], $0x80, $0x38;
	[tilespmem:$0x10400] =	vst v63  }
0x2b2: {  	s5 =	sadd.s32 s4, s7;
	s7 =	sand.u32 $0x1FFFFFF0, s8;
	s8 =	spop (v2sf)  }
0x2b3: {  	[tilespmem:s23], [sflag:$0x1] =	stream.linear.gather [hbm4b:s5+s1], $0x80, $0x38;
	[tilespmem:$0x10400] =	vst v63  }
0x2b4: {  	s5 =	sadd.s32 s4, s6;
	s6 =	sand.u32 $0x1FFFFFF0, s8;
	s8 =	spop (v2sf)  }
0x2b5: {  	[tilespmem:s19], [sflag:$0x1] =	stream.linear.gather [hbm4b:s5+s1], $0x80, $0x38;
	[tilespmem:$0x10400] =	vst v63  }
0x2b6: {  	s5 =	sadd.s32 s4, s7;
	s7 =	sand.u32 $0x1FFFFFF0, s8;
	s8 =	spop (v2sf)  }
0x2b7: {  	[tilespmem:s17], [sflag:$0x1] =	stream.linear.gather [hbm4b:s5+s1], $0x80, $0x38;
	[tilespmem:$0x10400] =	vst v63  }
0x2b8: {  	s5 =	sadd.s32 s4, s6;
	s6 =	sand.u32 $0x1FFFFFF0, s8;
	s8 =	spop (v2sf)  }
0x2b9: {  	[tilespmem:s0], [sflag:$0x1] =	stream.linear.gather [hbm4b:s5+s1], $0x80, $0x38;
	[tilespmem:$0x10400] =	vst v63  }
0x2ba: {  	s0 =	sadd.s32 s4, s7;
	s5 =	sand.u32 $0x1FFFFFF0, s8  }
0x2bb: {  	[tilespmem:s2], [sflag:$0x1] =	stream.linear.gather [hbm4b:s0+s1], $0x80, $0x38;
	[tilespmem:$0x10400] =	vst v63  }
0x2bc: {  	s0 =	sadd.s32 $0x8B00, s26;
	s2 =	sadd.s32 s4, s6  }
0x2bd: {  	[tilespmem:s0], [sflag:$0x1] =	stream.linear.gather [hbm4b:s2+s1], $0x80, $0x38;
	[tilespmem:$0x10400] =	vst v63  }
0x2be: {  	s0 =	sadd.s32 $0x8B80, s26;
	s2 =	sadd.s32 s4, s5  }
0x2bf: {  	[tilespmem:s0], [sflag:$0x1] =	stream.linear.gather [hbm4b:s2+s1], $0x80, $0x38;
	[tilespmem:$0x10400] =	vst v63  }
0x2c0: {  	v0 =	vld [tilespmem:s28+$0x0];
	_ =	sdelay $0x4  }
0x2c1: {  	v0 =	vshll.u32 v0, $0x4  }
0x2c2: {  	(v2sf) =	vpush v0, $0x0  }
0x2c3: {  	(v2sf) =	vpush v0, $0x1  }
0x2c4: {  	(v2sf) =	vpush v0, $0x2;
	_ =	sdelay $0x1  }
0x2c5: {  	(v2sf) =	vpush v0, $0x4  }
.Ltmp6:
0x2c6: {  	(pc) =	sbr.rel @p0 .LBB2_14-.Ltmp6, $3  }
0x2c7: {  	(v2sf) =	vpush v0, $0x3  }
0x2c8: {  	(v2sf) =	vpush v0, $0x5;
	_ =	sdelay $0x1  }
0x2c9: {  	s26 =	sshra.s32 s30, $0x2;
	(v2sf) =	vpush v0, $0x6  }
0x2ca: {  	_ =	sdelay $0x1  }
0x2cb: {  	s5 =	sadd.s32 $0x8480, s26;
	s17 =	sadd.s32 $0x8980, s26  }
0x2cc: {  	s6 =	sadd.s32 $0x8780, s26;
	s0 =	sadd.s32 $0x8A00, s26;
	(v2sf) =	vpush v0, $0x7;
	s7 =	sadd.s32 $0x8680, s26  }
0x2cd: {  	s8 =	sadd.s32 $0x8800, s26;
	s2 =	sadd.s32 $0x8A80, s26;
	s9 =	sadd.s32 $0x8400, s26  }
0x2ce: {  	s10 =	sadd.s32 $0x8600, s26;
	s11 =	sadd.s32 $0x8700, s26;
	(v2sf) =	vpush v0, $0x8;
	s12 =	spop (v2sf)  }
0x2cf: {  	s13 =	sadd.s32 $0x8500, s26;
	s12 =	sand.u32 $0x1FFFFFF0, s12;
	s19 =	spop (v2sf)  }
0x2d0: {  	(v2sf) =	vpush v0, $0x9;
	s12 =	sadd.s32 s4, s12;
	s19 =	sand.u32 $0x1FFFFFF0, s19;
	s21 =	spop (v2sf)  }
0x2d1: {  	[tilespmem:s9], [sflag:$0x1] =	stream.linear.gather [hbm4b:s12+s1], $0x80, $0x38;
	[tilespmem:$0x10400] =	vst v63  }
0x2d2: {  	s22 =	sadd.s32 $0x8580, s26;
	(v2sf) =	vpush v0, $0xA;
	s30 =	sadd.s32 s4, s19;
	s31 =	spop (v2sf)  }
0x2d3: {  	[tilespmem:s5], [sflag:$0x1] =	stream.linear.gather [hbm4b:s30+s1], $0x80, $0x38;
	[tilespmem:$0x10400] =	vst v63  }
0x2d4: {  	s9 =	sadd.s32 $0x8900, s26;
	s21 =	sand.u32 $0x1FFFFFF0, s21;
	(v2sf) =	vpush v0, $0xB;
	s23 =	spop (v2sf)  }
0x2d5: {  	s12 =	sadd.s32 s4, s21;
	s5 =	sadd.s32 $0x8880, s26;
	s21 =	sand.u32 $0x1FFFFFF0, s23  }
0x2d6: {  	(v2sf) =	vpush v0, $0xC;
	[tilespmem:s13], [sflag:$0x1] =	stream.linear.gather [hbm4b:s12+s1], $0x80, $0x38;
	[tilespmem:$0x10400] =	vst v63  }
0x2d7: {  	s30 =	sand.u32 $0x1FFFFFF0, s31;
	s31 =	spop (v2sf);
	s21 =	sadd.s32 s4, s21  }
0x2d8: {  	(v2sf) =	vpush v0, $0xD;
	[tilespmem:s22], [sflag:$0x1] =	stream.linear.gather [hbm4b:s21+s1], $0x80, $0x38;
	[tilespmem:$0x10400] =	vst v63  }
0x2d9: {  	s12 =	sadd.s32 s4, s30;
	s13 =	sand.u32 $0x1FFFFFF0, s31;
	s23 =	spop (v2sf)  }
0x2da: {  	(v2sf) =	vpush v0, $0xE;
	[tilespmem:s10], [sflag:$0x1] =	stream.linear.gather [hbm4b:s12+s1], $0x80, $0x38;
	[tilespmem:$0x10400] =	vst v63  }
0x2db: {  	s13 =	sadd.s32 s4, s13;
	s30 =	sand.u32 $0x1FFFFFF0, s23;
	s31 =	spop (v2sf)  }
0x2dc: {  	(v2sf) =	vpush v0, $0xF;
	[tilespmem:s7], [sflag:$0x1] =	stream.linear.gather [hbm4b:s13+s1], $0x80, $0x38;
	[tilespmem:$0x10400] =	vst v63  }
0x2dd: {  	s19 =	spop (v2sf);
	s10 =	sadd.s32 s4, s30;
	s13 =	sand.u32 $0x1FFFFFF0, s31  }
0x2de: {  	[tilespmem:s11], [sflag:$0x1] =	stream.linear.gather [hbm4b:s10+s1], $0x80, $0x38;
	[tilespmem:$0x10400] =	vst v63  }
0x2df: {  	s21 =	sand.u32 $0x1FFFFFF0, s19;
	s7 =	sadd.s32 s4, s13;
	s22 =	spop (v2sf)  }
0x2e0: {  	[tilespmem:s6], [sflag:$0x1] =	stream.linear.gather [hbm4b:s7+s1], $0x80, $0x38;
	[tilespmem:$0x10400] =	vst v63  }
0x2e1: {  	s10 =	sadd.s32 s4, s21;
	s23 =	sand.u32 $0x1FFFFFF0, s22;
	s30 =	spop (v2sf)  }
0x2e2: {  	[tilespmem:s8], [sflag:$0x1] =	stream.linear.gather [hbm4b:s10+s1], $0x80, $0x38;
	[tilespmem:$0x10400] =	vst v63  }
0x2e3: {  	s7 =	sand.u32 $0x1FFFFFF0, s30;
	s6 =	sadd.s32 s4, s23;
	s31 =	spop (v2sf)  }
0x2e4: {  	[tilespmem:s5], [sflag:$0x1] =	stream.linear.gather [hbm4b:s6+s1], $0x80, $0x38;
	[tilespmem:$0x10400] =	vst v63  }
0x2e5: {  	s7 =	sadd.s32 s4, s7;
	s8 =	sand.u32 $0x1FFFFFF0, s31;
	s10 =	spop (v2sf)  }
0x2e6: {  	[tilespmem:s9], [sflag:$0x1] =	stream.linear.gather [hbm4b:s7+s1], $0x80, $0x38;
	[tilespmem:$0x10400] =	vst v63  }
0x2e7: {  	s5 =	sadd.s32 s4, s8;
	s6 =	sand.u32 $0x1FFFFFF0, s10;
	s11 =	spop (v2sf)  }
0x2e8: {  	[tilespmem:s17], [sflag:$0x1] =	stream.linear.gather [hbm4b:s5+s1], $0x80, $0x38;
	[tilespmem:$0x10400] =	vst v63  }
0x2e9: {  	s12 =	sand.u32 $0x1FFFFFF0, s11;
	s6 =	sadd.s32 s4, s6;
	s13 =	spop (v2sf)  }
0x2ea: {  	[tilespmem:s0], [sflag:$0x1] =	stream.linear.gather [hbm4b:s6+s1], $0x80, $0x38;
	[tilespmem:$0x10400] =	vst v63  }
0x2eb: {  	s17 =	sand.u32 $0x1FFFFFF0, s13;
	s19 =	spop (v2sf);
	s5 =	sadd.s32 s4, s12  }
0x2ec: {  	[tilespmem:s2], [sflag:$0x1] =	stream.linear.gather [hbm4b:s5+s1], $0x80, $0x38;
	[tilespmem:$0x10400] =	vst v63  }
0x2ed: {  	s22 =	sadd.s32 $0x8B00, s26;
	s21 =	sand.u32 $0x1FFFFFF0, s19;
	s0 =	sadd.s32 s4, s17  }
0x2ee: {  	[tilespmem:s22], [sflag:$0x1] =	stream.linear.gather [hbm4b:s0+s1], $0x80, $0x38;
	[tilespmem:$0x10400] =	vst v63  }
0x2ef: {  	s23 =	sadd.s32 $0x8B80, s26;
	s2 =	sadd.s32 s4, s21  }
0x2f0: {  	[tilespmem:s23], [sflag:$0x1] =	stream.linear.gather [hbm4b:s2+s1], $0x80, $0x38;
	[tilespmem:$0x10400] =	vst v63  }
0x2f1: {  	_ =	swait.ge [sflag:s20], $0x4000  }
0x2f2: {  	s28 =	simm.s32 $0x380;
	s26 =	simm.s32 $0x0;
	[sflag:s20] =	ssyncset.done $0x0  }
0x2f3: {  	s31 =	simm.s32 $0x4400;
	s30 =	rddreg [dreg:$0xb];
	[sflag:s20] =	ssyncadd.s32 $0xFFFFC000  }
0x2f4: {  	[hbm4b:s30+s26] =	stream.linear.scatter [tilespmem:s31], [sflag:$0x3], $0x4000, $0x38;
	[tilespmem:$0x10400] =	vst v63  }
0x2f5: {  	v0 =	vld [tilespmem:s28+$0x0];
	_ =	sdelay $0x4  }
0x2f6: {  	v0 =	vshll.u32 v0, $0x4  }
0x2f7: {  	(v2sf) =	vpush v0, $0x0  }
0x2f8: {  	(v2sf) =	vpush v0, $0x1  }
0x2f9: {  	(v2sf) =	vpush v0, $0x2;
	_ =	sdelay $0x1  }
0x2fa: {  	(v2sf) =	vpush v0, $0x4;
	_ =	sdelay $0x1  }
0x2fb: {  	(v2sf) =	vpush v0, $0x3  }
0x2fc: {  	(v2sf) =	vpush v0, $0x5  }
0x2fd: {  	s29 =	simm.s32 $0x2000;
	s26 =	simm.s32 $0x0;
	(v2sf) =	vpush v0, $0x6  }
.LBB2_16:
0x2fe: {  	p0 =	sne.s32 s29, $0xE000  }
0x2ff: {  	s6 =	sadd.s32 $0xC480, s26;
	s17 =	sadd.s32 $0xC980, s26;
	s30 =	smov.u32 s29  }
0x300: {  	s29 =	sadd.s32 $0x2000, s29;
	s22 =	sadd.s32 $0xC780, s26;
	s0 =	sadd.s32 $0xCA00, s26;
	(v2sf) =	vpush v0, $0x7  }
0x301: {  	s5 =	sadd.s32 $0xC680, s26;
	s21 =	sadd.s32 $0xC800, s26;
	s2 =	sadd.s32 $0xCA80, s26  }
0x302: {  	s7 =	sadd.s32 $0xC400, s26;
	s8 =	sadd.s32 $0xC600, s26;
	(v2sf) =	vpush v0, $0x8  }
0x303: {  	s9 =	sadd.s32 $0xC700, s26;
	s28 =	sadd.s32 $0x10, s28  }
0x304: {  	s10 =	sadd.s32 $0xC500, s26;
	s19 =	sadd.s32 $0xC900, s26;
	s11 =	spop (v2sf);
	(v2sf) =	vpush v0, $0x9  }
0x305: {  	s23 =	sadd.s32 $0xC880, s26;
	s11 =	sand.u32 $0x1FFFFFF0, s11;
	s12 =	spop (v2sf)  }
0x306: {  	s11 =	sadd.s32 s4, s11;
	s12 =	sand.u32 $0x1FFFFFF0, s12;
	s13 =	spop (v2sf);
	(v2sf) =	vpush v0, $0xA  }
0x307: {  	[tilespmem:s7], [sflag:$0x2] =	stream.linear.gather [hbm4b:s11+s1], $0x80, $0x38;
	[tilespmem:$0x10400] =	vst v63  }
0x308: {  	s7 =	sadd.s32 s4, s12;
	s11 =	sadd.s32 $0xC580, s26;
	s12 =	spop (v2sf);
	(v2sf) =	vpush v0, $0xB  }
0x309: {  	[tilespmem:s6], [sflag:$0x2] =	stream.linear.gather [hbm4b:s7+s1], $0x80, $0x38;
	[tilespmem:$0x10400] =	vst v63  }
0x30a: {  	s6 =	sand.u32 $0x1FFFFFF0, s13;
	s7 =	sand.u32 $0x1FFFFFF0, s12;
	s12 =	spop (v2sf);
	(v2sf) =	vpush v0, $0xC  }
0x30b: {  	s6 =	sadd.s32 s4, s6;
	s12 =	sand.u32 $0x1FFFFFF0, s12;
	s13 =	spop (v2sf)  }
0x30c: {  	[tilespmem:s10], [sflag:$0x2] =	stream.linear.gather [hbm4b:s6+s1], $0x80, $0x38;
	(v2sf) =	vpush v0, $0xD;
	[tilespmem:$0x10400] =	vst v63  }
0x30d: {  	s6 =	sadd.s32 s4, s12;
	s10 =	sand.u32 $0x1FFFFFF0, s13;
	s12 =	spop (v2sf)  }
0x30e: {  	[tilespmem:s11], [sflag:$0x2] =	stream.linear.gather [hbm4b:s6+s1], $0x80, $0x38;
	(v2sf) =	vpush v0, $0xE;
	[tilespmem:$0x10400] =	vst v63  }
0x30f: {  	s6 =	sadd.s32 s4, s7;
	s7 =	sand.u32 $0x1FFFFFF0, s12;
	s11 =	spop (v2sf)  }
0x310: {  	[tilespmem:s8], [sflag:$0x2] =	stream.linear.gather [hbm4b:s6+s1], $0x80, $0x38;
	(v2sf) =	vpush v0, $0xF;
	[tilespmem:$0x10400] =	vst v63  }
0x311: {  	s6 =	sadd.s32 s4, s10;
	s8 =	sand.u32 $0x1FFFFFF0, s11;
	s10 =	spop (v2sf)  }
0x312: {  	[tilespmem:s5], [sflag:$0x2] =	stream.linear.gather [hbm4b:s6+s1], $0x80, $0x38;
	[tilespmem:$0x10400] =	vst v63  }
0x313: {  	s5 =	sadd.s32 s4, s7;
	s6 =	sand.u32 $0x1FFFFFF0, s10;
	s7 =	spop (v2sf)  }
0x314: {  	[tilespmem:s9], [sflag:$0x2] =	stream.linear.gather [hbm4b:s5+s1], $0x80, $0x38;
	[tilespmem:$0x10400] =	vst v63  }
0x315: {  	s5 =	sadd.s32 s4, s8;
	s7 =	sand.u32 $0x1FFFFFF0, s7;
	s8 =	spop (v2sf)  }
0x316: {  	[tilespmem:s22], [sflag:$0x2] =	stream.linear.gather [hbm4b:s5+s1], $0x80, $0x38;
	[tilespmem:$0x10400] =	vst v63  }
0x317: {  	s5 =	sadd.s32 s4, s6;
	s6 =	sand.u32 $0x1FFFFFF0, s8;
	s8 =	spop (v2sf)  }
0x318: {  	[tilespmem:s21], [sflag:$0x2] =	stream.linear.gather [hbm4b:s5+s1], $0x80, $0x38;
	[tilespmem:$0x10400] =	vst v63  }
0x319: {  	s5 =	sadd.s32 s4, s7;
	s7 =	sand.u32 $0x1FFFFFF0, s8;
	s8 =	spop (v2sf)  }
0x31a: {  	[tilespmem:s23], [sflag:$0x2] =	stream.linear.gather [hbm4b:s5+s1], $0x80, $0x38;
	[tilespmem:$0x10400] =	vst v63  }
0x31b: {  	s5 =	sadd.s32 s4, s6;
	s6 =	sand.u32 $0x1FFFFFF0, s8;
	s8 =	spop (v2sf)  }
0x31c: {  	[tilespmem:s19], [sflag:$0x2] =	stream.linear.gather [hbm4b:s5+s1], $0x80, $0x38;
	[tilespmem:$0x10400] =	vst v63  }
0x31d: {  	s5 =	sadd.s32 s4, s7;
	s7 =	sand.u32 $0x1FFFFFF0, s8;
	s8 =	spop (v2sf)  }
0x31e: {  	[tilespmem:s17], [sflag:$0x2] =	stream.linear.gather [hbm4b:s5+s1], $0x80, $0x38;
	[tilespmem:$0x10400] =	vst v63  }
0x31f: {  	s5 =	sadd.s32 s4, s6;
	s6 =	sand.u32 $0x1FFFFFF0, s8;
	s8 =	spop (v2sf)  }
0x320: {  	[tilespmem:s0], [sflag:$0x2] =	stream.linear.gather [hbm4b:s5+s1], $0x80, $0x38;
	[tilespmem:$0x10400] =	vst v63  }
0x321: {  	s0 =	sadd.s32 s4, s7;
	s5 =	sand.u32 $0x1FFFFFF0, s8  }
0x322: {  	[tilespmem:s2], [sflag:$0x2] =	stream.linear.gather [hbm4b:s0+s1], $0x80, $0x38;
	[tilespmem:$0x10400] =	vst v63  }
0x323: {  	s0 =	sadd.s32 $0xCB00, s26;
	s2 =	sadd.s32 s4, s6  }
0x324: {  	[tilespmem:s0], [sflag:$0x2] =	stream.linear.gather [hbm4b:s2+s1], $0x80, $0x38;
	[tilespmem:$0x10400] =	vst v63  }
0x325: {  	s0 =	sadd.s32 $0xCB80, s26;
	s2 =	sadd.s32 s4, s5  }
0x326: {  	[tilespmem:s0], [sflag:$0x2] =	stream.linear.gather [hbm4b:s2+s1], $0x80, $0x38;
	[tilespmem:$0x10400] =	vst v63  }
0x327: {  	v0 =	vld [tilespmem:s28+$0x0];
	_ =	sdelay $0x4  }
0x328: {  	v0 =	vshll.u32 v0, $0x4  }
0x329: {  	(v2sf) =	vpush v0, $0x0  }
0x32a: {  	(v2sf) =	vpush v0, $0x1  }
0x32b: {  	(v2sf) =	vpush v0, $0x2;
	_ =	sdelay $0x1  }
0x32c: {  	(v2sf) =	vpush v0, $0x4  }
.Ltmp7:
0x32d: {  	(pc) =	sbr.rel @p0 .LBB2_16-.Ltmp7, $3  }
0x32e: {  	(v2sf) =	vpush v0, $0x3  }
0x32f: {  	(v2sf) =	vpush v0, $0x5;
	_ =	sdelay $0x1  }
0x330: {  	s26 =	sshra.s32 s30, $0x2;
	(v2sf) =	vpush v0, $0x6  }
0x331: {  	_ =	sdelay $0x5  }
0x332: {  	s0 =	spop (v2sf)  }
0x333: {  	s2 =	spop (v2sf)  }
0x334: {  	s9 =	spop (v2sf)  }
0x335: {  	s12 =	spop (v2sf);
	(v2sf) =	vpush v0, $0x7  }
0x336: {  	s0 =	sand.u32 $0x1FFFFFF0, s0  }
0x337: {  	s5 =	sadd.s32 $0xC400, s26;
	s0 =	sadd.s32 s4, s0  }
0x338: {  	[tilespmem:s5], [sflag:$0x2] =	stream.linear.gather [hbm4b:s0+s1], $0x80, $0x38;
	[tilespmem:$0x10400] =	vst v63  }
0x339: {  	s2 =	sand.u32 $0x1FFFFFF0, s2;
	s13 =	spop (v2sf);
	(v2sf) =	vpush v0, $0x8  }
0x33a: {  	s8 =	sadd.s32 $0xC480, s26;
	s2 =	sadd.s32 s4, s2  }
0x33b: {  	[tilespmem:s8], [sflag:$0x2] =	stream.linear.gather [hbm4b:s2+s1], $0x80, $0x38;
	[tilespmem:$0x10400] =	vst v63  }
0x33c: {  	s10 =	sand.u32 $0x1FFFFFF0, s9;
	s22 =	spop (v2sf);
	(v2sf) =	vpush v0, $0x9  }
0x33d: {  	s11 =	sadd.s32 $0xC500, s26;
	s0 =	sadd.s32 s4, s10  }
0x33e: {  	[tilespmem:s11], [sflag:$0x2] =	stream.linear.gather [hbm4b:s0+s1], $0x80, $0x38;
	[tilespmem:$0x10400] =	vst v63  }
0x33f: {  	s0 =	sand.u32 $0x1FFFFFF0, s13;
	s28 =	spop (v2sf);
	(v2sf) =	vpush v0, $0xA  }
0x340: {  	s17 =	sadd.s32 $0xC580, s26;
	s19 =	sand.u32 $0x1FFFFFF0, s12;
	s0 =	sadd.s32 s4, s0  }
0x341: {  	[tilespmem:s17], [sflag:$0x2] =	stream.linear.gather [hbm4b:s0+s1], $0x80, $0x38;
	[tilespmem:$0x10400] =	vst v63  }
0x342: {  	s21 =	sadd.s32 $0xC600, s26;
	s0 =	sadd.s32 s4, s19  }
0x343: {  	[tilespmem:s21], [sflag:$0x2] =	stream.linear.gather [hbm4b:s0+s1], $0x80, $0x38;
	[tilespmem:$0x10400] =	vst v63  }
0x344: {  	s0 =	sand.u32 $0x1FFFFFF0, s22;
	s30 =	spop (v2sf);
	(v2sf) =	vpush v0, $0xB  }
0x345: {  	s23 =	sadd.s32 $0xC680, s26;
	s0 =	sadd.s32 s4, s0  }
0x346: {  	[tilespmem:s23], [sflag:$0x2] =	stream.linear.gather [hbm4b:s0+s1], $0x80, $0x38;
	[tilespmem:$0x10400] =	vst v63  }
0x347: {  	s0 =	sand.u32 $0x1FFFFFF0, s28  }
0x348: {  	s29 =	sadd.s32 $0xC700, s26;
	s0 =	sadd.s32 s4, s0;
	s2 =	spop (v2sf);
	(v2sf) =	vpush v0, $0xC  }
0x349: {  	[tilespmem:s29], [sflag:$0x2] =	stream.linear.gather [hbm4b:s0+s1], $0x80, $0x38;
	[tilespmem:$0x10400] =	vst v63  }
0x34a: {  	s0 =	sand.u32 $0x1FFFFFF0, s30  }
0x34b: {  	s31 =	sadd.s32 $0xC780, s26;
	s0 =	sadd.s32 s4, s0;
	s6 =	spop (v2sf);
	(v2sf) =	vpush v0, $0xD  }
0x34c: {  	[tilespmem:s31], [sflag:$0x2] =	stream.linear.gather [hbm4b:s0+s1], $0x80, $0x38;
	[tilespmem:$0x10400] =	vst v63  }
0x34d: {  	s0 =	sand.u32 $0x1FFFFFF0, s2  }
0x34e: {  	s5 =	sadd.s32 $0xC800, s26;
	s0 =	sadd.s32 s4, s0;
	s8 =	spop (v2sf);
	(v2sf) =	vpush v0, $0xE  }
0x34f: {  	[tilespmem:s5], [sflag:$0x2] =	stream.linear.gather [hbm4b:s0+s1], $0x80, $0x38;
	[tilespmem:$0x10400] =	vst v63  }
0x350: {  	s0 =	sand.u32 $0x1FFFFFF0, s6  }
0x351: {  	s7 =	sadd.s32 $0xC880, s26;
	s0 =	sadd.s32 s4, s0  }
0x352: {  	[tilespmem:s7], [sflag:$0x2] =	stream.linear.gather [hbm4b:s0+s1], $0x80, $0x38;
	[tilespmem:$0x10400] =	vst v63  }
0x353: {  	s0 =	sand.u32 $0x1FFFFFF0, s8;
	s10 =	spop (v2sf);
	(v2sf) =	vpush v0, $0xF  }
0x354: {  	s9 =	sadd.s32 $0xC900, s26;
	s0 =	sadd.s32 s4, s0  }
0x355: {  	[tilespmem:s9], [sflag:$0x2] =	stream.linear.gather [hbm4b:s0+s1], $0x80, $0x38;
	[tilespmem:$0x10400] =	vst v63  }
0x356: {  	s0 =	sand.u32 $0x1FFFFFF0, s10  }
0x357: {  	s11 =	sadd.s32 $0xC980, s26;
	s0 =	sadd.s32 s4, s0;
	s12 =	spop (v2sf)  }
0x358: {  	[tilespmem:s11], [sflag:$0x2] =	stream.linear.gather [hbm4b:s0+s1], $0x80, $0x38;
	[tilespmem:$0x10400] =	vst v63  }
0x359: {  	s0 =	sand.u32 $0x1FFFFFF0, s12  }
0x35a: {  	s13 =	sadd.s32 $0xCA00, s26;
	s17 =	spop (v2sf);
	s0 =	sadd.s32 s4, s0  }
0x35b: {  	[tilespmem:s13], [sflag:$0x2] =	stream.linear.gather [hbm4b:s0+s1], $0x80, $0x38;
	[tilespmem:$0x10400] =	vst v63  }
0x35c: {  	s0 =	sand.u32 $0x1FFFFFF0, s17  }
0x35d: {  	s19 =	sadd.s32 $0xCA80, s26;
	s21 =	spop (v2sf);
	s0 =	sadd.s32 s4, s0  }
0x35e: {  	[tilespmem:s19], [sflag:$0x2] =	stream.linear.gather [hbm4b:s0+s1], $0x80, $0x38;
	[tilespmem:$0x10400] =	vst v63  }
0x35f: {  	s0 =	sand.u32 $0x1FFFFFF0, s21  }
0x360: {  	s22 =	sadd.s32 $0xCB00, s26;
	s0 =	sadd.s32 s4, s0  }
0x361: {  	[tilespmem:s22], [sflag:$0x2] =	stream.linear.gather [hbm4b:s0+s1], $0x80, $0x38;
	[tilespmem:$0x10400] =	vst v63  }
0x362: {  	s23 =	spop (v2sf)  }
0x363: {  	s0 =	sand.u32 $0x1FFFFFF0, s23  }
0x364: {  	s28 =	sadd.s32 $0xCB80, s26;
	s0 =	sadd.s32 s4, s0  }
0x365: {  	[tilespmem:s28], [sflag:$0x2] =	stream.linear.gather [hbm4b:s0+s1], $0x80, $0x38;
	[tilespmem:$0x10400] =	vst v63  }
0x366: {  	_ =	swait.ge [sflag:s18], $0x4000  }
0x367: {  	[sflag:s18] =	ssyncset.done $0x0  }
0x368: {  	s30 =	simm.s32 $0x8400;
	s29 =	rddreg [dreg:$0xc];
	[sflag:s18] =	ssyncadd.s32 $0xFFFFC000  }
0x369: {  	[hbm4b:s29+s1] =	stream.linear.scatter [tilespmem:s30], [sflag:$0x3], $0x4000, $0x38;
	[tilespmem:$0x10400] =	vst v63  }
0x36a: {  	_ =	swait.ge [sflag:s20], $0x4000  }
0x36b: {  	[sflag:s20] =	ssyncset.done $0x0  }
0x36c: {  	s31 =	simm.s32 $0xC400;
	[sflag:s20] =	ssyncadd.s32 $0xFFFFC000  }
0x36d: {  	[hbm4b:s14+s1] =	stream.linear.scatter [tilespmem:s31], [sflag:$0x3], $0x4000, $0x38;
	[tilespmem:$0x10400] =	vst v63  }
0x36e: {  	_ =	swait.ge [sflag:s24], $0x4000  }
0x36f: {  	[sflag:s24] =	ssyncset.done $0x0  }
0x370: {  	[sflag:s24] =	ssyncadd.s32 $0xFFFFC000  }
0x371: {  	_ =	swait.ge [sflag:s24], $0x4000  }
0x372: {  	[sflag:s24] =	ssyncset.done $0x0  }
0x373: {  	s25 =	sadd.s32 $0x1, s25;
	[sflag:s24] =	ssyncadd.s32 $0xFFFFC000  }
0x374: {  	p0 =	sne.s32 s25, s15;
	_ =	swait.ge [sflag:s24], $0x4000  }
.Ltmp8:
0x375: {  	[sflag:s24] =	ssyncset.done $0x0;
	(pc) =	sbr.rel @p0 .LBB2_1-.Ltmp8, $4  }
0x376: {  	[sflag:s24] =	ssyncadd.s32 $0xFFFFC000  }
0x377: {  	_ =	swait.ge [sflag:s24], $0x4000  }
0x378: {  	[sflag:s24] =	ssyncset.done $0x0  }
0x379: {  	[sflag:s24] =	ssyncadd.s32 $0xFFFFC000  }
0x37a: {  	_ =	sfence.sel $0x180000  }
0x37b: {  	[bflag:$0x0] =	sbarrier.arrive $0xFFFF  }
0x37c: {  	_ =	strace $0x90000047  }
0x37d: {  	s0 =	stileid.u32;
	[bflag:$0x2] =	sbarrier.arrive $0xFFFF  }
0x37e: {  	p0 =	sne.s32 s0, $0x0;
	s0 =	rddreg [dreg:$0x3]  }
0x37f: {  	s0 =	sadd.s32 @!p0 $0x100000, s0  }
0x380: {  	[sflag:s0] =	ssyncadd.tile.s32 @!p0 $0x1;
	_ =	shalt  }
.Lfunc_end2:
_tile_overlayer_lowered:
.L_overlay_start_2:
0x381: {  	(tag) =	ssettag $0x2  }
0x382: {  	s0 =	rddreg [dreg:$0x0];
	s2 =	stileid.u32  }
0x383: {  	s1 =	rddreg [dreg:$0x1];
	p0 =	sne.s32 s2, $0x0  }
0x384: {  	s3 =	rddreg [dreg:$0x2];
	[bflag:$0x3] =	sbarrier.arrive $0xFFFF;
	s2 =	simm.s32 @!p0 $0x1C04  }
0x385: {  	[timem:s3], [sflag:s2] =	dma.local @!p0 [hbm:s0], s1  }
0x386: {  	s0 =	simm.s32 @!p0 $0x4  }
0x387: {  	_ =	swait.ge @!p0 [sflag:s0], s1  }
0x388: {  	s1 =	ssub.s32 @!p0 $0x0, s1;
	[sflag:s0] =	ssyncset.done @!p0 $0x0  }
0x389: {  	[sflag:s0] =	ssyncadd.s32 @!p0 s1  }
0x38a: {  	[bflag:$0x3] =	sbarrier.arrive $0xFFFF  }
0x38b: {  	_ =	shalt  }

</sc_bundles>
